<compile_context>
chip_gen: v7x
topology: tpu7x:2x2x1
jax: 0.10.2.dev20260603
libtpu: 0.0.44.dev20260713+nightly
codegen_flags: <defaults>
</compile_context>

<pallas_src>
import jax
import jax.numpy as jnp
from jax import lax
from jax.experimental import pallas as pl
from jax.experimental.pallas import tpu as pltpu, tpu_sc as plsc

T, B, C, H, W = 16, 1024, 32, 32, 32
D_IN = 160
N_ACT = 16
N_OUT = N_ACT + 1
TB = T * B

NC = 2
NS = 16
NW = NC * NS
CHUNK = 16


def _sc_gather_body(table_hbm, y_hbm, x_hbm, out_hbm, y_v, x_v, idx_v, rows_v,
                    sem):
    wid = lax.axis_index("s") * NC + lax.axis_index("c")
    c8 = wid // 8
    tbb = wid % 8
    rect = (pl.ds(c8 * 8, 8), pl.ds(tbb * 2048, 2048))
    pltpu.sync_copy(y_hbm.at[pl.ds(tbb * 2048, 2048)], y_v)
    pltpu.sync_copy(x_hbm.at[pl.ds(tbb * 2048, 2048)], x_v)

    def addr(jc, carry):
        j16 = jc * 16 + lax.broadcasted_iota(jnp.int32, (16,), 0)
        y16 = y_v[pl.ds(jc * 16, 16)]
        x16 = x_v[pl.ds(jc * 16, 16)]
        b = (tbb * 2048 + j16) & (B - 1)
        off = ((y16 * 4 + (x16 >> 3)) * 8192 + (b >> 7) * 1024
               + (x16 & 7) * 128 + (b & 127))
        base = off + (c8 * 8) * (H * W * B)
        for cs in range(8):
            idx_v[cs, pl.ds(jc * 16, 16)] = base + cs * (H * W * B)
        return carry

    lax.fori_loop(0, 2048 // 16, addr, 0)

    def chunk(jc, carry):
        base = jc * CHUNK
        for k in range(CHUNK):
            j = base + k
            cs = j % 8
            tl = (j // 8) * 128
            pltpu.make_async_copy(
                table_hbm.at[idx_v.at[cs, pl.ds(tl, 128)]],
                rows_v.at[cs, pl.ds(tl, 128)], sem,
            ).start()

        @pl.when(jc > 0)
        def _():
            for k in range(CHUNK):
                j = base - CHUNK + k
                cs = j % 8
                tl = (j // 8) * 128
                pltpu.make_async_copy(
                    table_hbm.at[pl.ds(0, 128)],
                    rows_v.at[cs, pl.ds(tl, 128)], sem,
                ).wait()

        return carry

    n_stream = 8 * 2048 // 128
    lax.fori_loop(0, n_stream // CHUNK, chunk, 0)
    for k in range(CHUNK):
        j = n_stream - CHUNK + k
        cs = j % 8
        tl = (j // 8) * 128
        pltpu.make_async_copy(
            table_hbm.at[pl.ds(0, 128)], rows_v.at[cs, pl.ds(tl, 128)], sem
        ).wait()
    pltpu.sync_copy(rows_v, out_hbm.at[rect])


def _dense_kernel(hT_ref, done_ref, pos_ref, g_ref, ww_ref, wc_ref, bc_ref,
                  out_ref, wv):
    pos = pos_ref[...]
    m = 1.0 - done_ref[...]

    e0 = lax.broadcasted_iota(jnp.int32, (T, B), 0)
    m0 = m[0:1, :]
    prev = jnp.where(e0 == 0, 1.0, 0.0)
    rows, cums = [prev], [m0]
    for t in range(1, T):
        mt = m[t:t + 1, :]
        prev = mt * prev + jnp.where(e0 == t, 1.0, 0.0)
        rows.append(prev)
        cums.append(prev[0:1, :] * m0)

    ww = ww_ref[...]
    w_wr = wc_ref[0:C, :]
    w_rd = wc_ref[C:2 * C, :]
    bc = bc_ref[...][:, None]

    for t in range(T):
        lo, hi = t * B, (t + 1) * B
        w_col = jnp.tanh(
            lax.dot_general(ww, hT_ref[:, lo:hi], (((0,), (0,)), ((), ())),
                            preferred_element_type=jnp.float32))
        wv[:, lo:hi] = w_col
        pt = pos[t:t + 1, :]
        acc = cums[t] * g_ref[:, lo:hi]
        for s in range(t):
            coef = jnp.where(pos[s:s + 1, :] == pt,
                             rows[t][s:s + 1, :], 0.0)
            acc = acc + coef * wv[:, s * B:(s + 1) * B]
        acc = acc + w_col
        out_ref[:, lo:hi] = (
            lax.dot_general(w_wr, w_col, (((0,), (0,)), ((), ())),
                            preferred_element_type=jnp.float32)
            + lax.dot_general(w_rd, acc, (((0,), (0,)), ((), ())),
                              preferred_element_type=jnp.float32)
            + bc)


def kernel(hidden, done, index, state0, W_write, W_pol, b_pol, W_val, b_val):
    index32 = index.astype(jnp.int32)

    st_flat = (state0.transpose(1, 2, 3, 0)
               .reshape(C * H * W // 8, 8, B // 128, 128)
               .transpose(0, 2, 1, 3)
               .reshape(B * C * H * W))

    g2 = pl.kernel(
        _sc_gather_body,
        out_type=jax.ShapeDtypeStruct((C, TB), jnp.float32),
        mesh=plsc.VectorSubcoreMesh(core_axis_name="c", subcore_axis_name="s",
                                    num_cores=NC, num_subcores=NS),
        scratch_types=[
            pltpu.VMEM((2048,), jnp.int32),
            pltpu.VMEM((2048,), jnp.int32),
            pltpu.VMEM((8, 2048), jnp.int32),
            pltpu.VMEM((8, 2048), jnp.float32),
            pltpu.SemaphoreType.DMA,
        ],
    )(st_flat, index32[:, 0], index32[:, 1])

    w_cat = jnp.concatenate([W_pol, W_val], axis=1)
    b_cat = jnp.concatenate([b_pol, b_val])
    pos2 = (index32[:, 0] * W + index32[:, 1]).reshape(T, B)
    done2 = done.reshape(T, B)

    resT = pl.pallas_call(
        _dense_kernel,
        out_shape=jax.ShapeDtypeStruct((N_OUT, TB), jnp.float32),
        scratch_shapes=[
            pltpu.VMEM((C, TB), jnp.float32),
        ],
    )(hidden.T, done2, pos2, g2, W_write, w_cat, b_cat)
    return resT.T

# --- scband reference (transcript-rebuilt; emitter-appended) ---
"""Pipeline reference for scband-map-agent-33586644254746 (READ-ONLY COPY).

The authoritative reference and input builder live on the scoring server;
editing this copy changes nothing except your own understanding.
"""

import jax, jax.numpy as jnp
import numpy as np

B, T, C, H, W = 1024, 16, 32, 32, 32
D_IN = 160
N_ACT = 16

def setup_inputs(seed: int = 0):
    key = jax.random.key(seed)
    ks = jax.random.split(key, 8)
    hidden = jax.random.normal(ks[0], (T * B, D_IN), dtype=jnp.float32)
    done = jnp.zeros((T * B,), dtype=jnp.float32)
    index = jax.random.randint(ks[1], (T * B, 2), 0, H).astype(jnp.int64)
    state0 = jax.random.normal(ks[2], (B, C, H, W), dtype=jnp.float32)
    W_write = jax.random.normal(ks[3], (D_IN, C), dtype=jnp.float32) / np.sqrt(D_IN)
    W_pol = jax.random.normal(ks[4], (2 * C, N_ACT), dtype=jnp.float32) * 0.01
    b_pol = jnp.zeros((N_ACT,), dtype=jnp.float32)
    W_val = jax.random.normal(ks[5], (2 * C, 1), dtype=jnp.float32) / np.sqrt(2 * C)
    b_val = jnp.zeros((1,), dtype=jnp.float32)
    return dict(hidden=hidden, done=done, index=index, state0=state0,
                W_write=W_write, W_pol=W_pol, b_pol=b_pol, W_val=W_val, b_val=b_val)

def reference(hidden, done, index, state0, W_write, W_pol, b_pol, W_val, b_val):
    hidden = hidden.reshape(T, B, D_IN)
    done = done.reshape(T, B)
    index = index.reshape(T, B, 2).astype(jnp.int32)
    bidx = jnp.arange(B)

    def step(state, inp):
        h, d, i = inp
        # reset map memory for done envs
        masked = (1.0 - d)[:, None, None, None] * state
        # project hidden to map channels and scatter-write at (y, x)
        write = jnp.tanh(h @ W_write)  # [B, C]
        y = i[:, 0]
        x = i[:, 1]
        new_state = masked.at[bidx, :, y, x].add(write)
        # gather read-out at current position
        read = new_state[bidx, :, y, x]  # [B, C]
        out = jnp.concatenate([write, read], axis=1)  # [B, 2C]
        return new_state, out

    state, outs = jax.lax.scan(step, state0, (hidden, done, index))
    outs = outs.reshape(T * B, 2 * C)
    logits = outs @ W_pol + b_pol
    v = outs @ W_val + b_val
    return jnp.concatenate([logits, v], axis=1)  # [T*B, N_ACT + 1]

if __name__ == "__main__":
    import jax
    _d = setup_inputs()
    print(jax.jit(kernel)(*tuple(_d.values())))

</pallas_src>

<mosaic_0001>
#map = affine_map<(d0, d1) -> (0)>
#map1 = affine_map<(d0, d1) -> (0, 0)>
module attributes {stable_mosaic.version = 14 : i64} {
  func.func @_sc_gather_body(%arg0: i32, %arg1: i32, %arg2: memref<33554432xf32, #tpu.memory_space<hbm>>, %arg3: memref<16384xi32, #tpu.memory_space<hbm>>, %arg4: memref<16384xi32, #tpu.memory_space<hbm>>, %arg5: memref<32x16384xf32, #tpu.memory_space<hbm>>, %arg6: memref<2048xi32, #tpu.memory_space<vmem>>, %arg7: memref<2048xi32, #tpu.memory_space<vmem>>, %arg8: memref<8x2048xi32, #tpu.memory_space<vmem>>, %arg9: memref<8x2048xf32, #tpu.memory_space<vmem>>, %arg10: memref<!tpu.dma_semaphore, #tpu.memory_space<semaphore_mem>>) attributes {dimension_semantics = [#tpu.dimension_semantics<core_parallel>, #tpu.dimension_semantics<subcore_parallel>], iteration_bounds = array<i64: 2, 16>, scalar_prefetch = 0 : i64, scratch_operands = 5 : i64, tpu.core_type = #tpu.core_type<sc_vector_subcore>, window_params = [{transform_indices = #map}, {transform_indices = #map}, {transform_indices = #map}, {transform_indices = #map1}]} {
    %mul3A = arith.constant 2 : i32
    %mul3A_0 = arith.muli %arg1, %mul3A : i32
    %add3A = arith.addi %mul3A_0, %arg0 : i32
    %jit3A = arith.constant 8 : i32
    %div3A = arith.divsi %add3A, %jit3A : i32
    %sign3A = arith.constant 0 : i32
    %sign3A_1 = arith.cmpi sgt, %add3A, %sign3A : i32
    %sign3A_2 = arith.extui %sign3A_1 : i1 to i32
    %sign3A_3 = arith.constant 0 : i32
    %sign3A_4 = arith.cmpi slt, %add3A, %sign3A_3 : i32
    %sign3A_5 = arith.extui %sign3A_4 : i1 to i32
    %sign3A_6 = arith.subi %sign3A_2, %sign3A_5 : i32
    %sign3A_7 = arith.constant 0 : i32
    %sign3A_8 = arith.cmpi sgt, %jit3A, %sign3A_7 : i32
    %sign3A_9 = arith.extui %sign3A_8 : i1 to i32
    %sign3A_10 = arith.constant 0 : i32
    %sign3A_11 = arith.cmpi slt, %jit3A, %sign3A_10 : i32
    %sign3A_12 = arith.extui %sign3A_11 : i1 to i32
    %sign3A_13 = arith.subi %sign3A_9, %sign3A_12 : i32
    %ne3A = arith.cmpi ne, %sign3A_6, %sign3A_13 : i32
    %rem3A = arith.remsi %add3A, %jit3A : i32
    %ne3A_14 = arith.constant 0 : i32
    %ne3A_15 = arith.cmpi ne, %rem3A, %ne3A_14 : i32
    %and3A = arith.andi %ne3A, %ne3A_15 : i1
    %sub3A = arith.constant 1 : i32
    %sub3A_16 = arith.subi %div3A, %sub3A : i32
    %select_n3A = arith.select %and3A, %sub3A_16, %div3A : i32
    %jit3A_17 = arith.constant 8 : i32
    %eq3A = arith.constant 0 : i32
    %eq3A_18 = arith.cmpi eq, %jit3A_17, %eq3A : i32
    %jit3A_19 = arith.constant 1 : i32
    %select_n3A_20 = arith.select %eq3A_18, %jit3A_19, %jit3A_17 : i32
    %rem3A_21 = arith.remsi %add3A, %select_n3A_20 : i32
    %ne3A_22 = arith.constant 0 : i32
    %ne3A_23 = arith.cmpi ne, %rem3A_21, %ne3A_22 : i32
    %lt3A = arith.constant 0 : i32
    %lt3A_24 = arith.cmpi slt, %rem3A_21, %lt3A : i32
    %lt3A_25 = arith.constant 0 : i32
    %lt3A_26 = arith.cmpi slt, %select_n3A_20, %lt3A_25 : i32
    %ne3A_27 = arith.xori %lt3A_24, %lt3A_26 : i1
    %and3A_28 = arith.andi %ne3A_27, %ne3A_23 : i1
    %add3A_29 = arith.addi %rem3A_21, %select_n3A_20 : i32
    %select_n3A_30 = arith.select %and3A_28, %add3A_29, %rem3A_21 : i32
    %mul3A_31 = arith.constant 8 : i32
    %mul3A_32 = arith.muli %select_n3A, %mul3A_31 : i32
    %mul3A_33 = arith.constant 2048 : i32
    %mul3A_34 = arith.muli %select_n3A_30, %mul3A_33 : i32
    %mul3A_35 = arith.constant 2048 : i32
    %mul3A_36 = arith.muli %select_n3A_30, %mul3A_35 : i32
    "tpu.region"() ({
      %run_scoped3A = tpu.sem_alloc : memref<!tpu.dma_semaphore, #tpu.memory_space<semaphore_mem>>
      %dma_start3A = tpu.memref_slice %arg3[%mul3A_36] : memref<16384xi32, #tpu.memory_space<hbm>> -> memref<2048xi32, #tpu.memory_space<hbm>>
      %dma_start3A_225 = tpu.memref_slice %arg3[%mul3A_36] : memref<16384xi32, #tpu.memory_space<hbm>> -> memref<2048xi32, #tpu.memory_space<hbm>>
      tpu.enqueue_dma source(%dma_start3A_225 : memref<2048xi32, #tpu.memory_space<hbm>>) target(%arg6 : memref<2048xi32, #tpu.memory_space<vmem>>) target_semaphore(%run_scoped3A : memref<!tpu.dma_semaphore, #tpu.memory_space<semaphore_mem>>)
      %dma_wait3A_226 = tpu.memref_slice %arg3[%mul3A_36] : memref<16384xi32, #tpu.memory_space<hbm>> -> memref<2048xi32, #tpu.memory_space<hbm>>
      %dma_wait3A_227 = tpu.memref_slice %arg3[%mul3A_36] : memref<16384xi32, #tpu.memory_space<hbm>> -> memref<2048xi32, #tpu.memory_space<hbm>>
      tpu.wait_dma2 semaphore(%run_scoped3A : memref<!tpu.dma_semaphore, #tpu.memory_space<semaphore_mem>>) src(%dma_wait3A_227 : memref<2048xi32, #tpu.memory_space<hbm>>) dst(%arg6 : memref<2048xi32, #tpu.memory_space<vmem>>)
      tpu.yield
    }) : () -> ()
    %mul3A_37 = arith.constant 2048 : i32
    %mul3A_38 = arith.muli %select_n3A_30, %mul3A_37 : i32
    "tpu.region"() ({
      %run_scoped3A = tpu.sem_alloc : memref<!tpu.dma_semaphore, #tpu.memory_space<semaphore_mem>>
      %dma_start3A = tpu.memref_slice %arg4[%mul3A_38] : memref<16384xi32, #tpu.memory_space<hbm>> -> memref<2048xi32, #tpu.memory_space<hbm>>
      %dma_start3A_225 = tpu.memref_slice %arg4[%mul3A_38] : memref<16384xi32, #tpu.memory_space<hbm>> -> memref<2048xi32, #tpu.memory_space<hbm>>
      tpu.enqueue_dma source(%dma_start3A_225 : memref<2048xi32, #tpu.memory_space<hbm>>) target(%arg7 : memref<2048xi32, #tpu.memory_space<vmem>>) target_semaphore(%run_scoped3A : memref<!tpu.dma_semaphore, #tpu.memory_space<semaphore_mem>>)
      %dma_wait3A_226 = tpu.memref_slice %arg4[%mul3A_38] : memref<16384xi32, #tpu.memory_space<hbm>> -> memref<2048xi32, #tpu.memory_space<hbm>>
      %dma_wait3A_227 = tpu.memref_slice %arg4[%mul3A_38] : memref<16384xi32, #tpu.memory_space<hbm>> -> memref<2048xi32, #tpu.memory_space<hbm>>
      tpu.wait_dma2 semaphore(%run_scoped3A : memref<!tpu.dma_semaphore, #tpu.memory_space<semaphore_mem>>) src(%dma_wait3A_227 : memref<2048xi32, #tpu.memory_space<hbm>>) dst(%arg7 : memref<2048xi32, #tpu.memory_space<vmem>>)
      tpu.yield
    }) : () -> ()
    %scan3A = arith.constant 0 : i32
    %scan3A_39 = arith.constant 0 : i32
    %scan3A_40 = arith.constant 128 : i32
    %scan3A_41 = arith.addi %scan3A_39, %scan3A_40 : i32
    %scan3A_42 = arith.constant 1 : i32
    scf.for %scan3A_225 = %scan3A_39 to %scan3A_41 step %scan3A_42  : i32 {
      %mul3A_226 = arith.constant 16 : i32
      %mul3A_227 = arith.muli %scan3A_225, %mul3A_226 : i32
      %iota3A = tpu.iota {dimensions = array<i32: 0>} : vector<16xi32>
      %add3A_228 = vector.broadcast %mul3A_227 : i32 to vector<16xi32>
      %add3A_229 = arith.addi %add3A_228, %iota3A : vector<16xi32>
      %mul3A_230 = arith.constant 16 : i32
      %mul3A_231 = arith.muli %scan3A_225, %mul3A_230 : i32
      %get3A = arith.index_cast %mul3A_231 : i32 to index
      %get3A_232 = tpu.vector_load %arg6[%get3A] {strides = array<i32>} : memref<2048xi32, #tpu.memory_space<vmem>>, vector<16xi32>,
      %get3A_233 = vector.shape_cast %get3A_232 : vector<16xi32> to vector<16xi32>
      %mul3A_234 = arith.constant 16 : i32
      %mul3A_235 = arith.muli %scan3A_225, %mul3A_234 : i32
      %get3A_236 = arith.index_cast %mul3A_235 : i32 to index
      %get3A_237 = tpu.vector_load %arg7[%get3A_236] {strides = array<i32>} : memref<2048xi32, #tpu.memory_space<vmem>>, vector<16xi32>,
      %get3A_238 = vector.shape_cast %get3A_237 : vector<16xi32> to vector<16xi32>
      %mul3A_239 = arith.constant 2048 : i32
      %mul3A_240 = arith.muli %select_n3A_30, %mul3A_239 : i32
      %add3A_241 = vector.broadcast %mul3A_240 : i32 to vector<16xi32>
      %add3A_242 = arith.addi %add3A_241, %add3A_229 : vector<16xi32>
      %and3A_243 = arith.constant 1023 : i32
      %and3A_244 = vector.broadcast %and3A_243 : i32 to vector<16xi32>
      %and3A_245 = arith.andi %add3A_242, %and3A_244 : vector<16xi32>
      %mul3A_246 = arith.constant 4 : i32
      %mul3A_247 = vector.broadcast %mul3A_246 : i32 to vector<16xi32>
      %mul3A_248 = arith.muli %get3A_233, %mul3A_247 : vector<16xi32>
      %shift_right_arithmetic3A = arith.constant 3 : i32
      %shift_right_arithmetic3A_249 = vector.broadcast %shift_right_arithmetic3A : i32 to vector<16xi32>
      %shift_right_arithmetic3A_250 = arith.shrsi %get3A_238, %shift_right_arithmetic3A_249 : vector<16xi32>
      %add3A_251 = arith.addi %mul3A_248, %shift_right_arithmetic3A_250 : vector<16xi32>
      %mul3A_252 = arith.constant 8192 : i32
      %mul3A_253 = vector.broadcast %mul3A_252 : i32 to vector<16xi32>
      %mul3A_254 = arith.muli %add3A_251, %mul3A_253 : vector<16xi32>
      %shift_right_arithmetic3A_255 = arith.constant 7 : i32
      %shift_right_arithmetic3A_256 = vector.broadcast %shift_right_arithmetic3A_255 : i32 to vector<16xi32>
      %shift_right_arithmetic3A_257 = arith.shrsi %and3A_245, %shift_right_arithmetic3A_256 : vector<16xi32>
      %mul3A_258 = arith.constant 1024 : i32
      %mul3A_259 = vector.broadcast %mul3A_258 : i32 to vector<16xi32>
      %mul3A_260 = arith.muli %shift_right_arithmetic3A_257, %mul3A_259 : vector<16xi32>
      %add3A_261 = arith.addi %mul3A_254, %mul3A_260 : vector<16xi32>
      %and3A_262 = arith.constant 7 : i32
      %and3A_263 = vector.broadcast %and3A_262 : i32 to vector<16xi32>
      %and3A_264 = arith.andi %get3A_238, %and3A_263 : vector<16xi32>
      %mul3A_265 = arith.constant 128 : i32
      %mul3A_266 = vector.broadcast %mul3A_265 : i32 to vector<16xi32>
      %mul3A_267 = arith.muli %and3A_264, %mul3A_266 : vector<16xi32>
      %add3A_268 = arith.addi %add3A_261, %mul3A_267 : vector<16xi32>
      %and3A_269 = arith.constant 127 : i32
      %and3A_270 = vector.broadcast %and3A_269 : i32 to vector<16xi32>
      %and3A_271 = arith.andi %and3A_245, %and3A_270 : vector<16xi32>
      %add3A_272 = arith.addi %add3A_268, %and3A_271 : vector<16xi32>
      %mul3A_273 = arith.constant 8 : i32
      %mul3A_274 = arith.muli %select_n3A, %mul3A_273 : i32
      %mul3A_275 = arith.constant 1048576 : i32
      %mul3A_276 = arith.muli %mul3A_274, %mul3A_275 : i32
      %add3A_277 = vector.broadcast %mul3A_276 : i32 to vector<16xi32>
      %add3A_278 = arith.addi %add3A_272, %add3A_277 : vector<16xi32>
      %add3A_279 = arith.constant 0 : i32
      %add3A_280 = vector.broadcast %add3A_279 : i32 to vector<16xi32>
      %add3A_281 = arith.addi %add3A_278, %add3A_280 : vector<16xi32>
      %mul3A_282 = arith.constant 16 : i32
      %mul3A_283 = arith.muli %scan3A_225, %mul3A_282 : i32
      %swap3A = arith.constant 0 : i32
      %swap3A_284 = arith.index_cast %swap3A : i32 to index
      %swap3A_285 = arith.index_cast %mul3A_283 : i32 to index
      %swap3A_286 = tpu.vector_load %arg8[%swap3A_284, %swap3A_285] {strides = array<i32>} : memref<8x2048xi32, #tpu.memory_space<vmem>>, vector<1x16xi32>,
      %swap3A_287 = vector.shape_cast %swap3A_286 : vector<1x16xi32> to vector<16xi32>
      %swap3A_288 = vector.shape_cast %add3A_281 : vector<16xi32> to vector<1x16xi32>
      tpu.vector_store %arg8[%swap3A_284, %swap3A_285], %swap3A_288 {strides = array<i32>} : memref<8x2048xi32, #tpu.memory_space<vmem>>, vector<1x16xi32>,
      %add3A_289 = arith.constant 1048576 : i32
      %add3A_290 = vector.broadcast %add3A_289 : i32 to vector<16xi32>
      %add3A_291 = arith.addi %add3A_278, %add3A_290 : vector<16xi32>
      %mul3A_292 = arith.constant 16 : i32
      %mul3A_293 = arith.muli %scan3A_225, %mul3A_292 : i32
      %swap3A_294 = arith.constant 1 : i32
      %swap3A_295 = arith.index_cast %swap3A_294 : i32 to index
      %swap3A_296 = arith.index_cast %mul3A_293 : i32 to index
      %swap3A_297 = tpu.vector_load %arg8[%swap3A_295, %swap3A_296] {strides = array<i32>} : memref<8x2048xi32, #tpu.memory_space<vmem>>, vector<1x16xi32>,
      %swap3A_298 = vector.shape_cast %swap3A_297 : vector<1x16xi32> to vector<16xi32>
      %swap3A_299 = vector.shape_cast %add3A_291 : vector<16xi32> to vector<1x16xi32>
      tpu.vector_store %arg8[%swap3A_295, %swap3A_296], %swap3A_299 {strides = array<i32>} : memref<8x2048xi32, #tpu.memory_space<vmem>>, vector<1x16xi32>,
      %add3A_300 = arith.constant 2097152 : i32
      %add3A_301 = vector.broadcast %add3A_300 : i32 to vector<16xi32>
      %add3A_302 = arith.addi %add3A_278, %add3A_301 : vector<16xi32>
      %mul3A_303 = arith.constant 16 : i32
      %mul3A_304 = arith.muli %scan3A_225, %mul3A_303 : i32
      %swap3A_305 = arith.constant 2 : i32
      %swap3A_306 = arith.index_cast %swap3A_305 : i32 to index
      %swap3A_307 = arith.index_cast %mul3A_304 : i32 to index
      %swap3A_308 = tpu.vector_load %arg8[%swap3A_306, %swap3A_307] {strides = array<i32>} : memref<8x2048xi32, #tpu.memory_space<vmem>>, vector<1x16xi32>,
      %swap3A_309 = vector.shape_cast %swap3A_308 : vector<1x16xi32> to vector<16xi32>
      %swap3A_310 = vector.shape_cast %add3A_302 : vector<16xi32> to vector<1x16xi32>
      tpu.vector_store %arg8[%swap3A_306, %swap3A_307], %swap3A_310 {strides = array<i32>} : memref<8x2048xi32, #tpu.memory_space<vmem>>, vector<1x16xi32>,
      %add3A_311 = arith.constant 3145728 : i32
      %add3A_312 = vector.broadcast %add3A_311 : i32 to vector<16xi32>
      %add3A_313 = arith.addi %add3A_278, %add3A_312 : vector<16xi32>
      %mul3A_314 = arith.constant 16 : i32
      %mul3A_315 = arith.muli %scan3A_225, %mul3A_314 : i32
      %swap3A_316 = arith.constant 3 : i32
      %swap3A_317 = arith.index_cast %swap3A_316 : i32 to index
      %swap3A_318 = arith.index_cast %mul3A_315 : i32 to index
      %swap3A_319 = tpu.vector_load %arg8[%swap3A_317, %swap3A_318] {strides = array<i32>} : memref<8x2048xi32, #tpu.memory_space<vmem>>, vector<1x16xi32>,
      %swap3A_320 = vector.shape_cast %swap3A_319 : vector<1x16xi32> to vector<16xi32>
      %swap3A_321 = vector.shape_cast %add3A_313 : vector<16xi32> to vector<1x16xi32>
      tpu.vector_store %arg8[%swap3A_317, %swap3A_318], %swap3A_321 {strides = array<i32>} : memref<8x2048xi32, #tpu.memory_space<vmem>>, vector<1x16xi32>,
      %add3A_322 = arith.constant 4194304 : i32
      %add3A_323 = vector.broadcast %add3A_322 : i32 to vector<16xi32>
      %add3A_324 = arith.addi %add3A_278, %add3A_323 : vector<16xi32>
      %mul3A_325 = arith.constant 16 : i32
      %mul3A_326 = arith.muli %scan3A_225, %mul3A_325 : i32
      %swap3A_327 = arith.constant 4 : i32
      %swap3A_328 = arith.index_cast %swap3A_327 : i32 to index
      %swap3A_329 = arith.index_cast %mul3A_326 : i32 to index
      %swap3A_330 = tpu.vector_load %arg8[%swap3A_328, %swap3A_329] {strides = array<i32>} : memref<8x2048xi32, #tpu.memory_space<vmem>>, vector<1x16xi32>,
      %swap3A_331 = vector.shape_cast %swap3A_330 : vector<1x16xi32> to vector<16xi32>
      %swap3A_332 = vector.shape_cast %add3A_324 : vector<16xi32> to vector<1x16xi32>
      tpu.vector_store %arg8[%swap3A_328, %swap3A_329], %swap3A_332 {strides = array<i32>} : memref<8x2048xi32, #tpu.memory_space<vmem>>, vector<1x16xi32>,
      %add3A_333 = arith.constant 5242880 : i32
      %add3A_334 = vector.broadcast %add3A_333 : i32 to vector<16xi32>
      %add3A_335 = arith.addi %add3A_278, %add3A_334 : vector<16xi32>
      %mul3A_336 = arith.constant 16 : i32
      %mul3A_337 = arith.muli %scan3A_225, %mul3A_336 : i32
      %swap3A_338 = arith.constant 5 : i32
      %swap3A_339 = arith.index_cast %swap3A_338 : i32 to index
      %swap3A_340 = arith.index_cast %mul3A_337 : i32 to index
      %swap3A_341 = tpu.vector_load %arg8[%swap3A_339, %swap3A_340] {strides = array<i32>} : memref<8x2048xi32, #tpu.memory_space<vmem>>, vector<1x16xi32>,
      %swap3A_342 = vector.shape_cast %swap3A_341 : vector<1x16xi32> to vector<16xi32>
      %swap3A_343 = vector.shape_cast %add3A_335 : vector<16xi32> to vector<1x16xi32>
      tpu.vector_store %arg8[%swap3A_339, %swap3A_340], %swap3A_343 {strides = array<i32>} : memref<8x2048xi32, #tpu.memory_space<vmem>>, vector<1x16xi32>,
      %add3A_344 = arith.constant 6291456 : i32
      %add3A_345 = vector.broadcast %add3A_344 : i32 to vector<16xi32>
      %add3A_346 = arith.addi %add3A_278, %add3A_345 : vector<16xi32>
      %mul3A_347 = arith.constant 16 : i32
      %mul3A_348 = arith.muli %scan3A_225, %mul3A_347 : i32
      %swap3A_349 = arith.constant 6 : i32
      %swap3A_350 = arith.index_cast %swap3A_349 : i32 to index
      %swap3A_351 = arith.index_cast %mul3A_348 : i32 to index
      %swap3A_352 = tpu.vector_load %arg8[%swap3A_350, %swap3A_351] {strides = array<i32>} : memref<8x2048xi32, #tpu.memory_space<vmem>>, vector<1x16xi32>,
      %swap3A_353 = vector.shape_cast %swap3A_352 : vector<1x16xi32> to vector<16xi32>
      %swap3A_354 = vector.shape_cast %add3A_346 : vector<16xi32> to vector<1x16xi32>
      tpu.vector_store %arg8[%swap3A_350, %swap3A_351], %swap3A_354 {strides = array<i32>} : memref<8x2048xi32, #tpu.memory_space<vmem>>, vector<1x16xi32>,
      %add3A_355 = arith.constant 7340032 : i32
      %add3A_356 = vector.broadcast %add3A_355 : i32 to vector<16xi32>
      %add3A_357 = arith.addi %add3A_278, %add3A_356 : vector<16xi32>
      %mul3A_358 = arith.constant 16 : i32
      %mul3A_359 = arith.muli %scan3A_225, %mul3A_358 : i32
      %swap3A_360 = arith.constant 7 : i32
      %swap3A_361 = arith.index_cast %swap3A_360 : i32 to index
      %swap3A_362 = arith.index_cast %mul3A_359 : i32 to index
      %swap3A_363 = tpu.vector_load %arg8[%swap3A_361, %swap3A_362] {strides = array<i32>} : memref<8x2048xi32, #tpu.memory_space<vmem>>, vector<1x16xi32>,
      %swap3A_364 = vector.shape_cast %swap3A_363 : vector<1x16xi32> to vector<16xi32>
      %swap3A_365 = vector.shape_cast %add3A_357 : vector<16xi32> to vector<1x16xi32>
      tpu.vector_store %arg8[%swap3A_361, %swap3A_362], %swap3A_365 {strides = array<i32>} : memref<8x2048xi32, #tpu.memory_space<vmem>>, vector<1x16xi32>,
    }
    %scan3A_43 = arith.constant 128 : i32
    %scan3A_44 = arith.constant 0 : i32
    %scan3A_45 = arith.constant 0 : i32
    %scan3A_46 = arith.constant 8 : i32
    %scan3A_47 = arith.addi %scan3A_45, %scan3A_46 : i32
    %scan3A_48 = arith.constant 1 : i32
    scf.for %scan3A_225 = %scan3A_45 to %scan3A_47 step %scan3A_48  : i32 {
      %mul3A_226 = arith.constant 16 : i32
      %mul3A_227 = arith.muli %scan3A_225, %mul3A_226 : i32
      %add3A_228 = arith.constant 0 : i32
      %add3A_229 = arith.addi %mul3A_227, %add3A_228 : i32
      %jit3A_230 = arith.constant 8 : i32
      %eq3A_231 = arith.constant 0 : i32
      %eq3A_232 = arith.cmpi eq, %jit3A_230, %eq3A_231 : i32
      %jit3A_233 = arith.constant 1 : i32
      %select_n3A_234 = arith.select %eq3A_232, %jit3A_233, %jit3A_230 : i32
      %rem3A_235 = arith.remsi %add3A_229, %select_n3A_234 : i32
      %ne3A_236 = arith.constant 0 : i32
      %ne3A_237 = arith.cmpi ne, %rem3A_235, %ne3A_236 : i32
      %lt3A_238 = arith.constant 0 : i32
      %lt3A_239 = arith.cmpi slt, %rem3A_235, %lt3A_238 : i32
      %lt3A_240 = arith.constant 0 : i32
      %lt3A_241 = arith.cmpi slt, %select_n3A_234, %lt3A_240 : i32
      %ne3A_242 = arith.xori %lt3A_239, %lt3A_241 : i1
      %and3A_243 = arith.andi %ne3A_242, %ne3A_237 : i1
      %add3A_244 = arith.addi %rem3A_235, %select_n3A_234 : i32
      %select_n3A_245 = arith.select %and3A_243, %add3A_244, %rem3A_235 : i32
      %jit3A_246 = arith.constant 8 : i32
      %div3A_247 = arith.divsi %add3A_229, %jit3A_246 : i32
      %sign3A_248 = arith.constant 0 : i32
      %sign3A_249 = arith.cmpi sgt, %add3A_229, %sign3A_248 : i32
      %sign3A_250 = arith.extui %sign3A_249 : i1 to i32
      %sign3A_251 = arith.constant 0 : i32
      %sign3A_252 = arith.cmpi slt, %add3A_229, %sign3A_251 : i32
      %sign3A_253 = arith.extui %sign3A_252 : i1 to i32
      %sign3A_254 = arith.subi %sign3A_250, %sign3A_253 : i32
      %sign3A_255 = arith.constant 0 : i32
      %sign3A_256 = arith.cmpi sgt, %jit3A_246, %sign3A_255 : i32
      %sign3A_257 = arith.extui %sign3A_256 : i1 to i32
      %sign3A_258 = arith.constant 0 : i32
      %sign3A_259 = arith.cmpi slt, %jit3A_246, %sign3A_258 : i32
      %sign3A_260 = arith.extui %sign3A_259 : i1 to i32
      %sign3A_261 = arith.subi %sign3A_257, %sign3A_260 : i32
      %ne3A_262 = arith.cmpi ne, %sign3A_254, %sign3A_261 : i32
      %rem3A_263 = arith.remsi %add3A_229, %jit3A_246 : i32
      %ne3A_264 = arith.constant 0 : i32
      %ne3A_265 = arith.cmpi ne, %rem3A_263, %ne3A_264 : i32
      %and3A_266 = arith.andi %ne3A_262, %ne3A_265 : i1
      %sub3A_267 = arith.constant 1 : i32
      %sub3A_268 = arith.subi %div3A_247, %sub3A_267 : i32
      %select_n3A_269 = arith.select %and3A_266, %sub3A_268, %div3A_247 : i32
      %mul3A_270 = arith.constant 128 : i32
      %mul3A_271 = arith.muli %select_n3A_269, %mul3A_270 : i32
      %dma_start3A = tpu.memref_slice %arg9[%select_n3A_245, %mul3A_271] : memref<8x2048xf32, #tpu.memory_space<vmem>> -> memref<1x128xf32, #tpu.memory_space<vmem>>
      %dma_start3A_272 = tpu.memref_squeeze %dma_start3A : memref<1x128xf32, #tpu.memory_space<vmem>> -> memref<128xf32, #tpu.memory_space<vmem>>
      %dma_start3A_273 = tpu.memref_slice %arg8[%select_n3A_245, %mul3A_271] : memref<8x2048xi32, #tpu.memory_space<vmem>> -> memref<1x128xi32, #tpu.memory_space<vmem>>
      %dma_start3A_274 = tpu.memref_squeeze %dma_start3A_273 : memref<1x128xi32, #tpu.memory_space<vmem>> -> memref<128xi32, #tpu.memory_space<vmem>>
      %dma_start3A_275 = arith.constant 0 : i32
      %dma_start3A_276 = tpu.memref_slice %arg2[%dma_start3A_275] : memref<33554432xf32, #tpu.memory_space<hbm>> -> memref<33554432xf32, #tpu.memory_space<hbm>>
      tpu.enqueue_indirect_dma source(%dma_start3A_276 : memref<33554432xf32, #tpu.memory_space<hbm>>) target(%dma_start3A_272 : memref<128xf32, #tpu.memory_space<vmem>>) offsets(%dma_start3A_274 : memref<128xi32, #tpu.memory_space<vmem>>) semaphore(%arg10 : memref<!tpu.dma_semaphore, #tpu.memory_space<semaphore_mem>>)
      %add3A_277 = arith.constant 1 : i32
      %add3A_278 = arith.addi %mul3A_227, %add3A_277 : i32
      %jit3A_279 = arith.constant 8 : i32
      %eq3A_280 = arith.constant 0 : i32
      %eq3A_281 = arith.cmpi eq, %jit3A_279, %eq3A_280 : i32
      %jit3A_282 = arith.constant 1 : i32
      %select_n3A_283 = arith.select %eq3A_281, %jit3A_282, %jit3A_279 : i32
      %rem3A_284 = arith.remsi %add3A_278, %select_n3A_283 : i32
      %ne3A_285 = arith.constant 0 : i32
      %ne3A_286 = arith.cmpi ne, %rem3A_284, %ne3A_285 : i32
      %lt3A_287 = arith.constant 0 : i32
      %lt3A_288 = arith.cmpi slt, %rem3A_284, %lt3A_287 : i32
      %lt3A_289 = arith.constant 0 : i32
      %lt3A_290 = arith.cmpi slt, %select_n3A_283, %lt3A_289 : i32
      %ne3A_291 = arith.xori %lt3A_288, %lt3A_290 : i1
      %and3A_292 = arith.andi %ne3A_291, %ne3A_286 : i1
      %add3A_293 = arith.addi %rem3A_284, %select_n3A_283 : i32
      %select_n3A_294 = arith.select %and3A_292, %add3A_293, %rem3A_284 : i32
      %jit3A_295 = arith.constant 8 : i32
      %div3A_296 = arith.divsi %add3A_278, %jit3A_295 : i32
      %sign3A_297 = arith.constant 0 : i32
      %sign3A_298 = arith.cmpi sgt, %add3A_278, %sign3A_297 : i32
      %sign3A_299 = arith.extui %sign3A_298 : i1 to i32
      %sign3A_300 = arith.constant 0 : i32
      %sign3A_301 = arith.cmpi slt, %add3A_278, %sign3A_300 : i32
      %sign3A_302 = arith.extui %sign3A_301 : i1 to i32
      %sign3A_303 = arith.subi %sign3A_299, %sign3A_302 : i32
      %sign3A_304 = arith.constant 0 : i32
      %sign3A_305 = arith.cmpi sgt, %jit3A_295, %sign3A_304 : i32
      %sign3A_306 = arith.extui %sign3A_305 : i1 to i32
      %sign3A_307 = arith.constant 0 : i32
      %sign3A_308 = arith.cmpi slt, %jit3A_295, %sign3A_307 : i32
      %sign3A_309 = arith.extui %sign3A_308 : i1 to i32
      %sign3A_310 = arith.subi %sign3A_306, %sign3A_309 : i32
      %ne3A_311 = arith.cmpi ne, %sign3A_303, %sign3A_310 : i32
      %rem3A_312 = arith.remsi %add3A_278, %jit3A_295 : i32
      %ne3A_313 = arith.constant 0 : i32
      %ne3A_314 = arith.cmpi ne, %rem3A_312, %ne3A_313 : i32
      %and3A_315 = arith.andi %ne3A_311, %ne3A_314 : i1
      %sub3A_316 = arith.constant 1 : i32
      %sub3A_317 = arith.subi %div3A_296, %sub3A_316 : i32
      %select_n3A_318 = arith.select %and3A_315, %sub3A_317, %div3A_296 : i32
      %mul3A_319 = arith.constant 128 : i32
      %mul3A_320 = arith.muli %select_n3A_318, %mul3A_319 : i32
      %dma_start3A_321 = tpu.memref_slice %arg9[%select_n3A_294, %mul3A_320] : memref<8x2048xf32, #tpu.memory_space<vmem>> -> memref<1x128xf32, #tpu.memory_space<vmem>>
      %dma_start3A_322 = tpu.memref_squeeze %dma_start3A_321 : memref<1x128xf32, #tpu.memory_space<vmem>> -> memref<128xf32, #tpu.memory_space<vmem>>
      %dma_start3A_323 = tpu.memref_slice %arg8[%select_n3A_294, %mul3A_320] : memref<8x2048xi32, #tpu.memory_space<vmem>> -> memref<1x128xi32, #tpu.memory_space<vmem>>
      %dma_start3A_324 = tpu.memref_squeeze %dma_start3A_323 : memref<1x128xi32, #tpu.memory_space<vmem>> -> memref<128xi32, #tpu.memory_space<vmem>>
      %dma_start3A_325 = arith.constant 0 : i32
      %dma_start3A_326 = tpu.memref_slice %arg2[%dma_start3A_325] : memref<33554432xf32, #tpu.memory_space<hbm>> -> memref<33554432xf32, #tpu.memory_space<hbm>>
      tpu.enqueue_indirect_dma source(%dma_start3A_326 : memref<33554432xf32, #tpu.memory_space<hbm>>) target(%dma_start3A_322 : memref<128xf32, #tpu.memory_space<vmem>>) offsets(%dma_start3A_324 : memref<128xi32, #tpu.memory_space<vmem>>) semaphore(%arg10 : memref<!tpu.dma_semaphore, #tpu.memory_space<semaphore_mem>>)
      %add3A_327 = arith.constant 2 : i32
      %add3A_328 = arith.addi %mul3A_227, %add3A_327 : i32
      %jit3A_329 = arith.constant 8 : i32
      %eq3A_330 = arith.constant 0 : i32
      %eq3A_331 = arith.cmpi eq, %jit3A_329, %eq3A_330 : i32
      %jit3A_332 = arith.constant 1 : i32
      %select_n3A_333 = arith.select %eq3A_331, %jit3A_332, %jit3A_329 : i32
      %rem3A_334 = arith.remsi %add3A_328, %select_n3A_333 : i32
      %ne3A_335 = arith.constant 0 : i32
      %ne3A_336 = arith.cmpi ne, %rem3A_334, %ne3A_335 : i32
      %lt3A_337 = arith.constant 0 : i32
      %lt3A_338 = arith.cmpi slt, %rem3A_334, %lt3A_337 : i32
      %lt3A_339 = arith.constant 0 : i32
      %lt3A_340 = arith.cmpi slt, %select_n3A_333, %lt3A_339 : i32
      %ne3A_341 = arith.xori %lt3A_338, %lt3A_340 : i1
      %and3A_342 = arith.andi %ne3A_341, %ne3A_336 : i1
      %add3A_343 = arith.addi %rem3A_334, %select_n3A_333 : i32
      %select_n3A_344 = arith.select %and3A_342, %add3A_343, %rem3A_334 : i32
      %jit3A_345 = arith.constant 8 : i32
      %div3A_346 = arith.divsi %add3A_328, %jit3A_345 : i32
      %sign3A_347 = arith.constant 0 : i32
      %sign3A_348 = arith.cmpi sgt, %add3A_328, %sign3A_347 : i32
      %sign3A_349 = arith.extui %sign3A_348 : i1 to i32
      %sign3A_350 = arith.constant 0 : i32
      %sign3A_351 = arith.cmpi slt, %add3A_328, %sign3A_350 : i32
      %sign3A_352 = arith.extui %sign3A_351 : i1 to i32
      %sign3A_353 = arith.subi %sign3A_349, %sign3A_352 : i32
      %sign3A_354 = arith.constant 0 : i32
      %sign3A_355 = arith.cmpi sgt, %jit3A_345, %sign3A_354 : i32
      %sign3A_356 = arith.extui %sign3A_355 : i1 to i32
      %sign3A_357 = arith.constant 0 : i32
      %sign3A_358 = arith.cmpi slt, %jit3A_345, %sign3A_357 : i32
      %sign3A_359 = arith.extui %sign3A_358 : i1 to i32
      %sign3A_360 = arith.subi %sign3A_356, %sign3A_359 : i32
      %ne3A_361 = arith.cmpi ne, %sign3A_353, %sign3A_360 : i32
      %rem3A_362 = arith.remsi %add3A_328, %jit3A_345 : i32
      %ne3A_363 = arith.constant 0 : i32
      %ne3A_364 = arith.cmpi ne, %rem3A_362, %ne3A_363 : i32
      %and3A_365 = arith.andi %ne3A_361, %ne3A_364 : i1
      %sub3A_366 = arith.constant 1 : i32
      %sub3A_367 = arith.subi %div3A_346, %sub3A_366 : i32
      %select_n3A_368 = arith.select %and3A_365, %sub3A_367, %div3A_346 : i32
      %mul3A_369 = arith.constant 128 : i32
      %mul3A_370 = arith.muli %select_n3A_368, %mul3A_369 : i32
      %dma_start3A_371 = tpu.memref_slice %arg9[%select_n3A_344, %mul3A_370] : memref<8x2048xf32, #tpu.memory_space<vmem>> -> memref<1x128xf32, #tpu.memory_space<vmem>>
      %dma_start3A_372 = tpu.memref_squeeze %dma_start3A_371 : memref<1x128xf32, #tpu.memory_space<vmem>> -> memref<128xf32, #tpu.memory_space<vmem>>
      %dma_start3A_373 = tpu.memref_slice %arg8[%select_n3A_344, %mul3A_370] : memref<8x2048xi32, #tpu.memory_space<vmem>> -> memref<1x128xi32, #tpu.memory_space<vmem>>
      %dma_start3A_374 = tpu.memref_squeeze %dma_start3A_373 : memref<1x128xi32, #tpu.memory_space<vmem>> -> memref<128xi32, #tpu.memory_space<vmem>>
      %dma_start3A_375 = arith.constant 0 : i32
      %dma_start3A_376 = tpu.memref_slice %arg2[%dma_start3A_375] : memref<33554432xf32, #tpu.memory_space<hbm>> -> memref<33554432xf32, #tpu.memory_space<hbm>>
      tpu.enqueue_indirect_dma source(%dma_start3A_376 : memref<33554432xf32, #tpu.memory_space<hbm>>) target(%dma_start3A_372 : memref<128xf32, #tpu.memory_space<vmem>>) offsets(%dma_start3A_374 : memref<128xi32, #tpu.memory_space<vmem>>) semaphore(%arg10 : memref<!tpu.dma_semaphore, #tpu.memory_space<semaphore_mem>>)
      %add3A_377 = arith.constant 3 : i32
      %add3A_378 = arith.addi %mul3A_227, %add3A_377 : i32
      %jit3A_379 = arith.constant 8 : i32
      %eq3A_380 = arith.constant 0 : i32
      %eq3A_381 = arith.cmpi eq, %jit3A_379, %eq3A_380 : i32
      %jit3A_382 = arith.constant 1 : i32
      %select_n3A_383 = arith.select %eq3A_381, %jit3A_382, %jit3A_379 : i32
      %rem3A_384 = arith.remsi %add3A_378, %select_n3A_383 : i32
      %ne3A_385 = arith.constant 0 : i32
      %ne3A_386 = arith.cmpi ne, %rem3A_384, %ne3A_385 : i32
      %lt3A_387 = arith.constant 0 : i32
      %lt3A_388 = arith.cmpi slt, %rem3A_384, %lt3A_387 : i32
      %lt3A_389 = arith.constant 0 : i32
      %lt3A_390 = arith.cmpi slt, %select_n3A_383, %lt3A_389 : i32
      %ne3A_391 = arith.xori %lt3A_388, %lt3A_390 : i1
      %and3A_392 = arith.andi %ne3A_391, %ne3A_386 : i1
      %add3A_393 = arith.addi %rem3A_384, %select_n3A_383 : i32
      %select_n3A_394 = arith.select %and3A_392, %add3A_393, %rem3A_384 : i32
      %jit3A_395 = arith.constant 8 : i32
      %div3A_396 = arith.divsi %add3A_378, %jit3A_395 : i32
      %sign3A_397 = arith.constant 0 : i32
      %sign3A_398 = arith.cmpi sgt, %add3A_378, %sign3A_397 : i32
      %sign3A_399 = arith.extui %sign3A_398 : i1 to i32
      %sign3A_400 = arith.constant 0 : i32
      %sign3A_401 = arith.cmpi slt, %add3A_378, %sign3A_400 : i32
      %sign3A_402 = arith.extui %sign3A_401 : i1 to i32
      %sign3A_403 = arith.subi %sign3A_399, %sign3A_402 : i32
      %sign3A_404 = arith.constant 0 : i32
      %sign3A_405 = arith.cmpi sgt, %jit3A_395, %sign3A_404 : i32
      %sign3A_406 = arith.extui %sign3A_405 : i1 to i32
      %sign3A_407 = arith.constant 0 : i32
      %sign3A_408 = arith.cmpi slt, %jit3A_395, %sign3A_407 : i32
      %sign3A_409 = arith.extui %sign3A_408 : i1 to i32
      %sign3A_410 = arith.subi %sign3A_406, %sign3A_409 : i32
      %ne3A_411 = arith.cmpi ne, %sign3A_403, %sign3A_410 : i32
      %rem3A_412 = arith.remsi %add3A_378, %jit3A_395 : i32
      %ne3A_413 = arith.constant 0 : i32
      %ne3A_414 = arith.cmpi ne, %rem3A_412, %ne3A_413 : i32
      %and3A_415 = arith.andi %ne3A_411, %ne3A_414 : i1
      %sub3A_416 = arith.constant 1 : i32
      %sub3A_417 = arith.subi %div3A_396, %sub3A_416 : i32
      %select_n3A_418 = arith.select %and3A_415, %sub3A_417, %div3A_396 : i32
      %mul3A_419 = arith.constant 128 : i32
      %mul3A_420 = arith.muli %select_n3A_418, %mul3A_419 : i32
      %dma_start3A_421 = tpu.memref_slice %arg9[%select_n3A_394, %mul3A_420] : memref<8x2048xf32, #tpu.memory_space<vmem>> -> memref<1x128xf32, #tpu.memory_space<vmem>>
      %dma_start3A_422 = tpu.memref_squeeze %dma_start3A_421 : memref<1x128xf32, #tpu.memory_space<vmem>> -> memref<128xf32, #tpu.memory_space<vmem>>
      %dma_start3A_423 = tpu.memref_slice %arg8[%select_n3A_394, %mul3A_420] : memref<8x2048xi32, #tpu.memory_space<vmem>> -> memref<1x128xi32, #tpu.memory_space<vmem>>
      %dma_start3A_424 = tpu.memref_squeeze %dma_start3A_423 : memref<1x128xi32, #tpu.memory_space<vmem>> -> memref<128xi32, #tpu.memory_space<vmem>>
      %dma_start3A_425 = arith.constant 0 : i32
      %dma_start3A_426 = tpu.memref_slice %arg2[%dma_start3A_425] : memref<33554432xf32, #tpu.memory_space<hbm>> -> memref<33554432xf32, #tpu.memory_space<hbm>>
      tpu.enqueue_indirect_dma source(%dma_start3A_426 : memref<33554432xf32, #tpu.memory_space<hbm>>) target(%dma_start3A_422 : memref<128xf32, #tpu.memory_space<vmem>>) offsets(%dma_start3A_424 : memref<128xi32, #tpu.memory_space<vmem>>) semaphore(%arg10 : memref<!tpu.dma_semaphore, #tpu.memory_space<semaphore_mem>>)
      %add3A_427 = arith.constant 4 : i32
      %add3A_428 = arith.addi %mul3A_227, %add3A_427 : i32
      %jit3A_429 = arith.constant 8 : i32
      %eq3A_430 = arith.constant 0 : i32
      %eq3A_431 = arith.cmpi eq, %jit3A_429, %eq3A_430 : i32
      %jit3A_432 = arith.constant 1 : i32
      %select_n3A_433 = arith.select %eq3A_431, %jit3A_432, %jit3A_429 : i32
      %rem3A_434 = arith.remsi %add3A_428, %select_n3A_433 : i32
      %ne3A_435 = arith.constant 0 : i32
      %ne3A_436 = arith.cmpi ne, %rem3A_434, %ne3A_435 : i32
      %lt3A_437 = arith.constant 0 : i32
      %lt3A_438 = arith.cmpi slt, %rem3A_434, %lt3A_437 : i32
      %lt3A_439 = arith.constant 0 : i32
      %lt3A_440 = arith.cmpi slt, %select_n3A_433, %lt3A_439 : i32
      %ne3A_441 = arith.xori %lt3A_438, %lt3A_440 : i1
      %and3A_442 = arith.andi %ne3A_441, %ne3A_436 : i1
      %add3A_443 = arith.addi %rem3A_434, %select_n3A_433 : i32
      %select_n3A_444 = arith.select %and3A_442, %add3A_443, %rem3A_434 : i32
      %jit3A_445 = arith.constant 8 : i32
      %div3A_446 = arith.divsi %add3A_428, %jit3A_445 : i32
      %sign3A_447 = arith.constant 0 : i32
      %sign3A_448 = arith.cmpi sgt, %add3A_428, %sign3A_447 : i32
      %sign3A_449 = arith.extui %sign3A_448 : i1 to i32
      %sign3A_450 = arith.constant 0 : i32
      %sign3A_451 = arith.cmpi slt, %add3A_428, %sign3A_450 : i32
      %sign3A_452 = arith.extui %sign3A_451 : i1 to i32
      %sign3A_453 = arith.subi %sign3A_449, %sign3A_452 : i32
      %sign3A_454 = arith.constant 0 : i32
      %sign3A_455 = arith.cmpi sgt, %jit3A_445, %sign3A_454 : i32
      %sign3A_456 = arith.extui %sign3A_455 : i1 to i32
      %sign3A_457 = arith.constant 0 : i32
      %sign3A_458 = arith.cmpi slt, %jit3A_445, %sign3A_457 : i32
      %sign3A_459 = arith.extui %sign3A_458 : i1 to i32
      %sign3A_460 = arith.subi %sign3A_456, %sign3A_459 : i32
      %ne3A_461 = arith.cmpi ne, %sign3A_453, %sign3A_460 : i32
      %rem3A_462 = arith.remsi %add3A_428, %jit3A_445 : i32
      %ne3A_463 = arith.constant 0 : i32
      %ne3A_464 = arith.cmpi ne, %rem3A_462, %ne3A_463 : i32
      %and3A_465 = arith.andi %ne3A_461, %ne3A_464 : i1
      %sub3A_466 = arith.constant 1 : i32
      %sub3A_467 = arith.subi %div3A_446, %sub3A_466 : i32
      %select_n3A_468 = arith.select %and3A_465, %sub3A_467, %div3A_446 : i32
      %mul3A_469 = arith.constant 128 : i32
      %mul3A_470 = arith.muli %select_n3A_468, %mul3A_469 : i32
      %dma_start3A_471 = tpu.memref_slice %arg9[%select_n3A_444, %mul3A_470] : memref<8x2048xf32, #tpu.memory_space<vmem>> -> memref<1x128xf32, #tpu.memory_space<vmem>>
      %dma_start3A_472 = tpu.memref_squeeze %dma_start3A_471 : memref<1x128xf32, #tpu.memory_space<vmem>> -> memref<128xf32, #tpu.memory_space<vmem>>
      %dma_start3A_473 = tpu.memref_slice %arg8[%select_n3A_444, %mul3A_470] : memref<8x2048xi32, #tpu.memory_space<vmem>> -> memref<1x128xi32, #tpu.memory_space<vmem>>
      %dma_start3A_474 = tpu.memref_squeeze %dma_start3A_473 : memref<1x128xi32, #tpu.memory_space<vmem>> -> memref<128xi32, #tpu.memory_space<vmem>>
      %dma_start3A_475 = arith.constant 0 : i32
      %dma_start3A_476 = tpu.memref_slice %arg2[%dma_start3A_475] : memref<33554432xf32, #tpu.memory_space<hbm>> -> memref<33554432xf32, #tpu.memory_space<hbm>>
      tpu.enqueue_indirect_dma source(%dma_start3A_476 : memref<33554432xf32, #tpu.memory_space<hbm>>) target(%dma_start3A_472 : memref<128xf32, #tpu.memory_space<vmem>>) offsets(%dma_start3A_474 : memref<128xi32, #tpu.memory_space<vmem>>) semaphore(%arg10 : memref<!tpu.dma_semaphore, #tpu.memory_space<semaphore_mem>>)
      %add3A_477 = arith.constant 5 : i32
      %add3A_478 = arith.addi %mul3A_227, %add3A_477 : i32
      %jit3A_479 = arith.constant 8 : i32
      %eq3A_480 = arith.constant 0 : i32
      %eq3A_481 = arith.cmpi eq, %jit3A_479, %eq3A_480 : i32
      %jit3A_482 = arith.constant 1 : i32
      %select_n3A_483 = arith.select %eq3A_481, %jit3A_482, %jit3A_479 : i32
      %rem3A_484 = arith.remsi %add3A_478, %select_n3A_483 : i32
      %ne3A_485 = arith.constant 0 : i32
      %ne3A_486 = arith.cmpi ne, %rem3A_484, %ne3A_485 : i32
      %lt3A_487 = arith.constant 0 : i32
      %lt3A_488 = arith.cmpi slt, %rem3A_484, %lt3A_487 : i32
      %lt3A_489 = arith.constant 0 : i32
      %lt3A_490 = arith.cmpi slt, %select_n3A_483, %lt3A_489 : i32
      %ne3A_491 = arith.xori %lt3A_488, %lt3A_490 : i1
      %and3A_492 = arith.andi %ne3A_491, %ne3A_486 : i1
      %add3A_493 = arith.addi %rem3A_484, %select_n3A_483 : i32
      %select_n3A_494 = arith.select %and3A_492, %add3A_493, %rem3A_484 : i32
      %jit3A_495 = arith.constant 8 : i32
      %div3A_496 = arith.divsi %add3A_478, %jit3A_495 : i32
      %sign3A_497 = arith.constant 0 : i32
      %sign3A_498 = arith.cmpi sgt, %add3A_478, %sign3A_497 : i32
      %sign3A_499 = arith.extui %sign3A_498 : i1 to i32
      %sign3A_500 = arith.constant 0 : i32
      %sign3A_501 = arith.cmpi slt, %add3A_478, %sign3A_500 : i32
      %sign3A_502 = arith.extui %sign3A_501 : i1 to i32
      %sign3A_503 = arith.subi %sign3A_499, %sign3A_502 : i32
      %sign3A_504 = arith.constant 0 : i32
      %sign3A_505 = arith.cmpi sgt, %jit3A_495, %sign3A_504 : i32
      %sign3A_506 = arith.extui %sign3A_505 : i1 to i32
      %sign3A_507 = arith.constant 0 : i32
      %sign3A_508 = arith.cmpi slt, %jit3A_495, %sign3A_507 : i32
      %sign3A_509 = arith.extui %sign3A_508 : i1 to i32
      %sign3A_510 = arith.subi %sign3A_506, %sign3A_509 : i32
      %ne3A_511 = arith.cmpi ne, %sign3A_503, %sign3A_510 : i32
      %rem3A_512 = arith.remsi %add3A_478, %jit3A_495 : i32
      %ne3A_513 = arith.constant 0 : i32
      %ne3A_514 = arith.cmpi ne, %rem3A_512, %ne3A_513 : i32
      %and3A_515 = arith.andi %ne3A_511, %ne3A_514 : i1
      %sub3A_516 = arith.constant 1 : i32
      %sub3A_517 = arith.subi %div3A_496, %sub3A_516 : i32
      %select_n3A_518 = arith.select %and3A_515, %sub3A_517, %div3A_496 : i32
      %mul3A_519 = arith.constant 128 : i32
      %mul3A_520 = arith.muli %select_n3A_518, %mul3A_519 : i32
      %dma_start3A_521 = tpu.memref_slice %arg9[%select_n3A_494, %mul3A_520] : memref<8x2048xf32, #tpu.memory_space<vmem>> -> memref<1x128xf32, #tpu.memory_space<vmem>>
      %dma_start3A_522 = tpu.memref_squeeze %dma_start3A_521 : memref<1x128xf32, #tpu.memory_space<vmem>> -> memref<128xf32, #tpu.memory_space<vmem>>
      %dma_start3A_523 = tpu.memref_slice %arg8[%select_n3A_494, %mul3A_520] : memref<8x2048xi32, #tpu.memory_space<vmem>> -> memref<1x128xi32, #tpu.memory_space<vmem>>
      %dma_start3A_524 = tpu.memref_squeeze %dma_start3A_523 : memref<1x128xi32, #tpu.memory_space<vmem>> -> memref<128xi32, #tpu.memory_space<vmem>>
      %dma_start3A_525 = arith.constant 0 : i32
      %dma_start3A_526 = tpu.memref_slice %arg2[%dma_start3A_525] : memref<33554432xf32, #tpu.memory_space<hbm>> -> memref<33554432xf32, #tpu.memory_space<hbm>>
      tpu.enqueue_indirect_dma source(%dma_start3A_526 : memref<33554432xf32, #tpu.memory_space<hbm>>) target(%dma_start3A_522 : memref<128xf32, #tpu.memory_space<vmem>>) offsets(%dma_start3A_524 : memref<128xi32, #tpu.memory_space<vmem>>) semaphore(%arg10 : memref<!tpu.dma_semaphore, #tpu.memory_space<semaphore_mem>>)
      %add3A_527 = arith.constant 6 : i32
      %add3A_528 = arith.addi %mul3A_227, %add3A_527 : i32
      %jit3A_529 = arith.constant 8 : i32
      %eq3A_530 = arith.constant 0 : i32
      %eq3A_531 = arith.cmpi eq, %jit3A_529, %eq3A_530 : i32
      %jit3A_532 = arith.constant 1 : i32
      %select_n3A_533 = arith.select %eq3A_531, %jit3A_532, %jit3A_529 : i32
      %rem3A_534 = arith.remsi %add3A_528, %select_n3A_533 : i32
      %ne3A_535 = arith.constant 0 : i32
      %ne3A_536 = arith.cmpi ne, %rem3A_534, %ne3A_535 : i32
      %lt3A_537 = arith.constant 0 : i32
      %lt3A_538 = arith.cmpi slt, %rem3A_534, %lt3A_537 : i32
      %lt3A_539 = arith.constant 0 : i32
      %lt3A_540 = arith.cmpi slt, %select_n3A_533, %lt3A_539 : i32
      %ne3A_541 = arith.xori %lt3A_538, %lt3A_540 : i1
      %and3A_542 = arith.andi %ne3A_541, %ne3A_536 : i1
      %add3A_543 = arith.addi %rem3A_534, %select_n3A_533 : i32
      %select_n3A_544 = arith.select %and3A_542, %add3A_543, %rem3A_534 : i32
      %jit3A_545 = arith.constant 8 : i32
      %div3A_546 = arith.divsi %add3A_528, %jit3A_545 : i32
      %sign3A_547 = arith.constant 0 : i32
      %sign3A_548 = arith.cmpi sgt, %add3A_528, %sign3A_547 : i32
      %sign3A_549 = arith.extui %sign3A_548 : i1 to i32
      %sign3A_550 = arith.constant 0 : i32
      %sign3A_551 = arith.cmpi slt, %add3A_528, %sign3A_550 : i32
      %sign3A_552 = arith.extui %sign3A_551 : i1 to i32
      %sign3A_553 = arith.subi %sign3A_549, %sign3A_552 : i32
      %sign3A_554 = arith.constant 0 : i32
      %sign3A_555 = arith.cmpi sgt, %jit3A_545, %sign3A_554 : i32
      %sign3A_556 = arith.extui %sign3A_555 : i1 to i32
      %sign3A_557 = arith.constant 0 : i32
      %sign3A_558 = arith.cmpi slt, %jit3A_545, %sign3A_557 : i32
      %sign3A_559 = arith.extui %sign3A_558 : i1 to i32
      %sign3A_560 = arith.subi %sign3A_556, %sign3A_559 : i32
      %ne3A_561 = arith.cmpi ne, %sign3A_553, %sign3A_560 : i32
      %rem3A_562 = arith.remsi %add3A_528, %jit3A_545 : i32
      %ne3A_563 = arith.constant 0 : i32
      %ne3A_564 = arith.cmpi ne, %rem3A_562, %ne3A_563 : i32
      %and3A_565 = arith.andi %ne3A_561, %ne3A_564 : i1
      %sub3A_566 = arith.constant 1 : i32
      %sub3A_567 = arith.subi %div3A_546, %sub3A_566 : i32
      %select_n3A_568 = arith.select %and3A_565, %sub3A_567, %div3A_546 : i32
      %mul3A_569 = arith.constant 128 : i32
      %mul3A_570 = arith.muli %select_n3A_568, %mul3A_569 : i32
      %dma_start3A_571 = tpu.memref_slice %arg9[%select_n3A_544, %mul3A_570] : memref<8x2048xf32, #tpu.memory_space<vmem>> -> memref<1x128xf32, #tpu.memory_space<vmem>>
      %dma_start3A_572 = tpu.memref_squeeze %dma_start3A_571 : memref<1x128xf32, #tpu.memory_space<vmem>> -> memref<128xf32, #tpu.memory_space<vmem>>
      %dma_start3A_573 = tpu.memref_slice %arg8[%select_n3A_544, %mul3A_570] : memref<8x2048xi32, #tpu.memory_space<vmem>> -> memref<1x128xi32, #tpu.memory_space<vmem>>
      %dma_start3A_574 = tpu.memref_squeeze %dma_start3A_573 : memref<1x128xi32, #tpu.memory_space<vmem>> -> memref<128xi32, #tpu.memory_space<vmem>>
      %dma_start3A_575 = arith.constant 0 : i32
      %dma_start3A_576 = tpu.memref_slice %arg2[%dma_start3A_575] : memref<33554432xf32, #tpu.memory_space<hbm>> -> memref<33554432xf32, #tpu.memory_space<hbm>>
      tpu.enqueue_indirect_dma source(%dma_start3A_576 : memref<33554432xf32, #tpu.memory_space<hbm>>) target(%dma_start3A_572 : memref<128xf32, #tpu.memory_space<vmem>>) offsets(%dma_start3A_574 : memref<128xi32, #tpu.memory_space<vmem>>) semaphore(%arg10 : memref<!tpu.dma_semaphore, #tpu.memory_space<semaphore_mem>>)
      %add3A_577 = arith.constant 7 : i32
      %add3A_578 = arith.addi %mul3A_227, %add3A_577 : i32
      %jit3A_579 = arith.constant 8 : i32
      %eq3A_580 = arith.constant 0 : i32
      %eq3A_581 = arith.cmpi eq, %jit3A_579, %eq3A_580 : i32
      %jit3A_582 = arith.constant 1 : i32
      %select_n3A_583 = arith.select %eq3A_581, %jit3A_582, %jit3A_579 : i32
      %rem3A_584 = arith.remsi %add3A_578, %select_n3A_583 : i32
      %ne3A_585 = arith.constant 0 : i32
      %ne3A_586 = arith.cmpi ne, %rem3A_584, %ne3A_585 : i32
      %lt3A_587 = arith.constant 0 : i32
      %lt3A_588 = arith.cmpi slt, %rem3A_584, %lt3A_587 : i32
      %lt3A_589 = arith.constant 0 : i32
      %lt3A_590 = arith.cmpi slt, %select_n3A_583, %lt3A_589 : i32
      %ne3A_591 = arith.xori %lt3A_588, %lt3A_590 : i1
      %and3A_592 = arith.andi %ne3A_591, %ne3A_586 : i1
      %add3A_593 = arith.addi %rem3A_584, %select_n3A_583 : i32
      %select_n3A_594 = arith.select %and3A_592, %add3A_593, %rem3A_584 : i32
      %jit3A_595 = arith.constant 8 : i32
      %div3A_596 = arith.divsi %add3A_578, %jit3A_595 : i32
      %sign3A_597 = arith.constant 0 : i32
      %sign3A_598 = arith.cmpi sgt, %add3A_578, %sign3A_597 : i32
      %sign3A_599 = arith.extui %sign3A_598 : i1 to i32
      %sign3A_600 = arith.constant 0 : i32
      %sign3A_601 = arith.cmpi slt, %add3A_578, %sign3A_600 : i32
      %sign3A_602 = arith.extui %sign3A_601 : i1 to i32
      %sign3A_603 = arith.subi %sign3A_599, %sign3A_602 : i32
      %sign3A_604 = arith.constant 0 : i32
      %sign3A_605 = arith.cmpi sgt, %jit3A_595, %sign3A_604 : i32
      %sign3A_606 = arith.extui %sign3A_605 : i1 to i32
      %sign3A_607 = arith.constant 0 : i32
      %sign3A_608 = arith.cmpi slt, %jit3A_595, %sign3A_607 : i32
      %sign3A_609 = arith.extui %sign3A_608 : i1 to i32
      %sign3A_610 = arith.subi %sign3A_606, %sign3A_609 : i32
      %ne3A_611 = arith.cmpi ne, %sign3A_603, %sign3A_610 : i32
      %rem3A_612 = arith.remsi %add3A_578, %jit3A_595 : i32
      %ne3A_613 = arith.constant 0 : i32
      %ne3A_614 = arith.cmpi ne, %rem3A_612, %ne3A_613 : i32
      %and3A_615 = arith.andi %ne3A_611, %ne3A_614 : i1
      %sub3A_616 = arith.constant 1 : i32
      %sub3A_617 = arith.subi %div3A_596, %sub3A_616 : i32
      %select_n3A_618 = arith.select %and3A_615, %sub3A_617, %div3A_596 : i32
      %mul3A_619 = arith.constant 128 : i32
      %mul3A_620 = arith.muli %select_n3A_618, %mul3A_619 : i32
      %dma_start3A_621 = tpu.memref_slice %arg9[%select_n3A_594, %mul3A_620] : memref<8x2048xf32, #tpu.memory_space<vmem>> -> memref<1x128xf32, #tpu.memory_space<vmem>>
      %dma_start3A_622 = tpu.memref_squeeze %dma_start3A_621 : memref<1x128xf32, #tpu.memory_space<vmem>> -> memref<128xf32, #tpu.memory_space<vmem>>
      %dma_start3A_623 = tpu.memref_slice %arg8[%select_n3A_594, %mul3A_620] : memref<8x2048xi32, #tpu.memory_space<vmem>> -> memref<1x128xi32, #tpu.memory_space<vmem>>
      %dma_start3A_624 = tpu.memref_squeeze %dma_start3A_623 : memref<1x128xi32, #tpu.memory_space<vmem>> -> memref<128xi32, #tpu.memory_space<vmem>>
      %dma_start3A_625 = arith.constant 0 : i32
      %dma_start3A_626 = tpu.memref_slice %arg2[%dma_start3A_625] : memref<33554432xf32, #tpu.memory_space<hbm>> -> memref<33554432xf32, #tpu.memory_space<hbm>>
      tpu.enqueue_indirect_dma source(%dma_start3A_626 : memref<33554432xf32, #tpu.memory_space<hbm>>) target(%dma_start3A_622 : memref<128xf32, #tpu.memory_space<vmem>>) offsets(%dma_start3A_624 : memref<128xi32, #tpu.memory_space<vmem>>) semaphore(%arg10 : memref<!tpu.dma_semaphore, #tpu.memory_space<semaphore_mem>>)
      %add3A_627 = arith.constant 8 : i32
      %add3A_628 = arith.addi %mul3A_227, %add3A_627 : i32
      %jit3A_629 = arith.constant 8 : i32
      %eq3A_630 = arith.constant 0 : i32
      %eq3A_631 = arith.cmpi eq, %jit3A_629, %eq3A_630 : i32
      %jit3A_632 = arith.constant 1 : i32
      %select_n3A_633 = arith.select %eq3A_631, %jit3A_632, %jit3A_629 : i32
      %rem3A_634 = arith.remsi %add3A_628, %select_n3A_633 : i32
      %ne3A_635 = arith.constant 0 : i32
      %ne3A_636 = arith.cmpi ne, %rem3A_634, %ne3A_635 : i32
      %lt3A_637 = arith.constant 0 : i32
      %lt3A_638 = arith.cmpi slt, %rem3A_634, %lt3A_637 : i32
      %lt3A_639 = arith.constant 0 : i32
      %lt3A_640 = arith.cmpi slt, %select_n3A_633, %lt3A_639 : i32
      %ne3A_641 = arith.xori %lt3A_638, %lt3A_640 : i1
      %and3A_642 = arith.andi %ne3A_641, %ne3A_636 : i1
      %add3A_643 = arith.addi %rem3A_634, %select_n3A_633 : i32
      %select_n3A_644 = arith.select %and3A_642, %add3A_643, %rem3A_634 : i32
      %jit3A_645 = arith.constant 8 : i32
      %div3A_646 = arith.divsi %add3A_628, %jit3A_645 : i32
      %sign3A_647 = arith.constant 0 : i32
      %sign3A_648 = arith.cmpi sgt, %add3A_628, %sign3A_647 : i32
      %sign3A_649 = arith.extui %sign3A_648 : i1 to i32
      %sign3A_650 = arith.constant 0 : i32
      %sign3A_651 = arith.cmpi slt, %add3A_628, %sign3A_650 : i32
      %sign3A_652 = arith.extui %sign3A_651 : i1 to i32
      %sign3A_653 = arith.subi %sign3A_649, %sign3A_652 : i32
      %sign3A_654 = arith.constant 0 : i32
      %sign3A_655 = arith.cmpi sgt, %jit3A_645, %sign3A_654 : i32
      %sign3A_656 = arith.extui %sign3A_655 : i1 to i32
      %sign3A_657 = arith.constant 0 : i32
      %sign3A_658 = arith.cmpi slt, %jit3A_645, %sign3A_657 : i32
      %sign3A_659 = arith.extui %sign3A_658 : i1 to i32
      %sign3A_660 = arith.subi %sign3A_656, %sign3A_659 : i32
      %ne3A_661 = arith.cmpi ne, %sign3A_653, %sign3A_660 : i32
      %rem3A_662 = arith.remsi %add3A_628, %jit3A_645 : i32
      %ne3A_663 = arith.constant 0 : i32
      %ne3A_664 = arith.cmpi ne, %rem3A_662, %ne3A_663 : i32
      %and3A_665 = arith.andi %ne3A_661, %ne3A_664 : i1
      %sub3A_666 = arith.constant 1 : i32
      %sub3A_667 = arith.subi %div3A_646, %sub3A_666 : i32
      %select_n3A_668 = arith.select %and3A_665, %sub3A_667, %div3A_646 : i32
      %mul3A_669 = arith.constant 128 : i32
      %mul3A_670 = arith.muli %select_n3A_668, %mul3A_669 : i32
      %dma_start3A_671 = tpu.memref_slice %arg9[%select_n3A_644, %mul3A_670] : memref<8x2048xf32, #tpu.memory_space<vmem>> -> memref<1x128xf32, #tpu.memory_space<vmem>>
      %dma_start3A_672 = tpu.memref_squeeze %dma_start3A_671 : memref<1x128xf32, #tpu.memory_space<vmem>> -> memref<128xf32, #tpu.memory_space<vmem>>
      %dma_start3A_673 = tpu.memref_slice %arg8[%select_n3A_644, %mul3A_670] : memref<8x2048xi32, #tpu.memory_space<vmem>> -> memref<1x128xi32, #tpu.memory_space<vmem>>
      %dma_start3A_674 = tpu.memref_squeeze %dma_start3A_673 : memref<1x128xi32, #tpu.memory_space<vmem>> -> memref<128xi32, #tpu.memory_space<vmem>>
      %dma_start3A_675 = arith.constant 0 : i32
      %dma_start3A_676 = tpu.memref_slice %arg2[%dma_start3A_675] : memref<33554432xf32, #tpu.memory_space<hbm>> -> memref<33554432xf32, #tpu.memory_space<hbm>>
      tpu.enqueue_indirect_dma source(%dma_start3A_676 : memref<33554432xf32, #tpu.memory_space<hbm>>) target(%dma_start3A_672 : memref<128xf32, #tpu.memory_space<vmem>>) offsets(%dma_start3A_674 : memref<128xi32, #tpu.memory_space<vmem>>) semaphore(%arg10 : memref<!tpu.dma_semaphore, #tpu.memory_space<semaphore_mem>>)
      %add3A_677 = arith.constant 9 : i32
      %add3A_678 = arith.addi %mul3A_227, %add3A_677 : i32
      %jit3A_679 = arith.constant 8 : i32
      %eq3A_680 = arith.constant 0 : i32
      %eq3A_681 = arith.cmpi eq, %jit3A_679, %eq3A_680 : i32
      %jit3A_682 = arith.constant 1 : i32
      %select_n3A_683 = arith.select %eq3A_681, %jit3A_682, %jit3A_679 : i32
      %rem3A_684 = arith.remsi %add3A_678, %select_n3A_683 : i32
      %ne3A_685 = arith.constant 0 : i32
      %ne3A_686 = arith.cmpi ne, %rem3A_684, %ne3A_685 : i32
      %lt3A_687 = arith.constant 0 : i32
      %lt3A_688 = arith.cmpi slt, %rem3A_684, %lt3A_687 : i32
      %lt3A_689 = arith.constant 0 : i32
      %lt3A_690 = arith.cmpi slt, %select_n3A_683, %lt3A_689 : i32
      %ne3A_691 = arith.xori %lt3A_688, %lt3A_690 : i1
      %and3A_692 = arith.andi %ne3A_691, %ne3A_686 : i1
      %add3A_693 = arith.addi %rem3A_684, %select_n3A_683 : i32
      %select_n3A_694 = arith.select %and3A_692, %add3A_693, %rem3A_684 : i32
      %jit3A_695 = arith.constant 8 : i32
      %div3A_696 = arith.divsi %add3A_678, %jit3A_695 : i32
      %sign3A_697 = arith.constant 0 : i32
      %sign3A_698 = arith.cmpi sgt, %add3A_678, %sign3A_697 : i32
      %sign3A_699 = arith.extui %sign3A_698 : i1 to i32
      %sign3A_700 = arith.constant 0 : i32
      %sign3A_701 = arith.cmpi slt, %add3A_678, %sign3A_700 : i32
      %sign3A_702 = arith.extui %sign3A_701 : i1 to i32
      %sign3A_703 = arith.subi %sign3A_699, %sign3A_702 : i32
      %sign3A_704 = arith.constant 0 : i32
      %sign3A_705 = arith.cmpi sgt, %jit3A_695, %sign3A_704 : i32
      %sign3A_706 = arith.extui %sign3A_705 : i1 to i32
      %sign3A_707 = arith.constant 0 : i32
      %sign3A_708 = arith.cmpi slt, %jit3A_695, %sign3A_707 : i32
      %sign3A_709 = arith.extui %sign3A_708 : i1 to i32
      %sign3A_710 = arith.subi %sign3A_706, %sign3A_709 : i32
      %ne3A_711 = arith.cmpi ne, %sign3A_703, %sign3A_710 : i32
      %rem3A_712 = arith.remsi %add3A_678, %jit3A_695 : i32
      %ne3A_713 = arith.constant 0 : i32
      %ne3A_714 = arith.cmpi ne, %rem3A_712, %ne3A_713 : i32
      %and3A_715 = arith.andi %ne3A_711, %ne3A_714 : i1
      %sub3A_716 = arith.constant 1 : i32
      %sub3A_717 = arith.subi %div3A_696, %sub3A_716 : i32
      %select_n3A_718 = arith.select %and3A_715, %sub3A_717, %div3A_696 : i32
      %mul3A_719 = arith.constant 128 : i32
      %mul3A_720 = arith.muli %select_n3A_718, %mul3A_719 : i32
      %dma_start3A_721 = tpu.memref_slice %arg9[%select_n3A_694, %mul3A_720] : memref<8x2048xf32, #tpu.memory_space<vmem>> -> memref<1x128xf32, #tpu.memory_space<vmem>>
      %dma_start3A_722 = tpu.memref_squeeze %dma_start3A_721 : memref<1x128xf32, #tpu.memory_space<vmem>> -> memref<128xf32, #tpu.memory_space<vmem>>
      %dma_start3A_723 = tpu.memref_slice %arg8[%select_n3A_694, %mul3A_720] : memref<8x2048xi32, #tpu.memory_space<vmem>> -> memref<1x128xi32, #tpu.memory_space<vmem>>
      %dma_start3A_724 = tpu.memref_squeeze %dma_start3A_723 : memref<1x128xi32, #tpu.memory_space<vmem>> -> memref<128xi32, #tpu.memory_space<vmem>>
      %dma_start3A_725 = arith.constant 0 : i32
      %dma_start3A_726 = tpu.memref_slice %arg2[%dma_start3A_725] : memref<33554432xf32, #tpu.memory_space<hbm>> -> memref<33554432xf32, #tpu.memory_space<hbm>>
      tpu.enqueue_indirect_dma source(%dma_start3A_726 : memref<33554432xf32, #tpu.memory_space<hbm>>) target(%dma_start3A_722 : memref<128xf32, #tpu.memory_space<vmem>>) offsets(%dma_start3A_724 : memref<128xi32, #tpu.memory_space<vmem>>) semaphore(%arg10 : memref<!tpu.dma_semaphore, #tpu.memory_space<semaphore_mem>>)
      %add3A_727 = arith.constant 10 : i32
      %add3A_728 = arith.addi %mul3A_227, %add3A_727 : i32
      %jit3A_729 = arith.constant 8 : i32
      %eq3A_730 = arith.constant 0 : i32
      %eq3A_731 = arith.cmpi eq, %jit3A_729, %eq3A_730 : i32
      %jit3A_732 = arith.constant 1 : i32
      %select_n3A_733 = arith.select %eq3A_731, %jit3A_732, %jit3A_729 : i32
      %rem3A_734 = arith.remsi %add3A_728, %select_n3A_733 : i32
      %ne3A_735 = arith.constant 0 : i32
      %ne3A_736 = arith.cmpi ne, %rem3A_734, %ne3A_735 : i32
      %lt3A_737 = arith.constant 0 : i32
      %lt3A_738 = arith.cmpi slt, %rem3A_734, %lt3A_737 : i32
      %lt3A_739 = arith.constant 0 : i32
      %lt3A_740 = arith.cmpi slt, %select_n3A_733, %lt3A_739 : i32
      %ne3A_741 = arith.xori %lt3A_738, %lt3A_740 : i1
      %and3A_742 = arith.andi %ne3A_741, %ne3A_736 : i1
      %add3A_743 = arith.addi %rem3A_734, %select_n3A_733 : i32
      %select_n3A_744 = arith.select %and3A_742, %add3A_743, %rem3A_734 : i32
      %jit3A_745 = arith.constant 8 : i32
      %div3A_746 = arith.divsi %add3A_728, %jit3A_745 : i32
      %sign3A_747 = arith.constant 0 : i32
      %sign3A_748 = arith.cmpi sgt, %add3A_728, %sign3A_747 : i32
      %sign3A_749 = arith.extui %sign3A_748 : i1 to i32
      %sign3A_750 = arith.constant 0 : i32
      %sign3A_751 = arith.cmpi slt, %add3A_728, %sign3A_750 : i32
      %sign3A_752 = arith.extui %sign3A_751 : i1 to i32
      %sign3A_753 = arith.subi %sign3A_749, %sign3A_752 : i32
      %sign3A_754 = arith.constant 0 : i32
      %sign3A_755 = arith.cmpi sgt, %jit3A_745, %sign3A_754 : i32
      %sign3A_756 = arith.extui %sign3A_755 : i1 to i32
      %sign3A_757 = arith.constant 0 : i32
      %sign3A_758 = arith.cmpi slt, %jit3A_745, %sign3A_757 : i32
      %sign3A_759 = arith.extui %sign3A_758 : i1 to i32
      %sign3A_760 = arith.subi %sign3A_756, %sign3A_759 : i32
      %ne3A_761 = arith.cmpi ne, %sign3A_753, %sign3A_760 : i32
      %rem3A_762 = arith.remsi %add3A_728, %jit3A_745 : i32
      %ne3A_763 = arith.constant 0 : i32
      %ne3A_764 = arith.cmpi ne, %rem3A_762, %ne3A_763 : i32
      %and3A_765 = arith.andi %ne3A_761, %ne3A_764 : i1
      %sub3A_766 = arith.constant 1 : i32
      %sub3A_767 = arith.subi %div3A_746, %sub3A_766 : i32
      %select_n3A_768 = arith.select %and3A_765, %sub3A_767, %div3A_746 : i32
      %mul3A_769 = arith.constant 128 : i32
      %mul3A_770 = arith.muli %select_n3A_768, %mul3A_769 : i32
      %dma_start3A_771 = tpu.memref_slice %arg9[%select_n3A_744, %mul3A_770] : memref<8x2048xf32, #tpu.memory_space<vmem>> -> memref<1x128xf32, #tpu.memory_space<vmem>>
      %dma_start3A_772 = tpu.memref_squeeze %dma_start3A_771 : memref<1x128xf32, #tpu.memory_space<vmem>> -> memref<128xf32, #tpu.memory_space<vmem>>
      %dma_start3A_773 = tpu.memref_slice %arg8[%select_n3A_744, %mul3A_770] : memref<8x2048xi32, #tpu.memory_space<vmem>> -> memref<1x128xi32, #tpu.memory_space<vmem>>
      %dma_start3A_774 = tpu.memref_squeeze %dma_start3A_773 : memref<1x128xi32, #tpu.memory_space<vmem>> -> memref<128xi32, #tpu.memory_space<vmem>>
      %dma_start3A_775 = arith.constant 0 : i32
      %dma_start3A_776 = tpu.memref_slice %arg2[%dma_start3A_775] : memref<33554432xf32, #tpu.memory_space<hbm>> -> memref<33554432xf32, #tpu.memory_space<hbm>>
      tpu.enqueue_indirect_dma source(%dma_start3A_776 : memref<33554432xf32, #tpu.memory_space<hbm>>) target(%dma_start3A_772 : memref<128xf32, #tpu.memory_space<vmem>>) offsets(%dma_start3A_774 : memref<128xi32, #tpu.memory_space<vmem>>) semaphore(%arg10 : memref<!tpu.dma_semaphore, #tpu.memory_space<semaphore_mem>>)
      %add3A_777 = arith.constant 11 : i32
      %add3A_778 = arith.addi %mul3A_227, %add3A_777 : i32
      %jit3A_779 = arith.constant 8 : i32
      %eq3A_780 = arith.constant 0 : i32
      %eq3A_781 = arith.cmpi eq, %jit3A_779, %eq3A_780 : i32
      %jit3A_782 = arith.constant 1 : i32
      %select_n3A_783 = arith.select %eq3A_781, %jit3A_782, %jit3A_779 : i32
      %rem3A_784 = arith.remsi %add3A_778, %select_n3A_783 : i32
      %ne3A_785 = arith.constant 0 : i32
      %ne3A_786 = arith.cmpi ne, %rem3A_784, %ne3A_785 : i32
      %lt3A_787 = arith.constant 0 : i32
      %lt3A_788 = arith.cmpi slt, %rem3A_784, %lt3A_787 : i32
      %lt3A_789 = arith.constant 0 : i32
      %lt3A_790 = arith.cmpi slt, %select_n3A_783, %lt3A_789 : i32
      %ne3A_791 = arith.xori %lt3A_788, %lt3A_790 : i1
      %and3A_792 = arith.andi %ne3A_791, %ne3A_786 : i1
      %add3A_793 = arith.addi %rem3A_784, %select_n3A_783 : i32
      %select_n3A_794 = arith.select %and3A_792, %add3A_793, %rem3A_784 : i32
      %jit3A_795 = arith.constant 8 : i32
      %div3A_796 = arith.divsi %add3A_778, %jit3A_795 : i32
      %sign3A_797 = arith.constant 0 : i32
      %sign3A_798 = arith.cmpi sgt, %add3A_778, %sign3A_797 : i32
      %sign3A_799 = arith.extui %sign3A_798 : i1 to i32
      %sign3A_800 = arith.constant 0 : i32
      %sign3A_801 = arith.cmpi slt, %add3A_778, %sign3A_800 : i32
      %sign3A_802 = arith.extui %sign3A_801 : i1 to i32
      %sign3A_803 = arith.subi %sign3A_799, %sign3A_802 : i32
      %sign3A_804 = arith.constant 0 : i32
      %sign3A_805 = arith.cmpi sgt, %jit3A_795, %sign3A_804 : i32
      %sign3A_806 = arith.extui %sign3A_805 : i1 to i32
      %sign3A_807 = arith.constant 0 : i32
      %sign3A_808 = arith.cmpi slt, %jit3A_795, %sign3A_807 : i32
      %sign3A_809 = arith.extui %sign3A_808 : i1 to i32
      %sign3A_810 = arith.subi %sign3A_806, %sign3A_809 : i32
      %ne3A_811 = arith.cmpi ne, %sign3A_803, %sign3A_810 : i32
      %rem3A_812 = arith.remsi %add3A_778, %jit3A_795 : i32
      %ne3A_813 = arith.constant 0 : i32
      %ne3A_814 = arith.cmpi ne, %rem3A_812, %ne3A_813 : i32
      %and3A_815 = arith.andi %ne3A_811, %ne3A_814 : i1
      %sub3A_816 = arith.constant 1 : i32
      %sub3A_817 = arith.subi %div3A_796, %sub3A_816 : i32
      %select_n3A_818 = arith.select %and3A_815, %sub3A_817, %div3A_796 : i32
      %mul3A_819 = arith.constant 128 : i32
      %mul3A_820 = arith.muli %select_n3A_818, %mul3A_819 : i32
      %dma_start3A_821 = tpu.memref_slice %arg9[%select_n3A_794, %mul3A_820] : memref<8x2048xf32, #tpu.memory_space<vmem>> -> memref<1x128xf32, #tpu.memory_space<vmem>>
      %dma_start3A_822 = tpu.memref_squeeze %dma_start3A_821 : memref<1x128xf32, #tpu.memory_space<vmem>> -> memref<128xf32, #tpu.memory_space<vmem>>
      %dma_start3A_823 = tpu.memref_slice %arg8[%select_n3A_794, %mul3A_820] : memref<8x2048xi32, #tpu.memory_space<vmem>> -> memref<1x128xi32, #tpu.memory_space<vmem>>
      %dma_start3A_824 = tpu.memref_squeeze %dma_start3A_823 : memref<1x128xi32, #tpu.memory_space<vmem>> -> memref<128xi32, #tpu.memory_space<vmem>>
      %dma_start3A_825 = arith.constant 0 : i32
      %dma_start3A_826 = tpu.memref_slice %arg2[%dma_start3A_825] : memref<33554432xf32, #tpu.memory_space<hbm>> -> memref<33554432xf32, #tpu.memory_space<hbm>>
      tpu.enqueue_indirect_dma source(%dma_start3A_826 : memref<33554432xf32, #tpu.memory_space<hbm>>) target(%dma_start3A_822 : memref<128xf32, #tpu.memory_space<vmem>>) offsets(%dma_start3A_824 : memref<128xi32, #tpu.memory_space<vmem>>) semaphore(%arg10 : memref<!tpu.dma_semaphore, #tpu.memory_space<semaphore_mem>>)
      %add3A_827 = arith.constant 12 : i32
      %add3A_828 = arith.addi %mul3A_227, %add3A_827 : i32
      %jit3A_829 = arith.constant 8 : i32
      %eq3A_830 = arith.constant 0 : i32
      %eq3A_831 = arith.cmpi eq, %jit3A_829, %eq3A_830 : i32
      %jit3A_832 = arith.constant 1 : i32
      %select_n3A_833 = arith.select %eq3A_831, %jit3A_832, %jit3A_829 : i32
      %rem3A_834 = arith.remsi %add3A_828, %select_n3A_833 : i32
      %ne3A_835 = arith.constant 0 : i32
      %ne3A_836 = arith.cmpi ne, %rem3A_834, %ne3A_835 : i32
      %lt3A_837 = arith.constant 0 : i32
      %lt3A_838 = arith.cmpi slt, %rem3A_834, %lt3A_837 : i32
      %lt3A_839 = arith.constant 0 : i32
      %lt3A_840 = arith.cmpi slt, %select_n3A_833, %lt3A_839 : i32
      %ne3A_841 = arith.xori %lt3A_838, %lt3A_840 : i1
      %and3A_842 = arith.andi %ne3A_841, %ne3A_836 : i1
      %add3A_843 = arith.addi %rem3A_834, %select_n3A_833 : i32
      %select_n3A_844 = arith.select %and3A_842, %add3A_843, %rem3A_834 : i32
      %jit3A_845 = arith.constant 8 : i32
      %div3A_846 = arith.divsi %add3A_828, %jit3A_845 : i32
      %sign3A_847 = arith.constant 0 : i32
      %sign3A_848 = arith.cmpi sgt, %add3A_828, %sign3A_847 : i32
      %sign3A_849 = arith.extui %sign3A_848 : i1 to i32
      %sign3A_850 = arith.constant 0 : i32
      %sign3A_851 = arith.cmpi slt, %add3A_828, %sign3A_850 : i32
      %sign3A_852 = arith.extui %sign3A_851 : i1 to i32
      %sign3A_853 = arith.subi %sign3A_849, %sign3A_852 : i32
      %sign3A_854 = arith.constant 0 : i32
      %sign3A_855 = arith.cmpi sgt, %jit3A_845, %sign3A_854 : i32
      %sign3A_856 = arith.extui %sign3A_855 : i1 to i32
      %sign3A_857 = arith.constant 0 : i32
      %sign3A_858 = arith.cmpi slt, %jit3A_845, %sign3A_857 : i32
      %sign3A_859 = arith.extui %sign3A_858 : i1 to i32
      %sign3A_860 = arith.subi %sign3A_856, %sign3A_859 : i32
      %ne3A_861 = arith.cmpi ne, %sign3A_853, %sign3A_860 : i32
      %rem3A_862 = arith.remsi %add3A_828, %jit3A_845 : i32
      %ne3A_863 = arith.constant 0 : i32
      %ne3A_864 = arith.cmpi ne, %rem3A_862, %ne3A_863 : i32
      %and3A_865 = arith.andi %ne3A_861, %ne3A_864 : i1
      %sub3A_866 = arith.constant 1 : i32
      %sub3A_867 = arith.subi %div3A_846, %sub3A_866 : i32
      %select_n3A_868 = arith.select %and3A_865, %sub3A_867, %div3A_846 : i32
      %mul3A_869 = arith.constant 128 : i32
      %mul3A_870 = arith.muli %select_n3A_868, %mul3A_869 : i32
      %dma_start3A_871 = tpu.memref_slice %arg9[%select_n3A_844, %mul3A_870] : memref<8x2048xf32, #tpu.memory_space<vmem>> -> memref<1x128xf32, #tpu.memory_space<vmem>>
      %dma_start3A_872 = tpu.memref_squeeze %dma_start3A_871 : memref<1x128xf32, #tpu.memory_space<vmem>> -> memref<128xf32, #tpu.memory_space<vmem>>
      %dma_start3A_873 = tpu.memref_slice %arg8[%select_n3A_844, %mul3A_870] : memref<8x2048xi32, #tpu.memory_space<vmem>> -> memref<1x128xi32, #tpu.memory_space<vmem>>
      %dma_start3A_874 = tpu.memref_squeeze %dma_start3A_873 : memref<1x128xi32, #tpu.memory_space<vmem>> -> memref<128xi32, #tpu.memory_space<vmem>>
      %dma_start3A_875 = arith.constant 0 : i32
      %dma_start3A_876 = tpu.memref_slice %arg2[%dma_start3A_875] : memref<33554432xf32, #tpu.memory_space<hbm>> -> memref<33554432xf32, #tpu.memory_space<hbm>>
      tpu.enqueue_indirect_dma source(%dma_start3A_876 : memref<33554432xf32, #tpu.memory_space<hbm>>) target(%dma_start3A_872 : memref<128xf32, #tpu.memory_space<vmem>>) offsets(%dma_start3A_874 : memref<128xi32, #tpu.memory_space<vmem>>) semaphore(%arg10 : memref<!tpu.dma_semaphore, #tpu.memory_space<semaphore_mem>>)
      %add3A_877 = arith.constant 13 : i32
      %add3A_878 = arith.addi %mul3A_227, %add3A_877 : i32
      %jit3A_879 = arith.constant 8 : i32
      %eq3A_880 = arith.constant 0 : i32
      %eq3A_881 = arith.cmpi eq, %jit3A_879, %eq3A_880 : i32
      %jit3A_882 = arith.constant 1 : i32
      %select_n3A_883 = arith.select %eq3A_881, %jit3A_882, %jit3A_879 : i32
      %rem3A_884 = arith.remsi %add3A_878, %select_n3A_883 : i32
      %ne3A_885 = arith.constant 0 : i32
      %ne3A_886 = arith.cmpi ne, %rem3A_884, %ne3A_885 : i32
      %lt3A_887 = arith.constant 0 : i32
      %lt3A_888 = arith.cmpi slt, %rem3A_884, %lt3A_887 : i32
      %lt3A_889 = arith.constant 0 : i32
      %lt3A_890 = arith.cmpi slt, %select_n3A_883, %lt3A_889 : i32
      %ne3A_891 = arith.xori %lt3A_888, %lt3A_890 : i1
      %and3A_892 = arith.andi %ne3A_891, %ne3A_886 : i1
      %add3A_893 = arith.addi %rem3A_884, %select_n3A_883 : i32
      %select_n3A_894 = arith.select %and3A_892, %add3A_893, %rem3A_884 : i32
      %jit3A_895 = arith.constant 8 : i32
      %div3A_896 = arith.divsi %add3A_878, %jit3A_895 : i32
      %sign3A_897 = arith.constant 0 : i32
      %sign3A_898 = arith.cmpi sgt, %add3A_878, %sign3A_897 : i32
      %sign3A_899 = arith.extui %sign3A_898 : i1 to i32
      %sign3A_900 = arith.constant 0 : i32
      %sign3A_901 = arith.cmpi slt, %add3A_878, %sign3A_900 : i32
      %sign3A_902 = arith.extui %sign3A_901 : i1 to i32
      %sign3A_903 = arith.subi %sign3A_899, %sign3A_902 : i32
      %sign3A_904 = arith.constant 0 : i32
      %sign3A_905 = arith.cmpi sgt, %jit3A_895, %sign3A_904 : i32
      %sign3A_906 = arith.extui %sign3A_905 : i1 to i32
      %sign3A_907 = arith.constant 0 : i32
      %sign3A_908 = arith.cmpi slt, %jit3A_895, %sign3A_907 : i32
      %sign3A_909 = arith.extui %sign3A_908 : i1 to i32
      %sign3A_910 = arith.subi %sign3A_906, %sign3A_909 : i32
      %ne3A_911 = arith.cmpi ne, %sign3A_903, %sign3A_910 : i32
      %rem3A_912 = arith.remsi %add3A_878, %jit3A_895 : i32
      %ne3A_913 = arith.constant 0 : i32
      %ne3A_914 = arith.cmpi ne, %rem3A_912, %ne3A_913 : i32
      %and3A_915 = arith.andi %ne3A_911, %ne3A_914 : i1
      %sub3A_916 = arith.constant 1 : i32
      %sub3A_917 = arith.subi %div3A_896, %sub3A_916 : i32
      %select_n3A_918 = arith.select %and3A_915, %sub3A_917, %div3A_896 : i32
      %mul3A_919 = arith.constant 128 : i32
      %mul3A_920 = arith.muli %select_n3A_918, %mul3A_919 : i32
      %dma_start3A_921 = tpu.memref_slice %arg9[%select_n3A_894, %mul3A_920] : memref<8x2048xf32, #tpu.memory_space<vmem>> -> memref<1x128xf32, #tpu.memory_space<vmem>>
      %dma_start3A_922 = tpu.memref_squeeze %dma_start3A_921 : memref<1x128xf32, #tpu.memory_space<vmem>> -> memref<128xf32, #tpu.memory_space<vmem>>
      %dma_start3A_923 = tpu.memref_slice %arg8[%select_n3A_894, %mul3A_920] : memref<8x2048xi32, #tpu.memory_space<vmem>> -> memref<1x128xi32, #tpu.memory_space<vmem>>
      %dma_start3A_924 = tpu.memref_squeeze %dma_start3A_923 : memref<1x128xi32, #tpu.memory_space<vmem>> -> memref<128xi32, #tpu.memory_space<vmem>>
      %dma_start3A_925 = arith.constant 0 : i32
      %dma_start3A_926 = tpu.memref_slice %arg2[%dma_start3A_925] : memref<33554432xf32, #tpu.memory_space<hbm>> -> memref<33554432xf32, #tpu.memory_space<hbm>>
      tpu.enqueue_indirect_dma source(%dma_start3A_926 : memref<33554432xf32, #tpu.memory_space<hbm>>) target(%dma_start3A_922 : memref<128xf32, #tpu.memory_space<vmem>>) offsets(%dma_start3A_924 : memref<128xi32, #tpu.memory_space<vmem>>) semaphore(%arg10 : memref<!tpu.dma_semaphore, #tpu.memory_space<semaphore_mem>>)
      %add3A_927 = arith.constant 14 : i32
      %add3A_928 = arith.addi %mul3A_227, %add3A_927 : i32
      %jit3A_929 = arith.constant 8 : i32
      %eq3A_930 = arith.constant 0 : i32
      %eq3A_931 = arith.cmpi eq, %jit3A_929, %eq3A_930 : i32
      %jit3A_932 = arith.constant 1 : i32
      %select_n3A_933 = arith.select %eq3A_931, %jit3A_932, %jit3A_929 : i32
      %rem3A_934 = arith.remsi %add3A_928, %select_n3A_933 : i32
      %ne3A_935 = arith.constant 0 : i32
      %ne3A_936 = arith.cmpi ne, %rem3A_934, %ne3A_935 : i32
      %lt3A_937 = arith.constant 0 : i32
      %lt3A_938 = arith.cmpi slt, %rem3A_934, %lt3A_937 : i32
      %lt3A_939 = arith.constant 0 : i32
      %lt3A_940 = arith.cmpi slt, %select_n3A_933, %lt3A_939 : i32
      %ne3A_941 = arith.xori %lt3A_938, %lt3A_940 : i1
      %and3A_942 = arith.andi %ne3A_941, %ne3A_936 : i1
      %add3A_943 = arith.addi %rem3A_934, %select_n3A_933 : i32
      %select_n3A_944 = arith.select %and3A_942, %add3A_943, %rem3A_934 : i32
      %jit3A_945 = arith.constant 8 : i32
      %div3A_946 = arith.divsi %add3A_928, %jit3A_945 : i32
      %sign3A_947 = arith.constant 0 : i32
      %sign3A_948 = arith.cmpi sgt, %add3A_928, %sign3A_947 : i32
      %sign3A_949 = arith.extui %sign3A_948 : i1 to i32
      %sign3A_950 = arith.constant 0 : i32
      %sign3A_951 = arith.cmpi slt, %add3A_928, %sign3A_950 : i32
      %sign3A_952 = arith.extui %sign3A_951 : i1 to i32
      %sign3A_953 = arith.subi %sign3A_949, %sign3A_952 : i32
      %sign3A_954 = arith.constant 0 : i32
      %sign3A_955 = arith.cmpi sgt, %jit3A_945, %sign3A_954 : i32
      %sign3A_956 = arith.extui %sign3A_955 : i1 to i32
      %sign3A_957 = arith.constant 0 : i32
      %sign3A_958 = arith.cmpi slt, %jit3A_945, %sign3A_957 : i32
      %sign3A_959 = arith.extui %sign3A_958 : i1 to i32
      %sign3A_960 = arith.subi %sign3A_956, %sign3A_959 : i32
      %ne3A_961 = arith.cmpi ne, %sign3A_953, %sign3A_960 : i32
      %rem3A_962 = arith.remsi %add3A_928, %jit3A_945 : i32
      %ne3A_963 = arith.constant 0 : i32
      %ne3A_964 = arith.cmpi ne, %rem3A_962, %ne3A_963 : i32
      %and3A_965 = arith.andi %ne3A_961, %ne3A_964 : i1
      %sub3A_966 = arith.constant 1 : i32
      %sub3A_967 = arith.subi %div3A_946, %sub3A_966 : i32
      %select_n3A_968 = arith.select %and3A_965, %sub3A_967, %div3A_946 : i32
      %mul3A_969 = arith.constant 128 : i32
      %mul3A_970 = arith.muli %select_n3A_968, %mul3A_969 : i32
      %dma_start3A_971 = tpu.memref_slice %arg9[%select_n3A_944, %mul3A_970] : memref<8x2048xf32, #tpu.memory_space<vmem>> -> memref<1x128xf32, #tpu.memory_space<vmem>>
      %dma_start3A_972 = tpu.memref_squeeze %dma_start3A_971 : memref<1x128xf32, #tpu.memory_space<vmem>> -> memref<128xf32, #tpu.memory_space<vmem>>
      %dma_start3A_973 = tpu.memref_slice %arg8[%select_n3A_944, %mul3A_970] : memref<8x2048xi32, #tpu.memory_space<vmem>> -> memref<1x128xi32, #tpu.memory_space<vmem>>
      %dma_start3A_974 = tpu.memref_squeeze %dma_start3A_973 : memref<1x128xi32, #tpu.memory_space<vmem>> -> memref<128xi32, #tpu.memory_space<vmem>>
      %dma_start3A_975 = arith.constant 0 : i32
      %dma_start3A_976 = tpu.memref_slice %arg2[%dma_start3A_975] : memref<33554432xf32, #tpu.memory_space<hbm>> -> memref<33554432xf32, #tpu.memory_space<hbm>>
      tpu.enqueue_indirect_dma source(%dma_start3A_976 : memref<33554432xf32, #tpu.memory_space<hbm>>) target(%dma_start3A_972 : memref<128xf32, #tpu.memory_space<vmem>>) offsets(%dma_start3A_974 : memref<128xi32, #tpu.memory_space<vmem>>) semaphore(%arg10 : memref<!tpu.dma_semaphore, #tpu.memory_space<semaphore_mem>>)
      %add3A_977 = arith.constant 15 : i32
      %add3A_978 = arith.addi %mul3A_227, %add3A_977 : i32
      %jit3A_979 = arith.constant 8 : i32
      %eq3A_980 = arith.constant 0 : i32
      %eq3A_981 = arith.cmpi eq, %jit3A_979, %eq3A_980 : i32
      %jit3A_982 = arith.constant 1 : i32
      %select_n3A_983 = arith.select %eq3A_981, %jit3A_982, %jit3A_979 : i32
      %rem3A_984 = arith.remsi %add3A_978, %select_n3A_983 : i32
      %ne3A_985 = arith.constant 0 : i32
      %ne3A_986 = arith.cmpi ne, %rem3A_984, %ne3A_985 : i32
      %lt3A_987 = arith.constant 0 : i32
      %lt3A_988 = arith.cmpi slt, %rem3A_984, %lt3A_987 : i32
      %lt3A_989 = arith.constant 0 : i32
      %lt3A_990 = arith.cmpi slt, %select_n3A_983, %lt3A_989 : i32
      %ne3A_991 = arith.xori %lt3A_988, %lt3A_990 : i1
      %and3A_992 = arith.andi %ne3A_991, %ne3A_986 : i1
      %add3A_993 = arith.addi %rem3A_984, %select_n3A_983 : i32
      %select_n3A_994 = arith.select %and3A_992, %add3A_993, %rem3A_984 : i32
      %jit3A_995 = arith.constant 8 : i32
      %div3A_996 = arith.divsi %add3A_978, %jit3A_995 : i32
      %sign3A_997 = arith.constant 0 : i32
      %sign3A_998 = arith.cmpi sgt, %add3A_978, %sign3A_997 : i32
      %sign3A_999 = arith.extui %sign3A_998 : i1 to i32
      %sign3A_1000 = arith.constant 0 : i32
      %sign3A_1001 = arith.cmpi slt, %add3A_978, %sign3A_1000 : i32
      %sign3A_1002 = arith.extui %sign3A_1001 : i1 to i32
      %sign3A_1003 = arith.subi %sign3A_999, %sign3A_1002 : i32
      %sign3A_1004 = arith.constant 0 : i32
      %sign3A_1005 = arith.cmpi sgt, %jit3A_995, %sign3A_1004 : i32
      %sign3A_1006 = arith.extui %sign3A_1005 : i1 to i32
      %sign3A_1007 = arith.constant 0 : i32
      %sign3A_1008 = arith.cmpi slt, %jit3A_995, %sign3A_1007 : i32
      %sign3A_1009 = arith.extui %sign3A_1008 : i1 to i32
      %sign3A_1010 = arith.subi %sign3A_1006, %sign3A_1009 : i32
      %ne3A_1011 = arith.cmpi ne, %sign3A_1003, %sign3A_1010 : i32
      %rem3A_1012 = arith.remsi %add3A_978, %jit3A_995 : i32
      %ne3A_1013 = arith.constant 0 : i32
      %ne3A_1014 = arith.cmpi ne, %rem3A_1012, %ne3A_1013 : i32
      %and3A_1015 = arith.andi %ne3A_1011, %ne3A_1014 : i1
      %sub3A_1016 = arith.constant 1 : i32
      %sub3A_1017 = arith.subi %div3A_996, %sub3A_1016 : i32
      %select_n3A_1018 = arith.select %and3A_1015, %sub3A_1017, %div3A_996 : i32
      %mul3A_1019 = arith.constant 128 : i32
      %mul3A_1020 = arith.muli %select_n3A_1018, %mul3A_1019 : i32
      %dma_start3A_1021 = tpu.memref_slice %arg9[%select_n3A_994, %mul3A_1020] : memref<8x2048xf32, #tpu.memory_space<vmem>> -> memref<1x128xf32, #tpu.memory_space<vmem>>
      %dma_start3A_1022 = tpu.memref_squeeze %dma_start3A_1021 : memref<1x128xf32, #tpu.memory_space<vmem>> -> memref<128xf32, #tpu.memory_space<vmem>>
      %dma_start3A_1023 = tpu.memref_slice %arg8[%select_n3A_994, %mul3A_1020] : memref<8x2048xi32, #tpu.memory_space<vmem>> -> memref<1x128xi32, #tpu.memory_space<vmem>>
      %dma_start3A_1024 = tpu.memref_squeeze %dma_start3A_1023 : memref<1x128xi32, #tpu.memory_space<vmem>> -> memref<128xi32, #tpu.memory_space<vmem>>
      %dma_start3A_1025 = arith.constant 0 : i32
      %dma_start3A_1026 = tpu.memref_slice %arg2[%dma_start3A_1025] : memref<33554432xf32, #tpu.memory_space<hbm>> -> memref<33554432xf32, #tpu.memory_space<hbm>>
      tpu.enqueue_indirect_dma source(%dma_start3A_1026 : memref<33554432xf32, #tpu.memory_space<hbm>>) target(%dma_start3A_1022 : memref<128xf32, #tpu.memory_space<vmem>>) offsets(%dma_start3A_1024 : memref<128xi32, #tpu.memory_space<vmem>>) semaphore(%arg10 : memref<!tpu.dma_semaphore, #tpu.memory_space<semaphore_mem>>)
      %gt3A = arith.constant 0 : i32
      %gt3A_1027 = arith.cmpi sgt, %scan3A_225, %gt3A : i32
      %convert_element_type3A = arith.extui %gt3A_1027 : i1 to i32
      %cond3A = arith.constant 0 : i32
      %cond3A_1028 = arith.cmpi ne, %convert_element_type3A, %cond3A : i32
      scf.if %cond3A_1028 {
        %sub3A_1029 = arith.constant 16 : i32
        %sub3A_1030 = arith.subi %mul3A_227, %sub3A_1029 : i32
        %add3A_1031 = arith.constant 0 : i32
        %add3A_1032 = arith.addi %sub3A_1030, %add3A_1031 : i32
        %jit3A_1033 = arith.constant 8 : i32
        %eq3A_1034 = arith.constant 0 : i32
        %eq3A_1035 = arith.cmpi eq, %jit3A_1033, %eq3A_1034 : i32
        %jit3A_1036 = arith.constant 1 : i32
        %select_n3A_1037 = arith.select %eq3A_1035, %jit3A_1036, %jit3A_1033 : i32
        %rem3A_1038 = arith.remsi %add3A_1032, %select_n3A_1037 : i32
        %ne3A_1039 = arith.constant 0 : i32
        %ne3A_1040 = arith.cmpi ne, %rem3A_1038, %ne3A_1039 : i32
        %lt3A_1041 = arith.constant 0 : i32
        %lt3A_1042 = arith.cmpi slt, %rem3A_1038, %lt3A_1041 : i32
        %lt3A_1043 = arith.constant 0 : i32
        %lt3A_1044 = arith.cmpi slt, %select_n3A_1037, %lt3A_1043 : i32
        %ne3A_1045 = arith.xori %lt3A_1042, %lt3A_1044 : i1
        %and3A_1046 = arith.andi %ne3A_1045, %ne3A_1040 : i1
        %add3A_1047 = arith.addi %rem3A_1038, %select_n3A_1037 : i32
        %select_n3A_1048 = arith.select %and3A_1046, %add3A_1047, %rem3A_1038 : i32
        %jit3A_1049 = arith.constant 8 : i32
        %div3A_1050 = arith.divsi %add3A_1032, %jit3A_1049 : i32
        %sign3A_1051 = arith.constant 0 : i32
        %sign3A_1052 = arith.cmpi sgt, %add3A_1032, %sign3A_1051 : i32
        %sign3A_1053 = arith.extui %sign3A_1052 : i1 to i32
        %sign3A_1054 = arith.constant 0 : i32
        %sign3A_1055 = arith.cmpi slt, %add3A_1032, %sign3A_1054 : i32
        %sign3A_1056 = arith.extui %sign3A_1055 : i1 to i32
        %sign3A_1057 = arith.subi %sign3A_1053, %sign3A_1056 : i32
        %sign3A_1058 = arith.constant 0 : i32
        %sign3A_1059 = arith.cmpi sgt, %jit3A_1049, %sign3A_1058 : i32
        %sign3A_1060 = arith.extui %sign3A_1059 : i1 to i32
        %sign3A_1061 = arith.constant 0 : i32
        %sign3A_1062 = arith.cmpi slt, %jit3A_1049, %sign3A_1061 : i32
        %sign3A_1063 = arith.extui %sign3A_1062 : i1 to i32
        %sign3A_1064 = arith.subi %sign3A_1060, %sign3A_1063 : i32
        %ne3A_1065 = arith.cmpi ne, %sign3A_1057, %sign3A_1064 : i32
        %rem3A_1066 = arith.remsi %add3A_1032, %jit3A_1049 : i32
        %ne3A_1067 = arith.constant 0 : i32
        %ne3A_1068 = arith.cmpi ne, %rem3A_1066, %ne3A_1067 : i32
        %and3A_1069 = arith.andi %ne3A_1065, %ne3A_1068 : i1
        %sub3A_1070 = arith.constant 1 : i32
        %sub3A_1071 = arith.subi %div3A_1050, %sub3A_1070 : i32
        %select_n3A_1072 = arith.select %and3A_1069, %sub3A_1071, %div3A_1050 : i32
        %mul3A_1073 = arith.constant 128 : i32
        %mul3A_1074 = arith.muli %select_n3A_1072, %mul3A_1073 : i32
        %dma_wait3A_1075 = tpu.memref_slice %arg9[%select_n3A_1048, %mul3A_1074] : memref<8x2048xf32, #tpu.memory_space<vmem>> -> memref<1x128xf32, #tpu.memory_space<vmem>>
        %dma_wait3A_1076 = tpu.memref_squeeze %dma_wait3A_1075 : memref<1x128xf32, #tpu.memory_space<vmem>> -> memref<128xf32, #tpu.memory_space<vmem>>
        %dma_wait3A_1077 = arith.constant 0 : i32
        %dma_wait3A_1078 = tpu.memref_slice %arg2[%dma_wait3A_1077] : memref<33554432xf32, #tpu.memory_space<hbm>> -> memref<128xf32, #tpu.memory_space<hbm>>
        %dma_wait3A_1079 = tpu.memref_slice %arg9[%select_n3A_1048, %mul3A_1074] : memref<8x2048xf32, #tpu.memory_space<vmem>> -> memref<1x128xf32, #tpu.memory_space<vmem>>
        %dma_wait3A_1080 = tpu.memref_squeeze %dma_wait3A_1079 : memref<1x128xf32, #tpu.memory_space<vmem>> -> memref<128xf32, #tpu.memory_space<vmem>>
        %dma_wait3A_1081 = arith.constant 0 : i32
        %dma_wait3A_1082 = tpu.memref_slice %arg2[%dma_wait3A_1081] : memref<33554432xf32, #tpu.memory_space<hbm>> -> memref<128xf32, #tpu.memory_space<hbm>>
        tpu.wait_dma2 semaphore(%arg10 : memref<!tpu.dma_semaphore, #tpu.memory_space<semaphore_mem>>) src(%dma_wait3A_1082 : memref<128xf32, #tpu.memory_space<hbm>>) dst(%dma_wait3A_1080 : memref<128xf32, #tpu.memory_space<vmem>>)
        %sub3A_1083 = arith.constant 16 : i32
        %sub3A_1084 = arith.subi %mul3A_227, %sub3A_1083 : i32
        %add3A_1085 = arith.constant 1 : i32
        %add3A_1086 = arith.addi %sub3A_1084, %add3A_1085 : i32
        %jit3A_1087 = arith.constant 8 : i32
        %eq3A_1088 = arith.constant 0 : i32
        %eq3A_1089 = arith.cmpi eq, %jit3A_1087, %eq3A_1088 : i32
        %jit3A_1090 = arith.constant 1 : i32
        %select_n3A_1091 = arith.select %eq3A_1089, %jit3A_1090, %jit3A_1087 : i32
        %rem3A_1092 = arith.remsi %add3A_1086, %select_n3A_1091 : i32
        %ne3A_1093 = arith.constant 0 : i32
        %ne3A_1094 = arith.cmpi ne, %rem3A_1092, %ne3A_1093 : i32
        %lt3A_1095 = arith.constant 0 : i32
        %lt3A_1096 = arith.cmpi slt, %rem3A_1092, %lt3A_1095 : i32
        %lt3A_1097 = arith.constant 0 : i32
        %lt3A_1098 = arith.cmpi slt, %select_n3A_1091, %lt3A_1097 : i32
        %ne3A_1099 = arith.xori %lt3A_1096, %lt3A_1098 : i1
        %and3A_1100 = arith.andi %ne3A_1099, %ne3A_1094 : i1
        %add3A_1101 = arith.addi %rem3A_1092, %select_n3A_1091 : i32
        %select_n3A_1102 = arith.select %and3A_1100, %add3A_1101, %rem3A_1092 : i32
        %jit3A_1103 = arith.constant 8 : i32
        %div3A_1104 = arith.divsi %add3A_1086, %jit3A_1103 : i32
        %sign3A_1105 = arith.constant 0 : i32
        %sign3A_1106 = arith.cmpi sgt, %add3A_1086, %sign3A_1105 : i32
        %sign3A_1107 = arith.extui %sign3A_1106 : i1 to i32
        %sign3A_1108 = arith.constant 0 : i32
        %sign3A_1109 = arith.cmpi slt, %add3A_1086, %sign3A_1108 : i32
        %sign3A_1110 = arith.extui %sign3A_1109 : i1 to i32
        %sign3A_1111 = arith.subi %sign3A_1107, %sign3A_1110 : i32
        %sign3A_1112 = arith.constant 0 : i32
        %sign3A_1113 = arith.cmpi sgt, %jit3A_1103, %sign3A_1112 : i32
        %sign3A_1114 = arith.extui %sign3A_1113 : i1 to i32
        %sign3A_1115 = arith.constant 0 : i32
        %sign3A_1116 = arith.cmpi slt, %jit3A_1103, %sign3A_1115 : i32
        %sign3A_1117 = arith.extui %sign3A_1116 : i1 to i32
        %sign3A_1118 = arith.subi %sign3A_1114, %sign3A_1117 : i32
        %ne3A_1119 = arith.cmpi ne, %sign3A_1111, %sign3A_1118 : i32
        %rem3A_1120 = arith.remsi %add3A_1086, %jit3A_1103 : i32
        %ne3A_1121 = arith.constant 0 : i32
        %ne3A_1122 = arith.cmpi ne, %rem3A_1120, %ne3A_1121 : i32
        %and3A_1123 = arith.andi %ne3A_1119, %ne3A_1122 : i1
        %sub3A_1124 = arith.constant 1 : i32
        %sub3A_1125 = arith.subi %div3A_1104, %sub3A_1124 : i32
        %select_n3A_1126 = arith.select %and3A_1123, %sub3A_1125, %div3A_1104 : i32
        %mul3A_1127 = arith.constant 128 : i32
        %mul3A_1128 = arith.muli %select_n3A_1126, %mul3A_1127 : i32
        %dma_wait3A_1129 = tpu.memref_slice %arg9[%select_n3A_1102, %mul3A_1128] : memref<8x2048xf32, #tpu.memory_space<vmem>> -> memref<1x128xf32, #tpu.memory_space<vmem>>
        %dma_wait3A_1130 = tpu.memref_squeeze %dma_wait3A_1129 : memref<1x128xf32, #tpu.memory_space<vmem>> -> memref<128xf32, #tpu.memory_space<vmem>>
        %dma_wait3A_1131 = arith.constant 0 : i32
        %dma_wait3A_1132 = tpu.memref_slice %arg2[%dma_wait3A_1131] : memref<33554432xf32, #tpu.memory_space<hbm>> -> memref<128xf32, #tpu.memory_space<hbm>>
        %dma_wait3A_1133 = tpu.memref_slice %arg9[%select_n3A_1102, %mul3A_1128] : memref<8x2048xf32, #tpu.memory_space<vmem>> -> memref<1x128xf32, #tpu.memory_space<vmem>>
        %dma_wait3A_1134 = tpu.memref_squeeze %dma_wait3A_1133 : memref<1x128xf32, #tpu.memory_space<vmem>> -> memref<128xf32, #tpu.memory_space<vmem>>
        %dma_wait3A_1135 = arith.constant 0 : i32
        %dma_wait3A_1136 = tpu.memref_slice %arg2[%dma_wait3A_1135] : memref<33554432xf32, #tpu.memory_space<hbm>> -> memref<128xf32, #tpu.memory_space<hbm>>
        tpu.wait_dma2 semaphore(%arg10 : memref<!tpu.dma_semaphore, #tpu.memory_space<semaphore_mem>>) src(%dma_wait3A_1136 : memref<128xf32, #tpu.memory_space<hbm>>) dst(%dma_wait3A_1134 : memref<128xf32, #tpu.memory_space<vmem>>)
        %sub3A_1137 = arith.constant 16 : i32
        %sub3A_1138 = arith.subi %mul3A_227, %sub3A_1137 : i32
        %add3A_1139 = arith.constant 2 : i32
        %add3A_1140 = arith.addi %sub3A_1138, %add3A_1139 : i32
        %jit3A_1141 = arith.constant 8 : i32
        %eq3A_1142 = arith.constant 0 : i32
        %eq3A_1143 = arith.cmpi eq, %jit3A_1141, %eq3A_1142 : i32
        %jit3A_1144 = arith.constant 1 : i32
        %select_n3A_1145 = arith.select %eq3A_1143, %jit3A_1144, %jit3A_1141 : i32
        %rem3A_1146 = arith.remsi %add3A_1140, %select_n3A_1145 : i32
        %ne3A_1147 = arith.constant 0 : i32
        %ne3A_1148 = arith.cmpi ne, %rem3A_1146, %ne3A_1147 : i32
        %lt3A_1149 = arith.constant 0 : i32
        %lt3A_1150 = arith.cmpi slt, %rem3A_1146, %lt3A_1149 : i32
        %lt3A_1151 = arith.constant 0 : i32
        %lt3A_1152 = arith.cmpi slt, %select_n3A_1145, %lt3A_1151 : i32
        %ne3A_1153 = arith.xori %lt3A_1150, %lt3A_1152 : i1
        %and3A_1154 = arith.andi %ne3A_1153, %ne3A_1148 : i1
        %add3A_1155 = arith.addi %rem3A_1146, %select_n3A_1145 : i32
        %select_n3A_1156 = arith.select %and3A_1154, %add3A_1155, %rem3A_1146 : i32
        %jit3A_1157 = arith.constant 8 : i32
        %div3A_1158 = arith.divsi %add3A_1140, %jit3A_1157 : i32
        %sign3A_1159 = arith.constant 0 : i32
        %sign3A_1160 = arith.cmpi sgt, %add3A_1140, %sign3A_1159 : i32
        %sign3A_1161 = arith.extui %sign3A_1160 : i1 to i32
        %sign3A_1162 = arith.constant 0 : i32
        %sign3A_1163 = arith.cmpi slt, %add3A_1140, %sign3A_1162 : i32
        %sign3A_1164 = arith.extui %sign3A_1163 : i1 to i32
        %sign3A_1165 = arith.subi %sign3A_1161, %sign3A_1164 : i32
        %sign3A_1166 = arith.constant 0 : i32
        %sign3A_1167 = arith.cmpi sgt, %jit3A_1157, %sign3A_1166 : i32
        %sign3A_1168 = arith.extui %sign3A_1167 : i1 to i32
        %sign3A_1169 = arith.constant 0 : i32
        %sign3A_1170 = arith.cmpi slt, %jit3A_1157, %sign3A_1169 : i32
        %sign3A_1171 = arith.extui %sign3A_1170 : i1 to i32
        %sign3A_1172 = arith.subi %sign3A_1168, %sign3A_1171 : i32
        %ne3A_1173 = arith.cmpi ne, %sign3A_1165, %sign3A_1172 : i32
        %rem3A_1174 = arith.remsi %add3A_1140, %jit3A_1157 : i32
        %ne3A_1175 = arith.constant 0 : i32
        %ne3A_1176 = arith.cmpi ne, %rem3A_1174, %ne3A_1175 : i32
        %and3A_1177 = arith.andi %ne3A_1173, %ne3A_1176 : i1
        %sub3A_1178 = arith.constant 1 : i32
        %sub3A_1179 = arith.subi %div3A_1158, %sub3A_1178 : i32
        %select_n3A_1180 = arith.select %and3A_1177, %sub3A_1179, %div3A_1158 : i32
        %mul3A_1181 = arith.constant 128 : i32
        %mul3A_1182 = arith.muli %select_n3A_1180, %mul3A_1181 : i32
        %dma_wait3A_1183 = tpu.memref_slice %arg9[%select_n3A_1156, %mul3A_1182] : memref<8x2048xf32, #tpu.memory_space<vmem>> -> memref<1x128xf32, #tpu.memory_space<vmem>>
        %dma_wait3A_1184 = tpu.memref_squeeze %dma_wait3A_1183 : memref<1x128xf32, #tpu.memory_space<vmem>> -> memref<128xf32, #tpu.memory_space<vmem>>
        %dma_wait3A_1185 = arith.constant 0 : i32
        %dma_wait3A_1186 = tpu.memref_slice %arg2[%dma_wait3A_1185] : memref<33554432xf32, #tpu.memory_space<hbm>> -> memref<128xf32, #tpu.memory_space<hbm>>
        %dma_wait3A_1187 = tpu.memref_slice %arg9[%select_n3A_1156, %mul3A_1182] : memref<8x2048xf32, #tpu.memory_space<vmem>> -> memref<1x128xf32, #tpu.memory_space<vmem>>
        %dma_wait3A_1188 = tpu.memref_squeeze %dma_wait3A_1187 : memref<1x128xf32, #tpu.memory_space<vmem>> -> memref<128xf32, #tpu.memory_space<vmem>>
        %dma_wait3A_1189 = arith.constant 0 : i32
        %dma_wait3A_1190 = tpu.memref_slice %arg2[%dma_wait3A_1189] : memref<33554432xf32, #tpu.memory_space<hbm>> -> memref<128xf32, #tpu.memory_space<hbm>>
        tpu.wait_dma2 semaphore(%arg10 : memref<!tpu.dma_semaphore, #tpu.memory_space<semaphore_mem>>) src(%dma_wait3A_1190 : memref<128xf32, #tpu.memory_space<hbm>>) dst(%dma_wait3A_1188 : memref<128xf32, #tpu.memory_space<vmem>>)
        %sub3A_1191 = arith.constant 16 : i32
        %sub3A_1192 = arith.subi %mul3A_227, %sub3A_1191 : i32
        %add3A_1193 = arith.constant 3 : i32
        %add3A_1194 = arith.addi %sub3A_1192, %add3A_1193 : i32
        %jit3A_1195 = arith.constant 8 : i32
        %eq3A_1196 = arith.constant 0 : i32
        %eq3A_1197 = arith.cmpi eq, %jit3A_1195, %eq3A_1196 : i32
        %jit3A_1198 = arith.constant 1 : i32
        %select_n3A_1199 = arith.select %eq3A_1197, %jit3A_1198, %jit3A_1195 : i32
        %rem3A_1200 = arith.remsi %add3A_1194, %select_n3A_1199 : i32
        %ne3A_1201 = arith.constant 0 : i32
        %ne3A_1202 = arith.cmpi ne, %rem3A_1200, %ne3A_1201 : i32
        %lt3A_1203 = arith.constant 0 : i32
        %lt3A_1204 = arith.cmpi slt, %rem3A_1200, %lt3A_1203 : i32
        %lt3A_1205 = arith.constant 0 : i32
        %lt3A_1206 = arith.cmpi slt, %select_n3A_1199, %lt3A_1205 : i32
        %ne3A_1207 = arith.xori %lt3A_1204, %lt3A_1206 : i1
        %and3A_1208 = arith.andi %ne3A_1207, %ne3A_1202 : i1
        %add3A_1209 = arith.addi %rem3A_1200, %select_n3A_1199 : i32
        %select_n3A_1210 = arith.select %and3A_1208, %add3A_1209, %rem3A_1200 : i32
        %jit3A_1211 = arith.constant 8 : i32
        %div3A_1212 = arith.divsi %add3A_1194, %jit3A_1211 : i32
        %sign3A_1213 = arith.constant 0 : i32
        %sign3A_1214 = arith.cmpi sgt, %add3A_1194, %sign3A_1213 : i32
        %sign3A_1215 = arith.extui %sign3A_1214 : i1 to i32
        %sign3A_1216 = arith.constant 0 : i32
        %sign3A_1217 = arith.cmpi slt, %add3A_1194, %sign3A_1216 : i32
        %sign3A_1218 = arith.extui %sign3A_1217 : i1 to i32
        %sign3A_1219 = arith.subi %sign3A_1215, %sign3A_1218 : i32
        %sign3A_1220 = arith.constant 0 : i32
        %sign3A_1221 = arith.cmpi sgt, %jit3A_1211, %sign3A_1220 : i32
        %sign3A_1222 = arith.extui %sign3A_1221 : i1 to i32
        %sign3A_1223 = arith.constant 0 : i32
        %sign3A_1224 = arith.cmpi slt, %jit3A_1211, %sign3A_1223 : i32
        %sign3A_1225 = arith.extui %sign3A_1224 : i1 to i32
        %sign3A_1226 = arith.subi %sign3A_1222, %sign3A_1225 : i32
        %ne3A_1227 = arith.cmpi ne, %sign3A_1219, %sign3A_1226 : i32
        %rem3A_1228 = arith.remsi %add3A_1194, %jit3A_1211 : i32
        %ne3A_1229 = arith.constant 0 : i32
        %ne3A_1230 = arith.cmpi ne, %rem3A_1228, %ne3A_1229 : i32
        %and3A_1231 = arith.andi %ne3A_1227, %ne3A_1230 : i1
        %sub3A_1232 = arith.constant 1 : i32
        %sub3A_1233 = arith.subi %div3A_1212, %sub3A_1232 : i32
        %select_n3A_1234 = arith.select %and3A_1231, %sub3A_1233, %div3A_1212 : i32
        %mul3A_1235 = arith.constant 128 : i32
        %mul3A_1236 = arith.muli %select_n3A_1234, %mul3A_1235 : i32
        %dma_wait3A_1237 = tpu.memref_slice %arg9[%select_n3A_1210, %mul3A_1236] : memref<8x2048xf32, #tpu.memory_space<vmem>> -> memref<1x128xf32, #tpu.memory_space<vmem>>
        %dma_wait3A_1238 = tpu.memref_squeeze %dma_wait3A_1237 : memref<1x128xf32, #tpu.memory_space<vmem>> -> memref<128xf32, #tpu.memory_space<vmem>>
        %dma_wait3A_1239 = arith.constant 0 : i32
        %dma_wait3A_1240 = tpu.memref_slice %arg2[%dma_wait3A_1239] : memref<33554432xf32, #tpu.memory_space<hbm>> -> memref<128xf32, #tpu.memory_space<hbm>>
        %dma_wait3A_1241 = tpu.memref_slice %arg9[%select_n3A_1210, %mul3A_1236] : memref<8x2048xf32, #tpu.memory_space<vmem>> -> memref<1x128xf32, #tpu.memory_space<vmem>>
        %dma_wait3A_1242 = tpu.memref_squeeze %dma_wait3A_1241 : memref<1x128xf32, #tpu.memory_space<vmem>> -> memref<128xf32, #tpu.memory_space<vmem>>
        %dma_wait3A_1243 = arith.constant 0 : i32
        %dma_wait3A_1244 = tpu.memref_slice %arg2[%dma_wait3A_1243] : memref<33554432xf32, #tpu.memory_space<hbm>> -> memref<128xf32, #tpu.memory_space<hbm>>
        tpu.wait_dma2 semaphore(%arg10 : memref<!tpu.dma_semaphore, #tpu.memory_space<semaphore_mem>>) src(%dma_wait3A_1244 : memref<128xf32, #tpu.memory_space<hbm>>) dst(%dma_wait3A_1242 : memref<128xf32, #tpu.memory_space<vmem>>)
        %sub3A_1245 = arith.constant 16 : i32
        %sub3A_1246 = arith.subi %mul3A_227, %sub3A_1245 : i32
        %add3A_1247 = arith.constant 4 : i32
        %add3A_1248 = arith.addi %sub3A_1246, %add3A_1247 : i32
        %jit3A_1249 = arith.constant 8 : i32
        %eq3A_1250 = arith.constant 0 : i32
        %eq3A_1251 = arith.cmpi eq, %jit3A_1249, %eq3A_1250 : i32
        %jit3A_1252 = arith.constant 1 : i32
        %select_n3A_1253 = arith.select %eq3A_1251, %jit3A_1252, %jit3A_1249 : i32
        %rem3A_1254 = arith.remsi %add3A_1248, %select_n3A_1253 : i32
        %ne3A_1255 = arith.constant 0 : i32
        %ne3A_1256 = arith.cmpi ne, %rem3A_1254, %ne3A_1255 : i32
        %lt3A_1257 = arith.constant 0 : i32
        %lt3A_1258 = arith.cmpi slt, %rem3A_1254, %lt3A_1257 : i32
        %lt3A_1259 = arith.constant 0 : i32
        %lt3A_1260 = arith.cmpi slt, %select_n3A_1253, %lt3A_1259 : i32
        %ne3A_1261 = arith.xori %lt3A_1258, %lt3A_1260 : i1
        %and3A_1262 = arith.andi %ne3A_1261, %ne3A_1256 : i1
        %add3A_1263 = arith.addi %rem3A_1254, %select_n3A_1253 : i32
        %select_n3A_1264 = arith.select %and3A_1262, %add3A_1263, %rem3A_1254 : i32
        %jit3A_1265 = arith.constant 8 : i32
        %div3A_1266 = arith.divsi %add3A_1248, %jit3A_1265 : i32
        %sign3A_1267 = arith.constant 0 : i32
        %sign3A_1268 = arith.cmpi sgt, %add3A_1248, %sign3A_1267 : i32
        %sign3A_1269 = arith.extui %sign3A_1268 : i1 to i32
        %sign3A_1270 = arith.constant 0 : i32
        %sign3A_1271 = arith.cmpi slt, %add3A_1248, %sign3A_1270 : i32
        %sign3A_1272 = arith.extui %sign3A_1271 : i1 to i32
        %sign3A_1273 = arith.subi %sign3A_1269, %sign3A_1272 : i32
        %sign3A_1274 = arith.constant 0 : i32
        %sign3A_1275 = arith.cmpi sgt, %jit3A_1265, %sign3A_1274 : i32
        %sign3A_1276 = arith.extui %sign3A_1275 : i1 to i32
        %sign3A_1277 = arith.constant 0 : i32
        %sign3A_1278 = arith.cmpi slt, %jit3A_1265, %sign3A_1277 : i32
        %sign3A_1279 = arith.extui %sign3A_1278 : i1 to i32
        %sign3A_1280 = arith.subi %sign3A_1276, %sign3A_1279 : i32
        %ne3A_1281 = arith.cmpi ne, %sign3A_1273, %sign3A_1280 : i32
        %rem3A_1282 = arith.remsi %add3A_1248, %jit3A_1265 : i32
        %ne3A_1283 = arith.constant 0 : i32
        %ne3A_1284 = arith.cmpi ne, %rem3A_1282, %ne3A_1283 : i32
        %and3A_1285 = arith.andi %ne3A_1281, %ne3A_1284 : i1
        %sub3A_1286 = arith.constant 1 : i32
        %sub3A_1287 = arith.subi %div3A_1266, %sub3A_1286 : i32
        %select_n3A_1288 = arith.select %and3A_1285, %sub3A_1287, %div3A_1266 : i32
        %mul3A_1289 = arith.constant 128 : i32
        %mul3A_1290 = arith.muli %select_n3A_1288, %mul3A_1289 : i32
        %dma_wait3A_1291 = tpu.memref_slice %arg9[%select_n3A_1264, %mul3A_1290] : memref<8x2048xf32, #tpu.memory_space<vmem>> -> memref<1x128xf32, #tpu.memory_space<vmem>>
        %dma_wait3A_1292 = tpu.memref_squeeze %dma_wait3A_1291 : memref<1x128xf32, #tpu.memory_space<vmem>> -> memref<128xf32, #tpu.memory_space<vmem>>
        %dma_wait3A_1293 = arith.constant 0 : i32
        %dma_wait3A_1294 = tpu.memref_slice %arg2[%dma_wait3A_1293] : memref<33554432xf32, #tpu.memory_space<hbm>> -> memref<128xf32, #tpu.memory_space<hbm>>
        %dma_wait3A_1295 = tpu.memref_slice %arg9[%select_n3A_1264, %mul3A_1290] : memref<8x2048xf32, #tpu.memory_space<vmem>> -> memref<1x128xf32, #tpu.memory_space<vmem>>
        %dma_wait3A_1296 = tpu.memref_squeeze %dma_wait3A_1295 : memref<1x128xf32, #tpu.memory_space<vmem>> -> memref<128xf32, #tpu.memory_space<vmem>>
        %dma_wait3A_1297 = arith.constant 0 : i32
        %dma_wait3A_1298 = tpu.memref_slice %arg2[%dma_wait3A_1297] : memref<33554432xf32, #tpu.memory_space<hbm>> -> memref<128xf32, #tpu.memory_space<hbm>>
        tpu.wait_dma2 semaphore(%arg10 : memref<!tpu.dma_semaphore, #tpu.memory_space<semaphore_mem>>) src(%dma_wait3A_1298 : memref<128xf32, #tpu.memory_space<hbm>>) dst(%dma_wait3A_1296 : memref<128xf32, #tpu.memory_space<vmem>>)
        %sub3A_1299 = arith.constant 16 : i32
        %sub3A_1300 = arith.subi %mul3A_227, %sub3A_1299 : i32
        %add3A_1301 = arith.constant 5 : i32
        %add3A_1302 = arith.addi %sub3A_1300, %add3A_1301 : i32
        %jit3A_1303 = arith.constant 8 : i32
        %eq3A_1304 = arith.constant 0 : i32
        %eq3A_1305 = arith.cmpi eq, %jit3A_1303, %eq3A_1304 : i32
        %jit3A_1306 = arith.constant 1 : i32
        %select_n3A_1307 = arith.select %eq3A_1305, %jit3A_1306, %jit3A_1303 : i32
        %rem3A_1308 = arith.remsi %add3A_1302, %select_n3A_1307 : i32
        %ne3A_1309 = arith.constant 0 : i32
        %ne3A_1310 = arith.cmpi ne, %rem3A_1308, %ne3A_1309 : i32
        %lt3A_1311 = arith.constant 0 : i32
        %lt3A_1312 = arith.cmpi slt, %rem3A_1308, %lt3A_1311 : i32
        %lt3A_1313 = arith.constant 0 : i32
        %lt3A_1314 = arith.cmpi slt, %select_n3A_1307, %lt3A_1313 : i32
        %ne3A_1315 = arith.xori %lt3A_1312, %lt3A_1314 : i1
        %and3A_1316 = arith.andi %ne3A_1315, %ne3A_1310 : i1
        %add3A_1317 = arith.addi %rem3A_1308, %select_n3A_1307 : i32
        %select_n3A_1318 = arith.select %and3A_1316, %add3A_1317, %rem3A_1308 : i32
        %jit3A_1319 = arith.constant 8 : i32
        %div3A_1320 = arith.divsi %add3A_1302, %jit3A_1319 : i32
        %sign3A_1321 = arith.constant 0 : i32
        %sign3A_1322 = arith.cmpi sgt, %add3A_1302, %sign3A_1321 : i32
        %sign3A_1323 = arith.extui %sign3A_1322 : i1 to i32
        %sign3A_1324 = arith.constant 0 : i32
        %sign3A_1325 = arith.cmpi slt, %add3A_1302, %sign3A_1324 : i32
        %sign3A_1326 = arith.extui %sign3A_1325 : i1 to i32
        %sign3A_1327 = arith.subi %sign3A_1323, %sign3A_1326 : i32
        %sign3A_1328 = arith.constant 0 : i32
        %sign3A_1329 = arith.cmpi sgt, %jit3A_1319, %sign3A_1328 : i32
        %sign3A_1330 = arith.extui %sign3A_1329 : i1 to i32
        %sign3A_1331 = arith.constant 0 : i32
        %sign3A_1332 = arith.cmpi slt, %jit3A_1319, %sign3A_1331 : i32
        %sign3A_1333 = arith.extui %sign3A_1332 : i1 to i32
        %sign3A_1334 = arith.subi %sign3A_1330, %sign3A_1333 : i32
        %ne3A_1335 = arith.cmpi ne, %sign3A_1327, %sign3A_1334 : i32
        %rem3A_1336 = arith.remsi %add3A_1302, %jit3A_1319 : i32
        %ne3A_1337 = arith.constant 0 : i32
        %ne3A_1338 = arith.cmpi ne, %rem3A_1336, %ne3A_1337 : i32
        %and3A_1339 = arith.andi %ne3A_1335, %ne3A_1338 : i1
        %sub3A_1340 = arith.constant 1 : i32
        %sub3A_1341 = arith.subi %div3A_1320, %sub3A_1340 : i32
        %select_n3A_1342 = arith.select %and3A_1339, %sub3A_1341, %div3A_1320 : i32
        %mul3A_1343 = arith.constant 128 : i32
        %mul3A_1344 = arith.muli %select_n3A_1342, %mul3A_1343 : i32
        %dma_wait3A_1345 = tpu.memref_slice %arg9[%select_n3A_1318, %mul3A_1344] : memref<8x2048xf32, #tpu.memory_space<vmem>> -> memref<1x128xf32, #tpu.memory_space<vmem>>
        %dma_wait3A_1346 = tpu.memref_squeeze %dma_wait3A_1345 : memref<1x128xf32, #tpu.memory_space<vmem>> -> memref<128xf32, #tpu.memory_space<vmem>>
        %dma_wait3A_1347 = arith.constant 0 : i32
        %dma_wait3A_1348 = tpu.memref_slice %arg2[%dma_wait3A_1347] : memref<33554432xf32, #tpu.memory_space<hbm>> -> memref<128xf32, #tpu.memory_space<hbm>>
        %dma_wait3A_1349 = tpu.memref_slice %arg9[%select_n3A_1318, %mul3A_1344] : memref<8x2048xf32, #tpu.memory_space<vmem>> -> memref<1x128xf32, #tpu.memory_space<vmem>>
        %dma_wait3A_1350 = tpu.memref_squeeze %dma_wait3A_1349 : memref<1x128xf32, #tpu.memory_space<vmem>> -> memref<128xf32, #tpu.memory_space<vmem>>
        %dma_wait3A_1351 = arith.constant 0 : i32
        %dma_wait3A_1352 = tpu.memref_slice %arg2[%dma_wait3A_1351] : memref<33554432xf32, #tpu.memory_space<hbm>> -> memref<128xf32, #tpu.memory_space<hbm>>
        tpu.wait_dma2 semaphore(%arg10 : memref<!tpu.dma_semaphore, #tpu.memory_space<semaphore_mem>>) src(%dma_wait3A_1352 : memref<128xf32, #tpu.memory_space<hbm>>) dst(%dma_wait3A_1350 : memref<128xf32, #tpu.memory_space<vmem>>)
        %sub3A_1353 = arith.constant 16 : i32
        %sub3A_1354 = arith.subi %mul3A_227, %sub3A_1353 : i32
        %add3A_1355 = arith.constant 6 : i32
        %add3A_1356 = arith.addi %sub3A_1354, %add3A_1355 : i32
        %jit3A_1357 = arith.constant 8 : i32
        %eq3A_1358 = arith.constant 0 : i32
        %eq3A_1359 = arith.cmpi eq, %jit3A_1357, %eq3A_1358 : i32
        %jit3A_1360 = arith.constant 1 : i32
        %select_n3A_1361 = arith.select %eq3A_1359, %jit3A_1360, %jit3A_1357 : i32
        %rem3A_1362 = arith.remsi %add3A_1356, %select_n3A_1361 : i32
        %ne3A_1363 = arith.constant 0 : i32
        %ne3A_1364 = arith.cmpi ne, %rem3A_1362, %ne3A_1363 : i32
        %lt3A_1365 = arith.constant 0 : i32
        %lt3A_1366 = arith.cmpi slt, %rem3A_1362, %lt3A_1365 : i32
        %lt3A_1367 = arith.constant 0 : i32
        %lt3A_1368 = arith.cmpi slt, %select_n3A_1361, %lt3A_1367 : i32
        %ne3A_1369 = arith.xori %lt3A_1366, %lt3A_1368 : i1
        %and3A_1370 = arith.andi %ne3A_1369, %ne3A_1364 : i1
        %add3A_1371 = arith.addi %rem3A_1362, %select_n3A_1361 : i32
        %select_n3A_1372 = arith.select %and3A_1370, %add3A_1371, %rem3A_1362 : i32
        %jit3A_1373 = arith.constant 8 : i32
        %div3A_1374 = arith.divsi %add3A_1356, %jit3A_1373 : i32
        %sign3A_1375 = arith.constant 0 : i32
        %sign3A_1376 = arith.cmpi sgt, %add3A_1356, %sign3A_1375 : i32
        %sign3A_1377 = arith.extui %sign3A_1376 : i1 to i32
        %sign3A_1378 = arith.constant 0 : i32
        %sign3A_1379 = arith.cmpi slt, %add3A_1356, %sign3A_1378 : i32
        %sign3A_1380 = arith.extui %sign3A_1379 : i1 to i32
        %sign3A_1381 = arith.subi %sign3A_1377, %sign3A_1380 : i32
        %sign3A_1382 = arith.constant 0 : i32
        %sign3A_1383 = arith.cmpi sgt, %jit3A_1373, %sign3A_1382 : i32
        %sign3A_1384 = arith.extui %sign3A_1383 : i1 to i32
        %sign3A_1385 = arith.constant 0 : i32
        %sign3A_1386 = arith.cmpi slt, %jit3A_1373, %sign3A_1385 : i32
        %sign3A_1387 = arith.extui %sign3A_1386 : i1 to i32
        %sign3A_1388 = arith.subi %sign3A_1384, %sign3A_1387 : i32
        %ne3A_1389 = arith.cmpi ne, %sign3A_1381, %sign3A_1388 : i32
        %rem3A_1390 = arith.remsi %add3A_1356, %jit3A_1373 : i32
        %ne3A_1391 = arith.constant 0 : i32
        %ne3A_1392 = arith.cmpi ne, %rem3A_1390, %ne3A_1391 : i32
        %and3A_1393 = arith.andi %ne3A_1389, %ne3A_1392 : i1
        %sub3A_1394 = arith.constant 1 : i32
        %sub3A_1395 = arith.subi %div3A_1374, %sub3A_1394 : i32
        %select_n3A_1396 = arith.select %and3A_1393, %sub3A_1395, %div3A_1374 : i32
        %mul3A_1397 = arith.constant 128 : i32
        %mul3A_1398 = arith.muli %select_n3A_1396, %mul3A_1397 : i32
        %dma_wait3A_1399 = tpu.memref_slice %arg9[%select_n3A_1372, %mul3A_1398] : memref<8x2048xf32, #tpu.memory_space<vmem>> -> memref<1x128xf32, #tpu.memory_space<vmem>>
        %dma_wait3A_1400 = tpu.memref_squeeze %dma_wait3A_1399 : memref<1x128xf32, #tpu.memory_space<vmem>> -> memref<128xf32, #tpu.memory_space<vmem>>
        %dma_wait3A_1401 = arith.constant 0 : i32
        %dma_wait3A_1402 = tpu.memref_slice %arg2[%dma_wait3A_1401] : memref<33554432xf32, #tpu.memory_space<hbm>> -> memref<128xf32, #tpu.memory_space<hbm>>
        %dma_wait3A_1403 = tpu.memref_slice %arg9[%select_n3A_1372, %mul3A_1398] : memref<8x2048xf32, #tpu.memory_space<vmem>> -> memref<1x128xf32, #tpu.memory_space<vmem>>
        %dma_wait3A_1404 = tpu.memref_squeeze %dma_wait3A_1403 : memref<1x128xf32, #tpu.memory_space<vmem>> -> memref<128xf32, #tpu.memory_space<vmem>>
        %dma_wait3A_1405 = arith.constant 0 : i32
        %dma_wait3A_1406 = tpu.memref_slice %arg2[%dma_wait3A_1405] : memref<33554432xf32, #tpu.memory_space<hbm>> -> memref<128xf32, #tpu.memory_space<hbm>>
        tpu.wait_dma2 semaphore(%arg10 : memref<!tpu.dma_semaphore, #tpu.memory_space<semaphore_mem>>) src(%dma_wait3A_1406 : memref<128xf32, #tpu.memory_space<hbm>>) dst(%dma_wait3A_1404 : memref<128xf32, #tpu.memory_space<vmem>>)
        %sub3A_1407 = arith.constant 16 : i32
        %sub3A_1408 = arith.subi %mul3A_227, %sub3A_1407 : i32
        %add3A_1409 = arith.constant 7 : i32
        %add3A_1410 = arith.addi %sub3A_1408, %add3A_1409 : i32
        %jit3A_1411 = arith.constant 8 : i32
        %eq3A_1412 = arith.constant 0 : i32
        %eq3A_1413 = arith.cmpi eq, %jit3A_1411, %eq3A_1412 : i32
        %jit3A_1414 = arith.constant 1 : i32
        %select_n3A_1415 = arith.select %eq3A_1413, %jit3A_1414, %jit3A_1411 : i32
        %rem3A_1416 = arith.remsi %add3A_1410, %select_n3A_1415 : i32
        %ne3A_1417 = arith.constant 0 : i32
        %ne3A_1418 = arith.cmpi ne, %rem3A_1416, %ne3A_1417 : i32
        %lt3A_1419 = arith.constant 0 : i32
        %lt3A_1420 = arith.cmpi slt, %rem3A_1416, %lt3A_1419 : i32
        %lt3A_1421 = arith.constant 0 : i32
        %lt3A_1422 = arith.cmpi slt, %select_n3A_1415, %lt3A_1421 : i32
        %ne3A_1423 = arith.xori %lt3A_1420, %lt3A_1422 : i1
        %and3A_1424 = arith.andi %ne3A_1423, %ne3A_1418 : i1
        %add3A_1425 = arith.addi %rem3A_1416, %select_n3A_1415 : i32
        %select_n3A_1426 = arith.select %and3A_1424, %add3A_1425, %rem3A_1416 : i32
        %jit3A_1427 = arith.constant 8 : i32
        %div3A_1428 = arith.divsi %add3A_1410, %jit3A_1427 : i32
        %sign3A_1429 = arith.constant 0 : i32
        %sign3A_1430 = arith.cmpi sgt, %add3A_1410, %sign3A_1429 : i32
        %sign3A_1431 = arith.extui %sign3A_1430 : i1 to i32
        %sign3A_1432 = arith.constant 0 : i32
        %sign3A_1433 = arith.cmpi slt, %add3A_1410, %sign3A_1432 : i32
        %sign3A_1434 = arith.extui %sign3A_1433 : i1 to i32
        %sign3A_1435 = arith.subi %sign3A_1431, %sign3A_1434 : i32
        %sign3A_1436 = arith.constant 0 : i32
        %sign3A_1437 = arith.cmpi sgt, %jit3A_1427, %sign3A_1436 : i32
        %sign3A_1438 = arith.extui %sign3A_1437 : i1 to i32
        %sign3A_1439 = arith.constant 0 : i32
        %sign3A_1440 = arith.cmpi slt, %jit3A_1427, %sign3A_1439 : i32
        %sign3A_1441 = arith.extui %sign3A_1440 : i1 to i32
        %sign3A_1442 = arith.subi %sign3A_1438, %sign3A_1441 : i32
        %ne3A_1443 = arith.cmpi ne, %sign3A_1435, %sign3A_1442 : i32
        %rem3A_1444 = arith.remsi %add3A_1410, %jit3A_1427 : i32
        %ne3A_1445 = arith.constant 0 : i32
        %ne3A_1446 = arith.cmpi ne, %rem3A_1444, %ne3A_1445 : i32
        %and3A_1447 = arith.andi %ne3A_1443, %ne3A_1446 : i1
        %sub3A_1448 = arith.constant 1 : i32
        %sub3A_1449 = arith.subi %div3A_1428, %sub3A_1448 : i32
        %select_n3A_1450 = arith.select %and3A_1447, %sub3A_1449, %div3A_1428 : i32
        %mul3A_1451 = arith.constant 128 : i32
        %mul3A_1452 = arith.muli %select_n3A_1450, %mul3A_1451 : i32
        %dma_wait3A_1453 = tpu.memref_slice %arg9[%select_n3A_1426, %mul3A_1452] : memref<8x2048xf32, #tpu.memory_space<vmem>> -> memref<1x128xf32, #tpu.memory_space<vmem>>
        %dma_wait3A_1454 = tpu.memref_squeeze %dma_wait3A_1453 : memref<1x128xf32, #tpu.memory_space<vmem>> -> memref<128xf32, #tpu.memory_space<vmem>>
        %dma_wait3A_1455 = arith.constant 0 : i32
        %dma_wait3A_1456 = tpu.memref_slice %arg2[%dma_wait3A_1455] : memref<33554432xf32, #tpu.memory_space<hbm>> -> memref<128xf32, #tpu.memory_space<hbm>>
        %dma_wait3A_1457 = tpu.memref_slice %arg9[%select_n3A_1426, %mul3A_1452] : memref<8x2048xf32, #tpu.memory_space<vmem>> -> memref<1x128xf32, #tpu.memory_space<vmem>>
        %dma_wait3A_1458 = tpu.memref_squeeze %dma_wait3A_1457 : memref<1x128xf32, #tpu.memory_space<vmem>> -> memref<128xf32, #tpu.memory_space<vmem>>
        %dma_wait3A_1459 = arith.constant 0 : i32
        %dma_wait3A_1460 = tpu.memref_slice %arg2[%dma_wait3A_1459] : memref<33554432xf32, #tpu.memory_space<hbm>> -> memref<128xf32, #tpu.memory_space<hbm>>
        tpu.wait_dma2 semaphore(%arg10 : memref<!tpu.dma_semaphore, #tpu.memory_space<semaphore_mem>>) src(%dma_wait3A_1460 : memref<128xf32, #tpu.memory_space<hbm>>) dst(%dma_wait3A_1458 : memref<128xf32, #tpu.memory_space<vmem>>)
        %sub3A_1461 = arith.constant 16 : i32
        %sub3A_1462 = arith.subi %mul3A_227, %sub3A_1461 : i32
        %add3A_1463 = arith.constant 8 : i32
        %add3A_1464 = arith.addi %sub3A_1462, %add3A_1463 : i32
        %jit3A_1465 = arith.constant 8 : i32
        %eq3A_1466 = arith.constant 0 : i32
        %eq3A_1467 = arith.cmpi eq, %jit3A_1465, %eq3A_1466 : i32
        %jit3A_1468 = arith.constant 1 : i32
        %select_n3A_1469 = arith.select %eq3A_1467, %jit3A_1468, %jit3A_1465 : i32
        %rem3A_1470 = arith.remsi %add3A_1464, %select_n3A_1469 : i32
        %ne3A_1471 = arith.constant 0 : i32
        %ne3A_1472 = arith.cmpi ne, %rem3A_1470, %ne3A_1471 : i32
        %lt3A_1473 = arith.constant 0 : i32
        %lt3A_1474 = arith.cmpi slt, %rem3A_1470, %lt3A_1473 : i32
        %lt3A_1475 = arith.constant 0 : i32
        %lt3A_1476 = arith.cmpi slt, %select_n3A_1469, %lt3A_1475 : i32
        %ne3A_1477 = arith.xori %lt3A_1474, %lt3A_1476 : i1
        %and3A_1478 = arith.andi %ne3A_1477, %ne3A_1472 : i1
        %add3A_1479 = arith.addi %rem3A_1470, %select_n3A_1469 : i32
        %select_n3A_1480 = arith.select %and3A_1478, %add3A_1479, %rem3A_1470 : i32
        %jit3A_1481 = arith.constant 8 : i32
        %div3A_1482 = arith.divsi %add3A_1464, %jit3A_1481 : i32
        %sign3A_1483 = arith.constant 0 : i32
        %sign3A_1484 = arith.cmpi sgt, %add3A_1464, %sign3A_1483 : i32
        %sign3A_1485 = arith.extui %sign3A_1484 : i1 to i32
        %sign3A_1486 = arith.constant 0 : i32
        %sign3A_1487 = arith.cmpi slt, %add3A_1464, %sign3A_1486 : i32
        %sign3A_1488 = arith.extui %sign3A_1487 : i1 to i32
        %sign3A_1489 = arith.subi %sign3A_1485, %sign3A_1488 : i32
        %sign3A_1490 = arith.constant 0 : i32
        %sign3A_1491 = arith.cmpi sgt, %jit3A_1481, %sign3A_1490 : i32
        %sign3A_1492 = arith.extui %sign3A_1491 : i1 to i32
        %sign3A_1493 = arith.constant 0 : i32
        %sign3A_1494 = arith.cmpi slt, %jit3A_1481, %sign3A_1493 : i32
        %sign3A_1495 = arith.extui %sign3A_1494 : i1 to i32
        %sign3A_1496 = arith.subi %sign3A_1492, %sign3A_1495 : i32
        %ne3A_1497 = arith.cmpi ne, %sign3A_1489, %sign3A_1496 : i32
        %rem3A_1498 = arith.remsi %add3A_1464, %jit3A_1481 : i32
        %ne3A_1499 = arith.constant 0 : i32
        %ne3A_1500 = arith.cmpi ne, %rem3A_1498, %ne3A_1499 : i32
        %and3A_1501 = arith.andi %ne3A_1497, %ne3A_1500 : i1
        %sub3A_1502 = arith.constant 1 : i32
        %sub3A_1503 = arith.subi %div3A_1482, %sub3A_1502 : i32
        %select_n3A_1504 = arith.select %and3A_1501, %sub3A_1503, %div3A_1482 : i32
        %mul3A_1505 = arith.constant 128 : i32
        %mul3A_1506 = arith.muli %select_n3A_1504, %mul3A_1505 : i32
        %dma_wait3A_1507 = tpu.memref_slice %arg9[%select_n3A_1480, %mul3A_1506] : memref<8x2048xf32, #tpu.memory_space<vmem>> -> memref<1x128xf32, #tpu.memory_space<vmem>>
        %dma_wait3A_1508 = tpu.memref_squeeze %dma_wait3A_1507 : memref<1x128xf32, #tpu.memory_space<vmem>> -> memref<128xf32, #tpu.memory_space<vmem>>
        %dma_wait3A_1509 = arith.constant 0 : i32
        %dma_wait3A_1510 = tpu.memref_slice %arg2[%dma_wait3A_1509] : memref<33554432xf32, #tpu.memory_space<hbm>> -> memref<128xf32, #tpu.memory_space<hbm>>
        %dma_wait3A_1511 = tpu.memref_slice %arg9[%select_n3A_1480, %mul3A_1506] : memref<8x2048xf32, #tpu.memory_space<vmem>> -> memref<1x128xf32, #tpu.memory_space<vmem>>
        %dma_wait3A_1512 = tpu.memref_squeeze %dma_wait3A_1511 : memref<1x128xf32, #tpu.memory_space<vmem>> -> memref<128xf32, #tpu.memory_space<vmem>>
        %dma_wait3A_1513 = arith.constant 0 : i32
        %dma_wait3A_1514 = tpu.memref_slice %arg2[%dma_wait3A_1513] : memref<33554432xf32, #tpu.memory_space<hbm>> -> memref<128xf32, #tpu.memory_space<hbm>>
        tpu.wait_dma2 semaphore(%arg10 : memref<!tpu.dma_semaphore, #tpu.memory_space<semaphore_mem>>) src(%dma_wait3A_1514 : memref<128xf32, #tpu.memory_space<hbm>>) dst(%dma_wait3A_1512 : memref<128xf32, #tpu.memory_space<vmem>>)
        %sub3A_1515 = arith.constant 16 : i32
        %sub3A_1516 = arith.subi %mul3A_227, %sub3A_1515 : i32
        %add3A_1517 = arith.constant 9 : i32
        %add3A_1518 = arith.addi %sub3A_1516, %add3A_1517 : i32
        %jit3A_1519 = arith.constant 8 : i32
        %eq3A_1520 = arith.constant 0 : i32
        %eq3A_1521 = arith.cmpi eq, %jit3A_1519, %eq3A_1520 : i32
        %jit3A_1522 = arith.constant 1 : i32
        %select_n3A_1523 = arith.select %eq3A_1521, %jit3A_1522, %jit3A_1519 : i32
        %rem3A_1524 = arith.remsi %add3A_1518, %select_n3A_1523 : i32
        %ne3A_1525 = arith.constant 0 : i32
        %ne3A_1526 = arith.cmpi ne, %rem3A_1524, %ne3A_1525 : i32
        %lt3A_1527 = arith.constant 0 : i32
        %lt3A_1528 = arith.cmpi slt, %rem3A_1524, %lt3A_1527 : i32
        %lt3A_1529 = arith.constant 0 : i32
        %lt3A_1530 = arith.cmpi slt, %select_n3A_1523, %lt3A_1529 : i32
        %ne3A_1531 = arith.xori %lt3A_1528, %lt3A_1530 : i1
        %and3A_1532 = arith.andi %ne3A_1531, %ne3A_1526 : i1
        %add3A_1533 = arith.addi %rem3A_1524, %select_n3A_1523 : i32
        %select_n3A_1534 = arith.select %and3A_1532, %add3A_1533, %rem3A_1524 : i32
        %jit3A_1535 = arith.constant 8 : i32
        %div3A_1536 = arith.divsi %add3A_1518, %jit3A_1535 : i32
        %sign3A_1537 = arith.constant 0 : i32
        %sign3A_1538 = arith.cmpi sgt, %add3A_1518, %sign3A_1537 : i32
        %sign3A_1539 = arith.extui %sign3A_1538 : i1 to i32
        %sign3A_1540 = arith.constant 0 : i32
        %sign3A_1541 = arith.cmpi slt, %add3A_1518, %sign3A_1540 : i32
        %sign3A_1542 = arith.extui %sign3A_1541 : i1 to i32
        %sign3A_1543 = arith.subi %sign3A_1539, %sign3A_1542 : i32
        %sign3A_1544 = arith.constant 0 : i32
        %sign3A_1545 = arith.cmpi sgt, %jit3A_1535, %sign3A_1544 : i32
        %sign3A_1546 = arith.extui %sign3A_1545 : i1 to i32
        %sign3A_1547 = arith.constant 0 : i32
        %sign3A_1548 = arith.cmpi slt, %jit3A_1535, %sign3A_1547 : i32
        %sign3A_1549 = arith.extui %sign3A_1548 : i1 to i32
        %sign3A_1550 = arith.subi %sign3A_1546, %sign3A_1549 : i32
        %ne3A_1551 = arith.cmpi ne, %sign3A_1543, %sign3A_1550 : i32
        %rem3A_1552 = arith.remsi %add3A_1518, %jit3A_1535 : i32
        %ne3A_1553 = arith.constant 0 : i32
        %ne3A_1554 = arith.cmpi ne, %rem3A_1552, %ne3A_1553 : i32
        %and3A_1555 = arith.andi %ne3A_1551, %ne3A_1554 : i1
        %sub3A_1556 = arith.constant 1 : i32
        %sub3A_1557 = arith.subi %div3A_1536, %sub3A_1556 : i32
        %select_n3A_1558 = arith.select %and3A_1555, %sub3A_1557, %div3A_1536 : i32
        %mul3A_1559 = arith.constant 128 : i32
        %mul3A_1560 = arith.muli %select_n3A_1558, %mul3A_1559 : i32
        %dma_wait3A_1561 = tpu.memref_slice %arg9[%select_n3A_1534, %mul3A_1560] : memref<8x2048xf32, #tpu.memory_space<vmem>> -> memref<1x128xf32, #tpu.memory_space<vmem>>
        %dma_wait3A_1562 = tpu.memref_squeeze %dma_wait3A_1561 : memref<1x128xf32, #tpu.memory_space<vmem>> -> memref<128xf32, #tpu.memory_space<vmem>>
        %dma_wait3A_1563 = arith.constant 0 : i32
        %dma_wait3A_1564 = tpu.memref_slice %arg2[%dma_wait3A_1563] : memref<33554432xf32, #tpu.memory_space<hbm>> -> memref<128xf32, #tpu.memory_space<hbm>>
        %dma_wait3A_1565 = tpu.memref_slice %arg9[%select_n3A_1534, %mul3A_1560] : memref<8x2048xf32, #tpu.memory_space<vmem>> -> memref<1x128xf32, #tpu.memory_space<vmem>>
        %dma_wait3A_1566 = tpu.memref_squeeze %dma_wait3A_1565 : memref<1x128xf32, #tpu.memory_space<vmem>> -> memref<128xf32, #tpu.memory_space<vmem>>
        %dma_wait3A_1567 = arith.constant 0 : i32
        %dma_wait3A_1568 = tpu.memref_slice %arg2[%dma_wait3A_1567] : memref<33554432xf32, #tpu.memory_space<hbm>> -> memref<128xf32, #tpu.memory_space<hbm>>
        tpu.wait_dma2 semaphore(%arg10 : memref<!tpu.dma_semaphore, #tpu.memory_space<semaphore_mem>>) src(%dma_wait3A_1568 : memref<128xf32, #tpu.memory_space<hbm>>) dst(%dma_wait3A_1566 : memref<128xf32, #tpu.memory_space<vmem>>)
        %sub3A_1569 = arith.constant 16 : i32
        %sub3A_1570 = arith.subi %mul3A_227, %sub3A_1569 : i32
        %add3A_1571 = arith.constant 10 : i32
        %add3A_1572 = arith.addi %sub3A_1570, %add3A_1571 : i32
        %jit3A_1573 = arith.constant 8 : i32
        %eq3A_1574 = arith.constant 0 : i32
        %eq3A_1575 = arith.cmpi eq, %jit3A_1573, %eq3A_1574 : i32
        %jit3A_1576 = arith.constant 1 : i32
        %select_n3A_1577 = arith.select %eq3A_1575, %jit3A_1576, %jit3A_1573 : i32
        %rem3A_1578 = arith.remsi %add3A_1572, %select_n3A_1577 : i32
        %ne3A_1579 = arith.constant 0 : i32
        %ne3A_1580 = arith.cmpi ne, %rem3A_1578, %ne3A_1579 : i32
        %lt3A_1581 = arith.constant 0 : i32
        %lt3A_1582 = arith.cmpi slt, %rem3A_1578, %lt3A_1581 : i32
        %lt3A_1583 = arith.constant 0 : i32
        %lt3A_1584 = arith.cmpi slt, %select_n3A_1577, %lt3A_1583 : i32
        %ne3A_1585 = arith.xori %lt3A_1582, %lt3A_1584 : i1
        %and3A_1586 = arith.andi %ne3A_1585, %ne3A_1580 : i1
        %add3A_1587 = arith.addi %rem3A_1578, %select_n3A_1577 : i32
        %select_n3A_1588 = arith.select %and3A_1586, %add3A_1587, %rem3A_1578 : i32
        %jit3A_1589 = arith.constant 8 : i32
        %div3A_1590 = arith.divsi %add3A_1572, %jit3A_1589 : i32
        %sign3A_1591 = arith.constant 0 : i32
        %sign3A_1592 = arith.cmpi sgt, %add3A_1572, %sign3A_1591 : i32
        %sign3A_1593 = arith.extui %sign3A_1592 : i1 to i32
        %sign3A_1594 = arith.constant 0 : i32
        %sign3A_1595 = arith.cmpi slt, %add3A_1572, %sign3A_1594 : i32
        %sign3A_1596 = arith.extui %sign3A_1595 : i1 to i32
        %sign3A_1597 = arith.subi %sign3A_1593, %sign3A_1596 : i32
        %sign3A_1598 = arith.constant 0 : i32
        %sign3A_1599 = arith.cmpi sgt, %jit3A_1589, %sign3A_1598 : i32
        %sign3A_1600 = arith.extui %sign3A_1599 : i1 to i32
        %sign3A_1601 = arith.constant 0 : i32
        %sign3A_1602 = arith.cmpi slt, %jit3A_1589, %sign3A_1601 : i32
        %sign3A_1603 = arith.extui %sign3A_1602 : i1 to i32
        %sign3A_1604 = arith.subi %sign3A_1600, %sign3A_1603 : i32
        %ne3A_1605 = arith.cmpi ne, %sign3A_1597, %sign3A_1604 : i32
        %rem3A_1606 = arith.remsi %add3A_1572, %jit3A_1589 : i32
        %ne3A_1607 = arith.constant 0 : i32
        %ne3A_1608 = arith.cmpi ne, %rem3A_1606, %ne3A_1607 : i32
        %and3A_1609 = arith.andi %ne3A_1605, %ne3A_1608 : i1
        %sub3A_1610 = arith.constant 1 : i32
        %sub3A_1611 = arith.subi %div3A_1590, %sub3A_1610 : i32
        %select_n3A_1612 = arith.select %and3A_1609, %sub3A_1611, %div3A_1590 : i32
        %mul3A_1613 = arith.constant 128 : i32
        %mul3A_1614 = arith.muli %select_n3A_1612, %mul3A_1613 : i32
        %dma_wait3A_1615 = tpu.memref_slice %arg9[%select_n3A_1588, %mul3A_1614] : memref<8x2048xf32, #tpu.memory_space<vmem>> -> memref<1x128xf32, #tpu.memory_space<vmem>>
        %dma_wait3A_1616 = tpu.memref_squeeze %dma_wait3A_1615 : memref<1x128xf32, #tpu.memory_space<vmem>> -> memref<128xf32, #tpu.memory_space<vmem>>
        %dma_wait3A_1617 = arith.constant 0 : i32
        %dma_wait3A_1618 = tpu.memref_slice %arg2[%dma_wait3A_1617] : memref<33554432xf32, #tpu.memory_space<hbm>> -> memref<128xf32, #tpu.memory_space<hbm>>
        %dma_wait3A_1619 = tpu.memref_slice %arg9[%select_n3A_1588, %mul3A_1614] : memref<8x2048xf32, #tpu.memory_space<vmem>> -> memref<1x128xf32, #tpu.memory_space<vmem>>
        %dma_wait3A_1620 = tpu.memref_squeeze %dma_wait3A_1619 : memref<1x128xf32, #tpu.memory_space<vmem>> -> memref<128xf32, #tpu.memory_space<vmem>>
        %dma_wait3A_1621 = arith.constant 0 : i32
        %dma_wait3A_1622 = tpu.memref_slice %arg2[%dma_wait3A_1621] : memref<33554432xf32, #tpu.memory_space<hbm>> -> memref<128xf32, #tpu.memory_space<hbm>>
        tpu.wait_dma2 semaphore(%arg10 : memref<!tpu.dma_semaphore, #tpu.memory_space<semaphore_mem>>) src(%dma_wait3A_1622 : memref<128xf32, #tpu.memory_space<hbm>>) dst(%dma_wait3A_1620 : memref<128xf32, #tpu.memory_space<vmem>>)
        %sub3A_1623 = arith.constant 16 : i32
        %sub3A_1624 = arith.subi %mul3A_227, %sub3A_1623 : i32
        %add3A_1625 = arith.constant 11 : i32
        %add3A_1626 = arith.addi %sub3A_1624, %add3A_1625 : i32
        %jit3A_1627 = arith.constant 8 : i32
        %eq3A_1628 = arith.constant 0 : i32
        %eq3A_1629 = arith.cmpi eq, %jit3A_1627, %eq3A_1628 : i32
        %jit3A_1630 = arith.constant 1 : i32
        %select_n3A_1631 = arith.select %eq3A_1629, %jit3A_1630, %jit3A_1627 : i32
        %rem3A_1632 = arith.remsi %add3A_1626, %select_n3A_1631 : i32
        %ne3A_1633 = arith.constant 0 : i32
        %ne3A_1634 = arith.cmpi ne, %rem3A_1632, %ne3A_1633 : i32
        %lt3A_1635 = arith.constant 0 : i32
        %lt3A_1636 = arith.cmpi slt, %rem3A_1632, %lt3A_1635 : i32
        %lt3A_1637 = arith.constant 0 : i32
        %lt3A_1638 = arith.cmpi slt, %select_n3A_1631, %lt3A_1637 : i32
        %ne3A_1639 = arith.xori %lt3A_1636, %lt3A_1638 : i1
        %and3A_1640 = arith.andi %ne3A_1639, %ne3A_1634 : i1
        %add3A_1641 = arith.addi %rem3A_1632, %select_n3A_1631 : i32
        %select_n3A_1642 = arith.select %and3A_1640, %add3A_1641, %rem3A_1632 : i32
        %jit3A_1643 = arith.constant 8 : i32
        %div3A_1644 = arith.divsi %add3A_1626, %jit3A_1643 : i32
        %sign3A_1645 = arith.constant 0 : i32
        %sign3A_1646 = arith.cmpi sgt, %add3A_1626, %sign3A_1645 : i32
        %sign3A_1647 = arith.extui %sign3A_1646 : i1 to i32
        %sign3A_1648 = arith.constant 0 : i32
        %sign3A_1649 = arith.cmpi slt, %add3A_1626, %sign3A_1648 : i32
        %sign3A_1650 = arith.extui %sign3A_1649 : i1 to i32
        %sign3A_1651 = arith.subi %sign3A_1647, %sign3A_1650 : i32
        %sign3A_1652 = arith.constant 0 : i32
        %sign3A_1653 = arith.cmpi sgt, %jit3A_1643, %sign3A_1652 : i32
        %sign3A_1654 = arith.extui %sign3A_1653 : i1 to i32
        %sign3A_1655 = arith.constant 0 : i32
        %sign3A_1656 = arith.cmpi slt, %jit3A_1643, %sign3A_1655 : i32
        %sign3A_1657 = arith.extui %sign3A_1656 : i1 to i32
        %sign3A_1658 = arith.subi %sign3A_1654, %sign3A_1657 : i32
        %ne3A_1659 = arith.cmpi ne, %sign3A_1651, %sign3A_1658 : i32
        %rem3A_1660 = arith.remsi %add3A_1626, %jit3A_1643 : i32
        %ne3A_1661 = arith.constant 0 : i32
        %ne3A_1662 = arith.cmpi ne, %rem3A_1660, %ne3A_1661 : i32
        %and3A_1663 = arith.andi %ne3A_1659, %ne3A_1662 : i1
        %sub3A_1664 = arith.constant 1 : i32
        %sub3A_1665 = arith.subi %div3A_1644, %sub3A_1664 : i32
        %select_n3A_1666 = arith.select %and3A_1663, %sub3A_1665, %div3A_1644 : i32
        %mul3A_1667 = arith.constant 128 : i32
        %mul3A_1668 = arith.muli %select_n3A_1666, %mul3A_1667 : i32
        %dma_wait3A_1669 = tpu.memref_slice %arg9[%select_n3A_1642, %mul3A_1668] : memref<8x2048xf32, #tpu.memory_space<vmem>> -> memref<1x128xf32, #tpu.memory_space<vmem>>
        %dma_wait3A_1670 = tpu.memref_squeeze %dma_wait3A_1669 : memref<1x128xf32, #tpu.memory_space<vmem>> -> memref<128xf32, #tpu.memory_space<vmem>>
        %dma_wait3A_1671 = arith.constant 0 : i32
        %dma_wait3A_1672 = tpu.memref_slice %arg2[%dma_wait3A_1671] : memref<33554432xf32, #tpu.memory_space<hbm>> -> memref<128xf32, #tpu.memory_space<hbm>>
        %dma_wait3A_1673 = tpu.memref_slice %arg9[%select_n3A_1642, %mul3A_1668] : memref<8x2048xf32, #tpu.memory_space<vmem>> -> memref<1x128xf32, #tpu.memory_space<vmem>>
        %dma_wait3A_1674 = tpu.memref_squeeze %dma_wait3A_1673 : memref<1x128xf32, #tpu.memory_space<vmem>> -> memref<128xf32, #tpu.memory_space<vmem>>
        %dma_wait3A_1675 = arith.constant 0 : i32
        %dma_wait3A_1676 = tpu.memref_slice %arg2[%dma_wait3A_1675] : memref<33554432xf32, #tpu.memory_space<hbm>> -> memref<128xf32, #tpu.memory_space<hbm>>
        tpu.wait_dma2 semaphore(%arg10 : memref<!tpu.dma_semaphore, #tpu.memory_space<semaphore_mem>>) src(%dma_wait3A_1676 : memref<128xf32, #tpu.memory_space<hbm>>) dst(%dma_wait3A_1674 : memref<128xf32, #tpu.memory_space<vmem>>)
        %sub3A_1677 = arith.constant 16 : i32
        %sub3A_1678 = arith.subi %mul3A_227, %sub3A_1677 : i32
        %add3A_1679 = arith.constant 12 : i32
        %add3A_1680 = arith.addi %sub3A_1678, %add3A_1679 : i32
        %jit3A_1681 = arith.constant 8 : i32
        %eq3A_1682 = arith.constant 0 : i32
        %eq3A_1683 = arith.cmpi eq, %jit3A_1681, %eq3A_1682 : i32
        %jit3A_1684 = arith.constant 1 : i32
        %select_n3A_1685 = arith.select %eq3A_1683, %jit3A_1684, %jit3A_1681 : i32
        %rem3A_1686 = arith.remsi %add3A_1680, %select_n3A_1685 : i32
        %ne3A_1687 = arith.constant 0 : i32
        %ne3A_1688 = arith.cmpi ne, %rem3A_1686, %ne3A_1687 : i32
        %lt3A_1689 = arith.constant 0 : i32
        %lt3A_1690 = arith.cmpi slt, %rem3A_1686, %lt3A_1689 : i32
        %lt3A_1691 = arith.constant 0 : i32
        %lt3A_1692 = arith.cmpi slt, %select_n3A_1685, %lt3A_1691 : i32
        %ne3A_1693 = arith.xori %lt3A_1690, %lt3A_1692 : i1
        %and3A_1694 = arith.andi %ne3A_1693, %ne3A_1688 : i1
        %add3A_1695 = arith.addi %rem3A_1686, %select_n3A_1685 : i32
        %select_n3A_1696 = arith.select %and3A_1694, %add3A_1695, %rem3A_1686 : i32
        %jit3A_1697 = arith.constant 8 : i32
        %div3A_1698 = arith.divsi %add3A_1680, %jit3A_1697 : i32
        %sign3A_1699 = arith.constant 0 : i32
        %sign3A_1700 = arith.cmpi sgt, %add3A_1680, %sign3A_1699 : i32
        %sign3A_1701 = arith.extui %sign3A_1700 : i1 to i32
        %sign3A_1702 = arith.constant 0 : i32
        %sign3A_1703 = arith.cmpi slt, %add3A_1680, %sign3A_1702 : i32
        %sign3A_1704 = arith.extui %sign3A_1703 : i1 to i32
        %sign3A_1705 = arith.subi %sign3A_1701, %sign3A_1704 : i32
        %sign3A_1706 = arith.constant 0 : i32
        %sign3A_1707 = arith.cmpi sgt, %jit3A_1697, %sign3A_1706 : i32
        %sign3A_1708 = arith.extui %sign3A_1707 : i1 to i32
        %sign3A_1709 = arith.constant 0 : i32
        %sign3A_1710 = arith.cmpi slt, %jit3A_1697, %sign3A_1709 : i32
        %sign3A_1711 = arith.extui %sign3A_1710 : i1 to i32
        %sign3A_1712 = arith.subi %sign3A_1708, %sign3A_1711 : i32
        %ne3A_1713 = arith.cmpi ne, %sign3A_1705, %sign3A_1712 : i32
        %rem3A_1714 = arith.remsi %add3A_1680, %jit3A_1697 : i32
        %ne3A_1715 = arith.constant 0 : i32
        %ne3A_1716 = arith.cmpi ne, %rem3A_1714, %ne3A_1715 : i32
        %and3A_1717 = arith.andi %ne3A_1713, %ne3A_1716 : i1
        %sub3A_1718 = arith.constant 1 : i32
        %sub3A_1719 = arith.subi %div3A_1698, %sub3A_1718 : i32
        %select_n3A_1720 = arith.select %and3A_1717, %sub3A_1719, %div3A_1698 : i32
        %mul3A_1721 = arith.constant 128 : i32
        %mul3A_1722 = arith.muli %select_n3A_1720, %mul3A_1721 : i32
        %dma_wait3A_1723 = tpu.memref_slice %arg9[%select_n3A_1696, %mul3A_1722] : memref<8x2048xf32, #tpu.memory_space<vmem>> -> memref<1x128xf32, #tpu.memory_space<vmem>>
        %dma_wait3A_1724 = tpu.memref_squeeze %dma_wait3A_1723 : memref<1x128xf32, #tpu.memory_space<vmem>> -> memref<128xf32, #tpu.memory_space<vmem>>
        %dma_wait3A_1725 = arith.constant 0 : i32
        %dma_wait3A_1726 = tpu.memref_slice %arg2[%dma_wait3A_1725] : memref<33554432xf32, #tpu.memory_space<hbm>> -> memref<128xf32, #tpu.memory_space<hbm>>
        %dma_wait3A_1727 = tpu.memref_slice %arg9[%select_n3A_1696, %mul3A_1722] : memref<8x2048xf32, #tpu.memory_space<vmem>> -> memref<1x128xf32, #tpu.memory_space<vmem>>
        %dma_wait3A_1728 = tpu.memref_squeeze %dma_wait3A_1727 : memref<1x128xf32, #tpu.memory_space<vmem>> -> memref<128xf32, #tpu.memory_space<vmem>>
        %dma_wait3A_1729 = arith.constant 0 : i32
        %dma_wait3A_1730 = tpu.memref_slice %arg2[%dma_wait3A_1729] : memref<33554432xf32, #tpu.memory_space<hbm>> -> memref<128xf32, #tpu.memory_space<hbm>>
        tpu.wait_dma2 semaphore(%arg10 : memref<!tpu.dma_semaphore, #tpu.memory_space<semaphore_mem>>) src(%dma_wait3A_1730 : memref<128xf32, #tpu.memory_space<hbm>>) dst(%dma_wait3A_1728 : memref<128xf32, #tpu.memory_space<vmem>>)
        %sub3A_1731 = arith.constant 16 : i32
        %sub3A_1732 = arith.subi %mul3A_227, %sub3A_1731 : i32
        %add3A_1733 = arith.constant 13 : i32
        %add3A_1734 = arith.addi %sub3A_1732, %add3A_1733 : i32
        %jit3A_1735 = arith.constant 8 : i32
        %eq3A_1736 = arith.constant 0 : i32
        %eq3A_1737 = arith.cmpi eq, %jit3A_1735, %eq3A_1736 : i32
        %jit3A_1738 = arith.constant 1 : i32
        %select_n3A_1739 = arith.select %eq3A_1737, %jit3A_1738, %jit3A_1735 : i32
        %rem3A_1740 = arith.remsi %add3A_1734, %select_n3A_1739 : i32
        %ne3A_1741 = arith.constant 0 : i32
        %ne3A_1742 = arith.cmpi ne, %rem3A_1740, %ne3A_1741 : i32
        %lt3A_1743 = arith.constant 0 : i32
        %lt3A_1744 = arith.cmpi slt, %rem3A_1740, %lt3A_1743 : i32
        %lt3A_1745 = arith.constant 0 : i32
        %lt3A_1746 = arith.cmpi slt, %select_n3A_1739, %lt3A_1745 : i32
        %ne3A_1747 = arith.xori %lt3A_1744, %lt3A_1746 : i1
        %and3A_1748 = arith.andi %ne3A_1747, %ne3A_1742 : i1
        %add3A_1749 = arith.addi %rem3A_1740, %select_n3A_1739 : i32
        %select_n3A_1750 = arith.select %and3A_1748, %add3A_1749, %rem3A_1740 : i32
        %jit3A_1751 = arith.constant 8 : i32
        %div3A_1752 = arith.divsi %add3A_1734, %jit3A_1751 : i32
        %sign3A_1753 = arith.constant 0 : i32
        %sign3A_1754 = arith.cmpi sgt, %add3A_1734, %sign3A_1753 : i32
        %sign3A_1755 = arith.extui %sign3A_1754 : i1 to i32
        %sign3A_1756 = arith.constant 0 : i32
        %sign3A_1757 = arith.cmpi slt, %add3A_1734, %sign3A_1756 : i32
        %sign3A_1758 = arith.extui %sign3A_1757 : i1 to i32
        %sign3A_1759 = arith.subi %sign3A_1755, %sign3A_1758 : i32
        %sign3A_1760 = arith.constant 0 : i32
        %sign3A_1761 = arith.cmpi sgt, %jit3A_1751, %sign3A_1760 : i32
        %sign3A_1762 = arith.extui %sign3A_1761 : i1 to i32
        %sign3A_1763 = arith.constant 0 : i32
        %sign3A_1764 = arith.cmpi slt, %jit3A_1751, %sign3A_1763 : i32
        %sign3A_1765 = arith.extui %sign3A_1764 : i1 to i32
        %sign3A_1766 = arith.subi %sign3A_1762, %sign3A_1765 : i32
        %ne3A_1767 = arith.cmpi ne, %sign3A_1759, %sign3A_1766 : i32
        %rem3A_1768 = arith.remsi %add3A_1734, %jit3A_1751 : i32
        %ne3A_1769 = arith.constant 0 : i32
        %ne3A_1770 = arith.cmpi ne, %rem3A_1768, %ne3A_1769 : i32
        %and3A_1771 = arith.andi %ne3A_1767, %ne3A_1770 : i1
        %sub3A_1772 = arith.constant 1 : i32
        %sub3A_1773 = arith.subi %div3A_1752, %sub3A_1772 : i32
        %select_n3A_1774 = arith.select %and3A_1771, %sub3A_1773, %div3A_1752 : i32
        %mul3A_1775 = arith.constant 128 : i32
        %mul3A_1776 = arith.muli %select_n3A_1774, %mul3A_1775 : i32
        %dma_wait3A_1777 = tpu.memref_slice %arg9[%select_n3A_1750, %mul3A_1776] : memref<8x2048xf32, #tpu.memory_space<vmem>> -> memref<1x128xf32, #tpu.memory_space<vmem>>
        %dma_wait3A_1778 = tpu.memref_squeeze %dma_wait3A_1777 : memref<1x128xf32, #tpu.memory_space<vmem>> -> memref<128xf32, #tpu.memory_space<vmem>>
        %dma_wait3A_1779 = arith.constant 0 : i32
        %dma_wait3A_1780 = tpu.memref_slice %arg2[%dma_wait3A_1779] : memref<33554432xf32, #tpu.memory_space<hbm>> -> memref<128xf32, #tpu.memory_space<hbm>>
        %dma_wait3A_1781 = tpu.memref_slice %arg9[%select_n3A_1750, %mul3A_1776] : memref<8x2048xf32, #tpu.memory_space<vmem>> -> memref<1x128xf32, #tpu.memory_space<vmem>>
        %dma_wait3A_1782 = tpu.memref_squeeze %dma_wait3A_1781 : memref<1x128xf32, #tpu.memory_space<vmem>> -> memref<128xf32, #tpu.memory_space<vmem>>
        %dma_wait3A_1783 = arith.constant 0 : i32
        %dma_wait3A_1784 = tpu.memref_slice %arg2[%dma_wait3A_1783] : memref<33554432xf32, #tpu.memory_space<hbm>> -> memref<128xf32, #tpu.memory_space<hbm>>
        tpu.wait_dma2 semaphore(%arg10 : memref<!tpu.dma_semaphore, #tpu.memory_space<semaphore_mem>>) src(%dma_wait3A_1784 : memref<128xf32, #tpu.memory_space<hbm>>) dst(%dma_wait3A_1782 : memref<128xf32, #tpu.memory_space<vmem>>)
        %sub3A_1785 = arith.constant 16 : i32
        %sub3A_1786 = arith.subi %mul3A_227, %sub3A_1785 : i32
        %add3A_1787 = arith.constant 14 : i32
        %add3A_1788 = arith.addi %sub3A_1786, %add3A_1787 : i32
        %jit3A_1789 = arith.constant 8 : i32
        %eq3A_1790 = arith.constant 0 : i32
        %eq3A_1791 = arith.cmpi eq, %jit3A_1789, %eq3A_1790 : i32
        %jit3A_1792 = arith.constant 1 : i32
        %select_n3A_1793 = arith.select %eq3A_1791, %jit3A_1792, %jit3A_1789 : i32
        %rem3A_1794 = arith.remsi %add3A_1788, %select_n3A_1793 : i32
        %ne3A_1795 = arith.constant 0 : i32
        %ne3A_1796 = arith.cmpi ne, %rem3A_1794, %ne3A_1795 : i32
        %lt3A_1797 = arith.constant 0 : i32
        %lt3A_1798 = arith.cmpi slt, %rem3A_1794, %lt3A_1797 : i32
        %lt3A_1799 = arith.constant 0 : i32
        %lt3A_1800 = arith.cmpi slt, %select_n3A_1793, %lt3A_1799 : i32
        %ne3A_1801 = arith.xori %lt3A_1798, %lt3A_1800 : i1
        %and3A_1802 = arith.andi %ne3A_1801, %ne3A_1796 : i1
        %add3A_1803 = arith.addi %rem3A_1794, %select_n3A_1793 : i32
        %select_n3A_1804 = arith.select %and3A_1802, %add3A_1803, %rem3A_1794 : i32
        %jit3A_1805 = arith.constant 8 : i32
        %div3A_1806 = arith.divsi %add3A_1788, %jit3A_1805 : i32
        %sign3A_1807 = arith.constant 0 : i32
        %sign3A_1808 = arith.cmpi sgt, %add3A_1788, %sign3A_1807 : i32
        %sign3A_1809 = arith.extui %sign3A_1808 : i1 to i32
        %sign3A_1810 = arith.constant 0 : i32
        %sign3A_1811 = arith.cmpi slt, %add3A_1788, %sign3A_1810 : i32
        %sign3A_1812 = arith.extui %sign3A_1811 : i1 to i32
        %sign3A_1813 = arith.subi %sign3A_1809, %sign3A_1812 : i32
        %sign3A_1814 = arith.constant 0 : i32
        %sign3A_1815 = arith.cmpi sgt, %jit3A_1805, %sign3A_1814 : i32
        %sign3A_1816 = arith.extui %sign3A_1815 : i1 to i32
        %sign3A_1817 = arith.constant 0 : i32
        %sign3A_1818 = arith.cmpi slt, %jit3A_1805, %sign3A_1817 : i32
        %sign3A_1819 = arith.extui %sign3A_1818 : i1 to i32
        %sign3A_1820 = arith.subi %sign3A_1816, %sign3A_1819 : i32
        %ne3A_1821 = arith.cmpi ne, %sign3A_1813, %sign3A_1820 : i32
        %rem3A_1822 = arith.remsi %add3A_1788, %jit3A_1805 : i32
        %ne3A_1823 = arith.constant 0 : i32
        %ne3A_1824 = arith.cmpi ne, %rem3A_1822, %ne3A_1823 : i32
        %and3A_1825 = arith.andi %ne3A_1821, %ne3A_1824 : i1
        %sub3A_1826 = arith.constant 1 : i32
        %sub3A_1827 = arith.subi %div3A_1806, %sub3A_1826 : i32
        %select_n3A_1828 = arith.select %and3A_1825, %sub3A_1827, %div3A_1806 : i32
        %mul3A_1829 = arith.constant 128 : i32
        %mul3A_1830 = arith.muli %select_n3A_1828, %mul3A_1829 : i32
        %dma_wait3A_1831 = tpu.memref_slice %arg9[%select_n3A_1804, %mul3A_1830] : memref<8x2048xf32, #tpu.memory_space<vmem>> -> memref<1x128xf32, #tpu.memory_space<vmem>>
        %dma_wait3A_1832 = tpu.memref_squeeze %dma_wait3A_1831 : memref<1x128xf32, #tpu.memory_space<vmem>> -> memref<128xf32, #tpu.memory_space<vmem>>
        %dma_wait3A_1833 = arith.constant 0 : i32
        %dma_wait3A_1834 = tpu.memref_slice %arg2[%dma_wait3A_1833] : memref<33554432xf32, #tpu.memory_space<hbm>> -> memref<128xf32, #tpu.memory_space<hbm>>
        %dma_wait3A_1835 = tpu.memref_slice %arg9[%select_n3A_1804, %mul3A_1830] : memref<8x2048xf32, #tpu.memory_space<vmem>> -> memref<1x128xf32, #tpu.memory_space<vmem>>
        %dma_wait3A_1836 = tpu.memref_squeeze %dma_wait3A_1835 : memref<1x128xf32, #tpu.memory_space<vmem>> -> memref<128xf32, #tpu.memory_space<vmem>>
        %dma_wait3A_1837 = arith.constant 0 : i32
        %dma_wait3A_1838 = tpu.memref_slice %arg2[%dma_wait3A_1837] : memref<33554432xf32, #tpu.memory_space<hbm>> -> memref<128xf32, #tpu.memory_space<hbm>>
        tpu.wait_dma2 semaphore(%arg10 : memref<!tpu.dma_semaphore, #tpu.memory_space<semaphore_mem>>) src(%dma_wait3A_1838 : memref<128xf32, #tpu.memory_space<hbm>>) dst(%dma_wait3A_1836 : memref<128xf32, #tpu.memory_space<vmem>>)
        %sub3A_1839 = arith.constant 16 : i32
        %sub3A_1840 = arith.subi %mul3A_227, %sub3A_1839 : i32
        %add3A_1841 = arith.constant 15 : i32
        %add3A_1842 = arith.addi %sub3A_1840, %add3A_1841 : i32
        %jit3A_1843 = arith.constant 8 : i32
        %eq3A_1844 = arith.constant 0 : i32
        %eq3A_1845 = arith.cmpi eq, %jit3A_1843, %eq3A_1844 : i32
        %jit3A_1846 = arith.constant 1 : i32
        %select_n3A_1847 = arith.select %eq3A_1845, %jit3A_1846, %jit3A_1843 : i32
        %rem3A_1848 = arith.remsi %add3A_1842, %select_n3A_1847 : i32
        %ne3A_1849 = arith.constant 0 : i32
        %ne3A_1850 = arith.cmpi ne, %rem3A_1848, %ne3A_1849 : i32
        %lt3A_1851 = arith.constant 0 : i32
        %lt3A_1852 = arith.cmpi slt, %rem3A_1848, %lt3A_1851 : i32
        %lt3A_1853 = arith.constant 0 : i32
        %lt3A_1854 = arith.cmpi slt, %select_n3A_1847, %lt3A_1853 : i32
        %ne3A_1855 = arith.xori %lt3A_1852, %lt3A_1854 : i1
        %and3A_1856 = arith.andi %ne3A_1855, %ne3A_1850 : i1
        %add3A_1857 = arith.addi %rem3A_1848, %select_n3A_1847 : i32
        %select_n3A_1858 = arith.select %and3A_1856, %add3A_1857, %rem3A_1848 : i32
        %jit3A_1859 = arith.constant 8 : i32
        %div3A_1860 = arith.divsi %add3A_1842, %jit3A_1859 : i32
        %sign3A_1861 = arith.constant 0 : i32
        %sign3A_1862 = arith.cmpi sgt, %add3A_1842, %sign3A_1861 : i32
        %sign3A_1863 = arith.extui %sign3A_1862 : i1 to i32
        %sign3A_1864 = arith.constant 0 : i32
        %sign3A_1865 = arith.cmpi slt, %add3A_1842, %sign3A_1864 : i32
        %sign3A_1866 = arith.extui %sign3A_1865 : i1 to i32
        %sign3A_1867 = arith.subi %sign3A_1863, %sign3A_1866 : i32
        %sign3A_1868 = arith.constant 0 : i32
        %sign3A_1869 = arith.cmpi sgt, %jit3A_1859, %sign3A_1868 : i32
        %sign3A_1870 = arith.extui %sign3A_1869 : i1 to i32
        %sign3A_1871 = arith.constant 0 : i32
        %sign3A_1872 = arith.cmpi slt, %jit3A_1859, %sign3A_1871 : i32
        %sign3A_1873 = arith.extui %sign3A_1872 : i1 to i32
        %sign3A_1874 = arith.subi %sign3A_1870, %sign3A_1873 : i32
        %ne3A_1875 = arith.cmpi ne, %sign3A_1867, %sign3A_1874 : i32
        %rem3A_1876 = arith.remsi %add3A_1842, %jit3A_1859 : i32
        %ne3A_1877 = arith.constant 0 : i32
        %ne3A_1878 = arith.cmpi ne, %rem3A_1876, %ne3A_1877 : i32
        %and3A_1879 = arith.andi %ne3A_1875, %ne3A_1878 : i1
        %sub3A_1880 = arith.constant 1 : i32
        %sub3A_1881 = arith.subi %div3A_1860, %sub3A_1880 : i32
        %select_n3A_1882 = arith.select %and3A_1879, %sub3A_1881, %div3A_1860 : i32
        %mul3A_1883 = arith.constant 128 : i32
        %mul3A_1884 = arith.muli %select_n3A_1882, %mul3A_1883 : i32
        %dma_wait3A_1885 = tpu.memref_slice %arg9[%select_n3A_1858, %mul3A_1884] : memref<8x2048xf32, #tpu.memory_space<vmem>> -> memref<1x128xf32, #tpu.memory_space<vmem>>
        %dma_wait3A_1886 = tpu.memref_squeeze %dma_wait3A_1885 : memref<1x128xf32, #tpu.memory_space<vmem>> -> memref<128xf32, #tpu.memory_space<vmem>>
        %dma_wait3A_1887 = arith.constant 0 : i32
        %dma_wait3A_1888 = tpu.memref_slice %arg2[%dma_wait3A_1887] : memref<33554432xf32, #tpu.memory_space<hbm>> -> memref<128xf32, #tpu.memory_space<hbm>>
        %dma_wait3A_1889 = tpu.memref_slice %arg9[%select_n3A_1858, %mul3A_1884] : memref<8x2048xf32, #tpu.memory_space<vmem>> -> memref<1x128xf32, #tpu.memory_space<vmem>>
        %dma_wait3A_1890 = tpu.memref_squeeze %dma_wait3A_1889 : memref<1x128xf32, #tpu.memory_space<vmem>> -> memref<128xf32, #tpu.memory_space<vmem>>
        %dma_wait3A_1891 = arith.constant 0 : i32
        %dma_wait3A_1892 = tpu.memref_slice %arg2[%dma_wait3A_1891] : memref<33554432xf32, #tpu.memory_space<hbm>> -> memref<128xf32, #tpu.memory_space<hbm>>
        tpu.wait_dma2 semaphore(%arg10 : memref<!tpu.dma_semaphore, #tpu.memory_space<semaphore_mem>>) src(%dma_wait3A_1892 : memref<128xf32, #tpu.memory_space<hbm>>) dst(%dma_wait3A_1890 : memref<128xf32, #tpu.memory_space<vmem>>)
      } else {
      }
    }
    %scan3A_49 = arith.constant 8 : i32
    %dma_wait3A = arith.constant 0 : i32
    %dma_wait3A_50 = arith.constant 1792 : i32
    %dma_wait3A_51 = tpu.memref_slice %arg9[%dma_wait3A, %dma_wait3A_50] : memref<8x2048xf32, #tpu.memory_space<vmem>> -> memref<1x128xf32, #tpu.memory_space<vmem>>
    %dma_wait3A_52 = tpu.memref_squeeze %dma_wait3A_51 : memref<1x128xf32, #tpu.memory_space<vmem>> -> memref<128xf32, #tpu.memory_space<vmem>>
    %dma_wait3A_53 = arith.constant 0 : i32
    %dma_wait3A_54 = tpu.memref_slice %arg2[%dma_wait3A_53] : memref<33554432xf32, #tpu.memory_space<hbm>> -> memref<128xf32, #tpu.memory_space<hbm>>
    %dma_wait3A_55 = arith.constant 1792 : i32
    %dma_wait3A_56 = tpu.memref_slice %arg9[%dma_wait3A, %dma_wait3A_55] : memref<8x2048xf32, #tpu.memory_space<vmem>> -> memref<1x128xf32, #tpu.memory_space<vmem>>
    %dma_wait3A_57 = tpu.memref_squeeze %dma_wait3A_56 : memref<1x128xf32, #tpu.memory_space<vmem>> -> memref<128xf32, #tpu.memory_space<vmem>>
    %dma_wait3A_58 = arith.constant 0 : i32
    %dma_wait3A_59 = tpu.memref_slice %arg2[%dma_wait3A_58] : memref<33554432xf32, #tpu.memory_space<hbm>> -> memref<128xf32, #tpu.memory_space<hbm>>
    tpu.wait_dma2 semaphore(%arg10 : memref<!tpu.dma_semaphore, #tpu.memory_space<semaphore_mem>>) src(%dma_wait3A_59 : memref<128xf32, #tpu.memory_space<hbm>>) dst(%dma_wait3A_57 : memref<128xf32, #tpu.memory_space<vmem>>)
    %dma_wait3A_60 = arith.constant 1 : i32
    %dma_wait3A_61 = arith.constant 1792 : i32
    %dma_wait3A_62 = tpu.memref_slice %arg9[%dma_wait3A_60, %dma_wait3A_61] : memref<8x2048xf32, #tpu.memory_space<vmem>> -> memref<1x128xf32, #tpu.memory_space<vmem>>
    %dma_wait3A_63 = tpu.memref_squeeze %dma_wait3A_62 : memref<1x128xf32, #tpu.memory_space<vmem>> -> memref<128xf32, #tpu.memory_space<vmem>>
    %dma_wait3A_64 = arith.constant 0 : i32
    %dma_wait3A_65 = tpu.memref_slice %arg2[%dma_wait3A_64] : memref<33554432xf32, #tpu.memory_space<hbm>> -> memref<128xf32, #tpu.memory_space<hbm>>
    %dma_wait3A_66 = arith.constant 1792 : i32
    %dma_wait3A_67 = tpu.memref_slice %arg9[%dma_wait3A_60, %dma_wait3A_66] : memref<8x2048xf32, #tpu.memory_space<vmem>> -> memref<1x128xf32, #tpu.memory_space<vmem>>
    %dma_wait3A_68 = tpu.memref_squeeze %dma_wait3A_67 : memref<1x128xf32, #tpu.memory_space<vmem>> -> memref<128xf32, #tpu.memory_space<vmem>>
    %dma_wait3A_69 = arith.constant 0 : i32
    %dma_wait3A_70 = tpu.memref_slice %arg2[%dma_wait3A_69] : memref<33554432xf32, #tpu.memory_space<hbm>> -> memref<128xf32, #tpu.memory_space<hbm>>
    tpu.wait_dma2 semaphore(%arg10 : memref<!tpu.dma_semaphore, #tpu.memory_space<semaphore_mem>>) src(%dma_wait3A_70 : memref<128xf32, #tpu.memory_space<hbm>>) dst(%dma_wait3A_68 : memref<128xf32, #tpu.memory_space<vmem>>)
    %dma_wait3A_71 = arith.constant 2 : i32
    %dma_wait3A_72 = arith.constant 1792 : i32
    %dma_wait3A_73 = tpu.memref_slice %arg9[%dma_wait3A_71, %dma_wait3A_72] : memref<8x2048xf32, #tpu.memory_space<vmem>> -> memref<1x128xf32, #tpu.memory_space<vmem>>
    %dma_wait3A_74 = tpu.memref_squeeze %dma_wait3A_73 : memref<1x128xf32, #tpu.memory_space<vmem>> -> memref<128xf32, #tpu.memory_space<vmem>>
    %dma_wait3A_75 = arith.constant 0 : i32
    %dma_wait3A_76 = tpu.memref_slice %arg2[%dma_wait3A_75] : memref<33554432xf32, #tpu.memory_space<hbm>> -> memref<128xf32, #tpu.memory_space<hbm>>
    %dma_wait3A_77 = arith.constant 1792 : i32
    %dma_wait3A_78 = tpu.memref_slice %arg9[%dma_wait3A_71, %dma_wait3A_77] : memref<8x2048xf32, #tpu.memory_space<vmem>> -> memref<1x128xf32, #tpu.memory_space<vmem>>
    %dma_wait3A_79 = tpu.memref_squeeze %dma_wait3A_78 : memref<1x128xf32, #tpu.memory_space<vmem>> -> memref<128xf32, #tpu.memory_space<vmem>>
    %dma_wait3A_80 = arith.constant 0 : i32
    %dma_wait3A_81 = tpu.memref_slice %arg2[%dma_wait3A_80] : memref<33554432xf32, #tpu.memory_space<hbm>> -> memref<128xf32, #tpu.memory_space<hbm>>
    tpu.wait_dma2 semaphore(%arg10 : memref<!tpu.dma_semaphore, #tpu.memory_space<semaphore_mem>>) src(%dma_wait3A_81 : memref<128xf32, #tpu.memory_space<hbm>>) dst(%dma_wait3A_79 : memref<128xf32, #tpu.memory_space<vmem>>)
    %dma_wait3A_82 = arith.constant 3 : i32
    %dma_wait3A_83 = arith.constant 1792 : i32
    %dma_wait3A_84 = tpu.memref_slice %arg9[%dma_wait3A_82, %dma_wait3A_83] : memref<8x2048xf32, #tpu.memory_space<vmem>> -> memref<1x128xf32, #tpu.memory_space<vmem>>
    %dma_wait3A_85 = tpu.memref_squeeze %dma_wait3A_84 : memref<1x128xf32, #tpu.memory_space<vmem>> -> memref<128xf32, #tpu.memory_space<vmem>>
    %dma_wait3A_86 = arith.constant 0 : i32
    %dma_wait3A_87 = tpu.memref_slice %arg2[%dma_wait3A_86] : memref<33554432xf32, #tpu.memory_space<hbm>> -> memref<128xf32, #tpu.memory_space<hbm>>
    %dma_wait3A_88 = arith.constant 1792 : i32
    %dma_wait3A_89 = tpu.memref_slice %arg9[%dma_wait3A_82, %dma_wait3A_88] : memref<8x2048xf32, #tpu.memory_space<vmem>> -> memref<1x128xf32, #tpu.memory_space<vmem>>
    %dma_wait3A_90 = tpu.memref_squeeze %dma_wait3A_89 : memref<1x128xf32, #tpu.memory_space<vmem>> -> memref<128xf32, #tpu.memory_space<vmem>>
    %dma_wait3A_91 = arith.constant 0 : i32
    %dma_wait3A_92 = tpu.memref_slice %arg2[%dma_wait3A_91] : memref<33554432xf32, #tpu.memory_space<hbm>> -> memref<128xf32, #tpu.memory_space<hbm>>
    tpu.wait_dma2 semaphore(%arg10 : memref<!tpu.dma_semaphore, #tpu.memory_space<semaphore_mem>>) src(%dma_wait3A_92 : memref<128xf32, #tpu.memory_space<hbm>>) dst(%dma_wait3A_90 : memref<128xf32, #tpu.memory_space<vmem>>)
    %dma_wait3A_93 = arith.constant 4 : i32
    %dma_wait3A_94 = arith.constant 1792 : i32
    %dma_wait3A_95 = tpu.memref_slice %arg9[%dma_wait3A_93, %dma_wait3A_94] : memref<8x2048xf32, #tpu.memory_space<vmem>> -> memref<1x128xf32, #tpu.memory_space<vmem>>
    %dma_wait3A_96 = tpu.memref_squeeze %dma_wait3A_95 : memref<1x128xf32, #tpu.memory_space<vmem>> -> memref<128xf32, #tpu.memory_space<vmem>>
    %dma_wait3A_97 = arith.constant 0 : i32
    %dma_wait3A_98 = tpu.memref_slice %arg2[%dma_wait3A_97] : memref<33554432xf32, #tpu.memory_space<hbm>> -> memref<128xf32, #tpu.memory_space<hbm>>
    %dma_wait3A_99 = arith.constant 1792 : i32
    %dma_wait3A_100 = tpu.memref_slice %arg9[%dma_wait3A_93, %dma_wait3A_99] : memref<8x2048xf32, #tpu.memory_space<vmem>> -> memref<1x128xf32, #tpu.memory_space<vmem>>
    %dma_wait3A_101 = tpu.memref_squeeze %dma_wait3A_100 : memref<1x128xf32, #tpu.memory_space<vmem>> -> memref<128xf32, #tpu.memory_space<vmem>>
    %dma_wait3A_102 = arith.constant 0 : i32
    %dma_wait3A_103 = tpu.memref_slice %arg2[%dma_wait3A_102] : memref<33554432xf32, #tpu.memory_space<hbm>> -> memref<128xf32, #tpu.memory_space<hbm>>
    tpu.wait_dma2 semaphore(%arg10 : memref<!tpu.dma_semaphore, #tpu.memory_space<semaphore_mem>>) src(%dma_wait3A_103 : memref<128xf32, #tpu.memory_space<hbm>>) dst(%dma_wait3A_101 : memref<128xf32, #tpu.memory_space<vmem>>)
    %dma_wait3A_104 = arith.constant 5 : i32
    %dma_wait3A_105 = arith.constant 1792 : i32
    %dma_wait3A_106 = tpu.memref_slice %arg9[%dma_wait3A_104, %dma_wait3A_105] : memref<8x2048xf32, #tpu.memory_space<vmem>> -> memref<1x128xf32, #tpu.memory_space<vmem>>
    %dma_wait3A_107 = tpu.memref_squeeze %dma_wait3A_106 : memref<1x128xf32, #tpu.memory_space<vmem>> -> memref<128xf32, #tpu.memory_space<vmem>>
    %dma_wait3A_108 = arith.constant 0 : i32
    %dma_wait3A_109 = tpu.memref_slice %arg2[%dma_wait3A_108] : memref<33554432xf32, #tpu.memory_space<hbm>> -> memref<128xf32, #tpu.memory_space<hbm>>
    %dma_wait3A_110 = arith.constant 1792 : i32
    %dma_wait3A_111 = tpu.memref_slice %arg9[%dma_wait3A_104, %dma_wait3A_110] : memref<8x2048xf32, #tpu.memory_space<vmem>> -> memref<1x128xf32, #tpu.memory_space<vmem>>
    %dma_wait3A_112 = tpu.memref_squeeze %dma_wait3A_111 : memref<1x128xf32, #tpu.memory_space<vmem>> -> memref<128xf32, #tpu.memory_space<vmem>>
    %dma_wait3A_113 = arith.constant 0 : i32
    %dma_wait3A_114 = tpu.memref_slice %arg2[%dma_wait3A_113] : memref<33554432xf32, #tpu.memory_space<hbm>> -> memref<128xf32, #tpu.memory_space<hbm>>
    tpu.wait_dma2 semaphore(%arg10 : memref<!tpu.dma_semaphore, #tpu.memory_space<semaphore_mem>>) src(%dma_wait3A_114 : memref<128xf32, #tpu.memory_space<hbm>>) dst(%dma_wait3A_112 : memref<128xf32, #tpu.memory_space<vmem>>)
    %dma_wait3A_115 = arith.constant 6 : i32
    %dma_wait3A_116 = arith.constant 1792 : i32
    %dma_wait3A_117 = tpu.memref_slice %arg9[%dma_wait3A_115, %dma_wait3A_116] : memref<8x2048xf32, #tpu.memory_space<vmem>> -> memref<1x128xf32, #tpu.memory_space<vmem>>
    %dma_wait3A_118 = tpu.memref_squeeze %dma_wait3A_117 : memref<1x128xf32, #tpu.memory_space<vmem>> -> memref<128xf32, #tpu.memory_space<vmem>>
    %dma_wait3A_119 = arith.constant 0 : i32
    %dma_wait3A_120 = tpu.memref_slice %arg2[%dma_wait3A_119] : memref<33554432xf32, #tpu.memory_space<hbm>> -> memref<128xf32, #tpu.memory_space<hbm>>
    %dma_wait3A_121 = arith.constant 1792 : i32
    %dma_wait3A_122 = tpu.memref_slice %arg9[%dma_wait3A_115, %dma_wait3A_121] : memref<8x2048xf32, #tpu.memory_space<vmem>> -> memref<1x128xf32, #tpu.memory_space<vmem>>
    %dma_wait3A_123 = tpu.memref_squeeze %dma_wait3A_122 : memref<1x128xf32, #tpu.memory_space<vmem>> -> memref<128xf32, #tpu.memory_space<vmem>>
    %dma_wait3A_124 = arith.constant 0 : i32
    %dma_wait3A_125 = tpu.memref_slice %arg2[%dma_wait3A_124] : memref<33554432xf32, #tpu.memory_space<hbm>> -> memref<128xf32, #tpu.memory_space<hbm>>
    tpu.wait_dma2 semaphore(%arg10 : memref<!tpu.dma_semaphore, #tpu.memory_space<semaphore_mem>>) src(%dma_wait3A_125 : memref<128xf32, #tpu.memory_space<hbm>>) dst(%dma_wait3A_123 : memref<128xf32, #tpu.memory_space<vmem>>)
    %dma_wait3A_126 = arith.constant 7 : i32
    %dma_wait3A_127 = arith.constant 1792 : i32
    %dma_wait3A_128 = tpu.memref_slice %arg9[%dma_wait3A_126, %dma_wait3A_127] : memref<8x2048xf32, #tpu.memory_space<vmem>> -> memref<1x128xf32, #tpu.memory_space<vmem>>
    %dma_wait3A_129 = tpu.memref_squeeze %dma_wait3A_128 : memref<1x128xf32, #tpu.memory_space<vmem>> -> memref<128xf32, #tpu.memory_space<vmem>>
    %dma_wait3A_130 = arith.constant 0 : i32
    %dma_wait3A_131 = tpu.memref_slice %arg2[%dma_wait3A_130] : memref<33554432xf32, #tpu.memory_space<hbm>> -> memref<128xf32, #tpu.memory_space<hbm>>
    %dma_wait3A_132 = arith.constant 1792 : i32
    %dma_wait3A_133 = tpu.memref_slice %arg9[%dma_wait3A_126, %dma_wait3A_132] : memref<8x2048xf32, #tpu.memory_space<vmem>> -> memref<1x128xf32, #tpu.memory_space<vmem>>
    %dma_wait3A_134 = tpu.memref_squeeze %dma_wait3A_133 : memref<1x128xf32, #tpu.memory_space<vmem>> -> memref<128xf32, #tpu.memory_space<vmem>>
    %dma_wait3A_135 = arith.constant 0 : i32
    %dma_wait3A_136 = tpu.memref_slice %arg2[%dma_wait3A_135] : memref<33554432xf32, #tpu.memory_space<hbm>> -> memref<128xf32, #tpu.memory_space<hbm>>
    tpu.wait_dma2 semaphore(%arg10 : memref<!tpu.dma_semaphore, #tpu.memory_space<semaphore_mem>>) src(%dma_wait3A_136 : memref<128xf32, #tpu.memory_space<hbm>>) dst(%dma_wait3A_134 : memref<128xf32, #tpu.memory_space<vmem>>)
    %dma_wait3A_137 = arith.constant 0 : i32
    %dma_wait3A_138 = arith.constant 1920 : i32
    %dma_wait3A_139 = tpu.memref_slice %arg9[%dma_wait3A_137, %dma_wait3A_138] : memref<8x2048xf32, #tpu.memory_space<vmem>> -> memref<1x128xf32, #tpu.memory_space<vmem>>
    %dma_wait3A_140 = tpu.memref_squeeze %dma_wait3A_139 : memref<1x128xf32, #tpu.memory_space<vmem>> -> memref<128xf32, #tpu.memory_space<vmem>>
    %dma_wait3A_141 = arith.constant 0 : i32
    %dma_wait3A_142 = tpu.memref_slice %arg2[%dma_wait3A_141] : memref<33554432xf32, #tpu.memory_space<hbm>> -> memref<128xf32, #tpu.memory_space<hbm>>
    %dma_wait3A_143 = arith.constant 1920 : i32
    %dma_wait3A_144 = tpu.memref_slice %arg9[%dma_wait3A_137, %dma_wait3A_143] : memref<8x2048xf32, #tpu.memory_space<vmem>> -> memref<1x128xf32, #tpu.memory_space<vmem>>
    %dma_wait3A_145 = tpu.memref_squeeze %dma_wait3A_144 : memref<1x128xf32, #tpu.memory_space<vmem>> -> memref<128xf32, #tpu.memory_space<vmem>>
    %dma_wait3A_146 = arith.constant 0 : i32
    %dma_wait3A_147 = tpu.memref_slice %arg2[%dma_wait3A_146] : memref<33554432xf32, #tpu.memory_space<hbm>> -> memref<128xf32, #tpu.memory_space<hbm>>
    tpu.wait_dma2 semaphore(%arg10 : memref<!tpu.dma_semaphore, #tpu.memory_space<semaphore_mem>>) src(%dma_wait3A_147 : memref<128xf32, #tpu.memory_space<hbm>>) dst(%dma_wait3A_145 : memref<128xf32, #tpu.memory_space<vmem>>)
    %dma_wait3A_148 = arith.constant 1 : i32
    %dma_wait3A_149 = arith.constant 1920 : i32
    %dma_wait3A_150 = tpu.memref_slice %arg9[%dma_wait3A_148, %dma_wait3A_149] : memref<8x2048xf32, #tpu.memory_space<vmem>> -> memref<1x128xf32, #tpu.memory_space<vmem>>
    %dma_wait3A_151 = tpu.memref_squeeze %dma_wait3A_150 : memref<1x128xf32, #tpu.memory_space<vmem>> -> memref<128xf32, #tpu.memory_space<vmem>>
    %dma_wait3A_152 = arith.constant 0 : i32
    %dma_wait3A_153 = tpu.memref_slice %arg2[%dma_wait3A_152] : memref<33554432xf32, #tpu.memory_space<hbm>> -> memref<128xf32, #tpu.memory_space<hbm>>
    %dma_wait3A_154 = arith.constant 1920 : i32
    %dma_wait3A_155 = tpu.memref_slice %arg9[%dma_wait3A_148, %dma_wait3A_154] : memref<8x2048xf32, #tpu.memory_space<vmem>> -> memref<1x128xf32, #tpu.memory_space<vmem>>
    %dma_wait3A_156 = tpu.memref_squeeze %dma_wait3A_155 : memref<1x128xf32, #tpu.memory_space<vmem>> -> memref<128xf32, #tpu.memory_space<vmem>>
    %dma_wait3A_157 = arith.constant 0 : i32
    %dma_wait3A_158 = tpu.memref_slice %arg2[%dma_wait3A_157] : memref<33554432xf32, #tpu.memory_space<hbm>> -> memref<128xf32, #tpu.memory_space<hbm>>
    tpu.wait_dma2 semaphore(%arg10 : memref<!tpu.dma_semaphore, #tpu.memory_space<semaphore_mem>>) src(%dma_wait3A_158 : memref<128xf32, #tpu.memory_space<hbm>>) dst(%dma_wait3A_156 : memref<128xf32, #tpu.memory_space<vmem>>)
    %dma_wait3A_159 = arith.constant 2 : i32
    %dma_wait3A_160 = arith.constant 1920 : i32
    %dma_wait3A_161 = tpu.memref_slice %arg9[%dma_wait3A_159, %dma_wait3A_160] : memref<8x2048xf32, #tpu.memory_space<vmem>> -> memref<1x128xf32, #tpu.memory_space<vmem>>
    %dma_wait3A_162 = tpu.memref_squeeze %dma_wait3A_161 : memref<1x128xf32, #tpu.memory_space<vmem>> -> memref<128xf32, #tpu.memory_space<vmem>>
    %dma_wait3A_163 = arith.constant 0 : i32
    %dma_wait3A_164 = tpu.memref_slice %arg2[%dma_wait3A_163] : memref<33554432xf32, #tpu.memory_space<hbm>> -> memref<128xf32, #tpu.memory_space<hbm>>
    %dma_wait3A_165 = arith.constant 1920 : i32
    %dma_wait3A_166 = tpu.memref_slice %arg9[%dma_wait3A_159, %dma_wait3A_165] : memref<8x2048xf32, #tpu.memory_space<vmem>> -> memref<1x128xf32, #tpu.memory_space<vmem>>
    %dma_wait3A_167 = tpu.memref_squeeze %dma_wait3A_166 : memref<1x128xf32, #tpu.memory_space<vmem>> -> memref<128xf32, #tpu.memory_space<vmem>>
    %dma_wait3A_168 = arith.constant 0 : i32
    %dma_wait3A_169 = tpu.memref_slice %arg2[%dma_wait3A_168] : memref<33554432xf32, #tpu.memory_space<hbm>> -> memref<128xf32, #tpu.memory_space<hbm>>
    tpu.wait_dma2 semaphore(%arg10 : memref<!tpu.dma_semaphore, #tpu.memory_space<semaphore_mem>>) src(%dma_wait3A_169 : memref<128xf32, #tpu.memory_space<hbm>>) dst(%dma_wait3A_167 : memref<128xf32, #tpu.memory_space<vmem>>)
    %dma_wait3A_170 = arith.constant 3 : i32
    %dma_wait3A_171 = arith.constant 1920 : i32
    %dma_wait3A_172 = tpu.memref_slice %arg9[%dma_wait3A_170, %dma_wait3A_171] : memref<8x2048xf32, #tpu.memory_space<vmem>> -> memref<1x128xf32, #tpu.memory_space<vmem>>
    %dma_wait3A_173 = tpu.memref_squeeze %dma_wait3A_172 : memref<1x128xf32, #tpu.memory_space<vmem>> -> memref<128xf32, #tpu.memory_space<vmem>>
    %dma_wait3A_174 = arith.constant 0 : i32
    %dma_wait3A_175 = tpu.memref_slice %arg2[%dma_wait3A_174] : memref<33554432xf32, #tpu.memory_space<hbm>> -> memref<128xf32, #tpu.memory_space<hbm>>
    %dma_wait3A_176 = arith.constant 1920 : i32
    %dma_wait3A_177 = tpu.memref_slice %arg9[%dma_wait3A_170, %dma_wait3A_176] : memref<8x2048xf32, #tpu.memory_space<vmem>> -> memref<1x128xf32, #tpu.memory_space<vmem>>
    %dma_wait3A_178 = tpu.memref_squeeze %dma_wait3A_177 : memref<1x128xf32, #tpu.memory_space<vmem>> -> memref<128xf32, #tpu.memory_space<vmem>>
    %dma_wait3A_179 = arith.constant 0 : i32
    %dma_wait3A_180 = tpu.memref_slice %arg2[%dma_wait3A_179] : memref<33554432xf32, #tpu.memory_space<hbm>> -> memref<128xf32, #tpu.memory_space<hbm>>
    tpu.wait_dma2 semaphore(%arg10 : memref<!tpu.dma_semaphore, #tpu.memory_space<semaphore_mem>>) src(%dma_wait3A_180 : memref<128xf32, #tpu.memory_space<hbm>>) dst(%dma_wait3A_178 : memref<128xf32, #tpu.memory_space<vmem>>)
    %dma_wait3A_181 = arith.constant 4 : i32
    %dma_wait3A_182 = arith.constant 1920 : i32
    %dma_wait3A_183 = tpu.memref_slice %arg9[%dma_wait3A_181, %dma_wait3A_182] : memref<8x2048xf32, #tpu.memory_space<vmem>> -> memref<1x128xf32, #tpu.memory_space<vmem>>
    %dma_wait3A_184 = tpu.memref_squeeze %dma_wait3A_183 : memref<1x128xf32, #tpu.memory_space<vmem>> -> memref<128xf32, #tpu.memory_space<vmem>>
    %dma_wait3A_185 = arith.constant 0 : i32
    %dma_wait3A_186 = tpu.memref_slice %arg2[%dma_wait3A_185] : memref<33554432xf32, #tpu.memory_space<hbm>> -> memref<128xf32, #tpu.memory_space<hbm>>
    %dma_wait3A_187 = arith.constant 1920 : i32
    %dma_wait3A_188 = tpu.memref_slice %arg9[%dma_wait3A_181, %dma_wait3A_187] : memref<8x2048xf32, #tpu.memory_space<vmem>> -> memref<1x128xf32, #tpu.memory_space<vmem>>
    %dma_wait3A_189 = tpu.memref_squeeze %dma_wait3A_188 : memref<1x128xf32, #tpu.memory_space<vmem>> -> memref<128xf32, #tpu.memory_space<vmem>>
    %dma_wait3A_190 = arith.constant 0 : i32
    %dma_wait3A_191 = tpu.memref_slice %arg2[%dma_wait3A_190] : memref<33554432xf32, #tpu.memory_space<hbm>> -> memref<128xf32, #tpu.memory_space<hbm>>
    tpu.wait_dma2 semaphore(%arg10 : memref<!tpu.dma_semaphore, #tpu.memory_space<semaphore_mem>>) src(%dma_wait3A_191 : memref<128xf32, #tpu.memory_space<hbm>>) dst(%dma_wait3A_189 : memref<128xf32, #tpu.memory_space<vmem>>)
    %dma_wait3A_192 = arith.constant 5 : i32
    %dma_wait3A_193 = arith.constant 1920 : i32
    %dma_wait3A_194 = tpu.memref_slice %arg9[%dma_wait3A_192, %dma_wait3A_193] : memref<8x2048xf32, #tpu.memory_space<vmem>> -> memref<1x128xf32, #tpu.memory_space<vmem>>
    %dma_wait3A_195 = tpu.memref_squeeze %dma_wait3A_194 : memref<1x128xf32, #tpu.memory_space<vmem>> -> memref<128xf32, #tpu.memory_space<vmem>>
    %dma_wait3A_196 = arith.constant 0 : i32
    %dma_wait3A_197 = tpu.memref_slice %arg2[%dma_wait3A_196] : memref<33554432xf32, #tpu.memory_space<hbm>> -> memref<128xf32, #tpu.memory_space<hbm>>
    %dma_wait3A_198 = arith.constant 1920 : i32
    %dma_wait3A_199 = tpu.memref_slice %arg9[%dma_wait3A_192, %dma_wait3A_198] : memref<8x2048xf32, #tpu.memory_space<vmem>> -> memref<1x128xf32, #tpu.memory_space<vmem>>
    %dma_wait3A_200 = tpu.memref_squeeze %dma_wait3A_199 : memref<1x128xf32, #tpu.memory_space<vmem>> -> memref<128xf32, #tpu.memory_space<vmem>>
    %dma_wait3A_201 = arith.constant 0 : i32
    %dma_wait3A_202 = tpu.memref_slice %arg2[%dma_wait3A_201] : memref<33554432xf32, #tpu.memory_space<hbm>> -> memref<128xf32, #tpu.memory_space<hbm>>
    tpu.wait_dma2 semaphore(%arg10 : memref<!tpu.dma_semaphore, #tpu.memory_space<semaphore_mem>>) src(%dma_wait3A_202 : memref<128xf32, #tpu.memory_space<hbm>>) dst(%dma_wait3A_200 : memref<128xf32, #tpu.memory_space<vmem>>)
    %dma_wait3A_203 = arith.constant 6 : i32
    %dma_wait3A_204 = arith.constant 1920 : i32
    %dma_wait3A_205 = tpu.memref_slice %arg9[%dma_wait3A_203, %dma_wait3A_204] : memref<8x2048xf32, #tpu.memory_space<vmem>> -> memref<1x128xf32, #tpu.memory_space<vmem>>
    %dma_wait3A_206 = tpu.memref_squeeze %dma_wait3A_205 : memref<1x128xf32, #tpu.memory_space<vmem>> -> memref<128xf32, #tpu.memory_space<vmem>>
    %dma_wait3A_207 = arith.constant 0 : i32
    %dma_wait3A_208 = tpu.memref_slice %arg2[%dma_wait3A_207] : memref<33554432xf32, #tpu.memory_space<hbm>> -> memref<128xf32, #tpu.memory_space<hbm>>
    %dma_wait3A_209 = arith.constant 1920 : i32
    %dma_wait3A_210 = tpu.memref_slice %arg9[%dma_wait3A_203, %dma_wait3A_209] : memref<8x2048xf32, #tpu.memory_space<vmem>> -> memref<1x128xf32, #tpu.memory_space<vmem>>
    %dma_wait3A_211 = tpu.memref_squeeze %dma_wait3A_210 : memref<1x128xf32, #tpu.memory_space<vmem>> -> memref<128xf32, #tpu.memory_space<vmem>>
    %dma_wait3A_212 = arith.constant 0 : i32
    %dma_wait3A_213 = tpu.memref_slice %arg2[%dma_wait3A_212] : memref<33554432xf32, #tpu.memory_space<hbm>> -> memref<128xf32, #tpu.memory_space<hbm>>
    tpu.wait_dma2 semaphore(%arg10 : memref<!tpu.dma_semaphore, #tpu.memory_space<semaphore_mem>>) src(%dma_wait3A_213 : memref<128xf32, #tpu.memory_space<hbm>>) dst(%dma_wait3A_211 : memref<128xf32, #tpu.memory_space<vmem>>)
    %dma_wait3A_214 = arith.constant 7 : i32
    %dma_wait3A_215 = arith.constant 1920 : i32
    %dma_wait3A_216 = tpu.memref_slice %arg9[%dma_wait3A_214, %dma_wait3A_215] : memref<8x2048xf32, #tpu.memory_space<vmem>> -> memref<1x128xf32, #tpu.memory_space<vmem>>
    %dma_wait3A_217 = tpu.memref_squeeze %dma_wait3A_216 : memref<1x128xf32, #tpu.memory_space<vmem>> -> memref<128xf32, #tpu.memory_space<vmem>>
    %dma_wait3A_218 = arith.constant 0 : i32
    %dma_wait3A_219 = tpu.memref_slice %arg2[%dma_wait3A_218] : memref<33554432xf32, #tpu.memory_space<hbm>> -> memref<128xf32, #tpu.memory_space<hbm>>
    %dma_wait3A_220 = arith.constant 1920 : i32
    %dma_wait3A_221 = tpu.memref_slice %arg9[%dma_wait3A_214, %dma_wait3A_220] : memref<8x2048xf32, #tpu.memory_space<vmem>> -> memref<1x128xf32, #tpu.memory_space<vmem>>
    %dma_wait3A_222 = tpu.memref_squeeze %dma_wait3A_221 : memref<1x128xf32, #tpu.memory_space<vmem>> -> memref<128xf32, #tpu.memory_space<vmem>>
    %dma_wait3A_223 = arith.constant 0 : i32
    %dma_wait3A_224 = tpu.memref_slice %arg2[%dma_wait3A_223] : memref<33554432xf32, #tpu.memory_space<hbm>> -> memref<128xf32, #tpu.memory_space<hbm>>
    tpu.wait_dma2 semaphore(%arg10 : memref<!tpu.dma_semaphore, #tpu.memory_space<semaphore_mem>>) src(%dma_wait3A_224 : memref<128xf32, #tpu.memory_space<hbm>>) dst(%dma_wait3A_222 : memref<128xf32, #tpu.memory_space<vmem>>)
    "tpu.region"() ({
      %run_scoped3A = tpu.sem_alloc : memref<!tpu.dma_semaphore, #tpu.memory_space<semaphore_mem>>
      %dma_start3A = tpu.memref_slice %arg5[%mul3A_32, %mul3A_34] : memref<32x16384xf32, #tpu.memory_space<hbm>> -> memref<8x2048xf32, #tpu.memory_space<hbm>>
      %dma_start3A_225 = tpu.memref_slice %arg5[%mul3A_32, %mul3A_34] : memref<32x16384xf32, #tpu.memory_space<hbm>> -> memref<8x2048xf32, #tpu.memory_space<hbm>>
      tpu.enqueue_dma source(%arg9 : memref<8x2048xf32, #tpu.memory_space<vmem>>) target(%dma_start3A_225 : memref<8x2048xf32, #tpu.memory_space<hbm>>) target_semaphore(%run_scoped3A : memref<!tpu.dma_semaphore, #tpu.memory_space<semaphore_mem>>)
      %dma_wait3A_226 = tpu.memref_slice %arg5[%mul3A_32, %mul3A_34] : memref<32x16384xf32, #tpu.memory_space<hbm>> -> memref<8x2048xf32, #tpu.memory_space<hbm>>
      %dma_wait3A_227 = tpu.memref_slice %arg5[%mul3A_32, %mul3A_34] : memref<32x16384xf32, #tpu.memory_space<hbm>> -> memref<8x2048xf32, #tpu.memory_space<hbm>>
      tpu.wait_dma2 semaphore(%run_scoped3A : memref<!tpu.dma_semaphore, #tpu.memory_space<semaphore_mem>>) src(%arg9 : memref<8x2048xf32, #tpu.memory_space<vmem>>) dst(%dma_wait3A_227 : memref<8x2048xf32, #tpu.memory_space<hbm>>)
      tpu.yield
    }) : () -> ()
    return
  }
}

module attributes {stable_mosaic.version = 14 : i64} {
  func.func @_dense_kernel(%arg0: memref<160x16384xf32, #tpu.memory_space<vmem>>, %arg1: memref<16x1024xf32, #tpu.memory_space<vmem>>, %arg2: memref<16x1024xi32, #tpu.memory_space<vmem>>, %arg3: memref<32x16384xf32, #tpu.memory_space<vmem>>, %arg4: memref<160x32xf32, #tpu.memory_space<vmem>>, %arg5: memref<64x17xf32, #tpu.memory_space<vmem>>, %arg6: memref<17xf32, #tpu.memory_space<vmem>>, %arg7: memref<17x16384xf32, #tpu.memory_space<vmem>>, %arg8: memref<32x16384xf32, #tpu.memory_space<vmem>>) attributes {dimension_semantics = [], scalar_prefetch = 0 : i64, scratch_operands = 1 : i64, tpu.core_type = #tpu.core_type<tc>} {
    %get3A = arith.constant 0 : index
    %get3A_0 = arith.constant 0 : index
    %get3A_1 = vector.load %arg2[%get3A, %get3A_0] : memref<16x1024xi32, #tpu.memory_space<vmem>>, vector<16x1024xi32>
    %get3A_2 = arith.constant 0 : index
    %get3A_3 = arith.constant 0 : index
    %get3A_4 = vector.load %arg1[%get3A_2, %get3A_3] : memref<16x1024xf32, #tpu.memory_space<vmem>>, vector<16x1024xf32>
    %sub3A = arith.constant 1.000000e+00 : f32
    %sub3A_5 = vector.broadcast %sub3A : f32 to vector<16x1024xf32>
    %sub3A_6 = arith.subf %sub3A_5, %get3A_4 : vector<16x1024xf32>
    %iota3A = tpu.iota {dimensions = array<i32: 0>} : vector<16x1024xi32>
    %slice3A = vector.extract_strided_slice %sub3A_6 {offsets = [0, 0], sizes = [1, 1024], strides = [1, 1]} : vector<16x1024xf32> to vector<1x1024xf32>
    %eq3A = arith.constant 0 : i32
    %eq3A_7 = vector.broadcast %eq3A : i32 to vector<16x1024xi32>
    %eq3A_8 = arith.cmpi eq, %iota3A, %eq3A_7 : vector<16x1024xi32>
    %jit3A = arith.constant 1.000000e+00 : f32
    %jit3A_9 = arith.constant 0.000000e+00 : f32
    %broadcast_in_dim3A = vector.broadcast %jit3A : f32 to vector<16x1024xf32>
    %broadcast_in_dim3A_10 = vector.broadcast %jit3A_9 : f32 to vector<16x1024xf32>
    %select_n3A = arith.select %eq3A_8, %broadcast_in_dim3A, %broadcast_in_dim3A_10 : vector<16x1024xi1>, vector<16x1024xf32>
    %slice3A_11 = vector.extract_strided_slice %sub3A_6 {offsets = [1, 0], sizes = [1, 1024], strides = [1, 1]} : vector<16x1024xf32> to vector<1x1024xf32>
    %mul3A = vector.broadcast %slice3A_11 : vector<1x1024xf32> to vector<16x1024xf32>
    %mul3A_12 = arith.mulf %mul3A, %select_n3A : vector<16x1024xf32>
    %eq3A_13 = arith.constant 1 : i32
    %eq3A_14 = vector.broadcast %eq3A_13 : i32 to vector<16x1024xi32>
    %eq3A_15 = arith.cmpi eq, %iota3A, %eq3A_14 : vector<16x1024xi32>
    %jit3A_16 = arith.constant 1.000000e+00 : f32
    %jit3A_17 = arith.constant 0.000000e+00 : f32
    %broadcast_in_dim3A_18 = vector.broadcast %jit3A_16 : f32 to vector<16x1024xf32>
    %broadcast_in_dim3A_19 = vector.broadcast %jit3A_17 : f32 to vector<16x1024xf32>
    %select_n3A_20 = arith.select %eq3A_15, %broadcast_in_dim3A_18, %broadcast_in_dim3A_19 : vector<16x1024xi1>, vector<16x1024xf32>
    %add3A = arith.addf %mul3A_12, %select_n3A_20 : vector<16x1024xf32>
    %slice3A_21 = vector.extract_strided_slice %add3A {offsets = [0, 0], sizes = [1, 1024], strides = [1, 1]} : vector<16x1024xf32> to vector<1x1024xf32>
    %mul3A_22 = arith.mulf %slice3A_21, %slice3A : vector<1x1024xf32>
    %slice3A_23 = vector.extract_strided_slice %sub3A_6 {offsets = [2, 0], sizes = [1, 1024], strides = [1, 1]} : vector<16x1024xf32> to vector<1x1024xf32>
    %mul3A_24 = vector.broadcast %slice3A_23 : vector<1x1024xf32> to vector<16x1024xf32>
    %mul3A_25 = arith.mulf %mul3A_24, %add3A : vector<16x1024xf32>
    %eq3A_26 = arith.constant 2 : i32
    %eq3A_27 = vector.broadcast %eq3A_26 : i32 to vector<16x1024xi32>
    %eq3A_28 = arith.cmpi eq, %iota3A, %eq3A_27 : vector<16x1024xi32>
    %jit3A_29 = arith.constant 1.000000e+00 : f32
    %jit3A_30 = arith.constant 0.000000e+00 : f32
    %broadcast_in_dim3A_31 = vector.broadcast %jit3A_29 : f32 to vector<16x1024xf32>
    %broadcast_in_dim3A_32 = vector.broadcast %jit3A_30 : f32 to vector<16x1024xf32>
    %select_n3A_33 = arith.select %eq3A_28, %broadcast_in_dim3A_31, %broadcast_in_dim3A_32 : vector<16x1024xi1>, vector<16x1024xf32>
    %add3A_34 = arith.addf %mul3A_25, %select_n3A_33 : vector<16x1024xf32>
    %slice3A_35 = vector.extract_strided_slice %add3A_34 {offsets = [0, 0], sizes = [1, 1024], strides = [1, 1]} : vector<16x1024xf32> to vector<1x1024xf32>
    %mul3A_36 = arith.mulf %slice3A_35, %slice3A : vector<1x1024xf32>
    %slice3A_37 = vector.extract_strided_slice %sub3A_6 {offsets = [3, 0], sizes = [1, 1024], strides = [1, 1]} : vector<16x1024xf32> to vector<1x1024xf32>
    %mul3A_38 = vector.broadcast %slice3A_37 : vector<1x1024xf32> to vector<16x1024xf32>
    %mul3A_39 = arith.mulf %mul3A_38, %add3A_34 : vector<16x1024xf32>
    %eq3A_40 = arith.constant 3 : i32
    %eq3A_41 = vector.broadcast %eq3A_40 : i32 to vector<16x1024xi32>
    %eq3A_42 = arith.cmpi eq, %iota3A, %eq3A_41 : vector<16x1024xi32>
    %jit3A_43 = arith.constant 1.000000e+00 : f32
    %jit3A_44 = arith.constant 0.000000e+00 : f32
    %broadcast_in_dim3A_45 = vector.broadcast %jit3A_43 : f32 to vector<16x1024xf32>
    %broadcast_in_dim3A_46 = vector.broadcast %jit3A_44 : f32 to vector<16x1024xf32>
    %select_n3A_47 = arith.select %eq3A_42, %broadcast_in_dim3A_45, %broadcast_in_dim3A_46 : vector<16x1024xi1>, vector<16x1024xf32>
    %add3A_48 = arith.addf %mul3A_39, %select_n3A_47 : vector<16x1024xf32>
    %slice3A_49 = vector.extract_strided_slice %add3A_48 {offsets = [0, 0], sizes = [1, 1024], strides = [1, 1]} : vector<16x1024xf32> to vector<1x1024xf32>
    %mul3A_50 = arith.mulf %slice3A_49, %slice3A : vector<1x1024xf32>
    %slice3A_51 = vector.extract_strided_slice %sub3A_6 {offsets = [4, 0], sizes = [1, 1024], strides = [1, 1]} : vector<16x1024xf32> to vector<1x1024xf32>
    %mul3A_52 = vector.broadcast %slice3A_51 : vector<1x1024xf32> to vector<16x1024xf32>
    %mul3A_53 = arith.mulf %mul3A_52, %add3A_48 : vector<16x1024xf32>
    %eq3A_54 = arith.constant 4 : i32
    %eq3A_55 = vector.broadcast %eq3A_54 : i32 to vector<16x1024xi32>
    %eq3A_56 = arith.cmpi eq, %iota3A, %eq3A_55 : vector<16x1024xi32>
    %jit3A_57 = arith.constant 1.000000e+00 : f32
    %jit3A_58 = arith.constant 0.000000e+00 : f32
    %broadcast_in_dim3A_59 = vector.broadcast %jit3A_57 : f32 to vector<16x1024xf32>
    %broadcast_in_dim3A_60 = vector.broadcast %jit3A_58 : f32 to vector<16x1024xf32>
    %select_n3A_61 = arith.select %eq3A_56, %broadcast_in_dim3A_59, %broadcast_in_dim3A_60 : vector<16x1024xi1>, vector<16x1024xf32>
    %add3A_62 = arith.addf %mul3A_53, %select_n3A_61 : vector<16x1024xf32>
    %slice3A_63 = vector.extract_strided_slice %add3A_62 {offsets = [0, 0], sizes = [1, 1024], strides = [1, 1]} : vector<16x1024xf32> to vector<1x1024xf32>
    %mul3A_64 = arith.mulf %slice3A_63, %slice3A : vector<1x1024xf32>
    %slice3A_65 = vector.extract_strided_slice %sub3A_6 {offsets = [5, 0], sizes = [1, 1024], strides = [1, 1]} : vector<16x1024xf32> to vector<1x1024xf32>
    %mul3A_66 = vector.broadcast %slice3A_65 : vector<1x1024xf32> to vector<16x1024xf32>
    %mul3A_67 = arith.mulf %mul3A_66, %add3A_62 : vector<16x1024xf32>
    %eq3A_68 = arith.constant 5 : i32
    %eq3A_69 = vector.broadcast %eq3A_68 : i32 to vector<16x1024xi32>
    %eq3A_70 = arith.cmpi eq, %iota3A, %eq3A_69 : vector<16x1024xi32>
    %jit3A_71 = arith.constant 1.000000e+00 : f32
    %jit3A_72 = arith.constant 0.000000e+00 : f32
    %broadcast_in_dim3A_73 = vector.broadcast %jit3A_71 : f32 to vector<16x1024xf32>
    %broadcast_in_dim3A_74 = vector.broadcast %jit3A_72 : f32 to vector<16x1024xf32>
    %select_n3A_75 = arith.select %eq3A_70, %broadcast_in_dim3A_73, %broadcast_in_dim3A_74 : vector<16x1024xi1>, vector<16x1024xf32>
    %add3A_76 = arith.addf %mul3A_67, %select_n3A_75 : vector<16x1024xf32>
    %slice3A_77 = vector.extract_strided_slice %add3A_76 {offsets = [0, 0], sizes = [1, 1024], strides = [1, 1]} : vector<16x1024xf32> to vector<1x1024xf32>
    %mul3A_78 = arith.mulf %slice3A_77, %slice3A : vector<1x1024xf32>
    %slice3A_79 = vector.extract_strided_slice %sub3A_6 {offsets = [6, 0], sizes = [1, 1024], strides = [1, 1]} : vector<16x1024xf32> to vector<1x1024xf32>
    %mul3A_80 = vector.broadcast %slice3A_79 : vector<1x1024xf32> to vector<16x1024xf32>
    %mul3A_81 = arith.mulf %mul3A_80, %add3A_76 : vector<16x1024xf32>
    %eq3A_82 = arith.constant 6 : i32
    %eq3A_83 = vector.broadcast %eq3A_82 : i32 to vector<16x1024xi32>
    %eq3A_84 = arith.cmpi eq, %iota3A, %eq3A_83 : vector<16x1024xi32>
    %jit3A_85 = arith.constant 1.000000e+00 : f32
    %jit3A_86 = arith.constant 0.000000e+00 : f32
    %broadcast_in_dim3A_87 = vector.broadcast %jit3A_85 : f32 to vector<16x1024xf32>
    %broadcast_in_dim3A_88 = vector.broadcast %jit3A_86 : f32 to vector<16x1024xf32>
    %select_n3A_89 = arith.select %eq3A_84, %broadcast_in_dim3A_87, %broadcast_in_dim3A_88 : vector<16x1024xi1>, vector<16x1024xf32>
    %add3A_90 = arith.addf %mul3A_81, %select_n3A_89 : vector<16x1024xf32>
    %slice3A_91 = vector.extract_strided_slice %add3A_90 {offsets = [0, 0], sizes = [1, 1024], strides = [1, 1]} : vector<16x1024xf32> to vector<1x1024xf32>
    %mul3A_92 = arith.mulf %slice3A_91, %slice3A : vector<1x1024xf32>
    %slice3A_93 = vector.extract_strided_slice %sub3A_6 {offsets = [7, 0], sizes = [1, 1024], strides = [1, 1]} : vector<16x1024xf32> to vector<1x1024xf32>
    %mul3A_94 = vector.broadcast %slice3A_93 : vector<1x1024xf32> to vector<16x1024xf32>
    %mul3A_95 = arith.mulf %mul3A_94, %add3A_90 : vector<16x1024xf32>
    %eq3A_96 = arith.constant 7 : i32
    %eq3A_97 = vector.broadcast %eq3A_96 : i32 to vector<16x1024xi32>
    %eq3A_98 = arith.cmpi eq, %iota3A, %eq3A_97 : vector<16x1024xi32>
    %jit3A_99 = arith.constant 1.000000e+00 : f32
    %jit3A_100 = arith.constant 0.000000e+00 : f32
    %broadcast_in_dim3A_101 = vector.broadcast %jit3A_99 : f32 to vector<16x1024xf32>
    %broadcast_in_dim3A_102 = vector.broadcast %jit3A_100 : f32 to vector<16x1024xf32>
    %select_n3A_103 = arith.select %eq3A_98, %broadcast_in_dim3A_101, %broadcast_in_dim3A_102 : vector<16x1024xi1>, vector<16x1024xf32>
    %add3A_104 = arith.addf %mul3A_95, %select_n3A_103 : vector<16x1024xf32>
    %slice3A_105 = vector.extract_strided_slice %add3A_104 {offsets = [0, 0], sizes = [1, 1024], strides = [1, 1]} : vector<16x1024xf32> to vector<1x1024xf32>
    %mul3A_106 = arith.mulf %slice3A_105, %slice3A : vector<1x1024xf32>
    %slice3A_107 = vector.extract_strided_slice %sub3A_6 {offsets = [8, 0], sizes = [1, 1024], strides = [1, 1]} : vector<16x1024xf32> to vector<1x1024xf32>
    %mul3A_108 = vector.broadcast %slice3A_107 : vector<1x1024xf32> to vector<16x1024xf32>
    %mul3A_109 = arith.mulf %mul3A_108, %add3A_104 : vector<16x1024xf32>
    %eq3A_110 = arith.constant 8 : i32
    %eq3A_111 = vector.broadcast %eq3A_110 : i32 to vector<16x1024xi32>
    %eq3A_112 = arith.cmpi eq, %iota3A, %eq3A_111 : vector<16x1024xi32>
    %jit3A_113 = arith.constant 1.000000e+00 : f32
    %jit3A_114 = arith.constant 0.000000e+00 : f32
    %broadcast_in_dim3A_115 = vector.broadcast %jit3A_113 : f32 to vector<16x1024xf32>
    %broadcast_in_dim3A_116 = vector.broadcast %jit3A_114 : f32 to vector<16x1024xf32>
    %select_n3A_117 = arith.select %eq3A_112, %broadcast_in_dim3A_115, %broadcast_in_dim3A_116 : vector<16x1024xi1>, vector<16x1024xf32>
    %add3A_118 = arith.addf %mul3A_109, %select_n3A_117 : vector<16x1024xf32>
    %slice3A_119 = vector.extract_strided_slice %add3A_118 {offsets = [0, 0], sizes = [1, 1024], strides = [1, 1]} : vector<16x1024xf32> to vector<1x1024xf32>
    %mul3A_120 = arith.mulf %slice3A_119, %slice3A : vector<1x1024xf32>
    %slice3A_121 = vector.extract_strided_slice %sub3A_6 {offsets = [9, 0], sizes = [1, 1024], strides = [1, 1]} : vector<16x1024xf32> to vector<1x1024xf32>
    %mul3A_122 = vector.broadcast %slice3A_121 : vector<1x1024xf32> to vector<16x1024xf32>
    %mul3A_123 = arith.mulf %mul3A_122, %add3A_118 : vector<16x1024xf32>
    %eq3A_124 = arith.constant 9 : i32
    %eq3A_125 = vector.broadcast %eq3A_124 : i32 to vector<16x1024xi32>
    %eq3A_126 = arith.cmpi eq, %iota3A, %eq3A_125 : vector<16x1024xi32>
    %jit3A_127 = arith.constant 1.000000e+00 : f32
    %jit3A_128 = arith.constant 0.000000e+00 : f32
    %broadcast_in_dim3A_129 = vector.broadcast %jit3A_127 : f32 to vector<16x1024xf32>
    %broadcast_in_dim3A_130 = vector.broadcast %jit3A_128 : f32 to vector<16x1024xf32>
    %select_n3A_131 = arith.select %eq3A_126, %broadcast_in_dim3A_129, %broadcast_in_dim3A_130 : vector<16x1024xi1>, vector<16x1024xf32>
    %add3A_132 = arith.addf %mul3A_123, %select_n3A_131 : vector<16x1024xf32>
    %slice3A_133 = vector.extract_strided_slice %add3A_132 {offsets = [0, 0], sizes = [1, 1024], strides = [1, 1]} : vector<16x1024xf32> to vector<1x1024xf32>
    %mul3A_134 = arith.mulf %slice3A_133, %slice3A : vector<1x1024xf32>
    %slice3A_135 = vector.extract_strided_slice %sub3A_6 {offsets = [10, 0], sizes = [1, 1024], strides = [1, 1]} : vector<16x1024xf32> to vector<1x1024xf32>
    %mul3A_136 = vector.broadcast %slice3A_135 : vector<1x1024xf32> to vector<16x1024xf32>
    %mul3A_137 = arith.mulf %mul3A_136, %add3A_132 : vector<16x1024xf32>
    %eq3A_138 = arith.constant 10 : i32
    %eq3A_139 = vector.broadcast %eq3A_138 : i32 to vector<16x1024xi32>
    %eq3A_140 = arith.cmpi eq, %iota3A, %eq3A_139 : vector<16x1024xi32>
    %jit3A_141 = arith.constant 1.000000e+00 : f32
    %jit3A_142 = arith.constant 0.000000e+00 : f32
    %broadcast_in_dim3A_143 = vector.broadcast %jit3A_141 : f32 to vector<16x1024xf32>
    %broadcast_in_dim3A_144 = vector.broadcast %jit3A_142 : f32 to vector<16x1024xf32>
    %select_n3A_145 = arith.select %eq3A_140, %broadcast_in_dim3A_143, %broadcast_in_dim3A_144 : vector<16x1024xi1>, vector<16x1024xf32>
    %add3A_146 = arith.addf %mul3A_137, %select_n3A_145 : vector<16x1024xf32>
    %slice3A_147 = vector.extract_strided_slice %add3A_146 {offsets = [0, 0], sizes = [1, 1024], strides = [1, 1]} : vector<16x1024xf32> to vector<1x1024xf32>
    %mul3A_148 = arith.mulf %slice3A_147, %slice3A : vector<1x1024xf32>
    %slice3A_149 = vector.extract_strided_slice %sub3A_6 {offsets = [11, 0], sizes = [1, 1024], strides = [1, 1]} : vector<16x1024xf32> to vector<1x1024xf32>
    %mul3A_150 = vector.broadcast %slice3A_149 : vector<1x1024xf32> to vector<16x1024xf32>
    %mul3A_151 = arith.mulf %mul3A_150, %add3A_146 : vector<16x1024xf32>
    %eq3A_152 = arith.constant 11 : i32
    %eq3A_153 = vector.broadcast %eq3A_152 : i32 to vector<16x1024xi32>
    %eq3A_154 = arith.cmpi eq, %iota3A, %eq3A_153 : vector<16x1024xi32>
    %jit3A_155 = arith.constant 1.000000e+00 : f32
    %jit3A_156 = arith.constant 0.000000e+00 : f32
    %broadcast_in_dim3A_157 = vector.broadcast %jit3A_155 : f32 to vector<16x1024xf32>
    %broadcast_in_dim3A_158 = vector.broadcast %jit3A_156 : f32 to vector<16x1024xf32>
    %select_n3A_159 = arith.select %eq3A_154, %broadcast_in_dim3A_157, %broadcast_in_dim3A_158 : vector<16x1024xi1>, vector<16x1024xf32>
    %add3A_160 = arith.addf %mul3A_151, %select_n3A_159 : vector<16x1024xf32>
    %slice3A_161 = vector.extract_strided_slice %add3A_160 {offsets = [0, 0], sizes = [1, 1024], strides = [1, 1]} : vector<16x1024xf32> to vector<1x1024xf32>
    %mul3A_162 = arith.mulf %slice3A_161, %slice3A : vector<1x1024xf32>
    %slice3A_163 = vector.extract_strided_slice %sub3A_6 {offsets = [12, 0], sizes = [1, 1024], strides = [1, 1]} : vector<16x1024xf32> to vector<1x1024xf32>
    %mul3A_164 = vector.broadcast %slice3A_163 : vector<1x1024xf32> to vector<16x1024xf32>
    %mul3A_165 = arith.mulf %mul3A_164, %add3A_160 : vector<16x1024xf32>
    %eq3A_166 = arith.constant 12 : i32
    %eq3A_167 = vector.broadcast %eq3A_166 : i32 to vector<16x1024xi32>
    %eq3A_168 = arith.cmpi eq, %iota3A, %eq3A_167 : vector<16x1024xi32>
    %jit3A_169 = arith.constant 1.000000e+00 : f32
    %jit3A_170 = arith.constant 0.000000e+00 : f32
    %broadcast_in_dim3A_171 = vector.broadcast %jit3A_169 : f32 to vector<16x1024xf32>
    %broadcast_in_dim3A_172 = vector.broadcast %jit3A_170 : f32 to vector<16x1024xf32>
    %select_n3A_173 = arith.select %eq3A_168, %broadcast_in_dim3A_171, %broadcast_in_dim3A_172 : vector<16x1024xi1>, vector<16x1024xf32>
    %add3A_174 = arith.addf %mul3A_165, %select_n3A_173 : vector<16x1024xf32>
    %slice3A_175 = vector.extract_strided_slice %add3A_174 {offsets = [0, 0], sizes = [1, 1024], strides = [1, 1]} : vector<16x1024xf32> to vector<1x1024xf32>
    %mul3A_176 = arith.mulf %slice3A_175, %slice3A : vector<1x1024xf32>
    %slice3A_177 = vector.extract_strided_slice %sub3A_6 {offsets = [13, 0], sizes = [1, 1024], strides = [1, 1]} : vector<16x1024xf32> to vector<1x1024xf32>
    %mul3A_178 = vector.broadcast %slice3A_177 : vector<1x1024xf32> to vector<16x1024xf32>
    %mul3A_179 = arith.mulf %mul3A_178, %add3A_174 : vector<16x1024xf32>
    %eq3A_180 = arith.constant 13 : i32
    %eq3A_181 = vector.broadcast %eq3A_180 : i32 to vector<16x1024xi32>
    %eq3A_182 = arith.cmpi eq, %iota3A, %eq3A_181 : vector<16x1024xi32>
    %jit3A_183 = arith.constant 1.000000e+00 : f32
    %jit3A_184 = arith.constant 0.000000e+00 : f32
    %broadcast_in_dim3A_185 = vector.broadcast %jit3A_183 : f32 to vector<16x1024xf32>
    %broadcast_in_dim3A_186 = vector.broadcast %jit3A_184 : f32 to vector<16x1024xf32>
    %select_n3A_187 = arith.select %eq3A_182, %broadcast_in_dim3A_185, %broadcast_in_dim3A_186 : vector<16x1024xi1>, vector<16x1024xf32>
    %add3A_188 = arith.addf %mul3A_179, %select_n3A_187 : vector<16x1024xf32>
    %slice3A_189 = vector.extract_strided_slice %add3A_188 {offsets = [0, 0], sizes = [1, 1024], strides = [1, 1]} : vector<16x1024xf32> to vector<1x1024xf32>
    %mul3A_190 = arith.mulf %slice3A_189, %slice3A : vector<1x1024xf32>
    %slice3A_191 = vector.extract_strided_slice %sub3A_6 {offsets = [14, 0], sizes = [1, 1024], strides = [1, 1]} : vector<16x1024xf32> to vector<1x1024xf32>
    %mul3A_192 = vector.broadcast %slice3A_191 : vector<1x1024xf32> to vector<16x1024xf32>
    %mul3A_193 = arith.mulf %mul3A_192, %add3A_188 : vector<16x1024xf32>
    %eq3A_194 = arith.constant 14 : i32
    %eq3A_195 = vector.broadcast %eq3A_194 : i32 to vector<16x1024xi32>
    %eq3A_196 = arith.cmpi eq, %iota3A, %eq3A_195 : vector<16x1024xi32>
    %jit3A_197 = arith.constant 1.000000e+00 : f32
    %jit3A_198 = arith.constant 0.000000e+00 : f32
    %broadcast_in_dim3A_199 = vector.broadcast %jit3A_197 : f32 to vector<16x1024xf32>
    %broadcast_in_dim3A_200 = vector.broadcast %jit3A_198 : f32 to vector<16x1024xf32>
    %select_n3A_201 = arith.select %eq3A_196, %broadcast_in_dim3A_199, %broadcast_in_dim3A_200 : vector<16x1024xi1>, vector<16x1024xf32>
    %add3A_202 = arith.addf %mul3A_193, %select_n3A_201 : vector<16x1024xf32>
    %slice3A_203 = vector.extract_strided_slice %add3A_202 {offsets = [0, 0], sizes = [1, 1024], strides = [1, 1]} : vector<16x1024xf32> to vector<1x1024xf32>
    %mul3A_204 = arith.mulf %slice3A_203, %slice3A : vector<1x1024xf32>
    %slice3A_205 = vector.extract_strided_slice %sub3A_6 {offsets = [15, 0], sizes = [1, 1024], strides = [1, 1]} : vector<16x1024xf32> to vector<1x1024xf32>
    %mul3A_206 = vector.broadcast %slice3A_205 : vector<1x1024xf32> to vector<16x1024xf32>
    %mul3A_207 = arith.mulf %mul3A_206, %add3A_202 : vector<16x1024xf32>
    %eq3A_208 = arith.constant 15 : i32
    %eq3A_209 = vector.broadcast %eq3A_208 : i32 to vector<16x1024xi32>
    %eq3A_210 = arith.cmpi eq, %iota3A, %eq3A_209 : vector<16x1024xi32>
    %jit3A_211 = arith.constant 1.000000e+00 : f32
    %jit3A_212 = arith.constant 0.000000e+00 : f32
    %broadcast_in_dim3A_213 = vector.broadcast %jit3A_211 : f32 to vector<16x1024xf32>
    %broadcast_in_dim3A_214 = vector.broadcast %jit3A_212 : f32 to vector<16x1024xf32>
    %select_n3A_215 = arith.select %eq3A_210, %broadcast_in_dim3A_213, %broadcast_in_dim3A_214 : vector<16x1024xi1>, vector<16x1024xf32>
    %add3A_216 = arith.addf %mul3A_207, %select_n3A_215 : vector<16x1024xf32>
    %slice3A_217 = vector.extract_strided_slice %add3A_216 {offsets = [0, 0], sizes = [1, 1024], strides = [1, 1]} : vector<16x1024xf32> to vector<1x1024xf32>
    %mul3A_218 = arith.mulf %slice3A_217, %slice3A : vector<1x1024xf32>
    %get3A_219 = arith.constant 0 : index
    %get3A_220 = arith.constant 0 : index
    %get3A_221 = vector.load %arg4[%get3A_219, %get3A_220] : memref<160x32xf32, #tpu.memory_space<vmem>>, vector<160x32xf32>
    %get3A_222 = arith.constant 0 : index
    %get3A_223 = arith.constant 0 : index
    %get3A_224 = vector.load %arg5[%get3A_222, %get3A_223] : memref<64x17xf32, #tpu.memory_space<vmem>>, vector<32x17xf32>
    %get3A_225 = arith.constant 32 : index
    %get3A_226 = arith.constant 0 : index
    %get3A_227 = vector.load %arg5[%get3A_225, %get3A_226] : memref<64x17xf32, #tpu.memory_space<vmem>>, vector<32x17xf32>
    %get3A_228 = arith.constant 0 : index
    %get3A_229 = vector.load %arg6[%get3A_228] : memref<17xf32, #tpu.memory_space<vmem>>, vector<17xf32>
    %broadcast_in_dim3A_230 = vector.shape_cast %get3A_229 : vector<17xf32> to vector<17x1xf32>
    %get3A_231 = arith.constant 0 : index
    %get3A_232 = arith.constant 0 : index
    %get3A_233 = vector.load %arg0[%get3A_231, %get3A_232] : memref<160x16384xf32, #tpu.memory_space<vmem>>, vector<160x1024xf32>
    %dot_general3A = arith.constant dense<0.000000e+00> : vector<32x1024xf32>
    %dot_general3A_234 = tpu.matmul %get3A_221, %get3A_233, %dot_general3A {dimension_numbers = #tpu.dot_dimension_numbers<[0], [0], [1], [1], [0, 1, 1, 1], [], []>, transpose_lhs_hint = false} : vector<160x32xf32>, vector<160x1024xf32>, vector<32x1024xf32> -> vector<32x1024xf32>
    %tanh3A = math.tanh %dot_general3A_234 : vector<32x1024xf32>
    %swap3A = arith.constant 0 : index
    %swap3A_235 = arith.constant 0 : index
    %swap3A_236 = vector.load %arg8[%swap3A, %swap3A_235] : memref<32x16384xf32, #tpu.memory_space<vmem>>, vector<32x1024xf32>
    tpu.vector_store %arg8[%swap3A, %swap3A_235], %tanh3A {strides = array<i32>} : memref<32x16384xf32, #tpu.memory_space<vmem>>, vector<32x1024xf32>,
    %get3A_237 = arith.constant 0 : index
    %get3A_238 = arith.constant 0 : index
    %get3A_239 = vector.load %arg3[%get3A_237, %get3A_238] : memref<32x16384xf32, #tpu.memory_space<vmem>>, vector<32x1024xf32>
    %mul3A_240 = vector.broadcast %slice3A : vector<1x1024xf32> to vector<32x1024xf32>
    %mul3A_241 = arith.mulf %mul3A_240, %get3A_239 : vector<32x1024xf32>
    %add3A_242 = arith.addf %mul3A_241, %tanh3A : vector<32x1024xf32>
    %dot_general3A_243 = arith.constant dense<0.000000e+00> : vector<17x1024xf32>
    %dot_general3A_244 = tpu.matmul %get3A_224, %tanh3A, %dot_general3A_243 {dimension_numbers = #tpu.dot_dimension_numbers<[0], [0], [1], [1], [0, 1, 1, 1], [], []>, transpose_lhs_hint = false} : vector<32x17xf32>, vector<32x1024xf32>, vector<17x1024xf32> -> vector<17x1024xf32>
    %dot_general3A_245 = arith.constant dense<0.000000e+00> : vector<17x1024xf32>
    %dot_general3A_246 = tpu.matmul %get3A_227, %add3A_242, %dot_general3A_245 {dimension_numbers = #tpu.dot_dimension_numbers<[0], [0], [1], [1], [0, 1, 1, 1], [], []>, transpose_lhs_hint = false} : vector<32x17xf32>, vector<32x1024xf32>, vector<17x1024xf32> -> vector<17x1024xf32>
    %add3A_247 = arith.addf %dot_general3A_244, %dot_general3A_246 : vector<17x1024xf32>
    %add3A_248 = vector.broadcast %broadcast_in_dim3A_230 : vector<17x1xf32> to vector<17x1024xf32>
    %add3A_249 = arith.addf %add3A_247, %add3A_248 : vector<17x1024xf32>
    %swap3A_250 = arith.constant 0 : index
    %swap3A_251 = arith.constant 0 : index
    %swap3A_252 = vector.load %arg7[%swap3A_250, %swap3A_251] : memref<17x16384xf32, #tpu.memory_space<vmem>>, vector<17x1024xf32>
    tpu.vector_store %arg7[%swap3A_250, %swap3A_251], %add3A_249 {strides = array<i32>} : memref<17x16384xf32, #tpu.memory_space<vmem>>, vector<17x1024xf32>,
    %get3A_253 = arith.constant 0 : index
    %get3A_254 = arith.constant 1024 : index
    %get3A_255 = vector.load %arg0[%get3A_253, %get3A_254] : memref<160x16384xf32, #tpu.memory_space<vmem>>, vector<160x1024xf32>
    %dot_general3A_256 = arith.constant dense<0.000000e+00> : vector<32x1024xf32>
    %dot_general3A_257 = tpu.matmul %get3A_221, %get3A_255, %dot_general3A_256 {dimension_numbers = #tpu.dot_dimension_numbers<[0], [0], [1], [1], [0, 1, 1, 1], [], []>, transpose_lhs_hint = false} : vector<160x32xf32>, vector<160x1024xf32>, vector<32x1024xf32> -> vector<32x1024xf32>
    %tanh3A_258 = math.tanh %dot_general3A_257 : vector<32x1024xf32>
    %swap3A_259 = arith.constant 0 : index
    %swap3A_260 = arith.constant 1024 : index
    %swap3A_261 = vector.load %arg8[%swap3A_259, %swap3A_260] : memref<32x16384xf32, #tpu.memory_space<vmem>>, vector<32x1024xf32>
    tpu.vector_store %arg8[%swap3A_259, %swap3A_260], %tanh3A_258 {strides = array<i32>} : memref<32x16384xf32, #tpu.memory_space<vmem>>, vector<32x1024xf32>,
    %slice3A_262 = vector.extract_strided_slice %get3A_1 {offsets = [1, 0], sizes = [1, 1024], strides = [1, 1]} : vector<16x1024xi32> to vector<1x1024xi32>
    %get3A_263 = arith.constant 0 : index
    %get3A_264 = arith.constant 1024 : index
    %get3A_265 = vector.load %arg3[%get3A_263, %get3A_264] : memref<32x16384xf32, #tpu.memory_space<vmem>>, vector<32x1024xf32>
    %mul3A_266 = vector.broadcast %mul3A_22 : vector<1x1024xf32> to vector<32x1024xf32>
    %mul3A_267 = arith.mulf %mul3A_266, %get3A_265 : vector<32x1024xf32>
    %slice3A_268 = vector.extract_strided_slice %get3A_1 {offsets = [0, 0], sizes = [1, 1024], strides = [1, 1]} : vector<16x1024xi32> to vector<1x1024xi32>
    %eq3A_269 = arith.cmpi eq, %slice3A_268, %slice3A_262 : vector<1x1024xi32>
    %slice3A_270 = vector.extract_strided_slice %add3A {offsets = [0, 0], sizes = [1, 1024], strides = [1, 1]} : vector<16x1024xf32> to vector<1x1024xf32>
    %jit3A_271 = arith.constant 0.000000e+00 : f32
    %broadcast_in_dim3A_272 = vector.broadcast %jit3A_271 : f32 to vector<1x1024xf32>
    %select_n3A_273 = arith.select %eq3A_269, %slice3A_270, %broadcast_in_dim3A_272 : vector<1x1024xi1>, vector<1x1024xf32>
    %get3A_274 = arith.constant 0 : index
    %get3A_275 = arith.constant 0 : index
    %get3A_276 = vector.load %arg8[%get3A_274, %get3A_275] : memref<32x16384xf32, #tpu.memory_space<vmem>>, vector<32x1024xf32>
    %mul3A_277 = vector.broadcast %select_n3A_273 : vector<1x1024xf32> to vector<32x1024xf32>
    %mul3A_278 = arith.mulf %mul3A_277, %get3A_276 : vector<32x1024xf32>
    %add3A_279 = arith.addf %mul3A_267, %mul3A_278 : vector<32x1024xf32>
    %add3A_280 = arith.addf %add3A_279, %tanh3A_258 : vector<32x1024xf32>
    %dot_general3A_281 = arith.constant dense<0.000000e+00> : vector<17x1024xf32>
    %dot_general3A_282 = tpu.matmul %get3A_224, %tanh3A_258, %dot_general3A_281 {dimension_numbers = #tpu.dot_dimension_numbers<[0], [0], [1], [1], [0, 1, 1, 1], [], []>, transpose_lhs_hint = false} : vector<32x17xf32>, vector<32x1024xf32>, vector<17x1024xf32> -> vector<17x1024xf32>
    %dot_general3A_283 = arith.constant dense<0.000000e+00> : vector<17x1024xf32>
    %dot_general3A_284 = tpu.matmul %get3A_227, %add3A_280, %dot_general3A_283 {dimension_numbers = #tpu.dot_dimension_numbers<[0], [0], [1], [1], [0, 1, 1, 1], [], []>, transpose_lhs_hint = false} : vector<32x17xf32>, vector<32x1024xf32>, vector<17x1024xf32> -> vector<17x1024xf32>
    %add3A_285 = arith.addf %dot_general3A_282, %dot_general3A_284 : vector<17x1024xf32>
    %add3A_286 = vector.broadcast %broadcast_in_dim3A_230 : vector<17x1xf32> to vector<17x1024xf32>
    %add3A_287 = arith.addf %add3A_285, %add3A_286 : vector<17x1024xf32>
    %swap3A_288 = arith.constant 0 : index
    %swap3A_289 = arith.constant 1024 : index
    %swap3A_290 = vector.load %arg7[%swap3A_288, %swap3A_289] : memref<17x16384xf32, #tpu.memory_space<vmem>>, vector<17x1024xf32>
    tpu.vector_store %arg7[%swap3A_288, %swap3A_289], %add3A_287 {strides = array<i32>} : memref<17x16384xf32, #tpu.memory_space<vmem>>, vector<17x1024xf32>,
    %get3A_291 = arith.constant 0 : index
    %get3A_292 = arith.constant 2048 : index
    %get3A_293 = vector.load %arg0[%get3A_291, %get3A_292] : memref<160x16384xf32, #tpu.memory_space<vmem>>, vector<160x1024xf32>
    %dot_general3A_294 = arith.constant dense<0.000000e+00> : vector<32x1024xf32>
    %dot_general3A_295 = tpu.matmul %get3A_221, %get3A_293, %dot_general3A_294 {dimension_numbers = #tpu.dot_dimension_numbers<[0], [0], [1], [1], [0, 1, 1, 1], [], []>, transpose_lhs_hint = false} : vector<160x32xf32>, vector<160x1024xf32>, vector<32x1024xf32> -> vector<32x1024xf32>
    %tanh3A_296 = math.tanh %dot_general3A_295 : vector<32x1024xf32>
    %swap3A_297 = arith.constant 0 : index
    %swap3A_298 = arith.constant 2048 : index
    %swap3A_299 = vector.load %arg8[%swap3A_297, %swap3A_298] : memref<32x16384xf32, #tpu.memory_space<vmem>>, vector<32x1024xf32>
    tpu.vector_store %arg8[%swap3A_297, %swap3A_298], %tanh3A_296 {strides = array<i32>} : memref<32x16384xf32, #tpu.memory_space<vmem>>, vector<32x1024xf32>,
    %slice3A_300 = vector.extract_strided_slice %get3A_1 {offsets = [2, 0], sizes = [1, 1024], strides = [1, 1]} : vector<16x1024xi32> to vector<1x1024xi32>
    %get3A_301 = arith.constant 0 : index
    %get3A_302 = arith.constant 2048 : index
    %get3A_303 = vector.load %arg3[%get3A_301, %get3A_302] : memref<32x16384xf32, #tpu.memory_space<vmem>>, vector<32x1024xf32>
    %mul3A_304 = vector.broadcast %mul3A_36 : vector<1x1024xf32> to vector<32x1024xf32>
    %mul3A_305 = arith.mulf %mul3A_304, %get3A_303 : vector<32x1024xf32>
    %slice3A_306 = vector.extract_strided_slice %get3A_1 {offsets = [0, 0], sizes = [1, 1024], strides = [1, 1]} : vector<16x1024xi32> to vector<1x1024xi32>
    %eq3A_307 = arith.cmpi eq, %slice3A_306, %slice3A_300 : vector<1x1024xi32>
    %slice3A_308 = vector.extract_strided_slice %add3A_34 {offsets = [0, 0], sizes = [1, 1024], strides = [1, 1]} : vector<16x1024xf32> to vector<1x1024xf32>
    %jit3A_309 = arith.constant 0.000000e+00 : f32
    %broadcast_in_dim3A_310 = vector.broadcast %jit3A_309 : f32 to vector<1x1024xf32>
    %select_n3A_311 = arith.select %eq3A_307, %slice3A_308, %broadcast_in_dim3A_310 : vector<1x1024xi1>, vector<1x1024xf32>
    %get3A_312 = arith.constant 0 : index
    %get3A_313 = arith.constant 0 : index
    %get3A_314 = vector.load %arg8[%get3A_312, %get3A_313] : memref<32x16384xf32, #tpu.memory_space<vmem>>, vector<32x1024xf32>
    %mul3A_315 = vector.broadcast %select_n3A_311 : vector<1x1024xf32> to vector<32x1024xf32>
    %mul3A_316 = arith.mulf %mul3A_315, %get3A_314 : vector<32x1024xf32>
    %add3A_317 = arith.addf %mul3A_305, %mul3A_316 : vector<32x1024xf32>
    %slice3A_318 = vector.extract_strided_slice %get3A_1 {offsets = [1, 0], sizes = [1, 1024], strides = [1, 1]} : vector<16x1024xi32> to vector<1x1024xi32>
    %eq3A_319 = arith.cmpi eq, %slice3A_318, %slice3A_300 : vector<1x1024xi32>
    %slice3A_320 = vector.extract_strided_slice %add3A_34 {offsets = [1, 0], sizes = [1, 1024], strides = [1, 1]} : vector<16x1024xf32> to vector<1x1024xf32>
    %jit3A_321 = arith.constant 0.000000e+00 : f32
    %broadcast_in_dim3A_322 = vector.broadcast %jit3A_321 : f32 to vector<1x1024xf32>
    %select_n3A_323 = arith.select %eq3A_319, %slice3A_320, %broadcast_in_dim3A_322 : vector<1x1024xi1>, vector<1x1024xf32>
    %get3A_324 = arith.constant 0 : index
    %get3A_325 = arith.constant 1024 : index
    %get3A_326 = vector.load %arg8[%get3A_324, %get3A_325] : memref<32x16384xf32, #tpu.memory_space<vmem>>, vector<32x1024xf32>
    %mul3A_327 = vector.broadcast %select_n3A_323 : vector<1x1024xf32> to vector<32x1024xf32>
    %mul3A_328 = arith.mulf %mul3A_327, %get3A_326 : vector<32x1024xf32>
    %add3A_329 = arith.addf %add3A_317, %mul3A_328 : vector<32x1024xf32>
    %add3A_330 = arith.addf %add3A_329, %tanh3A_296 : vector<32x1024xf32>
    %dot_general3A_331 = arith.constant dense<0.000000e+00> : vector<17x1024xf32>
    %dot_general3A_332 = tpu.matmul %get3A_224, %tanh3A_296, %dot_general3A_331 {dimension_numbers = #tpu.dot_dimension_numbers<[0], [0], [1], [1], [0, 1, 1, 1], [], []>, transpose_lhs_hint = false} : vector<32x17xf32>, vector<32x1024xf32>, vector<17x1024xf32> -> vector<17x1024xf32>
    %dot_general3A_333 = arith.constant dense<0.000000e+00> : vector<17x1024xf32>
    %dot_general3A_334 = tpu.matmul %get3A_227, %add3A_330, %dot_general3A_333 {dimension_numbers = #tpu.dot_dimension_numbers<[0], [0], [1], [1], [0, 1, 1, 1], [], []>, transpose_lhs_hint = false} : vector<32x17xf32>, vector<32x1024xf32>, vector<17x1024xf32> -> vector<17x1024xf32>
    %add3A_335 = arith.addf %dot_general3A_332, %dot_general3A_334 : vector<17x1024xf32>
    %add3A_336 = vector.broadcast %broadcast_in_dim3A_230 : vector<17x1xf32> to vector<17x1024xf32>
    %add3A_337 = arith.addf %add3A_335, %add3A_336 : vector<17x1024xf32>
    %swap3A_338 = arith.constant 0 : index
    %swap3A_339 = arith.constant 2048 : index
    %swap3A_340 = vector.load %arg7[%swap3A_338, %swap3A_339] : memref<17x16384xf32, #tpu.memory_space<vmem>>, vector<17x1024xf32>
    tpu.vector_store %arg7[%swap3A_338, %swap3A_339], %add3A_337 {strides = array<i32>} : memref<17x16384xf32, #tpu.memory_space<vmem>>, vector<17x1024xf32>,
    %get3A_341 = arith.constant 0 : index
    %get3A_342 = arith.constant 3072 : index
    %get3A_343 = vector.load %arg0[%get3A_341, %get3A_342] : memref<160x16384xf32, #tpu.memory_space<vmem>>, vector<160x1024xf32>
    %dot_general3A_344 = arith.constant dense<0.000000e+00> : vector<32x1024xf32>
    %dot_general3A_345 = tpu.matmul %get3A_221, %get3A_343, %dot_general3A_344 {dimension_numbers = #tpu.dot_dimension_numbers<[0], [0], [1], [1], [0, 1, 1, 1], [], []>, transpose_lhs_hint = false} : vector<160x32xf32>, vector<160x1024xf32>, vector<32x1024xf32> -> vector<32x1024xf32>
    %tanh3A_346 = math.tanh %dot_general3A_345 : vector<32x1024xf32>
    %swap3A_347 = arith.constant 0 : index
    %swap3A_348 = arith.constant 3072 : index
    %swap3A_349 = vector.load %arg8[%swap3A_347, %swap3A_348] : memref<32x16384xf32, #tpu.memory_space<vmem>>, vector<32x1024xf32>
    tpu.vector_store %arg8[%swap3A_347, %swap3A_348], %tanh3A_346 {strides = array<i32>} : memref<32x16384xf32, #tpu.memory_space<vmem>>, vector<32x1024xf32>,
    %slice3A_350 = vector.extract_strided_slice %get3A_1 {offsets = [3, 0], sizes = [1, 1024], strides = [1, 1]} : vector<16x1024xi32> to vector<1x1024xi32>
    %get3A_351 = arith.constant 0 : index
    %get3A_352 = arith.constant 3072 : index
    %get3A_353 = vector.load %arg3[%get3A_351, %get3A_352] : memref<32x16384xf32, #tpu.memory_space<vmem>>, vector<32x1024xf32>
    %mul3A_354 = vector.broadcast %mul3A_50 : vector<1x1024xf32> to vector<32x1024xf32>
    %mul3A_355 = arith.mulf %mul3A_354, %get3A_353 : vector<32x1024xf32>
    %slice3A_356 = vector.extract_strided_slice %get3A_1 {offsets = [0, 0], sizes = [1, 1024], strides = [1, 1]} : vector<16x1024xi32> to vector<1x1024xi32>
    %eq3A_357 = arith.cmpi eq, %slice3A_356, %slice3A_350 : vector<1x1024xi32>
    %slice3A_358 = vector.extract_strided_slice %add3A_48 {offsets = [0, 0], sizes = [1, 1024], strides = [1, 1]} : vector<16x1024xf32> to vector<1x1024xf32>
    %jit3A_359 = arith.constant 0.000000e+00 : f32
    %broadcast_in_dim3A_360 = vector.broadcast %jit3A_359 : f32 to vector<1x1024xf32>
    %select_n3A_361 = arith.select %eq3A_357, %slice3A_358, %broadcast_in_dim3A_360 : vector<1x1024xi1>, vector<1x1024xf32>
    %get3A_362 = arith.constant 0 : index
    %get3A_363 = arith.constant 0 : index
    %get3A_364 = vector.load %arg8[%get3A_362, %get3A_363] : memref<32x16384xf32, #tpu.memory_space<vmem>>, vector<32x1024xf32>
    %mul3A_365 = vector.broadcast %select_n3A_361 : vector<1x1024xf32> to vector<32x1024xf32>
    %mul3A_366 = arith.mulf %mul3A_365, %get3A_364 : vector<32x1024xf32>
    %add3A_367 = arith.addf %mul3A_355, %mul3A_366 : vector<32x1024xf32>
    %slice3A_368 = vector.extract_strided_slice %get3A_1 {offsets = [1, 0], sizes = [1, 1024], strides = [1, 1]} : vector<16x1024xi32> to vector<1x1024xi32>
    %eq3A_369 = arith.cmpi eq, %slice3A_368, %slice3A_350 : vector<1x1024xi32>
    %slice3A_370 = vector.extract_strided_slice %add3A_48 {offsets = [1, 0], sizes = [1, 1024], strides = [1, 1]} : vector<16x1024xf32> to vector<1x1024xf32>
    %jit3A_371 = arith.constant 0.000000e+00 : f32
    %broadcast_in_dim3A_372 = vector.broadcast %jit3A_371 : f32 to vector<1x1024xf32>
    %select_n3A_373 = arith.select %eq3A_369, %slice3A_370, %broadcast_in_dim3A_372 : vector<1x1024xi1>, vector<1x1024xf32>
    %get3A_374 = arith.constant 0 : index
    %get3A_375 = arith.constant 1024 : index
    %get3A_376 = vector.load %arg8[%get3A_374, %get3A_375] : memref<32x16384xf32, #tpu.memory_space<vmem>>, vector<32x1024xf32>
    %mul3A_377 = vector.broadcast %select_n3A_373 : vector<1x1024xf32> to vector<32x1024xf32>
    %mul3A_378 = arith.mulf %mul3A_377, %get3A_376 : vector<32x1024xf32>
    %add3A_379 = arith.addf %add3A_367, %mul3A_378 : vector<32x1024xf32>
    %slice3A_380 = vector.extract_strided_slice %get3A_1 {offsets = [2, 0], sizes = [1, 1024], strides = [1, 1]} : vector<16x1024xi32> to vector<1x1024xi32>
    %eq3A_381 = arith.cmpi eq, %slice3A_380, %slice3A_350 : vector<1x1024xi32>
    %slice3A_382 = vector.extract_strided_slice %add3A_48 {offsets = [2, 0], sizes = [1, 1024], strides = [1, 1]} : vector<16x1024xf32> to vector<1x1024xf32>
    %jit3A_383 = arith.constant 0.000000e+00 : f32
    %broadcast_in_dim3A_384 = vector.broadcast %jit3A_383 : f32 to vector<1x1024xf32>
    %select_n3A_385 = arith.select %eq3A_381, %slice3A_382, %broadcast_in_dim3A_384 : vector<1x1024xi1>, vector<1x1024xf32>
    %get3A_386 = arith.constant 0 : index
    %get3A_387 = arith.constant 2048 : index
    %get3A_388 = vector.load %arg8[%get3A_386, %get3A_387] : memref<32x16384xf32, #tpu.memory_space<vmem>>, vector<32x1024xf32>
    %mul3A_389 = vector.broadcast %select_n3A_385 : vector<1x1024xf32> to vector<32x1024xf32>
    %mul3A_390 = arith.mulf %mul3A_389, %get3A_388 : vector<32x1024xf32>
    %add3A_391 = arith.addf %add3A_379, %mul3A_390 : vector<32x1024xf32>
    %add3A_392 = arith.addf %add3A_391, %tanh3A_346 : vector<32x1024xf32>
    %dot_general3A_393 = arith.constant dense<0.000000e+00> : vector<17x1024xf32>
    %dot_general3A_394 = tpu.matmul %get3A_224, %tanh3A_346, %dot_general3A_393 {dimension_numbers = #tpu.dot_dimension_numbers<[0], [0], [1], [1], [0, 1, 1, 1], [], []>, transpose_lhs_hint = false} : vector<32x17xf32>, vector<32x1024xf32>, vector<17x1024xf32> -> vector<17x1024xf32>
    %dot_general3A_395 = arith.constant dense<0.000000e+00> : vector<17x1024xf32>
    %dot_general3A_396 = tpu.matmul %get3A_227, %add3A_392, %dot_general3A_395 {dimension_numbers = #tpu.dot_dimension_numbers<[0], [0], [1], [1], [0, 1, 1, 1], [], []>, transpose_lhs_hint = false} : vector<32x17xf32>, vector<32x1024xf32>, vector<17x1024xf32> -> vector<17x1024xf32>
    %add3A_397 = arith.addf %dot_general3A_394, %dot_general3A_396 : vector<17x1024xf32>
    %add3A_398 = vector.broadcast %broadcast_in_dim3A_230 : vector<17x1xf32> to vector<17x1024xf32>
    %add3A_399 = arith.addf %add3A_397, %add3A_398 : vector<17x1024xf32>
    %swap3A_400 = arith.constant 0 : index
    %swap3A_401 = arith.constant 3072 : index
    %swap3A_402 = vector.load %arg7[%swap3A_400, %swap3A_401] : memref<17x16384xf32, #tpu.memory_space<vmem>>, vector<17x1024xf32>
    tpu.vector_store %arg7[%swap3A_400, %swap3A_401], %add3A_399 {strides = array<i32>} : memref<17x16384xf32, #tpu.memory_space<vmem>>, vector<17x1024xf32>,
    %get3A_403 = arith.constant 0 : index
    %get3A_404 = arith.constant 4096 : index
    %get3A_405 = vector.load %arg0[%get3A_403, %get3A_404] : memref<160x16384xf32, #tpu.memory_space<vmem>>, vector<160x1024xf32>
    %dot_general3A_406 = arith.constant dense<0.000000e+00> : vector<32x1024xf32>
    %dot_general3A_407 = tpu.matmul %get3A_221, %get3A_405, %dot_general3A_406 {dimension_numbers = #tpu.dot_dimension_numbers<[0], [0], [1], [1], [0, 1, 1, 1], [], []>, transpose_lhs_hint = false} : vector<160x32xf32>, vector<160x1024xf32>, vector<32x1024xf32> -> vector<32x1024xf32>
    %tanh3A_408 = math.tanh %dot_general3A_407 : vector<32x1024xf32>
    %swap3A_409 = arith.constant 0 : index
    %swap3A_410 = arith.constant 4096 : index
    %swap3A_411 = vector.load %arg8[%swap3A_409, %swap3A_410] : memref<32x16384xf32, #tpu.memory_space<vmem>>, vector<32x1024xf32>
    tpu.vector_store %arg8[%swap3A_409, %swap3A_410], %tanh3A_408 {strides = array<i32>} : memref<32x16384xf32, #tpu.memory_space<vmem>>, vector<32x1024xf32>,
    %slice3A_412 = vector.extract_strided_slice %get3A_1 {offsets = [4, 0], sizes = [1, 1024], strides = [1, 1]} : vector<16x1024xi32> to vector<1x1024xi32>
    %get3A_413 = arith.constant 0 : index
    %get3A_414 = arith.constant 4096 : index
    %get3A_415 = vector.load %arg3[%get3A_413, %get3A_414] : memref<32x16384xf32, #tpu.memory_space<vmem>>, vector<32x1024xf32>
    %mul3A_416 = vector.broadcast %mul3A_64 : vector<1x1024xf32> to vector<32x1024xf32>
    %mul3A_417 = arith.mulf %mul3A_416, %get3A_415 : vector<32x1024xf32>
    %slice3A_418 = vector.extract_strided_slice %get3A_1 {offsets = [0, 0], sizes = [1, 1024], strides = [1, 1]} : vector<16x1024xi32> to vector<1x1024xi32>
    %eq3A_419 = arith.cmpi eq, %slice3A_418, %slice3A_412 : vector<1x1024xi32>
    %slice3A_420 = vector.extract_strided_slice %add3A_62 {offsets = [0, 0], sizes = [1, 1024], strides = [1, 1]} : vector<16x1024xf32> to vector<1x1024xf32>
    %jit3A_421 = arith.constant 0.000000e+00 : f32
    %broadcast_in_dim3A_422 = vector.broadcast %jit3A_421 : f32 to vector<1x1024xf32>
    %select_n3A_423 = arith.select %eq3A_419, %slice3A_420, %broadcast_in_dim3A_422 : vector<1x1024xi1>, vector<1x1024xf32>
    %get3A_424 = arith.constant 0 : index
    %get3A_425 = arith.constant 0 : index
    %get3A_426 = vector.load %arg8[%get3A_424, %get3A_425] : memref<32x16384xf32, #tpu.memory_space<vmem>>, vector<32x1024xf32>
    %mul3A_427 = vector.broadcast %select_n3A_423 : vector<1x1024xf32> to vector<32x1024xf32>
    %mul3A_428 = arith.mulf %mul3A_427, %get3A_426 : vector<32x1024xf32>
    %add3A_429 = arith.addf %mul3A_417, %mul3A_428 : vector<32x1024xf32>
    %slice3A_430 = vector.extract_strided_slice %get3A_1 {offsets = [1, 0], sizes = [1, 1024], strides = [1, 1]} : vector<16x1024xi32> to vector<1x1024xi32>
    %eq3A_431 = arith.cmpi eq, %slice3A_430, %slice3A_412 : vector<1x1024xi32>
    %slice3A_432 = vector.extract_strided_slice %add3A_62 {offsets = [1, 0], sizes = [1, 1024], strides = [1, 1]} : vector<16x1024xf32> to vector<1x1024xf32>
    %jit3A_433 = arith.constant 0.000000e+00 : f32
    %broadcast_in_dim3A_434 = vector.broadcast %jit3A_433 : f32 to vector<1x1024xf32>
    %select_n3A_435 = arith.select %eq3A_431, %slice3A_432, %broadcast_in_dim3A_434 : vector<1x1024xi1>, vector<1x1024xf32>
    %get3A_436 = arith.constant 0 : index
    %get3A_437 = arith.constant 1024 : index
    %get3A_438 = vector.load %arg8[%get3A_436, %get3A_437] : memref<32x16384xf32, #tpu.memory_space<vmem>>, vector<32x1024xf32>
    %mul3A_439 = vector.broadcast %select_n3A_435 : vector<1x1024xf32> to vector<32x1024xf32>
    %mul3A_440 = arith.mulf %mul3A_439, %get3A_438 : vector<32x1024xf32>
    %add3A_441 = arith.addf %add3A_429, %mul3A_440 : vector<32x1024xf32>
    %slice3A_442 = vector.extract_strided_slice %get3A_1 {offsets = [2, 0], sizes = [1, 1024], strides = [1, 1]} : vector<16x1024xi32> to vector<1x1024xi32>
    %eq3A_443 = arith.cmpi eq, %slice3A_442, %slice3A_412 : vector<1x1024xi32>
    %slice3A_444 = vector.extract_strided_slice %add3A_62 {offsets = [2, 0], sizes = [1, 1024], strides = [1, 1]} : vector<16x1024xf32> to vector<1x1024xf32>
    %jit3A_445 = arith.constant 0.000000e+00 : f32
    %broadcast_in_dim3A_446 = vector.broadcast %jit3A_445 : f32 to vector<1x1024xf32>
    %select_n3A_447 = arith.select %eq3A_443, %slice3A_444, %broadcast_in_dim3A_446 : vector<1x1024xi1>, vector<1x1024xf32>
    %get3A_448 = arith.constant 0 : index
    %get3A_449 = arith.constant 2048 : index
    %get3A_450 = vector.load %arg8[%get3A_448, %get3A_449] : memref<32x16384xf32, #tpu.memory_space<vmem>>, vector<32x1024xf32>
    %mul3A_451 = vector.broadcast %select_n3A_447 : vector<1x1024xf32> to vector<32x1024xf32>
    %mul3A_452 = arith.mulf %mul3A_451, %get3A_450 : vector<32x1024xf32>
    %add3A_453 = arith.addf %add3A_441, %mul3A_452 : vector<32x1024xf32>
    %slice3A_454 = vector.extract_strided_slice %get3A_1 {offsets = [3, 0], sizes = [1, 1024], strides = [1, 1]} : vector<16x1024xi32> to vector<1x1024xi32>
    %eq3A_455 = arith.cmpi eq, %slice3A_454, %slice3A_412 : vector<1x1024xi32>
    %slice3A_456 = vector.extract_strided_slice %add3A_62 {offsets = [3, 0], sizes = [1, 1024], strides = [1, 1]} : vector<16x1024xf32> to vector<1x1024xf32>
    %jit3A_457 = arith.constant 0.000000e+00 : f32
    %broadcast_in_dim3A_458 = vector.broadcast %jit3A_457 : f32 to vector<1x1024xf32>
    %select_n3A_459 = arith.select %eq3A_455, %slice3A_456, %broadcast_in_dim3A_458 : vector<1x1024xi1>, vector<1x1024xf32>
    %get3A_460 = arith.constant 0 : index
    %get3A_461 = arith.constant 3072 : index
    %get3A_462 = vector.load %arg8[%get3A_460, %get3A_461] : memref<32x16384xf32, #tpu.memory_space<vmem>>, vector<32x1024xf32>
    %mul3A_463 = vector.broadcast %select_n3A_459 : vector<1x1024xf32> to vector<32x1024xf32>
    %mul3A_464 = arith.mulf %mul3A_463, %get3A_462 : vector<32x1024xf32>
    %add3A_465 = arith.addf %add3A_453, %mul3A_464 : vector<32x1024xf32>
    %add3A_466 = arith.addf %add3A_465, %tanh3A_408 : vector<32x1024xf32>
    %dot_general3A_467 = arith.constant dense<0.000000e+00> : vector<17x1024xf32>
    %dot_general3A_468 = tpu.matmul %get3A_224, %tanh3A_408, %dot_general3A_467 {dimension_numbers = #tpu.dot_dimension_numbers<[0], [0], [1], [1], [0, 1, 1, 1], [], []>, transpose_lhs_hint = false} : vector<32x17xf32>, vector<32x1024xf32>, vector<17x1024xf32> -> vector<17x1024xf32>
    %dot_general3A_469 = arith.constant dense<0.000000e+00> : vector<17x1024xf32>
    %dot_general3A_470 = tpu.matmul %get3A_227, %add3A_466, %dot_general3A_469 {dimension_numbers = #tpu.dot_dimension_numbers<[0], [0], [1], [1], [0, 1, 1, 1], [], []>, transpose_lhs_hint = false} : vector<32x17xf32>, vector<32x1024xf32>, vector<17x1024xf32> -> vector<17x1024xf32>
    %add3A_471 = arith.addf %dot_general3A_468, %dot_general3A_470 : vector<17x1024xf32>
    %add3A_472 = vector.broadcast %broadcast_in_dim3A_230 : vector<17x1xf32> to vector<17x1024xf32>
    %add3A_473 = arith.addf %add3A_471, %add3A_472 : vector<17x1024xf32>
    %swap3A_474 = arith.constant 0 : index
    %swap3A_475 = arith.constant 4096 : index
    %swap3A_476 = vector.load %arg7[%swap3A_474, %swap3A_475] : memref<17x16384xf32, #tpu.memory_space<vmem>>, vector<17x1024xf32>
    tpu.vector_store %arg7[%swap3A_474, %swap3A_475], %add3A_473 {strides = array<i32>} : memref<17x16384xf32, #tpu.memory_space<vmem>>, vector<17x1024xf32>,
    %get3A_477 = arith.constant 0 : index
    %get3A_478 = arith.constant 5120 : index
    %get3A_479 = vector.load %arg0[%get3A_477, %get3A_478] : memref<160x16384xf32, #tpu.memory_space<vmem>>, vector<160x1024xf32>
    %dot_general3A_480 = arith.constant dense<0.000000e+00> : vector<32x1024xf32>
    %dot_general3A_481 = tpu.matmul %get3A_221, %get3A_479, %dot_general3A_480 {dimension_numbers = #tpu.dot_dimension_numbers<[0], [0], [1], [1], [0, 1, 1, 1], [], []>, transpose_lhs_hint = false} : vector<160x32xf32>, vector<160x1024xf32>, vector<32x1024xf32> -> vector<32x1024xf32>
    %tanh3A_482 = math.tanh %dot_general3A_481 : vector<32x1024xf32>
    %swap3A_483 = arith.constant 0 : index
    %swap3A_484 = arith.constant 5120 : index
    %swap3A_485 = vector.load %arg8[%swap3A_483, %swap3A_484] : memref<32x16384xf32, #tpu.memory_space<vmem>>, vector<32x1024xf32>
    tpu.vector_store %arg8[%swap3A_483, %swap3A_484], %tanh3A_482 {strides = array<i32>} : memref<32x16384xf32, #tpu.memory_space<vmem>>, vector<32x1024xf32>,
    %slice3A_486 = vector.extract_strided_slice %get3A_1 {offsets = [5, 0], sizes = [1, 1024], strides = [1, 1]} : vector<16x1024xi32> to vector<1x1024xi32>
    %get3A_487 = arith.constant 0 : index
    %get3A_488 = arith.constant 5120 : index
    %get3A_489 = vector.load %arg3[%get3A_487, %get3A_488] : memref<32x16384xf32, #tpu.memory_space<vmem>>, vector<32x1024xf32>
    %mul3A_490 = vector.broadcast %mul3A_78 : vector<1x1024xf32> to vector<32x1024xf32>
    %mul3A_491 = arith.mulf %mul3A_490, %get3A_489 : vector<32x1024xf32>
    %slice3A_492 = vector.extract_strided_slice %get3A_1 {offsets = [0, 0], sizes = [1, 1024], strides = [1, 1]} : vector<16x1024xi32> to vector<1x1024xi32>
    %eq3A_493 = arith.cmpi eq, %slice3A_492, %slice3A_486 : vector<1x1024xi32>
    %slice3A_494 = vector.extract_strided_slice %add3A_76 {offsets = [0, 0], sizes = [1, 1024], strides = [1, 1]} : vector<16x1024xf32> to vector<1x1024xf32>
    %jit3A_495 = arith.constant 0.000000e+00 : f32
    %broadcast_in_dim3A_496 = vector.broadcast %jit3A_495 : f32 to vector<1x1024xf32>
    %select_n3A_497 = arith.select %eq3A_493, %slice3A_494, %broadcast_in_dim3A_496 : vector<1x1024xi1>, vector<1x1024xf32>
    %get3A_498 = arith.constant 0 : index
    %get3A_499 = arith.constant 0 : index
    %get3A_500 = vector.load %arg8[%get3A_498, %get3A_499] : memref<32x16384xf32, #tpu.memory_space<vmem>>, vector<32x1024xf32>
    %mul3A_501 = vector.broadcast %select_n3A_497 : vector<1x1024xf32> to vector<32x1024xf32>
    %mul3A_502 = arith.mulf %mul3A_501, %get3A_500 : vector<32x1024xf32>
    %add3A_503 = arith.addf %mul3A_491, %mul3A_502 : vector<32x1024xf32>
    %slice3A_504 = vector.extract_strided_slice %get3A_1 {offsets = [1, 0], sizes = [1, 1024], strides = [1, 1]} : vector<16x1024xi32> to vector<1x1024xi32>
    %eq3A_505 = arith.cmpi eq, %slice3A_504, %slice3A_486 : vector<1x1024xi32>
    %slice3A_506 = vector.extract_strided_slice %add3A_76 {offsets = [1, 0], sizes = [1, 1024], strides = [1, 1]} : vector<16x1024xf32> to vector<1x1024xf32>
    %jit3A_507 = arith.constant 0.000000e+00 : f32
    %broadcast_in_dim3A_508 = vector.broadcast %jit3A_507 : f32 to vector<1x1024xf32>
    %select_n3A_509 = arith.select %eq3A_505, %slice3A_506, %broadcast_in_dim3A_508 : vector<1x1024xi1>, vector<1x1024xf32>
    %get3A_510 = arith.constant 0 : index
    %get3A_511 = arith.constant 1024 : index
    %get3A_512 = vector.load %arg8[%get3A_510, %get3A_511] : memref<32x16384xf32, #tpu.memory_space<vmem>>, vector<32x1024xf32>
    %mul3A_513 = vector.broadcast %select_n3A_509 : vector<1x1024xf32> to vector<32x1024xf32>
    %mul3A_514 = arith.mulf %mul3A_513, %get3A_512 : vector<32x1024xf32>
    %add3A_515 = arith.addf %add3A_503, %mul3A_514 : vector<32x1024xf32>
    %slice3A_516 = vector.extract_strided_slice %get3A_1 {offsets = [2, 0], sizes = [1, 1024], strides = [1, 1]} : vector<16x1024xi32> to vector<1x1024xi32>
    %eq3A_517 = arith.cmpi eq, %slice3A_516, %slice3A_486 : vector<1x1024xi32>
    %slice3A_518 = vector.extract_strided_slice %add3A_76 {offsets = [2, 0], sizes = [1, 1024], strides = [1, 1]} : vector<16x1024xf32> to vector<1x1024xf32>
    %jit3A_519 = arith.constant 0.000000e+00 : f32
    %broadcast_in_dim3A_520 = vector.broadcast %jit3A_519 : f32 to vector<1x1024xf32>
    %select_n3A_521 = arith.select %eq3A_517, %slice3A_518, %broadcast_in_dim3A_520 : vector<1x1024xi1>, vector<1x1024xf32>
    %get3A_522 = arith.constant 0 : index
    %get3A_523 = arith.constant 2048 : index
    %get3A_524 = vector.load %arg8[%get3A_522, %get3A_523] : memref<32x16384xf32, #tpu.memory_space<vmem>>, vector<32x1024xf32>
    %mul3A_525 = vector.broadcast %select_n3A_521 : vector<1x1024xf32> to vector<32x1024xf32>
    %mul3A_526 = arith.mulf %mul3A_525, %get3A_524 : vector<32x1024xf32>
    %add3A_527 = arith.addf %add3A_515, %mul3A_526 : vector<32x1024xf32>
    %slice3A_528 = vector.extract_strided_slice %get3A_1 {offsets = [3, 0], sizes = [1, 1024], strides = [1, 1]} : vector<16x1024xi32> to vector<1x1024xi32>
    %eq3A_529 = arith.cmpi eq, %slice3A_528, %slice3A_486 : vector<1x1024xi32>
    %slice3A_530 = vector.extract_strided_slice %add3A_76 {offsets = [3, 0], sizes = [1, 1024], strides = [1, 1]} : vector<16x1024xf32> to vector<1x1024xf32>
    %jit3A_531 = arith.constant 0.000000e+00 : f32
    %broadcast_in_dim3A_532 = vector.broadcast %jit3A_531 : f32 to vector<1x1024xf32>
    %select_n3A_533 = arith.select %eq3A_529, %slice3A_530, %broadcast_in_dim3A_532 : vector<1x1024xi1>, vector<1x1024xf32>
    %get3A_534 = arith.constant 0 : index
    %get3A_535 = arith.constant 3072 : index
    %get3A_536 = vector.load %arg8[%get3A_534, %get3A_535] : memref<32x16384xf32, #tpu.memory_space<vmem>>, vector<32x1024xf32>
    %mul3A_537 = vector.broadcast %select_n3A_533 : vector<1x1024xf32> to vector<32x1024xf32>
    %mul3A_538 = arith.mulf %mul3A_537, %get3A_536 : vector<32x1024xf32>
    %add3A_539 = arith.addf %add3A_527, %mul3A_538 : vector<32x1024xf32>
    %slice3A_540 = vector.extract_strided_slice %get3A_1 {offsets = [4, 0], sizes = [1, 1024], strides = [1, 1]} : vector<16x1024xi32> to vector<1x1024xi32>
    %eq3A_541 = arith.cmpi eq, %slice3A_540, %slice3A_486 : vector<1x1024xi32>
    %slice3A_542 = vector.extract_strided_slice %add3A_76 {offsets = [4, 0], sizes = [1, 1024], strides = [1, 1]} : vector<16x1024xf32> to vector<1x1024xf32>
    %jit3A_543 = arith.constant 0.000000e+00 : f32
    %broadcast_in_dim3A_544 = vector.broadcast %jit3A_543 : f32 to vector<1x1024xf32>
    %select_n3A_545 = arith.select %eq3A_541, %slice3A_542, %broadcast_in_dim3A_544 : vector<1x1024xi1>, vector<1x1024xf32>
    %get3A_546 = arith.constant 0 : index
    %get3A_547 = arith.constant 4096 : index
    %get3A_548 = vector.load %arg8[%get3A_546, %get3A_547] : memref<32x16384xf32, #tpu.memory_space<vmem>>, vector<32x1024xf32>
    %mul3A_549 = vector.broadcast %select_n3A_545 : vector<1x1024xf32> to vector<32x1024xf32>
    %mul3A_550 = arith.mulf %mul3A_549, %get3A_548 : vector<32x1024xf32>
    %add3A_551 = arith.addf %add3A_539, %mul3A_550 : vector<32x1024xf32>
    %add3A_552 = arith.addf %add3A_551, %tanh3A_482 : vector<32x1024xf32>
    %dot_general3A_553 = arith.constant dense<0.000000e+00> : vector<17x1024xf32>
    %dot_general3A_554 = tpu.matmul %get3A_224, %tanh3A_482, %dot_general3A_553 {dimension_numbers = #tpu.dot_dimension_numbers<[0], [0], [1], [1], [0, 1, 1, 1], [], []>, transpose_lhs_hint = false} : vector<32x17xf32>, vector<32x1024xf32>, vector<17x1024xf32> -> vector<17x1024xf32>
    %dot_general3A_555 = arith.constant dense<0.000000e+00> : vector<17x1024xf32>
    %dot_general3A_556 = tpu.matmul %get3A_227, %add3A_552, %dot_general3A_555 {dimension_numbers = #tpu.dot_dimension_numbers<[0], [0], [1], [1], [0, 1, 1, 1], [], []>, transpose_lhs_hint = false} : vector<32x17xf32>, vector<32x1024xf32>, vector<17x1024xf32> -> vector<17x1024xf32>
    %add3A_557 = arith.addf %dot_general3A_554, %dot_general3A_556 : vector<17x1024xf32>
    %add3A_558 = vector.broadcast %broadcast_in_dim3A_230 : vector<17x1xf32> to vector<17x1024xf32>
    %add3A_559 = arith.addf %add3A_557, %add3A_558 : vector<17x1024xf32>
    %swap3A_560 = arith.constant 0 : index
    %swap3A_561 = arith.constant 5120 : index
    %swap3A_562 = vector.load %arg7[%swap3A_560, %swap3A_561] : memref<17x16384xf32, #tpu.memory_space<vmem>>, vector<17x1024xf32>
    tpu.vector_store %arg7[%swap3A_560, %swap3A_561], %add3A_559 {strides = array<i32>} : memref<17x16384xf32, #tpu.memory_space<vmem>>, vector<17x1024xf32>,
    %get3A_563 = arith.constant 0 : index
    %get3A_564 = arith.constant 6144 : index
    %get3A_565 = vector.load %arg0[%get3A_563, %get3A_564] : memref<160x16384xf32, #tpu.memory_space<vmem>>, vector<160x1024xf32>
    %dot_general3A_566 = arith.constant dense<0.000000e+00> : vector<32x1024xf32>
    %dot_general3A_567 = tpu.matmul %get3A_221, %get3A_565, %dot_general3A_566 {dimension_numbers = #tpu.dot_dimension_numbers<[0], [0], [1], [1], [0, 1, 1, 1], [], []>, transpose_lhs_hint = false} : vector<160x32xf32>, vector<160x1024xf32>, vector<32x1024xf32> -> vector<32x1024xf32>
    %tanh3A_568 = math.tanh %dot_general3A_567 : vector<32x1024xf32>
    %swap3A_569 = arith.constant 0 : index
    %swap3A_570 = arith.constant 6144 : index
    %swap3A_571 = vector.load %arg8[%swap3A_569, %swap3A_570] : memref<32x16384xf32, #tpu.memory_space<vmem>>, vector<32x1024xf32>
    tpu.vector_store %arg8[%swap3A_569, %swap3A_570], %tanh3A_568 {strides = array<i32>} : memref<32x16384xf32, #tpu.memory_space<vmem>>, vector<32x1024xf32>,
    %slice3A_572 = vector.extract_strided_slice %get3A_1 {offsets = [6, 0], sizes = [1, 1024], strides = [1, 1]} : vector<16x1024xi32> to vector<1x1024xi32>
    %get3A_573 = arith.constant 0 : index
    %get3A_574 = arith.constant 6144 : index
    %get3A_575 = vector.load %arg3[%get3A_573, %get3A_574] : memref<32x16384xf32, #tpu.memory_space<vmem>>, vector<32x1024xf32>
    %mul3A_576 = vector.broadcast %mul3A_92 : vector<1x1024xf32> to vector<32x1024xf32>
    %mul3A_577 = arith.mulf %mul3A_576, %get3A_575 : vector<32x1024xf32>
    %slice3A_578 = vector.extract_strided_slice %get3A_1 {offsets = [0, 0], sizes = [1, 1024], strides = [1, 1]} : vector<16x1024xi32> to vector<1x1024xi32>
    %eq3A_579 = arith.cmpi eq, %slice3A_578, %slice3A_572 : vector<1x1024xi32>
    %slice3A_580 = vector.extract_strided_slice %add3A_90 {offsets = [0, 0], sizes = [1, 1024], strides = [1, 1]} : vector<16x1024xf32> to vector<1x1024xf32>
    %jit3A_581 = arith.constant 0.000000e+00 : f32
    %broadcast_in_dim3A_582 = vector.broadcast %jit3A_581 : f32 to vector<1x1024xf32>
    %select_n3A_583 = arith.select %eq3A_579, %slice3A_580, %broadcast_in_dim3A_582 : vector<1x1024xi1>, vector<1x1024xf32>
    %get3A_584 = arith.constant 0 : index
    %get3A_585 = arith.constant 0 : index
    %get3A_586 = vector.load %arg8[%get3A_584, %get3A_585] : memref<32x16384xf32, #tpu.memory_space<vmem>>, vector<32x1024xf32>
    %mul3A_587 = vector.broadcast %select_n3A_583 : vector<1x1024xf32> to vector<32x1024xf32>
    %mul3A_588 = arith.mulf %mul3A_587, %get3A_586 : vector<32x1024xf32>
    %add3A_589 = arith.addf %mul3A_577, %mul3A_588 : vector<32x1024xf32>
    %slice3A_590 = vector.extract_strided_slice %get3A_1 {offsets = [1, 0], sizes = [1, 1024], strides = [1, 1]} : vector<16x1024xi32> to vector<1x1024xi32>
    %eq3A_591 = arith.cmpi eq, %slice3A_590, %slice3A_572 : vector<1x1024xi32>
    %slice3A_592 = vector.extract_strided_slice %add3A_90 {offsets = [1, 0], sizes = [1, 1024], strides = [1, 1]} : vector<16x1024xf32> to vector<1x1024xf32>
    %jit3A_593 = arith.constant 0.000000e+00 : f32
    %broadcast_in_dim3A_594 = vector.broadcast %jit3A_593 : f32 to vector<1x1024xf32>
    %select_n3A_595 = arith.select %eq3A_591, %slice3A_592, %broadcast_in_dim3A_594 : vector<1x1024xi1>, vector<1x1024xf32>
    %get3A_596 = arith.constant 0 : index
    %get3A_597 = arith.constant 1024 : index
    %get3A_598 = vector.load %arg8[%get3A_596, %get3A_597] : memref<32x16384xf32, #tpu.memory_space<vmem>>, vector<32x1024xf32>
    %mul3A_599 = vector.broadcast %select_n3A_595 : vector<1x1024xf32> to vector<32x1024xf32>
    %mul3A_600 = arith.mulf %mul3A_599, %get3A_598 : vector<32x1024xf32>
    %add3A_601 = arith.addf %add3A_589, %mul3A_600 : vector<32x1024xf32>
    %slice3A_602 = vector.extract_strided_slice %get3A_1 {offsets = [2, 0], sizes = [1, 1024], strides = [1, 1]} : vector<16x1024xi32> to vector<1x1024xi32>
    %eq3A_603 = arith.cmpi eq, %slice3A_602, %slice3A_572 : vector<1x1024xi32>
    %slice3A_604 = vector.extract_strided_slice %add3A_90 {offsets = [2, 0], sizes = [1, 1024], strides = [1, 1]} : vector<16x1024xf32> to vector<1x1024xf32>
    %jit3A_605 = arith.constant 0.000000e+00 : f32
    %broadcast_in_dim3A_606 = vector.broadcast %jit3A_605 : f32 to vector<1x1024xf32>
    %select_n3A_607 = arith.select %eq3A_603, %slice3A_604, %broadcast_in_dim3A_606 : vector<1x1024xi1>, vector<1x1024xf32>
    %get3A_608 = arith.constant 0 : index
    %get3A_609 = arith.constant 2048 : index
    %get3A_610 = vector.load %arg8[%get3A_608, %get3A_609] : memref<32x16384xf32, #tpu.memory_space<vmem>>, vector<32x1024xf32>
    %mul3A_611 = vector.broadcast %select_n3A_607 : vector<1x1024xf32> to vector<32x1024xf32>
    %mul3A_612 = arith.mulf %mul3A_611, %get3A_610 : vector<32x1024xf32>
    %add3A_613 = arith.addf %add3A_601, %mul3A_612 : vector<32x1024xf32>
    %slice3A_614 = vector.extract_strided_slice %get3A_1 {offsets = [3, 0], sizes = [1, 1024], strides = [1, 1]} : vector<16x1024xi32> to vector<1x1024xi32>
    %eq3A_615 = arith.cmpi eq, %slice3A_614, %slice3A_572 : vector<1x1024xi32>
    %slice3A_616 = vector.extract_strided_slice %add3A_90 {offsets = [3, 0], sizes = [1, 1024], strides = [1, 1]} : vector<16x1024xf32> to vector<1x1024xf32>
    %jit3A_617 = arith.constant 0.000000e+00 : f32
    %broadcast_in_dim3A_618 = vector.broadcast %jit3A_617 : f32 to vector<1x1024xf32>
    %select_n3A_619 = arith.select %eq3A_615, %slice3A_616, %broadcast_in_dim3A_618 : vector<1x1024xi1>, vector<1x1024xf32>
    %get3A_620 = arith.constant 0 : index
    %get3A_621 = arith.constant 3072 : index
    %get3A_622 = vector.load %arg8[%get3A_620, %get3A_621] : memref<32x16384xf32, #tpu.memory_space<vmem>>, vector<32x1024xf32>
    %mul3A_623 = vector.broadcast %select_n3A_619 : vector<1x1024xf32> to vector<32x1024xf32>
    %mul3A_624 = arith.mulf %mul3A_623, %get3A_622 : vector<32x1024xf32>
    %add3A_625 = arith.addf %add3A_613, %mul3A_624 : vector<32x1024xf32>
    %slice3A_626 = vector.extract_strided_slice %get3A_1 {offsets = [4, 0], sizes = [1, 1024], strides = [1, 1]} : vector<16x1024xi32> to vector<1x1024xi32>
    %eq3A_627 = arith.cmpi eq, %slice3A_626, %slice3A_572 : vector<1x1024xi32>
    %slice3A_628 = vector.extract_strided_slice %add3A_90 {offsets = [4, 0], sizes = [1, 1024], strides = [1, 1]} : vector<16x1024xf32> to vector<1x1024xf32>
    %jit3A_629 = arith.constant 0.000000e+00 : f32
    %broadcast_in_dim3A_630 = vector.broadcast %jit3A_629 : f32 to vector<1x1024xf32>
    %select_n3A_631 = arith.select %eq3A_627, %slice3A_628, %broadcast_in_dim3A_630 : vector<1x1024xi1>, vector<1x1024xf32>
    %get3A_632 = arith.constant 0 : index
    %get3A_633 = arith.constant 4096 : index
    %get3A_634 = vector.load %arg8[%get3A_632, %get3A_633] : memref<32x16384xf32, #tpu.memory_space<vmem>>, vector<32x1024xf32>
    %mul3A_635 = vector.broadcast %select_n3A_631 : vector<1x1024xf32> to vector<32x1024xf32>
    %mul3A_636 = arith.mulf %mul3A_635, %get3A_634 : vector<32x1024xf32>
    %add3A_637 = arith.addf %add3A_625, %mul3A_636 : vector<32x1024xf32>
    %slice3A_638 = vector.extract_strided_slice %get3A_1 {offsets = [5, 0], sizes = [1, 1024], strides = [1, 1]} : vector<16x1024xi32> to vector<1x1024xi32>
    %eq3A_639 = arith.cmpi eq, %slice3A_638, %slice3A_572 : vector<1x1024xi32>
    %slice3A_640 = vector.extract_strided_slice %add3A_90 {offsets = [5, 0], sizes = [1, 1024], strides = [1, 1]} : vector<16x1024xf32> to vector<1x1024xf32>
    %jit3A_641 = arith.constant 0.000000e+00 : f32
    %broadcast_in_dim3A_642 = vector.broadcast %jit3A_641 : f32 to vector<1x1024xf32>
    %select_n3A_643 = arith.select %eq3A_639, %slice3A_640, %broadcast_in_dim3A_642 : vector<1x1024xi1>, vector<1x1024xf32>
    %get3A_644 = arith.constant 0 : index
    %get3A_645 = arith.constant 5120 : index
    %get3A_646 = vector.load %arg8[%get3A_644, %get3A_645] : memref<32x16384xf32, #tpu.memory_space<vmem>>, vector<32x1024xf32>
    %mul3A_647 = vector.broadcast %select_n3A_643 : vector<1x1024xf32> to vector<32x1024xf32>
    %mul3A_648 = arith.mulf %mul3A_647, %get3A_646 : vector<32x1024xf32>
    %add3A_649 = arith.addf %add3A_637, %mul3A_648 : vector<32x1024xf32>
    %add3A_650 = arith.addf %add3A_649, %tanh3A_568 : vector<32x1024xf32>
    %dot_general3A_651 = arith.constant dense<0.000000e+00> : vector<17x1024xf32>
    %dot_general3A_652 = tpu.matmul %get3A_224, %tanh3A_568, %dot_general3A_651 {dimension_numbers = #tpu.dot_dimension_numbers<[0], [0], [1], [1], [0, 1, 1, 1], [], []>, transpose_lhs_hint = false} : vector<32x17xf32>, vector<32x1024xf32>, vector<17x1024xf32> -> vector<17x1024xf32>
    %dot_general3A_653 = arith.constant dense<0.000000e+00> : vector<17x1024xf32>
    %dot_general3A_654 = tpu.matmul %get3A_227, %add3A_650, %dot_general3A_653 {dimension_numbers = #tpu.dot_dimension_numbers<[0], [0], [1], [1], [0, 1, 1, 1], [], []>, transpose_lhs_hint = false} : vector<32x17xf32>, vector<32x1024xf32>, vector<17x1024xf32> -> vector<17x1024xf32>
    %add3A_655 = arith.addf %dot_general3A_652, %dot_general3A_654 : vector<17x1024xf32>
    %add3A_656 = vector.broadcast %broadcast_in_dim3A_230 : vector<17x1xf32> to vector<17x1024xf32>
    %add3A_657 = arith.addf %add3A_655, %add3A_656 : vector<17x1024xf32>
    %swap3A_658 = arith.constant 0 : index
    %swap3A_659 = arith.constant 6144 : index
    %swap3A_660 = vector.load %arg7[%swap3A_658, %swap3A_659] : memref<17x16384xf32, #tpu.memory_space<vmem>>, vector<17x1024xf32>
    tpu.vector_store %arg7[%swap3A_658, %swap3A_659], %add3A_657 {strides = array<i32>} : memref<17x16384xf32, #tpu.memory_space<vmem>>, vector<17x1024xf32>,
    %get3A_661 = arith.constant 0 : index
    %get3A_662 = arith.constant 7168 : index
    %get3A_663 = vector.load %arg0[%get3A_661, %get3A_662] : memref<160x16384xf32, #tpu.memory_space<vmem>>, vector<160x1024xf32>
    %dot_general3A_664 = arith.constant dense<0.000000e+00> : vector<32x1024xf32>
    %dot_general3A_665 = tpu.matmul %get3A_221, %get3A_663, %dot_general3A_664 {dimension_numbers = #tpu.dot_dimension_numbers<[0], [0], [1], [1], [0, 1, 1, 1], [], []>, transpose_lhs_hint = false} : vector<160x32xf32>, vector<160x1024xf32>, vector<32x1024xf32> -> vector<32x1024xf32>
    %tanh3A_666 = math.tanh %dot_general3A_665 : vector<32x1024xf32>
    %swap3A_667 = arith.constant 0 : index
    %swap3A_668 = arith.constant 7168 : index
    %swap3A_669 = vector.load %arg8[%swap3A_667, %swap3A_668] : memref<32x16384xf32, #tpu.memory_space<vmem>>, vector<32x1024xf32>
    tpu.vector_store %arg8[%swap3A_667, %swap3A_668], %tanh3A_666 {strides = array<i32>} : memref<32x16384xf32, #tpu.memory_space<vmem>>, vector<32x1024xf32>,
    %slice3A_670 = vector.extract_strided_slice %get3A_1 {offsets = [7, 0], sizes = [1, 1024], strides = [1, 1]} : vector<16x1024xi32> to vector<1x1024xi32>
    %get3A_671 = arith.constant 0 : index
    %get3A_672 = arith.constant 7168 : index
    %get3A_673 = vector.load %arg3[%get3A_671, %get3A_672] : memref<32x16384xf32, #tpu.memory_space<vmem>>, vector<32x1024xf32>
    %mul3A_674 = vector.broadcast %mul3A_106 : vector<1x1024xf32> to vector<32x1024xf32>
    %mul3A_675 = arith.mulf %mul3A_674, %get3A_673 : vector<32x1024xf32>
    %slice3A_676 = vector.extract_strided_slice %get3A_1 {offsets = [0, 0], sizes = [1, 1024], strides = [1, 1]} : vector<16x1024xi32> to vector<1x1024xi32>
    %eq3A_677 = arith.cmpi eq, %slice3A_676, %slice3A_670 : vector<1x1024xi32>
    %slice3A_678 = vector.extract_strided_slice %add3A_104 {offsets = [0, 0], sizes = [1, 1024], strides = [1, 1]} : vector<16x1024xf32> to vector<1x1024xf32>
    %jit3A_679 = arith.constant 0.000000e+00 : f32
    %broadcast_in_dim3A_680 = vector.broadcast %jit3A_679 : f32 to vector<1x1024xf32>
    %select_n3A_681 = arith.select %eq3A_677, %slice3A_678, %broadcast_in_dim3A_680 : vector<1x1024xi1>, vector<1x1024xf32>
    %get3A_682 = arith.constant 0 : index
    %get3A_683 = arith.constant 0 : index
    %get3A_684 = vector.load %arg8[%get3A_682, %get3A_683] : memref<32x16384xf32, #tpu.memory_space<vmem>>, vector<32x1024xf32>
    %mul3A_685 = vector.broadcast %select_n3A_681 : vector<1x1024xf32> to vector<32x1024xf32>
    %mul3A_686 = arith.mulf %mul3A_685, %get3A_684 : vector<32x1024xf32>
    %add3A_687 = arith.addf %mul3A_675, %mul3A_686 : vector<32x1024xf32>
    %slice3A_688 = vector.extract_strided_slice %get3A_1 {offsets = [1, 0], sizes = [1, 1024], strides = [1, 1]} : vector<16x1024xi32> to vector<1x1024xi32>
    %eq3A_689 = arith.cmpi eq, %slice3A_688, %slice3A_670 : vector<1x1024xi32>
    %slice3A_690 = vector.extract_strided_slice %add3A_104 {offsets = [1, 0], sizes = [1, 1024], strides = [1, 1]} : vector<16x1024xf32> to vector<1x1024xf32>
    %jit3A_691 = arith.constant 0.000000e+00 : f32
    %broadcast_in_dim3A_692 = vector.broadcast %jit3A_691 : f32 to vector<1x1024xf32>
    %select_n3A_693 = arith.select %eq3A_689, %slice3A_690, %broadcast_in_dim3A_692 : vector<1x1024xi1>, vector<1x1024xf32>
    %get3A_694 = arith.constant 0 : index
    %get3A_695 = arith.constant 1024 : index
    %get3A_696 = vector.load %arg8[%get3A_694, %get3A_695] : memref<32x16384xf32, #tpu.memory_space<vmem>>, vector<32x1024xf32>
    %mul3A_697 = vector.broadcast %select_n3A_693 : vector<1x1024xf32> to vector<32x1024xf32>
    %mul3A_698 = arith.mulf %mul3A_697, %get3A_696 : vector<32x1024xf32>
    %add3A_699 = arith.addf %add3A_687, %mul3A_698 : vector<32x1024xf32>
    %slice3A_700 = vector.extract_strided_slice %get3A_1 {offsets = [2, 0], sizes = [1, 1024], strides = [1, 1]} : vector<16x1024xi32> to vector<1x1024xi32>
    %eq3A_701 = arith.cmpi eq, %slice3A_700, %slice3A_670 : vector<1x1024xi32>
    %slice3A_702 = vector.extract_strided_slice %add3A_104 {offsets = [2, 0], sizes = [1, 1024], strides = [1, 1]} : vector<16x1024xf32> to vector<1x1024xf32>
    %jit3A_703 = arith.constant 0.000000e+00 : f32
    %broadcast_in_dim3A_704 = vector.broadcast %jit3A_703 : f32 to vector<1x1024xf32>
    %select_n3A_705 = arith.select %eq3A_701, %slice3A_702, %broadcast_in_dim3A_704 : vector<1x1024xi1>, vector<1x1024xf32>
    %get3A_706 = arith.constant 0 : index
    %get3A_707 = arith.constant 2048 : index
    %get3A_708 = vector.load %arg8[%get3A_706, %get3A_707] : memref<32x16384xf32, #tpu.memory_space<vmem>>, vector<32x1024xf32>
    %mul3A_709 = vector.broadcast %select_n3A_705 : vector<1x1024xf32> to vector<32x1024xf32>
    %mul3A_710 = arith.mulf %mul3A_709, %get3A_708 : vector<32x1024xf32>
    %add3A_711 = arith.addf %add3A_699, %mul3A_710 : vector<32x1024xf32>
    %slice3A_712 = vector.extract_strided_slice %get3A_1 {offsets = [3, 0], sizes = [1, 1024], strides = [1, 1]} : vector<16x1024xi32> to vector<1x1024xi32>
    %eq3A_713 = arith.cmpi eq, %slice3A_712, %slice3A_670 : vector<1x1024xi32>
    %slice3A_714 = vector.extract_strided_slice %add3A_104 {offsets = [3, 0], sizes = [1, 1024], strides = [1, 1]} : vector<16x1024xf32> to vector<1x1024xf32>
    %jit3A_715 = arith.constant 0.000000e+00 : f32
    %broadcast_in_dim3A_716 = vector.broadcast %jit3A_715 : f32 to vector<1x1024xf32>
    %select_n3A_717 = arith.select %eq3A_713, %slice3A_714, %broadcast_in_dim3A_716 : vector<1x1024xi1>, vector<1x1024xf32>
    %get3A_718 = arith.constant 0 : index
    %get3A_719 = arith.constant 3072 : index
    %get3A_720 = vector.load %arg8[%get3A_718, %get3A_719] : memref<32x16384xf32, #tpu.memory_space<vmem>>, vector<32x1024xf32>
    %mul3A_721 = vector.broadcast %select_n3A_717 : vector<1x1024xf32> to vector<32x1024xf32>
    %mul3A_722 = arith.mulf %mul3A_721, %get3A_720 : vector<32x1024xf32>
    %add3A_723 = arith.addf %add3A_711, %mul3A_722 : vector<32x1024xf32>
    %slice3A_724 = vector.extract_strided_slice %get3A_1 {offsets = [4, 0], sizes = [1, 1024], strides = [1, 1]} : vector<16x1024xi32> to vector<1x1024xi32>
    %eq3A_725 = arith.cmpi eq, %slice3A_724, %slice3A_670 : vector<1x1024xi32>
    %slice3A_726 = vector.extract_strided_slice %add3A_104 {offsets = [4, 0], sizes = [1, 1024], strides = [1, 1]} : vector<16x1024xf32> to vector<1x1024xf32>
    %jit3A_727 = arith.constant 0.000000e+00 : f32
    %broadcast_in_dim3A_728 = vector.broadcast %jit3A_727 : f32 to vector<1x1024xf32>
    %select_n3A_729 = arith.select %eq3A_725, %slice3A_726, %broadcast_in_dim3A_728 : vector<1x1024xi1>, vector<1x1024xf32>
    %get3A_730 = arith.constant 0 : index
    %get3A_731 = arith.constant 4096 : index
    %get3A_732 = vector.load %arg8[%get3A_730, %get3A_731] : memref<32x16384xf32, #tpu.memory_space<vmem>>, vector<32x1024xf32>
    %mul3A_733 = vector.broadcast %select_n3A_729 : vector<1x1024xf32> to vector<32x1024xf32>
    %mul3A_734 = arith.mulf %mul3A_733, %get3A_732 : vector<32x1024xf32>
    %add3A_735 = arith.addf %add3A_723, %mul3A_734 : vector<32x1024xf32>
    %slice3A_736 = vector.extract_strided_slice %get3A_1 {offsets = [5, 0], sizes = [1, 1024], strides = [1, 1]} : vector<16x1024xi32> to vector<1x1024xi32>
    %eq3A_737 = arith.cmpi eq, %slice3A_736, %slice3A_670 : vector<1x1024xi32>
    %slice3A_738 = vector.extract_strided_slice %add3A_104 {offsets = [5, 0], sizes = [1, 1024], strides = [1, 1]} : vector<16x1024xf32> to vector<1x1024xf32>
    %jit3A_739 = arith.constant 0.000000e+00 : f32
    %broadcast_in_dim3A_740 = vector.broadcast %jit3A_739 : f32 to vector<1x1024xf32>
    %select_n3A_741 = arith.select %eq3A_737, %slice3A_738, %broadcast_in_dim3A_740 : vector<1x1024xi1>, vector<1x1024xf32>
    %get3A_742 = arith.constant 0 : index
    %get3A_743 = arith.constant 5120 : index
    %get3A_744 = vector.load %arg8[%get3A_742, %get3A_743] : memref<32x16384xf32, #tpu.memory_space<vmem>>, vector<32x1024xf32>
    %mul3A_745 = vector.broadcast %select_n3A_741 : vector<1x1024xf32> to vector<32x1024xf32>
    %mul3A_746 = arith.mulf %mul3A_745, %get3A_744 : vector<32x1024xf32>
    %add3A_747 = arith.addf %add3A_735, %mul3A_746 : vector<32x1024xf32>
    %slice3A_748 = vector.extract_strided_slice %get3A_1 {offsets = [6, 0], sizes = [1, 1024], strides = [1, 1]} : vector<16x1024xi32> to vector<1x1024xi32>
    %eq3A_749 = arith.cmpi eq, %slice3A_748, %slice3A_670 : vector<1x1024xi32>
    %slice3A_750 = vector.extract_strided_slice %add3A_104 {offsets = [6, 0], sizes = [1, 1024], strides = [1, 1]} : vector<16x1024xf32> to vector<1x1024xf32>
    %jit3A_751 = arith.constant 0.000000e+00 : f32
    %broadcast_in_dim3A_752 = vector.broadcast %jit3A_751 : f32 to vector<1x1024xf32>
    %select_n3A_753 = arith.select %eq3A_749, %slice3A_750, %broadcast_in_dim3A_752 : vector<1x1024xi1>, vector<1x1024xf32>
    %get3A_754 = arith.constant 0 : index
    %get3A_755 = arith.constant 6144 : index
    %get3A_756 = vector.load %arg8[%get3A_754, %get3A_755] : memref<32x16384xf32, #tpu.memory_space<vmem>>, vector<32x1024xf32>
    %mul3A_757 = vector.broadcast %select_n3A_753 : vector<1x1024xf32> to vector<32x1024xf32>
    %mul3A_758 = arith.mulf %mul3A_757, %get3A_756 : vector<32x1024xf32>
    %add3A_759 = arith.addf %add3A_747, %mul3A_758 : vector<32x1024xf32>
    %add3A_760 = arith.addf %add3A_759, %tanh3A_666 : vector<32x1024xf32>
    %dot_general3A_761 = arith.constant dense<0.000000e+00> : vector<17x1024xf32>
    %dot_general3A_762 = tpu.matmul %get3A_224, %tanh3A_666, %dot_general3A_761 {dimension_numbers = #tpu.dot_dimension_numbers<[0], [0], [1], [1], [0, 1, 1, 1], [], []>, transpose_lhs_hint = false} : vector<32x17xf32>, vector<32x1024xf32>, vector<17x1024xf32> -> vector<17x1024xf32>
    %dot_general3A_763 = arith.constant dense<0.000000e+00> : vector<17x1024xf32>
    %dot_general3A_764 = tpu.matmul %get3A_227, %add3A_760, %dot_general3A_763 {dimension_numbers = #tpu.dot_dimension_numbers<[0], [0], [1], [1], [0, 1, 1, 1], [], []>, transpose_lhs_hint = false} : vector<32x17xf32>, vector<32x1024xf32>, vector<17x1024xf32> -> vector<17x1024xf32>
    %add3A_765 = arith.addf %dot_general3A_762, %dot_general3A_764 : vector<17x1024xf32>
    %add3A_766 = vector.broadcast %broadcast_in_dim3A_230 : vector<17x1xf32> to vector<17x1024xf32>
    %add3A_767 = arith.addf %add3A_765, %add3A_766 : vector<17x1024xf32>
    %swap3A_768 = arith.constant 0 : index
    %swap3A_769 = arith.constant 7168 : index
    %swap3A_770 = vector.load %arg7[%swap3A_768, %swap3A_769] : memref<17x16384xf32, #tpu.memory_space<vmem>>, vector<17x1024xf32>
    tpu.vector_store %arg7[%swap3A_768, %swap3A_769], %add3A_767 {strides = array<i32>} : memref<17x16384xf32, #tpu.memory_space<vmem>>, vector<17x1024xf32>,
    %get3A_771 = arith.constant 0 : index
    %get3A_772 = arith.constant 8192 : index
    %get3A_773 = vector.load %arg0[%get3A_771, %get3A_772] : memref<160x16384xf32, #tpu.memory_space<vmem>>, vector<160x1024xf32>
    %dot_general3A_774 = arith.constant dense<0.000000e+00> : vector<32x1024xf32>
    %dot_general3A_775 = tpu.matmul %get3A_221, %get3A_773, %dot_general3A_774 {dimension_numbers = #tpu.dot_dimension_numbers<[0], [0], [1], [1], [0, 1, 1, 1], [], []>, transpose_lhs_hint = false} : vector<160x32xf32>, vector<160x1024xf32>, vector<32x1024xf32> -> vector<32x1024xf32>
    %tanh3A_776 = math.tanh %dot_general3A_775 : vector<32x1024xf32>
    %swap3A_777 = arith.constant 0 : index
    %swap3A_778 = arith.constant 8192 : index
    %swap3A_779 = vector.load %arg8[%swap3A_777, %swap3A_778] : memref<32x16384xf32, #tpu.memory_space<vmem>>, vector<32x1024xf32>
    tpu.vector_store %arg8[%swap3A_777, %swap3A_778], %tanh3A_776 {strides = array<i32>} : memref<32x16384xf32, #tpu.memory_space<vmem>>, vector<32x1024xf32>,
    %slice3A_780 = vector.extract_strided_slice %get3A_1 {offsets = [8, 0], sizes = [1, 1024], strides = [1, 1]} : vector<16x1024xi32> to vector<1x1024xi32>
    %get3A_781 = arith.constant 0 : index
    %get3A_782 = arith.constant 8192 : index
    %get3A_783 = vector.load %arg3[%get3A_781, %get3A_782] : memref<32x16384xf32, #tpu.memory_space<vmem>>, vector<32x1024xf32>
    %mul3A_784 = vector.broadcast %mul3A_120 : vector<1x1024xf32> to vector<32x1024xf32>
    %mul3A_785 = arith.mulf %mul3A_784, %get3A_783 : vector<32x1024xf32>
    %slice3A_786 = vector.extract_strided_slice %get3A_1 {offsets = [0, 0], sizes = [1, 1024], strides = [1, 1]} : vector<16x1024xi32> to vector<1x1024xi32>
    %eq3A_787 = arith.cmpi eq, %slice3A_786, %slice3A_780 : vector<1x1024xi32>
    %slice3A_788 = vector.extract_strided_slice %add3A_118 {offsets = [0, 0], sizes = [1, 1024], strides = [1, 1]} : vector<16x1024xf32> to vector<1x1024xf32>
    %jit3A_789 = arith.constant 0.000000e+00 : f32
    %broadcast_in_dim3A_790 = vector.broadcast %jit3A_789 : f32 to vector<1x1024xf32>
    %select_n3A_791 = arith.select %eq3A_787, %slice3A_788, %broadcast_in_dim3A_790 : vector<1x1024xi1>, vector<1x1024xf32>
    %get3A_792 = arith.constant 0 : index
    %get3A_793 = arith.constant 0 : index
    %get3A_794 = vector.load %arg8[%get3A_792, %get3A_793] : memref<32x16384xf32, #tpu.memory_space<vmem>>, vector<32x1024xf32>
    %mul3A_795 = vector.broadcast %select_n3A_791 : vector<1x1024xf32> to vector<32x1024xf32>
    %mul3A_796 = arith.mulf %mul3A_795, %get3A_794 : vector<32x1024xf32>
    %add3A_797 = arith.addf %mul3A_785, %mul3A_796 : vector<32x1024xf32>
    %slice3A_798 = vector.extract_strided_slice %get3A_1 {offsets = [1, 0], sizes = [1, 1024], strides = [1, 1]} : vector<16x1024xi32> to vector<1x1024xi32>
    %eq3A_799 = arith.cmpi eq, %slice3A_798, %slice3A_780 : vector<1x1024xi32>
    %slice3A_800 = vector.extract_strided_slice %add3A_118 {offsets = [1, 0], sizes = [1, 1024], strides = [1, 1]} : vector<16x1024xf32> to vector<1x1024xf32>
    %jit3A_801 = arith.constant 0.000000e+00 : f32
    %broadcast_in_dim3A_802 = vector.broadcast %jit3A_801 : f32 to vector<1x1024xf32>
    %select_n3A_803 = arith.select %eq3A_799, %slice3A_800, %broadcast_in_dim3A_802 : vector<1x1024xi1>, vector<1x1024xf32>
    %get3A_804 = arith.constant 0 : index
    %get3A_805 = arith.constant 1024 : index
    %get3A_806 = vector.load %arg8[%get3A_804, %get3A_805] : memref<32x16384xf32, #tpu.memory_space<vmem>>, vector<32x1024xf32>
    %mul3A_807 = vector.broadcast %select_n3A_803 : vector<1x1024xf32> to vector<32x1024xf32>
    %mul3A_808 = arith.mulf %mul3A_807, %get3A_806 : vector<32x1024xf32>
    %add3A_809 = arith.addf %add3A_797, %mul3A_808 : vector<32x1024xf32>
    %slice3A_810 = vector.extract_strided_slice %get3A_1 {offsets = [2, 0], sizes = [1, 1024], strides = [1, 1]} : vector<16x1024xi32> to vector<1x1024xi32>
    %eq3A_811 = arith.cmpi eq, %slice3A_810, %slice3A_780 : vector<1x1024xi32>
    %slice3A_812 = vector.extract_strided_slice %add3A_118 {offsets = [2, 0], sizes = [1, 1024], strides = [1, 1]} : vector<16x1024xf32> to vector<1x1024xf32>
    %jit3A_813 = arith.constant 0.000000e+00 : f32
    %broadcast_in_dim3A_814 = vector.broadcast %jit3A_813 : f32 to vector<1x1024xf32>
    %select_n3A_815 = arith.select %eq3A_811, %slice3A_812, %broadcast_in_dim3A_814 : vector<1x1024xi1>, vector<1x1024xf32>
    %get3A_816 = arith.constant 0 : index
    %get3A_817 = arith.constant 2048 : index
    %get3A_818 = vector.load %arg8[%get3A_816, %get3A_817] : memref<32x16384xf32, #tpu.memory_space<vmem>>, vector<32x1024xf32>
    %mul3A_819 = vector.broadcast %select_n3A_815 : vector<1x1024xf32> to vector<32x1024xf32>
    %mul3A_820 = arith.mulf %mul3A_819, %get3A_818 : vector<32x1024xf32>
    %add3A_821 = arith.addf %add3A_809, %mul3A_820 : vector<32x1024xf32>
    %slice3A_822 = vector.extract_strided_slice %get3A_1 {offsets = [3, 0], sizes = [1, 1024], strides = [1, 1]} : vector<16x1024xi32> to vector<1x1024xi32>
    %eq3A_823 = arith.cmpi eq, %slice3A_822, %slice3A_780 : vector<1x1024xi32>
    %slice3A_824 = vector.extract_strided_slice %add3A_118 {offsets = [3, 0], sizes = [1, 1024], strides = [1, 1]} : vector<16x1024xf32> to vector<1x1024xf32>
    %jit3A_825 = arith.constant 0.000000e+00 : f32
    %broadcast_in_dim3A_826 = vector.broadcast %jit3A_825 : f32 to vector<1x1024xf32>
    %select_n3A_827 = arith.select %eq3A_823, %slice3A_824, %broadcast_in_dim3A_826 : vector<1x1024xi1>, vector<1x1024xf32>
    %get3A_828 = arith.constant 0 : index
    %get3A_829 = arith.constant 3072 : index
    %get3A_830 = vector.load %arg8[%get3A_828, %get3A_829] : memref<32x16384xf32, #tpu.memory_space<vmem>>, vector<32x1024xf32>
    %mul3A_831 = vector.broadcast %select_n3A_827 : vector<1x1024xf32> to vector<32x1024xf32>
    %mul3A_832 = arith.mulf %mul3A_831, %get3A_830 : vector<32x1024xf32>
    %add3A_833 = arith.addf %add3A_821, %mul3A_832 : vector<32x1024xf32>
    %slice3A_834 = vector.extract_strided_slice %get3A_1 {offsets = [4, 0], sizes = [1, 1024], strides = [1, 1]} : vector<16x1024xi32> to vector<1x1024xi32>
    %eq3A_835 = arith.cmpi eq, %slice3A_834, %slice3A_780 : vector<1x1024xi32>
    %slice3A_836 = vector.extract_strided_slice %add3A_118 {offsets = [4, 0], sizes = [1, 1024], strides = [1, 1]} : vector<16x1024xf32> to vector<1x1024xf32>
    %jit3A_837 = arith.constant 0.000000e+00 : f32
    %broadcast_in_dim3A_838 = vector.broadcast %jit3A_837 : f32 to vector<1x1024xf32>
    %select_n3A_839 = arith.select %eq3A_835, %slice3A_836, %broadcast_in_dim3A_838 : vector<1x1024xi1>, vector<1x1024xf32>
    %get3A_840 = arith.constant 0 : index
    %get3A_841 = arith.constant 4096 : index
    %get3A_842 = vector.load %arg8[%get3A_840, %get3A_841] : memref<32x16384xf32, #tpu.memory_space<vmem>>, vector<32x1024xf32>
    %mul3A_843 = vector.broadcast %select_n3A_839 : vector<1x1024xf32> to vector<32x1024xf32>
    %mul3A_844 = arith.mulf %mul3A_843, %get3A_842 : vector<32x1024xf32>
    %add3A_845 = arith.addf %add3A_833, %mul3A_844 : vector<32x1024xf32>
    %slice3A_846 = vector.extract_strided_slice %get3A_1 {offsets = [5, 0], sizes = [1, 1024], strides = [1, 1]} : vector<16x1024xi32> to vector<1x1024xi32>
    %eq3A_847 = arith.cmpi eq, %slice3A_846, %slice3A_780 : vector<1x1024xi32>
    %slice3A_848 = vector.extract_strided_slice %add3A_118 {offsets = [5, 0], sizes = [1, 1024], strides = [1, 1]} : vector<16x1024xf32> to vector<1x1024xf32>
    %jit3A_849 = arith.constant 0.000000e+00 : f32
    %broadcast_in_dim3A_850 = vector.broadcast %jit3A_849 : f32 to vector<1x1024xf32>
    %select_n3A_851 = arith.select %eq3A_847, %slice3A_848, %broadcast_in_dim3A_850 : vector<1x1024xi1>, vector<1x1024xf32>
    %get3A_852 = arith.constant 0 : index
    %get3A_853 = arith.constant 5120 : index
    %get3A_854 = vector.load %arg8[%get3A_852, %get3A_853] : memref<32x16384xf32, #tpu.memory_space<vmem>>, vector<32x1024xf32>
    %mul3A_855 = vector.broadcast %select_n3A_851 : vector<1x1024xf32> to vector<32x1024xf32>
    %mul3A_856 = arith.mulf %mul3A_855, %get3A_854 : vector<32x1024xf32>
    %add3A_857 = arith.addf %add3A_845, %mul3A_856 : vector<32x1024xf32>
    %slice3A_858 = vector.extract_strided_slice %get3A_1 {offsets = [6, 0], sizes = [1, 1024], strides = [1, 1]} : vector<16x1024xi32> to vector<1x1024xi32>
    %eq3A_859 = arith.cmpi eq, %slice3A_858, %slice3A_780 : vector<1x1024xi32>
    %slice3A_860 = vector.extract_strided_slice %add3A_118 {offsets = [6, 0], sizes = [1, 1024], strides = [1, 1]} : vector<16x1024xf32> to vector<1x1024xf32>
    %jit3A_861 = arith.constant 0.000000e+00 : f32
    %broadcast_in_dim3A_862 = vector.broadcast %jit3A_861 : f32 to vector<1x1024xf32>
    %select_n3A_863 = arith.select %eq3A_859, %slice3A_860, %broadcast_in_dim3A_862 : vector<1x1024xi1>, vector<1x1024xf32>
    %get3A_864 = arith.constant 0 : index
    %get3A_865 = arith.constant 6144 : index
    %get3A_866 = vector.load %arg8[%get3A_864, %get3A_865] : memref<32x16384xf32, #tpu.memory_space<vmem>>, vector<32x1024xf32>
    %mul3A_867 = vector.broadcast %select_n3A_863 : vector<1x1024xf32> to vector<32x1024xf32>
    %mul3A_868 = arith.mulf %mul3A_867, %get3A_866 : vector<32x1024xf32>
    %add3A_869 = arith.addf %add3A_857, %mul3A_868 : vector<32x1024xf32>
    %slice3A_870 = vector.extract_strided_slice %get3A_1 {offsets = [7, 0], sizes = [1, 1024], strides = [1, 1]} : vector<16x1024xi32> to vector<1x1024xi32>
    %eq3A_871 = arith.cmpi eq, %slice3A_870, %slice3A_780 : vector<1x1024xi32>
    %slice3A_872 = vector.extract_strided_slice %add3A_118 {offsets = [7, 0], sizes = [1, 1024], strides = [1, 1]} : vector<16x1024xf32> to vector<1x1024xf32>
    %jit3A_873 = arith.constant 0.000000e+00 : f32
    %broadcast_in_dim3A_874 = vector.broadcast %jit3A_873 : f32 to vector<1x1024xf32>
    %select_n3A_875 = arith.select %eq3A_871, %slice3A_872, %broadcast_in_dim3A_874 : vector<1x1024xi1>, vector<1x1024xf32>
    %get3A_876 = arith.constant 0 : index
    %get3A_877 = arith.constant 7168 : index
    %get3A_878 = vector.load %arg8[%get3A_876, %get3A_877] : memref<32x16384xf32, #tpu.memory_space<vmem>>, vector<32x1024xf32>
    %mul3A_879 = vector.broadcast %select_n3A_875 : vector<1x1024xf32> to vector<32x1024xf32>
    %mul3A_880 = arith.mulf %mul3A_879, %get3A_878 : vector<32x1024xf32>
    %add3A_881 = arith.addf %add3A_869, %mul3A_880 : vector<32x1024xf32>
    %add3A_882 = arith.addf %add3A_881, %tanh3A_776 : vector<32x1024xf32>
    %dot_general3A_883 = arith.constant dense<0.000000e+00> : vector<17x1024xf32>
    %dot_general3A_884 = tpu.matmul %get3A_224, %tanh3A_776, %dot_general3A_883 {dimension_numbers = #tpu.dot_dimension_numbers<[0], [0], [1], [1], [0, 1, 1, 1], [], []>, transpose_lhs_hint = false} : vector<32x17xf32>, vector<32x1024xf32>, vector<17x1024xf32> -> vector<17x1024xf32>
    %dot_general3A_885 = arith.constant dense<0.000000e+00> : vector<17x1024xf32>
    %dot_general3A_886 = tpu.matmul %get3A_227, %add3A_882, %dot_general3A_885 {dimension_numbers = #tpu.dot_dimension_numbers<[0], [0], [1], [1], [0, 1, 1, 1], [], []>, transpose_lhs_hint = false} : vector<32x17xf32>, vector<32x1024xf32>, vector<17x1024xf32> -> vector<17x1024xf32>
    %add3A_887 = arith.addf %dot_general3A_884, %dot_general3A_886 : vector<17x1024xf32>
    %add3A_888 = vector.broadcast %broadcast_in_dim3A_230 : vector<17x1xf32> to vector<17x1024xf32>
    %add3A_889 = arith.addf %add3A_887, %add3A_888 : vector<17x1024xf32>
    %swap3A_890 = arith.constant 0 : index
    %swap3A_891 = arith.constant 8192 : index
    %swap3A_892 = vector.load %arg7[%swap3A_890, %swap3A_891] : memref<17x16384xf32, #tpu.memory_space<vmem>>, vector<17x1024xf32>
    tpu.vector_store %arg7[%swap3A_890, %swap3A_891], %add3A_889 {strides = array<i32>} : memref<17x16384xf32, #tpu.memory_space<vmem>>, vector<17x1024xf32>,
    %get3A_893 = arith.constant 0 : index
    %get3A_894 = arith.constant 9216 : index
    %get3A_895 = vector.load %arg0[%get3A_893, %get3A_894] : memref<160x16384xf32, #tpu.memory_space<vmem>>, vector<160x1024xf32>
    %dot_general3A_896 = arith.constant dense<0.000000e+00> : vector<32x1024xf32>
    %dot_general3A_897 = tpu.matmul %get3A_221, %get3A_895, %dot_general3A_896 {dimension_numbers = #tpu.dot_dimension_numbers<[0], [0], [1], [1], [0, 1, 1, 1], [], []>, transpose_lhs_hint = false} : vector<160x32xf32>, vector<160x1024xf32>, vector<32x1024xf32> -> vector<32x1024xf32>
    %tanh3A_898 = math.tanh %dot_general3A_897 : vector<32x1024xf32>
    %swap3A_899 = arith.constant 0 : index
    %swap3A_900 = arith.constant 9216 : index
    %swap3A_901 = vector.load %arg8[%swap3A_899, %swap3A_900] : memref<32x16384xf32, #tpu.memory_space<vmem>>, vector<32x1024xf32>
    tpu.vector_store %arg8[%swap3A_899, %swap3A_900], %tanh3A_898 {strides = array<i32>} : memref<32x16384xf32, #tpu.memory_space<vmem>>, vector<32x1024xf32>,
    %slice3A_902 = vector.extract_strided_slice %get3A_1 {offsets = [9, 0], sizes = [1, 1024], strides = [1, 1]} : vector<16x1024xi32> to vector<1x1024xi32>
    %get3A_903 = arith.constant 0 : index
    %get3A_904 = arith.constant 9216 : index
    %get3A_905 = vector.load %arg3[%get3A_903, %get3A_904] : memref<32x16384xf32, #tpu.memory_space<vmem>>, vector<32x1024xf32>
    %mul3A_906 = vector.broadcast %mul3A_134 : vector<1x1024xf32> to vector<32x1024xf32>
    %mul3A_907 = arith.mulf %mul3A_906, %get3A_905 : vector<32x1024xf32>
    %slice3A_908 = vector.extract_strided_slice %get3A_1 {offsets = [0, 0], sizes = [1, 1024], strides = [1, 1]} : vector<16x1024xi32> to vector<1x1024xi32>
    %eq3A_909 = arith.cmpi eq, %slice3A_908, %slice3A_902 : vector<1x1024xi32>
    %slice3A_910 = vector.extract_strided_slice %add3A_132 {offsets = [0, 0], sizes = [1, 1024], strides = [1, 1]} : vector<16x1024xf32> to vector<1x1024xf32>
    %jit3A_911 = arith.constant 0.000000e+00 : f32
    %broadcast_in_dim3A_912 = vector.broadcast %jit3A_911 : f32 to vector<1x1024xf32>
    %select_n3A_913 = arith.select %eq3A_909, %slice3A_910, %broadcast_in_dim3A_912 : vector<1x1024xi1>, vector<1x1024xf32>
    %get3A_914 = arith.constant 0 : index
    %get3A_915 = arith.constant 0 : index
    %get3A_916 = vector.load %arg8[%get3A_914, %get3A_915] : memref<32x16384xf32, #tpu.memory_space<vmem>>, vector<32x1024xf32>
    %mul3A_917 = vector.broadcast %select_n3A_913 : vector<1x1024xf32> to vector<32x1024xf32>
    %mul3A_918 = arith.mulf %mul3A_917, %get3A_916 : vector<32x1024xf32>
    %add3A_919 = arith.addf %mul3A_907, %mul3A_918 : vector<32x1024xf32>
    %slice3A_920 = vector.extract_strided_slice %get3A_1 {offsets = [1, 0], sizes = [1, 1024], strides = [1, 1]} : vector<16x1024xi32> to vector<1x1024xi32>
    %eq3A_921 = arith.cmpi eq, %slice3A_920, %slice3A_902 : vector<1x1024xi32>
    %slice3A_922 = vector.extract_strided_slice %add3A_132 {offsets = [1, 0], sizes = [1, 1024], strides = [1, 1]} : vector<16x1024xf32> to vector<1x1024xf32>
    %jit3A_923 = arith.constant 0.000000e+00 : f32
    %broadcast_in_dim3A_924 = vector.broadcast %jit3A_923 : f32 to vector<1x1024xf32>
    %select_n3A_925 = arith.select %eq3A_921, %slice3A_922, %broadcast_in_dim3A_924 : vector<1x1024xi1>, vector<1x1024xf32>
    %get3A_926 = arith.constant 0 : index
    %get3A_927 = arith.constant 1024 : index
    %get3A_928 = vector.load %arg8[%get3A_926, %get3A_927] : memref<32x16384xf32, #tpu.memory_space<vmem>>, vector<32x1024xf32>
    %mul3A_929 = vector.broadcast %select_n3A_925 : vector<1x1024xf32> to vector<32x1024xf32>
    %mul3A_930 = arith.mulf %mul3A_929, %get3A_928 : vector<32x1024xf32>
    %add3A_931 = arith.addf %add3A_919, %mul3A_930 : vector<32x1024xf32>
    %slice3A_932 = vector.extract_strided_slice %get3A_1 {offsets = [2, 0], sizes = [1, 1024], strides = [1, 1]} : vector<16x1024xi32> to vector<1x1024xi32>
    %eq3A_933 = arith.cmpi eq, %slice3A_932, %slice3A_902 : vector<1x1024xi32>
    %slice3A_934 = vector.extract_strided_slice %add3A_132 {offsets = [2, 0], sizes = [1, 1024], strides = [1, 1]} : vector<16x1024xf32> to vector<1x1024xf32>
    %jit3A_935 = arith.constant 0.000000e+00 : f32
    %broadcast_in_dim3A_936 = vector.broadcast %jit3A_935 : f32 to vector<1x1024xf32>
    %select_n3A_937 = arith.select %eq3A_933, %slice3A_934, %broadcast_in_dim3A_936 : vector<1x1024xi1>, vector<1x1024xf32>
    %get3A_938 = arith.constant 0 : index
    %get3A_939 = arith.constant 2048 : index
    %get3A_940 = vector.load %arg8[%get3A_938, %get3A_939] : memref<32x16384xf32, #tpu.memory_space<vmem>>, vector<32x1024xf32>
    %mul3A_941 = vector.broadcast %select_n3A_937 : vector<1x1024xf32> to vector<32x1024xf32>
    %mul3A_942 = arith.mulf %mul3A_941, %get3A_940 : vector<32x1024xf32>
    %add3A_943 = arith.addf %add3A_931, %mul3A_942 : vector<32x1024xf32>
    %slice3A_944 = vector.extract_strided_slice %get3A_1 {offsets = [3, 0], sizes = [1, 1024], strides = [1, 1]} : vector<16x1024xi32> to vector<1x1024xi32>
    %eq3A_945 = arith.cmpi eq, %slice3A_944, %slice3A_902 : vector<1x1024xi32>
    %slice3A_946 = vector.extract_strided_slice %add3A_132 {offsets = [3, 0], sizes = [1, 1024], strides = [1, 1]} : vector<16x1024xf32> to vector<1x1024xf32>
    %jit3A_947 = arith.constant 0.000000e+00 : f32
    %broadcast_in_dim3A_948 = vector.broadcast %jit3A_947 : f32 to vector<1x1024xf32>
    %select_n3A_949 = arith.select %eq3A_945, %slice3A_946, %broadcast_in_dim3A_948 : vector<1x1024xi1>, vector<1x1024xf32>
    %get3A_950 = arith.constant 0 : index
    %get3A_951 = arith.constant 3072 : index
    %get3A_952 = vector.load %arg8[%get3A_950, %get3A_951] : memref<32x16384xf32, #tpu.memory_space<vmem>>, vector<32x1024xf32>
    %mul3A_953 = vector.broadcast %select_n3A_949 : vector<1x1024xf32> to vector<32x1024xf32>
    %mul3A_954 = arith.mulf %mul3A_953, %get3A_952 : vector<32x1024xf32>
    %add3A_955 = arith.addf %add3A_943, %mul3A_954 : vector<32x1024xf32>
    %slice3A_956 = vector.extract_strided_slice %get3A_1 {offsets = [4, 0], sizes = [1, 1024], strides = [1, 1]} : vector<16x1024xi32> to vector<1x1024xi32>
    %eq3A_957 = arith.cmpi eq, %slice3A_956, %slice3A_902 : vector<1x1024xi32>
    %slice3A_958 = vector.extract_strided_slice %add3A_132 {offsets = [4, 0], sizes = [1, 1024], strides = [1, 1]} : vector<16x1024xf32> to vector<1x1024xf32>
    %jit3A_959 = arith.constant 0.000000e+00 : f32
    %broadcast_in_dim3A_960 = vector.broadcast %jit3A_959 : f32 to vector<1x1024xf32>
    %select_n3A_961 = arith.select %eq3A_957, %slice3A_958, %broadcast_in_dim3A_960 : vector<1x1024xi1>, vector<1x1024xf32>
    %get3A_962 = arith.constant 0 : index
    %get3A_963 = arith.constant 4096 : index
    %get3A_964 = vector.load %arg8[%get3A_962, %get3A_963] : memref<32x16384xf32, #tpu.memory_space<vmem>>, vector<32x1024xf32>
    %mul3A_965 = vector.broadcast %select_n3A_961 : vector<1x1024xf32> to vector<32x1024xf32>
    %mul3A_966 = arith.mulf %mul3A_965, %get3A_964 : vector<32x1024xf32>
    %add3A_967 = arith.addf %add3A_955, %mul3A_966 : vector<32x1024xf32>
    %slice3A_968 = vector.extract_strided_slice %get3A_1 {offsets = [5, 0], sizes = [1, 1024], strides = [1, 1]} : vector<16x1024xi32> to vector<1x1024xi32>
    %eq3A_969 = arith.cmpi eq, %slice3A_968, %slice3A_902 : vector<1x1024xi32>
    %slice3A_970 = vector.extract_strided_slice %add3A_132 {offsets = [5, 0], sizes = [1, 1024], strides = [1, 1]} : vector<16x1024xf32> to vector<1x1024xf32>
    %jit3A_971 = arith.constant 0.000000e+00 : f32
    %broadcast_in_dim3A_972 = vector.broadcast %jit3A_971 : f32 to vector<1x1024xf32>
    %select_n3A_973 = arith.select %eq3A_969, %slice3A_970, %broadcast_in_dim3A_972 : vector<1x1024xi1>, vector<1x1024xf32>
    %get3A_974 = arith.constant 0 : index
    %get3A_975 = arith.constant 5120 : index
    %get3A_976 = vector.load %arg8[%get3A_974, %get3A_975] : memref<32x16384xf32, #tpu.memory_space<vmem>>, vector<32x1024xf32>
    %mul3A_977 = vector.broadcast %select_n3A_973 : vector<1x1024xf32> to vector<32x1024xf32>
    %mul3A_978 = arith.mulf %mul3A_977, %get3A_976 : vector<32x1024xf32>
    %add3A_979 = arith.addf %add3A_967, %mul3A_978 : vector<32x1024xf32>
    %slice3A_980 = vector.extract_strided_slice %get3A_1 {offsets = [6, 0], sizes = [1, 1024], strides = [1, 1]} : vector<16x1024xi32> to vector<1x1024xi32>
    %eq3A_981 = arith.cmpi eq, %slice3A_980, %slice3A_902 : vector<1x1024xi32>
    %slice3A_982 = vector.extract_strided_slice %add3A_132 {offsets = [6, 0], sizes = [1, 1024], strides = [1, 1]} : vector<16x1024xf32> to vector<1x1024xf32>
    %jit3A_983 = arith.constant 0.000000e+00 : f32
    %broadcast_in_dim3A_984 = vector.broadcast %jit3A_983 : f32 to vector<1x1024xf32>
    %select_n3A_985 = arith.select %eq3A_981, %slice3A_982, %broadcast_in_dim3A_984 : vector<1x1024xi1>, vector<1x1024xf32>
    %get3A_986 = arith.constant 0 : index
    %get3A_987 = arith.constant 6144 : index
    %get3A_988 = vector.load %arg8[%get3A_986, %get3A_987] : memref<32x16384xf32, #tpu.memory_space<vmem>>, vector<32x1024xf32>
    %mul3A_989 = vector.broadcast %select_n3A_985 : vector<1x1024xf32> to vector<32x1024xf32>
    %mul3A_990 = arith.mulf %mul3A_989, %get3A_988 : vector<32x1024xf32>
    %add3A_991 = arith.addf %add3A_979, %mul3A_990 : vector<32x1024xf32>
    %slice3A_992 = vector.extract_strided_slice %get3A_1 {offsets = [7, 0], sizes = [1, 1024], strides = [1, 1]} : vector<16x1024xi32> to vector<1x1024xi32>
    %eq3A_993 = arith.cmpi eq, %slice3A_992, %slice3A_902 : vector<1x1024xi32>
    %slice3A_994 = vector.extract_strided_slice %add3A_132 {offsets = [7, 0], sizes = [1, 1024], strides = [1, 1]} : vector<16x1024xf32> to vector<1x1024xf32>
    %jit3A_995 = arith.constant 0.000000e+00 : f32
    %broadcast_in_dim3A_996 = vector.broadcast %jit3A_995 : f32 to vector<1x1024xf32>
    %select_n3A_997 = arith.select %eq3A_993, %slice3A_994, %broadcast_in_dim3A_996 : vector<1x1024xi1>, vector<1x1024xf32>
    %get3A_998 = arith.constant 0 : index
    %get3A_999 = arith.constant 7168 : index
    %get3A_1000 = vector.load %arg8[%get3A_998, %get3A_999] : memref<32x16384xf32, #tpu.memory_space<vmem>>, vector<32x1024xf32>
    %mul3A_1001 = vector.broadcast %select_n3A_997 : vector<1x1024xf32> to vector<32x1024xf32>
    %mul3A_1002 = arith.mulf %mul3A_1001, %get3A_1000 : vector<32x1024xf32>
    %add3A_1003 = arith.addf %add3A_991, %mul3A_1002 : vector<32x1024xf32>
    %slice3A_1004 = vector.extract_strided_slice %get3A_1 {offsets = [8, 0], sizes = [1, 1024], strides = [1, 1]} : vector<16x1024xi32> to vector<1x1024xi32>
    %eq3A_1005 = arith.cmpi eq, %slice3A_1004, %slice3A_902 : vector<1x1024xi32>
    %slice3A_1006 = vector.extract_strided_slice %add3A_132 {offsets = [8, 0], sizes = [1, 1024], strides = [1, 1]} : vector<16x1024xf32> to vector<1x1024xf32>
    %jit3A_1007 = arith.constant 0.000000e+00 : f32
    %broadcast_in_dim3A_1008 = vector.broadcast %jit3A_1007 : f32 to vector<1x1024xf32>
    %select_n3A_1009 = arith.select %eq3A_1005, %slice3A_1006, %broadcast_in_dim3A_1008 : vector<1x1024xi1>, vector<1x1024xf32>
    %get3A_1010 = arith.constant 0 : index
    %get3A_1011 = arith.constant 8192 : index
    %get3A_1012 = vector.load %arg8[%get3A_1010, %get3A_1011] : memref<32x16384xf32, #tpu.memory_space<vmem>>, vector<32x1024xf32>
    %mul3A_1013 = vector.broadcast %select_n3A_1009 : vector<1x1024xf32> to vector<32x1024xf32>
    %mul3A_1014 = arith.mulf %mul3A_1013, %get3A_1012 : vector<32x1024xf32>
    %add3A_1015 = arith.addf %add3A_1003, %mul3A_1014 : vector<32x1024xf32>
    %add3A_1016 = arith.addf %add3A_1015, %tanh3A_898 : vector<32x1024xf32>
    %dot_general3A_1017 = arith.constant dense<0.000000e+00> : vector<17x1024xf32>
    %dot_general3A_1018 = tpu.matmul %get3A_224, %tanh3A_898, %dot_general3A_1017 {dimension_numbers = #tpu.dot_dimension_numbers<[0], [0], [1], [1], [0, 1, 1, 1], [], []>, transpose_lhs_hint = false} : vector<32x17xf32>, vector<32x1024xf32>, vector<17x1024xf32> -> vector<17x1024xf32>
    %dot_general3A_1019 = arith.constant dense<0.000000e+00> : vector<17x1024xf32>
    %dot_general3A_1020 = tpu.matmul %get3A_227, %add3A_1016, %dot_general3A_1019 {dimension_numbers = #tpu.dot_dimension_numbers<[0], [0], [1], [1], [0, 1, 1, 1], [], []>, transpose_lhs_hint = false} : vector<32x17xf32>, vector<32x1024xf32>, vector<17x1024xf32> -> vector<17x1024xf32>
    %add3A_1021 = arith.addf %dot_general3A_1018, %dot_general3A_1020 : vector<17x1024xf32>
    %add3A_1022 = vector.broadcast %broadcast_in_dim3A_230 : vector<17x1xf32> to vector<17x1024xf32>
    %add3A_1023 = arith.addf %add3A_1021, %add3A_1022 : vector<17x1024xf32>
    %swap3A_1024 = arith.constant 0 : index
    %swap3A_1025 = arith.constant 9216 : index
    %swap3A_1026 = vector.load %arg7[%swap3A_1024, %swap3A_1025] : memref<17x16384xf32, #tpu.memory_space<vmem>>, vector<17x1024xf32>
    tpu.vector_store %arg7[%swap3A_1024, %swap3A_1025], %add3A_1023 {strides = array<i32>} : memref<17x16384xf32, #tpu.memory_space<vmem>>, vector<17x1024xf32>,
    %get3A_1027 = arith.constant 0 : index
    %get3A_1028 = arith.constant 10240 : index
    %get3A_1029 = vector.load %arg0[%get3A_1027, %get3A_1028] : memref<160x16384xf32, #tpu.memory_space<vmem>>, vector<160x1024xf32>
    %dot_general3A_1030 = arith.constant dense<0.000000e+00> : vector<32x1024xf32>
    %dot_general3A_1031 = tpu.matmul %get3A_221, %get3A_1029, %dot_general3A_1030 {dimension_numbers = #tpu.dot_dimension_numbers<[0], [0], [1], [1], [0, 1, 1, 1], [], []>, transpose_lhs_hint = false} : vector<160x32xf32>, vector<160x1024xf32>, vector<32x1024xf32> -> vector<32x1024xf32>
    %tanh3A_1032 = math.tanh %dot_general3A_1031 : vector<32x1024xf32>
    %swap3A_1033 = arith.constant 0 : index
    %swap3A_1034 = arith.constant 10240 : index
    %swap3A_1035 = vector.load %arg8[%swap3A_1033, %swap3A_1034] : memref<32x16384xf32, #tpu.memory_space<vmem>>, vector<32x1024xf32>
    tpu.vector_store %arg8[%swap3A_1033, %swap3A_1034], %tanh3A_1032 {strides = array<i32>} : memref<32x16384xf32, #tpu.memory_space<vmem>>, vector<32x1024xf32>,
    %slice3A_1036 = vector.extract_strided_slice %get3A_1 {offsets = [10, 0], sizes = [1, 1024], strides = [1, 1]} : vector<16x1024xi32> to vector<1x1024xi32>
    %get3A_1037 = arith.constant 0 : index
    %get3A_1038 = arith.constant 10240 : index
    %get3A_1039 = vector.load %arg3[%get3A_1037, %get3A_1038] : memref<32x16384xf32, #tpu.memory_space<vmem>>, vector<32x1024xf32>
    %mul3A_1040 = vector.broadcast %mul3A_148 : vector<1x1024xf32> to vector<32x1024xf32>
    %mul3A_1041 = arith.mulf %mul3A_1040, %get3A_1039 : vector<32x1024xf32>
    %slice3A_1042 = vector.extract_strided_slice %get3A_1 {offsets = [0, 0], sizes = [1, 1024], strides = [1, 1]} : vector<16x1024xi32> to vector<1x1024xi32>
    %eq3A_1043 = arith.cmpi eq, %slice3A_1042, %slice3A_1036 : vector<1x1024xi32>
    %slice3A_1044 = vector.extract_strided_slice %add3A_146 {offsets = [0, 0], sizes = [1, 1024], strides = [1, 1]} : vector<16x1024xf32> to vector<1x1024xf32>
    %jit3A_1045 = arith.constant 0.000000e+00 : f32
    %broadcast_in_dim3A_1046 = vector.broadcast %jit3A_1045 : f32 to vector<1x1024xf32>
    %select_n3A_1047 = arith.select %eq3A_1043, %slice3A_1044, %broadcast_in_dim3A_1046 : vector<1x1024xi1>, vector<1x1024xf32>
    %get3A_1048 = arith.constant 0 : index
    %get3A_1049 = arith.constant 0 : index
    %get3A_1050 = vector.load %arg8[%get3A_1048, %get3A_1049] : memref<32x16384xf32, #tpu.memory_space<vmem>>, vector<32x1024xf32>
    %mul3A_1051 = vector.broadcast %select_n3A_1047 : vector<1x1024xf32> to vector<32x1024xf32>
    %mul3A_1052 = arith.mulf %mul3A_1051, %get3A_1050 : vector<32x1024xf32>
    %add3A_1053 = arith.addf %mul3A_1041, %mul3A_1052 : vector<32x1024xf32>
    %slice3A_1054 = vector.extract_strided_slice %get3A_1 {offsets = [1, 0], sizes = [1, 1024], strides = [1, 1]} : vector<16x1024xi32> to vector<1x1024xi32>
    %eq3A_1055 = arith.cmpi eq, %slice3A_1054, %slice3A_1036 : vector<1x1024xi32>
    %slice3A_1056 = vector.extract_strided_slice %add3A_146 {offsets = [1, 0], sizes = [1, 1024], strides = [1, 1]} : vector<16x1024xf32> to vector<1x1024xf32>
    %jit3A_1057 = arith.constant 0.000000e+00 : f32
    %broadcast_in_dim3A_1058 = vector.broadcast %jit3A_1057 : f32 to vector<1x1024xf32>
    %select_n3A_1059 = arith.select %eq3A_1055, %slice3A_1056, %broadcast_in_dim3A_1058 : vector<1x1024xi1>, vector<1x1024xf32>
    %get3A_1060 = arith.constant 0 : index
    %get3A_1061 = arith.constant 1024 : index
    %get3A_1062 = vector.load %arg8[%get3A_1060, %get3A_1061] : memref<32x16384xf32, #tpu.memory_space<vmem>>, vector<32x1024xf32>
    %mul3A_1063 = vector.broadcast %select_n3A_1059 : vector<1x1024xf32> to vector<32x1024xf32>
    %mul3A_1064 = arith.mulf %mul3A_1063, %get3A_1062 : vector<32x1024xf32>
    %add3A_1065 = arith.addf %add3A_1053, %mul3A_1064 : vector<32x1024xf32>
    %slice3A_1066 = vector.extract_strided_slice %get3A_1 {offsets = [2, 0], sizes = [1, 1024], strides = [1, 1]} : vector<16x1024xi32> to vector<1x1024xi32>
    %eq3A_1067 = arith.cmpi eq, %slice3A_1066, %slice3A_1036 : vector<1x1024xi32>
    %slice3A_1068 = vector.extract_strided_slice %add3A_146 {offsets = [2, 0], sizes = [1, 1024], strides = [1, 1]} : vector<16x1024xf32> to vector<1x1024xf32>
    %jit3A_1069 = arith.constant 0.000000e+00 : f32
    %broadcast_in_dim3A_1070 = vector.broadcast %jit3A_1069 : f32 to vector<1x1024xf32>
    %select_n3A_1071 = arith.select %eq3A_1067, %slice3A_1068, %broadcast_in_dim3A_1070 : vector<1x1024xi1>, vector<1x1024xf32>
    %get3A_1072 = arith.constant 0 : index
    %get3A_1073 = arith.constant 2048 : index
    %get3A_1074 = vector.load %arg8[%get3A_1072, %get3A_1073] : memref<32x16384xf32, #tpu.memory_space<vmem>>, vector<32x1024xf32>
    %mul3A_1075 = vector.broadcast %select_n3A_1071 : vector<1x1024xf32> to vector<32x1024xf32>
    %mul3A_1076 = arith.mulf %mul3A_1075, %get3A_1074 : vector<32x1024xf32>
    %add3A_1077 = arith.addf %add3A_1065, %mul3A_1076 : vector<32x1024xf32>
    %slice3A_1078 = vector.extract_strided_slice %get3A_1 {offsets = [3, 0], sizes = [1, 1024], strides = [1, 1]} : vector<16x1024xi32> to vector<1x1024xi32>
    %eq3A_1079 = arith.cmpi eq, %slice3A_1078, %slice3A_1036 : vector<1x1024xi32>
    %slice3A_1080 = vector.extract_strided_slice %add3A_146 {offsets = [3, 0], sizes = [1, 1024], strides = [1, 1]} : vector<16x1024xf32> to vector<1x1024xf32>
    %jit3A_1081 = arith.constant 0.000000e+00 : f32
    %broadcast_in_dim3A_1082 = vector.broadcast %jit3A_1081 : f32 to vector<1x1024xf32>
    %select_n3A_1083 = arith.select %eq3A_1079, %slice3A_1080, %broadcast_in_dim3A_1082 : vector<1x1024xi1>, vector<1x1024xf32>
    %get3A_1084 = arith.constant 0 : index
    %get3A_1085 = arith.constant 3072 : index
    %get3A_1086 = vector.load %arg8[%get3A_1084, %get3A_1085] : memref<32x16384xf32, #tpu.memory_space<vmem>>, vector<32x1024xf32>
    %mul3A_1087 = vector.broadcast %select_n3A_1083 : vector<1x1024xf32> to vector<32x1024xf32>
    %mul3A_1088 = arith.mulf %mul3A_1087, %get3A_1086 : vector<32x1024xf32>
    %add3A_1089 = arith.addf %add3A_1077, %mul3A_1088 : vector<32x1024xf32>
    %slice3A_1090 = vector.extract_strided_slice %get3A_1 {offsets = [4, 0], sizes = [1, 1024], strides = [1, 1]} : vector<16x1024xi32> to vector<1x1024xi32>
    %eq3A_1091 = arith.cmpi eq, %slice3A_1090, %slice3A_1036 : vector<1x1024xi32>
    %slice3A_1092 = vector.extract_strided_slice %add3A_146 {offsets = [4, 0], sizes = [1, 1024], strides = [1, 1]} : vector<16x1024xf32> to vector<1x1024xf32>
    %jit3A_1093 = arith.constant 0.000000e+00 : f32
    %broadcast_in_dim3A_1094 = vector.broadcast %jit3A_1093 : f32 to vector<1x1024xf32>
    %select_n3A_1095 = arith.select %eq3A_1091, %slice3A_1092, %broadcast_in_dim3A_1094 : vector<1x1024xi1>, vector<1x1024xf32>
    %get3A_1096 = arith.constant 0 : index
    %get3A_1097 = arith.constant 4096 : index
    %get3A_1098 = vector.load %arg8[%get3A_1096, %get3A_1097] : memref<32x16384xf32, #tpu.memory_space<vmem>>, vector<32x1024xf32>
    %mul3A_1099 = vector.broadcast %select_n3A_1095 : vector<1x1024xf32> to vector<32x1024xf32>
    %mul3A_1100 = arith.mulf %mul3A_1099, %get3A_1098 : vector<32x1024xf32>
    %add3A_1101 = arith.addf %add3A_1089, %mul3A_1100 : vector<32x1024xf32>
    %slice3A_1102 = vector.extract_strided_slice %get3A_1 {offsets = [5, 0], sizes = [1, 1024], strides = [1, 1]} : vector<16x1024xi32> to vector<1x1024xi32>
    %eq3A_1103 = arith.cmpi eq, %slice3A_1102, %slice3A_1036 : vector<1x1024xi32>
    %slice3A_1104 = vector.extract_strided_slice %add3A_146 {offsets = [5, 0], sizes = [1, 1024], strides = [1, 1]} : vector<16x1024xf32> to vector<1x1024xf32>
    %jit3A_1105 = arith.constant 0.000000e+00 : f32
    %broadcast_in_dim3A_1106 = vector.broadcast %jit3A_1105 : f32 to vector<1x1024xf32>
    %select_n3A_1107 = arith.select %eq3A_1103, %slice3A_1104, %broadcast_in_dim3A_1106 : vector<1x1024xi1>, vector<1x1024xf32>
    %get3A_1108 = arith.constant 0 : index
    %get3A_1109 = arith.constant 5120 : index
    %get3A_1110 = vector.load %arg8[%get3A_1108, %get3A_1109] : memref<32x16384xf32, #tpu.memory_space<vmem>>, vector<32x1024xf32>
    %mul3A_1111 = vector.broadcast %select_n3A_1107 : vector<1x1024xf32> to vector<32x1024xf32>
    %mul3A_1112 = arith.mulf %mul3A_1111, %get3A_1110 : vector<32x1024xf32>
    %add3A_1113 = arith.addf %add3A_1101, %mul3A_1112 : vector<32x1024xf32>
    %slice3A_1114 = vector.extract_strided_slice %get3A_1 {offsets = [6, 0], sizes = [1, 1024], strides = [1, 1]} : vector<16x1024xi32> to vector<1x1024xi32>
    %eq3A_1115 = arith.cmpi eq, %slice3A_1114, %slice3A_1036 : vector<1x1024xi32>
    %slice3A_1116 = vector.extract_strided_slice %add3A_146 {offsets = [6, 0], sizes = [1, 1024], strides = [1, 1]} : vector<16x1024xf32> to vector<1x1024xf32>
    %jit3A_1117 = arith.constant 0.000000e+00 : f32
    %broadcast_in_dim3A_1118 = vector.broadcast %jit3A_1117 : f32 to vector<1x1024xf32>
    %select_n3A_1119 = arith.select %eq3A_1115, %slice3A_1116, %broadcast_in_dim3A_1118 : vector<1x1024xi1>, vector<1x1024xf32>
    %get3A_1120 = arith.constant 0 : index
    %get3A_1121 = arith.constant 6144 : index
    %get3A_1122 = vector.load %arg8[%get3A_1120, %get3A_1121] : memref<32x16384xf32, #tpu.memory_space<vmem>>, vector<32x1024xf32>
    %mul3A_1123 = vector.broadcast %select_n3A_1119 : vector<1x1024xf32> to vector<32x1024xf32>
    %mul3A_1124 = arith.mulf %mul3A_1123, %get3A_1122 : vector<32x1024xf32>
    %add3A_1125 = arith.addf %add3A_1113, %mul3A_1124 : vector<32x1024xf32>
    %slice3A_1126 = vector.extract_strided_slice %get3A_1 {offsets = [7, 0], sizes = [1, 1024], strides = [1, 1]} : vector<16x1024xi32> to vector<1x1024xi32>
    %eq3A_1127 = arith.cmpi eq, %slice3A_1126, %slice3A_1036 : vector<1x1024xi32>
    %slice3A_1128 = vector.extract_strided_slice %add3A_146 {offsets = [7, 0], sizes = [1, 1024], strides = [1, 1]} : vector<16x1024xf32> to vector<1x1024xf32>
    %jit3A_1129 = arith.constant 0.000000e+00 : f32
    %broadcast_in_dim3A_1130 = vector.broadcast %jit3A_1129 : f32 to vector<1x1024xf32>
    %select_n3A_1131 = arith.select %eq3A_1127, %slice3A_1128, %broadcast_in_dim3A_1130 : vector<1x1024xi1>, vector<1x1024xf32>
    %get3A_1132 = arith.constant 0 : index
    %get3A_1133 = arith.constant 7168 : index
    %get3A_1134 = vector.load %arg8[%get3A_1132, %get3A_1133] : memref<32x16384xf32, #tpu.memory_space<vmem>>, vector<32x1024xf32>
    %mul3A_1135 = vector.broadcast %select_n3A_1131 : vector<1x1024xf32> to vector<32x1024xf32>
    %mul3A_1136 = arith.mulf %mul3A_1135, %get3A_1134 : vector<32x1024xf32>
    %add3A_1137 = arith.addf %add3A_1125, %mul3A_1136 : vector<32x1024xf32>
    %slice3A_1138 = vector.extract_strided_slice %get3A_1 {offsets = [8, 0], sizes = [1, 1024], strides = [1, 1]} : vector<16x1024xi32> to vector<1x1024xi32>
    %eq3A_1139 = arith.cmpi eq, %slice3A_1138, %slice3A_1036 : vector<1x1024xi32>
    %slice3A_1140 = vector.extract_strided_slice %add3A_146 {offsets = [8, 0], sizes = [1, 1024], strides = [1, 1]} : vector<16x1024xf32> to vector<1x1024xf32>
    %jit3A_1141 = arith.constant 0.000000e+00 : f32
    %broadcast_in_dim3A_1142 = vector.broadcast %jit3A_1141 : f32 to vector<1x1024xf32>
    %select_n3A_1143 = arith.select %eq3A_1139, %slice3A_1140, %broadcast_in_dim3A_1142 : vector<1x1024xi1>, vector<1x1024xf32>
    %get3A_1144 = arith.constant 0 : index
    %get3A_1145 = arith.constant 8192 : index
    %get3A_1146 = vector.load %arg8[%get3A_1144, %get3A_1145] : memref<32x16384xf32, #tpu.memory_space<vmem>>, vector<32x1024xf32>
    %mul3A_1147 = vector.broadcast %select_n3A_1143 : vector<1x1024xf32> to vector<32x1024xf32>
    %mul3A_1148 = arith.mulf %mul3A_1147, %get3A_1146 : vector<32x1024xf32>
    %add3A_1149 = arith.addf %add3A_1137, %mul3A_1148 : vector<32x1024xf32>
    %slice3A_1150 = vector.extract_strided_slice %get3A_1 {offsets = [9, 0], sizes = [1, 1024], strides = [1, 1]} : vector<16x1024xi32> to vector<1x1024xi32>
    %eq3A_1151 = arith.cmpi eq, %slice3A_1150, %slice3A_1036 : vector<1x1024xi32>
    %slice3A_1152 = vector.extract_strided_slice %add3A_146 {offsets = [9, 0], sizes = [1, 1024], strides = [1, 1]} : vector<16x1024xf32> to vector<1x1024xf32>
    %jit3A_1153 = arith.constant 0.000000e+00 : f32
    %broadcast_in_dim3A_1154 = vector.broadcast %jit3A_1153 : f32 to vector<1x1024xf32>
    %select_n3A_1155 = arith.select %eq3A_1151, %slice3A_1152, %broadcast_in_dim3A_1154 : vector<1x1024xi1>, vector<1x1024xf32>
    %get3A_1156 = arith.constant 0 : index
    %get3A_1157 = arith.constant 9216 : index
    %get3A_1158 = vector.load %arg8[%get3A_1156, %get3A_1157] : memref<32x16384xf32, #tpu.memory_space<vmem>>, vector<32x1024xf32>
    %mul3A_1159 = vector.broadcast %select_n3A_1155 : vector<1x1024xf32> to vector<32x1024xf32>
    %mul3A_1160 = arith.mulf %mul3A_1159, %get3A_1158 : vector<32x1024xf32>
    %add3A_1161 = arith.addf %add3A_1149, %mul3A_1160 : vector<32x1024xf32>
    %add3A_1162 = arith.addf %add3A_1161, %tanh3A_1032 : vector<32x1024xf32>
    %dot_general3A_1163 = arith.constant dense<0.000000e+00> : vector<17x1024xf32>
    %dot_general3A_1164 = tpu.matmul %get3A_224, %tanh3A_1032, %dot_general3A_1163 {dimension_numbers = #tpu.dot_dimension_numbers<[0], [0], [1], [1], [0, 1, 1, 1], [], []>, transpose_lhs_hint = false} : vector<32x17xf32>, vector<32x1024xf32>, vector<17x1024xf32> -> vector<17x1024xf32>
    %dot_general3A_1165 = arith.constant dense<0.000000e+00> : vector<17x1024xf32>
    %dot_general3A_1166 = tpu.matmul %get3A_227, %add3A_1162, %dot_general3A_1165 {dimension_numbers = #tpu.dot_dimension_numbers<[0], [0], [1], [1], [0, 1, 1, 1], [], []>, transpose_lhs_hint = false} : vector<32x17xf32>, vector<32x1024xf32>, vector<17x1024xf32> -> vector<17x1024xf32>
    %add3A_1167 = arith.addf %dot_general3A_1164, %dot_general3A_1166 : vector<17x1024xf32>
    %add3A_1168 = vector.broadcast %broadcast_in_dim3A_230 : vector<17x1xf32> to vector<17x1024xf32>
    %add3A_1169 = arith.addf %add3A_1167, %add3A_1168 : vector<17x1024xf32>
    %swap3A_1170 = arith.constant 0 : index
    %swap3A_1171 = arith.constant 10240 : index
    %swap3A_1172 = vector.load %arg7[%swap3A_1170, %swap3A_1171] : memref<17x16384xf32, #tpu.memory_space<vmem>>, vector<17x1024xf32>
    tpu.vector_store %arg7[%swap3A_1170, %swap3A_1171], %add3A_1169 {strides = array<i32>} : memref<17x16384xf32, #tpu.memory_space<vmem>>, vector<17x1024xf32>,
    %get3A_1173 = arith.constant 0 : index
    %get3A_1174 = arith.constant 11264 : index
    %get3A_1175 = vector.load %arg0[%get3A_1173, %get3A_1174] : memref<160x16384xf32, #tpu.memory_space<vmem>>, vector<160x1024xf32>
    %dot_general3A_1176 = arith.constant dense<0.000000e+00> : vector<32x1024xf32>
    %dot_general3A_1177 = tpu.matmul %get3A_221, %get3A_1175, %dot_general3A_1176 {dimension_numbers = #tpu.dot_dimension_numbers<[0], [0], [1], [1], [0, 1, 1, 1], [], []>, transpose_lhs_hint = false} : vector<160x32xf32>, vector<160x1024xf32>, vector<32x1024xf32> -> vector<32x1024xf32>
    %tanh3A_1178 = math.tanh %dot_general3A_1177 : vector<32x1024xf32>
    %swap3A_1179 = arith.constant 0 : index
    %swap3A_1180 = arith.constant 11264 : index
    %swap3A_1181 = vector.load %arg8[%swap3A_1179, %swap3A_1180] : memref<32x16384xf32, #tpu.memory_space<vmem>>, vector<32x1024xf32>
    tpu.vector_store %arg8[%swap3A_1179, %swap3A_1180], %tanh3A_1178 {strides = array<i32>} : memref<32x16384xf32, #tpu.memory_space<vmem>>, vector<32x1024xf32>,
    %slice3A_1182 = vector.extract_strided_slice %get3A_1 {offsets = [11, 0], sizes = [1, 1024], strides = [1, 1]} : vector<16x1024xi32> to vector<1x1024xi32>
    %get3A_1183 = arith.constant 0 : index
    %get3A_1184 = arith.constant 11264 : index
    %get3A_1185 = vector.load %arg3[%get3A_1183, %get3A_1184] : memref<32x16384xf32, #tpu.memory_space<vmem>>, vector<32x1024xf32>
    %mul3A_1186 = vector.broadcast %mul3A_162 : vector<1x1024xf32> to vector<32x1024xf32>
    %mul3A_1187 = arith.mulf %mul3A_1186, %get3A_1185 : vector<32x1024xf32>
    %slice3A_1188 = vector.extract_strided_slice %get3A_1 {offsets = [0, 0], sizes = [1, 1024], strides = [1, 1]} : vector<16x1024xi32> to vector<1x1024xi32>
    %eq3A_1189 = arith.cmpi eq, %slice3A_1188, %slice3A_1182 : vector<1x1024xi32>
    %slice3A_1190 = vector.extract_strided_slice %add3A_160 {offsets = [0, 0], sizes = [1, 1024], strides = [1, 1]} : vector<16x1024xf32> to vector<1x1024xf32>
    %jit3A_1191 = arith.constant 0.000000e+00 : f32
    %broadcast_in_dim3A_1192 = vector.broadcast %jit3A_1191 : f32 to vector<1x1024xf32>
    %select_n3A_1193 = arith.select %eq3A_1189, %slice3A_1190, %broadcast_in_dim3A_1192 : vector<1x1024xi1>, vector<1x1024xf32>
    %get3A_1194 = arith.constant 0 : index
    %get3A_1195 = arith.constant 0 : index
    %get3A_1196 = vector.load %arg8[%get3A_1194, %get3A_1195] : memref<32x16384xf32, #tpu.memory_space<vmem>>, vector<32x1024xf32>
    %mul3A_1197 = vector.broadcast %select_n3A_1193 : vector<1x1024xf32> to vector<32x1024xf32>
    %mul3A_1198 = arith.mulf %mul3A_1197, %get3A_1196 : vector<32x1024xf32>
    %add3A_1199 = arith.addf %mul3A_1187, %mul3A_1198 : vector<32x1024xf32>
    %slice3A_1200 = vector.extract_strided_slice %get3A_1 {offsets = [1, 0], sizes = [1, 1024], strides = [1, 1]} : vector<16x1024xi32> to vector<1x1024xi32>
    %eq3A_1201 = arith.cmpi eq, %slice3A_1200, %slice3A_1182 : vector<1x1024xi32>
    %slice3A_1202 = vector.extract_strided_slice %add3A_160 {offsets = [1, 0], sizes = [1, 1024], strides = [1, 1]} : vector<16x1024xf32> to vector<1x1024xf32>
    %jit3A_1203 = arith.constant 0.000000e+00 : f32
    %broadcast_in_dim3A_1204 = vector.broadcast %jit3A_1203 : f32 to vector<1x1024xf32>
    %select_n3A_1205 = arith.select %eq3A_1201, %slice3A_1202, %broadcast_in_dim3A_1204 : vector<1x1024xi1>, vector<1x1024xf32>
    %get3A_1206 = arith.constant 0 : index
    %get3A_1207 = arith.constant 1024 : index
    %get3A_1208 = vector.load %arg8[%get3A_1206, %get3A_1207] : memref<32x16384xf32, #tpu.memory_space<vmem>>, vector<32x1024xf32>
    %mul3A_1209 = vector.broadcast %select_n3A_1205 : vector<1x1024xf32> to vector<32x1024xf32>
    %mul3A_1210 = arith.mulf %mul3A_1209, %get3A_1208 : vector<32x1024xf32>
    %add3A_1211 = arith.addf %add3A_1199, %mul3A_1210 : vector<32x1024xf32>
    %slice3A_1212 = vector.extract_strided_slice %get3A_1 {offsets = [2, 0], sizes = [1, 1024], strides = [1, 1]} : vector<16x1024xi32> to vector<1x1024xi32>
    %eq3A_1213 = arith.cmpi eq, %slice3A_1212, %slice3A_1182 : vector<1x1024xi32>
    %slice3A_1214 = vector.extract_strided_slice %add3A_160 {offsets = [2, 0], sizes = [1, 1024], strides = [1, 1]} : vector<16x1024xf32> to vector<1x1024xf32>
    %jit3A_1215 = arith.constant 0.000000e+00 : f32
    %broadcast_in_dim3A_1216 = vector.broadcast %jit3A_1215 : f32 to vector<1x1024xf32>
    %select_n3A_1217 = arith.select %eq3A_1213, %slice3A_1214, %broadcast_in_dim3A_1216 : vector<1x1024xi1>, vector<1x1024xf32>
    %get3A_1218 = arith.constant 0 : index
    %get3A_1219 = arith.constant 2048 : index
    %get3A_1220 = vector.load %arg8[%get3A_1218, %get3A_1219] : memref<32x16384xf32, #tpu.memory_space<vmem>>, vector<32x1024xf32>
    %mul3A_1221 = vector.broadcast %select_n3A_1217 : vector<1x1024xf32> to vector<32x1024xf32>
    %mul3A_1222 = arith.mulf %mul3A_1221, %get3A_1220 : vector<32x1024xf32>
    %add3A_1223 = arith.addf %add3A_1211, %mul3A_1222 : vector<32x1024xf32>
    %slice3A_1224 = vector.extract_strided_slice %get3A_1 {offsets = [3, 0], sizes = [1, 1024], strides = [1, 1]} : vector<16x1024xi32> to vector<1x1024xi32>
    %eq3A_1225 = arith.cmpi eq, %slice3A_1224, %slice3A_1182 : vector<1x1024xi32>
    %slice3A_1226 = vector.extract_strided_slice %add3A_160 {offsets = [3, 0], sizes = [1, 1024], strides = [1, 1]} : vector<16x1024xf32> to vector<1x1024xf32>
    %jit3A_1227 = arith.constant 0.000000e+00 : f32
    %broadcast_in_dim3A_1228 = vector.broadcast %jit3A_1227 : f32 to vector<1x1024xf32>
    %select_n3A_1229 = arith.select %eq3A_1225, %slice3A_1226, %broadcast_in_dim3A_1228 : vector<1x1024xi1>, vector<1x1024xf32>
    %get3A_1230 = arith.constant 0 : index
    %get3A_1231 = arith.constant 3072 : index
    %get3A_1232 = vector.load %arg8[%get3A_1230, %get3A_1231] : memref<32x16384xf32, #tpu.memory_space<vmem>>, vector<32x1024xf32>
    %mul3A_1233 = vector.broadcast %select_n3A_1229 : vector<1x1024xf32> to vector<32x1024xf32>
    %mul3A_1234 = arith.mulf %mul3A_1233, %get3A_1232 : vector<32x1024xf32>
    %add3A_1235 = arith.addf %add3A_1223, %mul3A_1234 : vector<32x1024xf32>
    %slice3A_1236 = vector.extract_strided_slice %get3A_1 {offsets = [4, 0], sizes = [1, 1024], strides = [1, 1]} : vector<16x1024xi32> to vector<1x1024xi32>
    %eq3A_1237 = arith.cmpi eq, %slice3A_1236, %slice3A_1182 : vector<1x1024xi32>
    %slice3A_1238 = vector.extract_strided_slice %add3A_160 {offsets = [4, 0], sizes = [1, 1024], strides = [1, 1]} : vector<16x1024xf32> to vector<1x1024xf32>
    %jit3A_1239 = arith.constant 0.000000e+00 : f32
    %broadcast_in_dim3A_1240 = vector.broadcast %jit3A_1239 : f32 to vector<1x1024xf32>
    %select_n3A_1241 = arith.select %eq3A_1237, %slice3A_1238, %broadcast_in_dim3A_1240 : vector<1x1024xi1>, vector<1x1024xf32>
    %get3A_1242 = arith.constant 0 : index
    %get3A_1243 = arith.constant 4096 : index
    %get3A_1244 = vector.load %arg8[%get3A_1242, %get3A_1243] : memref<32x16384xf32, #tpu.memory_space<vmem>>, vector<32x1024xf32>
    %mul3A_1245 = vector.broadcast %select_n3A_1241 : vector<1x1024xf32> to vector<32x1024xf32>
    %mul3A_1246 = arith.mulf %mul3A_1245, %get3A_1244 : vector<32x1024xf32>
    %add3A_1247 = arith.addf %add3A_1235, %mul3A_1246 : vector<32x1024xf32>
    %slice3A_1248 = vector.extract_strided_slice %get3A_1 {offsets = [5, 0], sizes = [1, 1024], strides = [1, 1]} : vector<16x1024xi32> to vector<1x1024xi32>
    %eq3A_1249 = arith.cmpi eq, %slice3A_1248, %slice3A_1182 : vector<1x1024xi32>
    %slice3A_1250 = vector.extract_strided_slice %add3A_160 {offsets = [5, 0], sizes = [1, 1024], strides = [1, 1]} : vector<16x1024xf32> to vector<1x1024xf32>
    %jit3A_1251 = arith.constant 0.000000e+00 : f32
    %broadcast_in_dim3A_1252 = vector.broadcast %jit3A_1251 : f32 to vector<1x1024xf32>
    %select_n3A_1253 = arith.select %eq3A_1249, %slice3A_1250, %broadcast_in_dim3A_1252 : vector<1x1024xi1>, vector<1x1024xf32>
    %get3A_1254 = arith.constant 0 : index
    %get3A_1255 = arith.constant 5120 : index
    %get3A_1256 = vector.load %arg8[%get3A_1254, %get3A_1255] : memref<32x16384xf32, #tpu.memory_space<vmem>>, vector<32x1024xf32>
    %mul3A_1257 = vector.broadcast %select_n3A_1253 : vector<1x1024xf32> to vector<32x1024xf32>
    %mul3A_1258 = arith.mulf %mul3A_1257, %get3A_1256 : vector<32x1024xf32>
    %add3A_1259 = arith.addf %add3A_1247, %mul3A_1258 : vector<32x1024xf32>
    %slice3A_1260 = vector.extract_strided_slice %get3A_1 {offsets = [6, 0], sizes = [1, 1024], strides = [1, 1]} : vector<16x1024xi32> to vector<1x1024xi32>
    %eq3A_1261 = arith.cmpi eq, %slice3A_1260, %slice3A_1182 : vector<1x1024xi32>
    %slice3A_1262 = vector.extract_strided_slice %add3A_160 {offsets = [6, 0], sizes = [1, 1024], strides = [1, 1]} : vector<16x1024xf32> to vector<1x1024xf32>
    %jit3A_1263 = arith.constant 0.000000e+00 : f32
    %broadcast_in_dim3A_1264 = vector.broadcast %jit3A_1263 : f32 to vector<1x1024xf32>
    %select_n3A_1265 = arith.select %eq3A_1261, %slice3A_1262, %broadcast_in_dim3A_1264 : vector<1x1024xi1>, vector<1x1024xf32>
    %get3A_1266 = arith.constant 0 : index
    %get3A_1267 = arith.constant 6144 : index
    %get3A_1268 = vector.load %arg8[%get3A_1266, %get3A_1267] : memref<32x16384xf32, #tpu.memory_space<vmem>>, vector<32x1024xf32>
    %mul3A_1269 = vector.broadcast %select_n3A_1265 : vector<1x1024xf32> to vector<32x1024xf32>
    %mul3A_1270 = arith.mulf %mul3A_1269, %get3A_1268 : vector<32x1024xf32>
    %add3A_1271 = arith.addf %add3A_1259, %mul3A_1270 : vector<32x1024xf32>
    %slice3A_1272 = vector.extract_strided_slice %get3A_1 {offsets = [7, 0], sizes = [1, 1024], strides = [1, 1]} : vector<16x1024xi32> to vector<1x1024xi32>
    %eq3A_1273 = arith.cmpi eq, %slice3A_1272, %slice3A_1182 : vector<1x1024xi32>
    %slice3A_1274 = vector.extract_strided_slice %add3A_160 {offsets = [7, 0], sizes = [1, 1024], strides = [1, 1]} : vector<16x1024xf32> to vector<1x1024xf32>
    %jit3A_1275 = arith.constant 0.000000e+00 : f32
    %broadcast_in_dim3A_1276 = vector.broadcast %jit3A_1275 : f32 to vector<1x1024xf32>
    %select_n3A_1277 = arith.select %eq3A_1273, %slice3A_1274, %broadcast_in_dim3A_1276 : vector<1x1024xi1>, vector<1x1024xf32>
    %get3A_1278 = arith.constant 0 : index
    %get3A_1279 = arith.constant 7168 : index
    %get3A_1280 = vector.load %arg8[%get3A_1278, %get3A_1279] : memref<32x16384xf32, #tpu.memory_space<vmem>>, vector<32x1024xf32>
    %mul3A_1281 = vector.broadcast %select_n3A_1277 : vector<1x1024xf32> to vector<32x1024xf32>
    %mul3A_1282 = arith.mulf %mul3A_1281, %get3A_1280 : vector<32x1024xf32>
    %add3A_1283 = arith.addf %add3A_1271, %mul3A_1282 : vector<32x1024xf32>
    %slice3A_1284 = vector.extract_strided_slice %get3A_1 {offsets = [8, 0], sizes = [1, 1024], strides = [1, 1]} : vector<16x1024xi32> to vector<1x1024xi32>
    %eq3A_1285 = arith.cmpi eq, %slice3A_1284, %slice3A_1182 : vector<1x1024xi32>
    %slice3A_1286 = vector.extract_strided_slice %add3A_160 {offsets = [8, 0], sizes = [1, 1024], strides = [1, 1]} : vector<16x1024xf32> to vector<1x1024xf32>
    %jit3A_1287 = arith.constant 0.000000e+00 : f32
    %broadcast_in_dim3A_1288 = vector.broadcast %jit3A_1287 : f32 to vector<1x1024xf32>
    %select_n3A_1289 = arith.select %eq3A_1285, %slice3A_1286, %broadcast_in_dim3A_1288 : vector<1x1024xi1>, vector<1x1024xf32>
    %get3A_1290 = arith.constant 0 : index
    %get3A_1291 = arith.constant 8192 : index
    %get3A_1292 = vector.load %arg8[%get3A_1290, %get3A_1291] : memref<32x16384xf32, #tpu.memory_space<vmem>>, vector<32x1024xf32>
    %mul3A_1293 = vector.broadcast %select_n3A_1289 : vector<1x1024xf32> to vector<32x1024xf32>
    %mul3A_1294 = arith.mulf %mul3A_1293, %get3A_1292 : vector<32x1024xf32>
    %add3A_1295 = arith.addf %add3A_1283, %mul3A_1294 : vector<32x1024xf32>
    %slice3A_1296 = vector.extract_strided_slice %get3A_1 {offsets = [9, 0], sizes = [1, 1024], strides = [1, 1]} : vector<16x1024xi32> to vector<1x1024xi32>
    %eq3A_1297 = arith.cmpi eq, %slice3A_1296, %slice3A_1182 : vector<1x1024xi32>
    %slice3A_1298 = vector.extract_strided_slice %add3A_160 {offsets = [9, 0], sizes = [1, 1024], strides = [1, 1]} : vector<16x1024xf32> to vector<1x1024xf32>
    %jit3A_1299 = arith.constant 0.000000e+00 : f32
    %broadcast_in_dim3A_1300 = vector.broadcast %jit3A_1299 : f32 to vector<1x1024xf32>
    %select_n3A_1301 = arith.select %eq3A_1297, %slice3A_1298, %broadcast_in_dim3A_1300 : vector<1x1024xi1>, vector<1x1024xf32>
    %get3A_1302 = arith.constant 0 : index
    %get3A_1303 = arith.constant 9216 : index
    %get3A_1304 = vector.load %arg8[%get3A_1302, %get3A_1303] : memref<32x16384xf32, #tpu.memory_space<vmem>>, vector<32x1024xf32>
    %mul3A_1305 = vector.broadcast %select_n3A_1301 : vector<1x1024xf32> to vector<32x1024xf32>
    %mul3A_1306 = arith.mulf %mul3A_1305, %get3A_1304 : vector<32x1024xf32>
    %add3A_1307 = arith.addf %add3A_1295, %mul3A_1306 : vector<32x1024xf32>
    %slice3A_1308 = vector.extract_strided_slice %get3A_1 {offsets = [10, 0], sizes = [1, 1024], strides = [1, 1]} : vector<16x1024xi32> to vector<1x1024xi32>
    %eq3A_1309 = arith.cmpi eq, %slice3A_1308, %slice3A_1182 : vector<1x1024xi32>
    %slice3A_1310 = vector.extract_strided_slice %add3A_160 {offsets = [10, 0], sizes = [1, 1024], strides = [1, 1]} : vector<16x1024xf32> to vector<1x1024xf32>
    %jit3A_1311 = arith.constant 0.000000e+00 : f32
    %broadcast_in_dim3A_1312 = vector.broadcast %jit3A_1311 : f32 to vector<1x1024xf32>
    %select_n3A_1313 = arith.select %eq3A_1309, %slice3A_1310, %broadcast_in_dim3A_1312 : vector<1x1024xi1>, vector<1x1024xf32>
    %get3A_1314 = arith.constant 0 : index
    %get3A_1315 = arith.constant 10240 : index
    %get3A_1316 = vector.load %arg8[%get3A_1314, %get3A_1315] : memref<32x16384xf32, #tpu.memory_space<vmem>>, vector<32x1024xf32>
    %mul3A_1317 = vector.broadcast %select_n3A_1313 : vector<1x1024xf32> to vector<32x1024xf32>
    %mul3A_1318 = arith.mulf %mul3A_1317, %get3A_1316 : vector<32x1024xf32>
    %add3A_1319 = arith.addf %add3A_1307, %mul3A_1318 : vector<32x1024xf32>
    %add3A_1320 = arith.addf %add3A_1319, %tanh3A_1178 : vector<32x1024xf32>
    %dot_general3A_1321 = arith.constant dense<0.000000e+00> : vector<17x1024xf32>
    %dot_general3A_1322 = tpu.matmul %get3A_224, %tanh3A_1178, %dot_general3A_1321 {dimension_numbers = #tpu.dot_dimension_numbers<[0], [0], [1], [1], [0, 1, 1, 1], [], []>, transpose_lhs_hint = false} : vector<32x17xf32>, vector<32x1024xf32>, vector<17x1024xf32> -> vector<17x1024xf32>
    %dot_general3A_1323 = arith.constant dense<0.000000e+00> : vector<17x1024xf32>
    %dot_general3A_1324 = tpu.matmul %get3A_227, %add3A_1320, %dot_general3A_1323 {dimension_numbers = #tpu.dot_dimension_numbers<[0], [0], [1], [1], [0, 1, 1, 1], [], []>, transpose_lhs_hint = false} : vector<32x17xf32>, vector<32x1024xf32>, vector<17x1024xf32> -> vector<17x1024xf32>
    %add3A_1325 = arith.addf %dot_general3A_1322, %dot_general3A_1324 : vector<17x1024xf32>
    %add3A_1326 = vector.broadcast %broadcast_in_dim3A_230 : vector<17x1xf32> to vector<17x1024xf32>
    %add3A_1327 = arith.addf %add3A_1325, %add3A_1326 : vector<17x1024xf32>
    %swap3A_1328 = arith.constant 0 : index
    %swap3A_1329 = arith.constant 11264 : index
    %swap3A_1330 = vector.load %arg7[%swap3A_1328, %swap3A_1329] : memref<17x16384xf32, #tpu.memory_space<vmem>>, vector<17x1024xf32>
    tpu.vector_store %arg7[%swap3A_1328, %swap3A_1329], %add3A_1327 {strides = array<i32>} : memref<17x16384xf32, #tpu.memory_space<vmem>>, vector<17x1024xf32>,
    %get3A_1331 = arith.constant 0 : index
    %get3A_1332 = arith.constant 12288 : index
    %get3A_1333 = vector.load %arg0[%get3A_1331, %get3A_1332] : memref<160x16384xf32, #tpu.memory_space<vmem>>, vector<160x1024xf32>
    %dot_general3A_1334 = arith.constant dense<0.000000e+00> : vector<32x1024xf32>
    %dot_general3A_1335 = tpu.matmul %get3A_221, %get3A_1333, %dot_general3A_1334 {dimension_numbers = #tpu.dot_dimension_numbers<[0], [0], [1], [1], [0, 1, 1, 1], [], []>, transpose_lhs_hint = false} : vector<160x32xf32>, vector<160x1024xf32>, vector<32x1024xf32> -> vector<32x1024xf32>
    %tanh3A_1336 = math.tanh %dot_general3A_1335 : vector<32x1024xf32>
    %swap3A_1337 = arith.constant 0 : index
    %swap3A_1338 = arith.constant 12288 : index
    %swap3A_1339 = vector.load %arg8[%swap3A_1337, %swap3A_1338] : memref<32x16384xf32, #tpu.memory_space<vmem>>, vector<32x1024xf32>
    tpu.vector_store %arg8[%swap3A_1337, %swap3A_1338], %tanh3A_1336 {strides = array<i32>} : memref<32x16384xf32, #tpu.memory_space<vmem>>, vector<32x1024xf32>,
    %slice3A_1340 = vector.extract_strided_slice %get3A_1 {offsets = [12, 0], sizes = [1, 1024], strides = [1, 1]} : vector<16x1024xi32> to vector<1x1024xi32>
    %get3A_1341 = arith.constant 0 : index
    %get3A_1342 = arith.constant 12288 : index
    %get3A_1343 = vector.load %arg3[%get3A_1341, %get3A_1342] : memref<32x16384xf32, #tpu.memory_space<vmem>>, vector<32x1024xf32>
    %mul3A_1344 = vector.broadcast %mul3A_176 : vector<1x1024xf32> to vector<32x1024xf32>
    %mul3A_1345 = arith.mulf %mul3A_1344, %get3A_1343 : vector<32x1024xf32>
    %slice3A_1346 = vector.extract_strided_slice %get3A_1 {offsets = [0, 0], sizes = [1, 1024], strides = [1, 1]} : vector<16x1024xi32> to vector<1x1024xi32>
    %eq3A_1347 = arith.cmpi eq, %slice3A_1346, %slice3A_1340 : vector<1x1024xi32>
    %slice3A_1348 = vector.extract_strided_slice %add3A_174 {offsets = [0, 0], sizes = [1, 1024], strides = [1, 1]} : vector<16x1024xf32> to vector<1x1024xf32>
    %jit3A_1349 = arith.constant 0.000000e+00 : f32
    %broadcast_in_dim3A_1350 = vector.broadcast %jit3A_1349 : f32 to vector<1x1024xf32>
    %select_n3A_1351 = arith.select %eq3A_1347, %slice3A_1348, %broadcast_in_dim3A_1350 : vector<1x1024xi1>, vector<1x1024xf32>
    %get3A_1352 = arith.constant 0 : index
    %get3A_1353 = arith.constant 0 : index
    %get3A_1354 = vector.load %arg8[%get3A_1352, %get3A_1353] : memref<32x16384xf32, #tpu.memory_space<vmem>>, vector<32x1024xf32>
    %mul3A_1355 = vector.broadcast %select_n3A_1351 : vector<1x1024xf32> to vector<32x1024xf32>
    %mul3A_1356 = arith.mulf %mul3A_1355, %get3A_1354 : vector<32x1024xf32>
    %add3A_1357 = arith.addf %mul3A_1345, %mul3A_1356 : vector<32x1024xf32>
    %slice3A_1358 = vector.extract_strided_slice %get3A_1 {offsets = [1, 0], sizes = [1, 1024], strides = [1, 1]} : vector<16x1024xi32> to vector<1x1024xi32>
    %eq3A_1359 = arith.cmpi eq, %slice3A_1358, %slice3A_1340 : vector<1x1024xi32>
    %slice3A_1360 = vector.extract_strided_slice %add3A_174 {offsets = [1, 0], sizes = [1, 1024], strides = [1, 1]} : vector<16x1024xf32> to vector<1x1024xf32>
    %jit3A_1361 = arith.constant 0.000000e+00 : f32
    %broadcast_in_dim3A_1362 = vector.broadcast %jit3A_1361 : f32 to vector<1x1024xf32>
    %select_n3A_1363 = arith.select %eq3A_1359, %slice3A_1360, %broadcast_in_dim3A_1362 : vector<1x1024xi1>, vector<1x1024xf32>
    %get3A_1364 = arith.constant 0 : index
    %get3A_1365 = arith.constant 1024 : index
    %get3A_1366 = vector.load %arg8[%get3A_1364, %get3A_1365] : memref<32x16384xf32, #tpu.memory_space<vmem>>, vector<32x1024xf32>
    %mul3A_1367 = vector.broadcast %select_n3A_1363 : vector<1x1024xf32> to vector<32x1024xf32>
    %mul3A_1368 = arith.mulf %mul3A_1367, %get3A_1366 : vector<32x1024xf32>
    %add3A_1369 = arith.addf %add3A_1357, %mul3A_1368 : vector<32x1024xf32>
    %slice3A_1370 = vector.extract_strided_slice %get3A_1 {offsets = [2, 0], sizes = [1, 1024], strides = [1, 1]} : vector<16x1024xi32> to vector<1x1024xi32>
    %eq3A_1371 = arith.cmpi eq, %slice3A_1370, %slice3A_1340 : vector<1x1024xi32>
    %slice3A_1372 = vector.extract_strided_slice %add3A_174 {offsets = [2, 0], sizes = [1, 1024], strides = [1, 1]} : vector<16x1024xf32> to vector<1x1024xf32>
    %jit3A_1373 = arith.constant 0.000000e+00 : f32
    %broadcast_in_dim3A_1374 = vector.broadcast %jit3A_1373 : f32 to vector<1x1024xf32>
    %select_n3A_1375 = arith.select %eq3A_1371, %slice3A_1372, %broadcast_in_dim3A_1374 : vector<1x1024xi1>, vector<1x1024xf32>
    %get3A_1376 = arith.constant 0 : index
    %get3A_1377 = arith.constant 2048 : index
    %get3A_1378 = vector.load %arg8[%get3A_1376, %get3A_1377] : memref<32x16384xf32, #tpu.memory_space<vmem>>, vector<32x1024xf32>
    %mul3A_1379 = vector.broadcast %select_n3A_1375 : vector<1x1024xf32> to vector<32x1024xf32>
    %mul3A_1380 = arith.mulf %mul3A_1379, %get3A_1378 : vector<32x1024xf32>
    %add3A_1381 = arith.addf %add3A_1369, %mul3A_1380 : vector<32x1024xf32>
    %slice3A_1382 = vector.extract_strided_slice %get3A_1 {offsets = [3, 0], sizes = [1, 1024], strides = [1, 1]} : vector<16x1024xi32> to vector<1x1024xi32>
    %eq3A_1383 = arith.cmpi eq, %slice3A_1382, %slice3A_1340 : vector<1x1024xi32>
    %slice3A_1384 = vector.extract_strided_slice %add3A_174 {offsets = [3, 0], sizes = [1, 1024], strides = [1, 1]} : vector<16x1024xf32> to vector<1x1024xf32>
    %jit3A_1385 = arith.constant 0.000000e+00 : f32
    %broadcast_in_dim3A_1386 = vector.broadcast %jit3A_1385 : f32 to vector<1x1024xf32>
    %select_n3A_1387 = arith.select %eq3A_1383, %slice3A_1384, %broadcast_in_dim3A_1386 : vector<1x1024xi1>, vector<1x1024xf32>
    %get3A_1388 = arith.constant 0 : index
    %get3A_1389 = arith.constant 3072 : index
    %get3A_1390 = vector.load %arg8[%get3A_1388, %get3A_1389] : memref<32x16384xf32, #tpu.memory_space<vmem>>, vector<32x1024xf32>
    %mul3A_1391 = vector.broadcast %select_n3A_1387 : vector<1x1024xf32> to vector<32x1024xf32>
    %mul3A_1392 = arith.mulf %mul3A_1391, %get3A_1390 : vector<32x1024xf32>
    %add3A_1393 = arith.addf %add3A_1381, %mul3A_1392 : vector<32x1024xf32>
    %slice3A_1394 = vector.extract_strided_slice %get3A_1 {offsets = [4, 0], sizes = [1, 1024], strides = [1, 1]} : vector<16x1024xi32> to vector<1x1024xi32>
    %eq3A_1395 = arith.cmpi eq, %slice3A_1394, %slice3A_1340 : vector<1x1024xi32>
    %slice3A_1396 = vector.extract_strided_slice %add3A_174 {offsets = [4, 0], sizes = [1, 1024], strides = [1, 1]} : vector<16x1024xf32> to vector<1x1024xf32>
    %jit3A_1397 = arith.constant 0.000000e+00 : f32
    %broadcast_in_dim3A_1398 = vector.broadcast %jit3A_1397 : f32 to vector<1x1024xf32>
    %select_n3A_1399 = arith.select %eq3A_1395, %slice3A_1396, %broadcast_in_dim3A_1398 : vector<1x1024xi1>, vector<1x1024xf32>
    %get3A_1400 = arith.constant 0 : index
    %get3A_1401 = arith.constant 4096 : index
    %get3A_1402 = vector.load %arg8[%get3A_1400, %get3A_1401] : memref<32x16384xf32, #tpu.memory_space<vmem>>, vector<32x1024xf32>
    %mul3A_1403 = vector.broadcast %select_n3A_1399 : vector<1x1024xf32> to vector<32x1024xf32>
    %mul3A_1404 = arith.mulf %mul3A_1403, %get3A_1402 : vector<32x1024xf32>
    %add3A_1405 = arith.addf %add3A_1393, %mul3A_1404 : vector<32x1024xf32>
    %slice3A_1406 = vector.extract_strided_slice %get3A_1 {offsets = [5, 0], sizes = [1, 1024], strides = [1, 1]} : vector<16x1024xi32> to vector<1x1024xi32>
    %eq3A_1407 = arith.cmpi eq, %slice3A_1406, %slice3A_1340 : vector<1x1024xi32>
    %slice3A_1408 = vector.extract_strided_slice %add3A_174 {offsets = [5, 0], sizes = [1, 1024], strides = [1, 1]} : vector<16x1024xf32> to vector<1x1024xf32>
    %jit3A_1409 = arith.constant 0.000000e+00 : f32
    %broadcast_in_dim3A_1410 = vector.broadcast %jit3A_1409 : f32 to vector<1x1024xf32>
    %select_n3A_1411 = arith.select %eq3A_1407, %slice3A_1408, %broadcast_in_dim3A_1410 : vector<1x1024xi1>, vector<1x1024xf32>
    %get3A_1412 = arith.constant 0 : index
    %get3A_1413 = arith.constant 5120 : index
    %get3A_1414 = vector.load %arg8[%get3A_1412, %get3A_1413] : memref<32x16384xf32, #tpu.memory_space<vmem>>, vector<32x1024xf32>
    %mul3A_1415 = vector.broadcast %select_n3A_1411 : vector<1x1024xf32> to vector<32x1024xf32>
    %mul3A_1416 = arith.mulf %mul3A_1415, %get3A_1414 : vector<32x1024xf32>
    %add3A_1417 = arith.addf %add3A_1405, %mul3A_1416 : vector<32x1024xf32>
    %slice3A_1418 = vector.extract_strided_slice %get3A_1 {offsets = [6, 0], sizes = [1, 1024], strides = [1, 1]} : vector<16x1024xi32> to vector<1x1024xi32>
    %eq3A_1419 = arith.cmpi eq, %slice3A_1418, %slice3A_1340 : vector<1x1024xi32>
    %slice3A_1420 = vector.extract_strided_slice %add3A_174 {offsets = [6, 0], sizes = [1, 1024], strides = [1, 1]} : vector<16x1024xf32> to vector<1x1024xf32>
    %jit3A_1421 = arith.constant 0.000000e+00 : f32
    %broadcast_in_dim3A_1422 = vector.broadcast %jit3A_1421 : f32 to vector<1x1024xf32>
    %select_n3A_1423 = arith.select %eq3A_1419, %slice3A_1420, %broadcast_in_dim3A_1422 : vector<1x1024xi1>, vector<1x1024xf32>
    %get3A_1424 = arith.constant 0 : index
    %get3A_1425 = arith.constant 6144 : index
    %get3A_1426 = vector.load %arg8[%get3A_1424, %get3A_1425] : memref<32x16384xf32, #tpu.memory_space<vmem>>, vector<32x1024xf32>
    %mul3A_1427 = vector.broadcast %select_n3A_1423 : vector<1x1024xf32> to vector<32x1024xf32>
    %mul3A_1428 = arith.mulf %mul3A_1427, %get3A_1426 : vector<32x1024xf32>
    %add3A_1429 = arith.addf %add3A_1417, %mul3A_1428 : vector<32x1024xf32>
    %slice3A_1430 = vector.extract_strided_slice %get3A_1 {offsets = [7, 0], sizes = [1, 1024], strides = [1, 1]} : vector<16x1024xi32> to vector<1x1024xi32>
    %eq3A_1431 = arith.cmpi eq, %slice3A_1430, %slice3A_1340 : vector<1x1024xi32>
    %slice3A_1432 = vector.extract_strided_slice %add3A_174 {offsets = [7, 0], sizes = [1, 1024], strides = [1, 1]} : vector<16x1024xf32> to vector<1x1024xf32>
    %jit3A_1433 = arith.constant 0.000000e+00 : f32
    %broadcast_in_dim3A_1434 = vector.broadcast %jit3A_1433 : f32 to vector<1x1024xf32>
    %select_n3A_1435 = arith.select %eq3A_1431, %slice3A_1432, %broadcast_in_dim3A_1434 : vector<1x1024xi1>, vector<1x1024xf32>
    %get3A_1436 = arith.constant 0 : index
    %get3A_1437 = arith.constant 7168 : index
    %get3A_1438 = vector.load %arg8[%get3A_1436, %get3A_1437] : memref<32x16384xf32, #tpu.memory_space<vmem>>, vector<32x1024xf32>
    %mul3A_1439 = vector.broadcast %select_n3A_1435 : vector<1x1024xf32> to vector<32x1024xf32>
    %mul3A_1440 = arith.mulf %mul3A_1439, %get3A_1438 : vector<32x1024xf32>
    %add3A_1441 = arith.addf %add3A_1429, %mul3A_1440 : vector<32x1024xf32>
    %slice3A_1442 = vector.extract_strided_slice %get3A_1 {offsets = [8, 0], sizes = [1, 1024], strides = [1, 1]} : vector<16x1024xi32> to vector<1x1024xi32>
    %eq3A_1443 = arith.cmpi eq, %slice3A_1442, %slice3A_1340 : vector<1x1024xi32>
    %slice3A_1444 = vector.extract_strided_slice %add3A_174 {offsets = [8, 0], sizes = [1, 1024], strides = [1, 1]} : vector<16x1024xf32> to vector<1x1024xf32>
    %jit3A_1445 = arith.constant 0.000000e+00 : f32
    %broadcast_in_dim3A_1446 = vector.broadcast %jit3A_1445 : f32 to vector<1x1024xf32>
    %select_n3A_1447 = arith.select %eq3A_1443, %slice3A_1444, %broadcast_in_dim3A_1446 : vector<1x1024xi1>, vector<1x1024xf32>
    %get3A_1448 = arith.constant 0 : index
    %get3A_1449 = arith.constant 8192 : index
    %get3A_1450 = vector.load %arg8[%get3A_1448, %get3A_1449] : memref<32x16384xf32, #tpu.memory_space<vmem>>, vector<32x1024xf32>
    %mul3A_1451 = vector.broadcast %select_n3A_1447 : vector<1x1024xf32> to vector<32x1024xf32>
    %mul3A_1452 = arith.mulf %mul3A_1451, %get3A_1450 : vector<32x1024xf32>
    %add3A_1453 = arith.addf %add3A_1441, %mul3A_1452 : vector<32x1024xf32>
    %slice3A_1454 = vector.extract_strided_slice %get3A_1 {offsets = [9, 0], sizes = [1, 1024], strides = [1, 1]} : vector<16x1024xi32> to vector<1x1024xi32>
    %eq3A_1455 = arith.cmpi eq, %slice3A_1454, %slice3A_1340 : vector<1x1024xi32>
    %slice3A_1456 = vector.extract_strided_slice %add3A_174 {offsets = [9, 0], sizes = [1, 1024], strides = [1, 1]} : vector<16x1024xf32> to vector<1x1024xf32>
    %jit3A_1457 = arith.constant 0.000000e+00 : f32
    %broadcast_in_dim3A_1458 = vector.broadcast %jit3A_1457 : f32 to vector<1x1024xf32>
    %select_n3A_1459 = arith.select %eq3A_1455, %slice3A_1456, %broadcast_in_dim3A_1458 : vector<1x1024xi1>, vector<1x1024xf32>
    %get3A_1460 = arith.constant 0 : index
    %get3A_1461 = arith.constant 9216 : index
    %get3A_1462 = vector.load %arg8[%get3A_1460, %get3A_1461] : memref<32x16384xf32, #tpu.memory_space<vmem>>, vector<32x1024xf32>
    %mul3A_1463 = vector.broadcast %select_n3A_1459 : vector<1x1024xf32> to vector<32x1024xf32>
    %mul3A_1464 = arith.mulf %mul3A_1463, %get3A_1462 : vector<32x1024xf32>
    %add3A_1465 = arith.addf %add3A_1453, %mul3A_1464 : vector<32x1024xf32>
    %slice3A_1466 = vector.extract_strided_slice %get3A_1 {offsets = [10, 0], sizes = [1, 1024], strides = [1, 1]} : vector<16x1024xi32> to vector<1x1024xi32>
    %eq3A_1467 = arith.cmpi eq, %slice3A_1466, %slice3A_1340 : vector<1x1024xi32>
    %slice3A_1468 = vector.extract_strided_slice %add3A_174 {offsets = [10, 0], sizes = [1, 1024], strides = [1, 1]} : vector<16x1024xf32> to vector<1x1024xf32>
    %jit3A_1469 = arith.constant 0.000000e+00 : f32
    %broadcast_in_dim3A_1470 = vector.broadcast %jit3A_1469 : f32 to vector<1x1024xf32>
    %select_n3A_1471 = arith.select %eq3A_1467, %slice3A_1468, %broadcast_in_dim3A_1470 : vector<1x1024xi1>, vector<1x1024xf32>
    %get3A_1472 = arith.constant 0 : index
    %get3A_1473 = arith.constant 10240 : index
    %get3A_1474 = vector.load %arg8[%get3A_1472, %get3A_1473] : memref<32x16384xf32, #tpu.memory_space<vmem>>, vector<32x1024xf32>
    %mul3A_1475 = vector.broadcast %select_n3A_1471 : vector<1x1024xf32> to vector<32x1024xf32>
    %mul3A_1476 = arith.mulf %mul3A_1475, %get3A_1474 : vector<32x1024xf32>
    %add3A_1477 = arith.addf %add3A_1465, %mul3A_1476 : vector<32x1024xf32>
    %slice3A_1478 = vector.extract_strided_slice %get3A_1 {offsets = [11, 0], sizes = [1, 1024], strides = [1, 1]} : vector<16x1024xi32> to vector<1x1024xi32>
    %eq3A_1479 = arith.cmpi eq, %slice3A_1478, %slice3A_1340 : vector<1x1024xi32>
    %slice3A_1480 = vector.extract_strided_slice %add3A_174 {offsets = [11, 0], sizes = [1, 1024], strides = [1, 1]} : vector<16x1024xf32> to vector<1x1024xf32>
    %jit3A_1481 = arith.constant 0.000000e+00 : f32
    %broadcast_in_dim3A_1482 = vector.broadcast %jit3A_1481 : f32 to vector<1x1024xf32>
    %select_n3A_1483 = arith.select %eq3A_1479, %slice3A_1480, %broadcast_in_dim3A_1482 : vector<1x1024xi1>, vector<1x1024xf32>
    %get3A_1484 = arith.constant 0 : index
    %get3A_1485 = arith.constant 11264 : index
    %get3A_1486 = vector.load %arg8[%get3A_1484, %get3A_1485] : memref<32x16384xf32, #tpu.memory_space<vmem>>, vector<32x1024xf32>
    %mul3A_1487 = vector.broadcast %select_n3A_1483 : vector<1x1024xf32> to vector<32x1024xf32>
    %mul3A_1488 = arith.mulf %mul3A_1487, %get3A_1486 : vector<32x1024xf32>
    %add3A_1489 = arith.addf %add3A_1477, %mul3A_1488 : vector<32x1024xf32>
    %add3A_1490 = arith.addf %add3A_1489, %tanh3A_1336 : vector<32x1024xf32>
    %dot_general3A_1491 = arith.constant dense<0.000000e+00> : vector<17x1024xf32>
    %dot_general3A_1492 = tpu.matmul %get3A_224, %tanh3A_1336, %dot_general3A_1491 {dimension_numbers = #tpu.dot_dimension_numbers<[0], [0], [1], [1], [0, 1, 1, 1], [], []>, transpose_lhs_hint = false} : vector<32x17xf32>, vector<32x1024xf32>, vector<17x1024xf32> -> vector<17x1024xf32>
    %dot_general3A_1493 = arith.constant dense<0.000000e+00> : vector<17x1024xf32>
    %dot_general3A_1494 = tpu.matmul %get3A_227, %add3A_1490, %dot_general3A_1493 {dimension_numbers = #tpu.dot_dimension_numbers<[0], [0], [1], [1], [0, 1, 1, 1], [], []>, transpose_lhs_hint = false} : vector<32x17xf32>, vector<32x1024xf32>, vector<17x1024xf32> -> vector<17x1024xf32>
    %add3A_1495 = arith.addf %dot_general3A_1492, %dot_general3A_1494 : vector<17x1024xf32>
    %add3A_1496 = vector.broadcast %broadcast_in_dim3A_230 : vector<17x1xf32> to vector<17x1024xf32>
    %add3A_1497 = arith.addf %add3A_1495, %add3A_1496 : vector<17x1024xf32>
    %swap3A_1498 = arith.constant 0 : index
    %swap3A_1499 = arith.constant 12288 : index
    %swap3A_1500 = vector.load %arg7[%swap3A_1498, %swap3A_1499] : memref<17x16384xf32, #tpu.memory_space<vmem>>, vector<17x1024xf32>
    tpu.vector_store %arg7[%swap3A_1498, %swap3A_1499], %add3A_1497 {strides = array<i32>} : memref<17x16384xf32, #tpu.memory_space<vmem>>, vector<17x1024xf32>,
    %get3A_1501 = arith.constant 0 : index
    %get3A_1502 = arith.constant 13312 : index
    %get3A_1503 = vector.load %arg0[%get3A_1501, %get3A_1502] : memref<160x16384xf32, #tpu.memory_space<vmem>>, vector<160x1024xf32>
    %dot_general3A_1504 = arith.constant dense<0.000000e+00> : vector<32x1024xf32>
    %dot_general3A_1505 = tpu.matmul %get3A_221, %get3A_1503, %dot_general3A_1504 {dimension_numbers = #tpu.dot_dimension_numbers<[0], [0], [1], [1], [0, 1, 1, 1], [], []>, transpose_lhs_hint = false} : vector<160x32xf32>, vector<160x1024xf32>, vector<32x1024xf32> -> vector<32x1024xf32>
    %tanh3A_1506 = math.tanh %dot_general3A_1505 : vector<32x1024xf32>
    %swap3A_1507 = arith.constant 0 : index
    %swap3A_1508 = arith.constant 13312 : index
    %swap3A_1509 = vector.load %arg8[%swap3A_1507, %swap3A_1508] : memref<32x16384xf32, #tpu.memory_space<vmem>>, vector<32x1024xf32>
    tpu.vector_store %arg8[%swap3A_1507, %swap3A_1508], %tanh3A_1506 {strides = array<i32>} : memref<32x16384xf32, #tpu.memory_space<vmem>>, vector<32x1024xf32>,
    %slice3A_1510 = vector.extract_strided_slice %get3A_1 {offsets = [13, 0], sizes = [1, 1024], strides = [1, 1]} : vector<16x1024xi32> to vector<1x1024xi32>
    %get3A_1511 = arith.constant 0 : index
    %get3A_1512 = arith.constant 13312 : index
    %get3A_1513 = vector.load %arg3[%get3A_1511, %get3A_1512] : memref<32x16384xf32, #tpu.memory_space<vmem>>, vector<32x1024xf32>
    %mul3A_1514 = vector.broadcast %mul3A_190 : vector<1x1024xf32> to vector<32x1024xf32>
    %mul3A_1515 = arith.mulf %mul3A_1514, %get3A_1513 : vector<32x1024xf32>
    %slice3A_1516 = vector.extract_strided_slice %get3A_1 {offsets = [0, 0], sizes = [1, 1024], strides = [1, 1]} : vector<16x1024xi32> to vector<1x1024xi32>
    %eq3A_1517 = arith.cmpi eq, %slice3A_1516, %slice3A_1510 : vector<1x1024xi32>
    %slice3A_1518 = vector.extract_strided_slice %add3A_188 {offsets = [0, 0], sizes = [1, 1024], strides = [1, 1]} : vector<16x1024xf32> to vector<1x1024xf32>
    %jit3A_1519 = arith.constant 0.000000e+00 : f32
    %broadcast_in_dim3A_1520 = vector.broadcast %jit3A_1519 : f32 to vector<1x1024xf32>
    %select_n3A_1521 = arith.select %eq3A_1517, %slice3A_1518, %broadcast_in_dim3A_1520 : vector<1x1024xi1>, vector<1x1024xf32>
    %get3A_1522 = arith.constant 0 : index
    %get3A_1523 = arith.constant 0 : index
    %get3A_1524 = vector.load %arg8[%get3A_1522, %get3A_1523] : memref<32x16384xf32, #tpu.memory_space<vmem>>, vector<32x1024xf32>
    %mul3A_1525 = vector.broadcast %select_n3A_1521 : vector<1x1024xf32> to vector<32x1024xf32>
    %mul3A_1526 = arith.mulf %mul3A_1525, %get3A_1524 : vector<32x1024xf32>
    %add3A_1527 = arith.addf %mul3A_1515, %mul3A_1526 : vector<32x1024xf32>
    %slice3A_1528 = vector.extract_strided_slice %get3A_1 {offsets = [1, 0], sizes = [1, 1024], strides = [1, 1]} : vector<16x1024xi32> to vector<1x1024xi32>
    %eq3A_1529 = arith.cmpi eq, %slice3A_1528, %slice3A_1510 : vector<1x1024xi32>
    %slice3A_1530 = vector.extract_strided_slice %add3A_188 {offsets = [1, 0], sizes = [1, 1024], strides = [1, 1]} : vector<16x1024xf32> to vector<1x1024xf32>
    %jit3A_1531 = arith.constant 0.000000e+00 : f32
    %broadcast_in_dim3A_1532 = vector.broadcast %jit3A_1531 : f32 to vector<1x1024xf32>
    %select_n3A_1533 = arith.select %eq3A_1529, %slice3A_1530, %broadcast_in_dim3A_1532 : vector<1x1024xi1>, vector<1x1024xf32>
    %get3A_1534 = arith.constant 0 : index
    %get3A_1535 = arith.constant 1024 : index
    %get3A_1536 = vector.load %arg8[%get3A_1534, %get3A_1535] : memref<32x16384xf32, #tpu.memory_space<vmem>>, vector<32x1024xf32>
    %mul3A_1537 = vector.broadcast %select_n3A_1533 : vector<1x1024xf32> to vector<32x1024xf32>
    %mul3A_1538 = arith.mulf %mul3A_1537, %get3A_1536 : vector<32x1024xf32>
    %add3A_1539 = arith.addf %add3A_1527, %mul3A_1538 : vector<32x1024xf32>
    %slice3A_1540 = vector.extract_strided_slice %get3A_1 {offsets = [2, 0], sizes = [1, 1024], strides = [1, 1]} : vector<16x1024xi32> to vector<1x1024xi32>
    %eq3A_1541 = arith.cmpi eq, %slice3A_1540, %slice3A_1510 : vector<1x1024xi32>
    %slice3A_1542 = vector.extract_strided_slice %add3A_188 {offsets = [2, 0], sizes = [1, 1024], strides = [1, 1]} : vector<16x1024xf32> to vector<1x1024xf32>
    %jit3A_1543 = arith.constant 0.000000e+00 : f32
    %broadcast_in_dim3A_1544 = vector.broadcast %jit3A_1543 : f32 to vector<1x1024xf32>
    %select_n3A_1545 = arith.select %eq3A_1541, %slice3A_1542, %broadcast_in_dim3A_1544 : vector<1x1024xi1>, vector<1x1024xf32>
    %get3A_1546 = arith.constant 0 : index
    %get3A_1547 = arith.constant 2048 : index
    %get3A_1548 = vector.load %arg8[%get3A_1546, %get3A_1547] : memref<32x16384xf32, #tpu.memory_space<vmem>>, vector<32x1024xf32>
    %mul3A_1549 = vector.broadcast %select_n3A_1545 : vector<1x1024xf32> to vector<32x1024xf32>
    %mul3A_1550 = arith.mulf %mul3A_1549, %get3A_1548 : vector<32x1024xf32>
    %add3A_1551 = arith.addf %add3A_1539, %mul3A_1550 : vector<32x1024xf32>
    %slice3A_1552 = vector.extract_strided_slice %get3A_1 {offsets = [3, 0], sizes = [1, 1024], strides = [1, 1]} : vector<16x1024xi32> to vector<1x1024xi32>
    %eq3A_1553 = arith.cmpi eq, %slice3A_1552, %slice3A_1510 : vector<1x1024xi32>
    %slice3A_1554 = vector.extract_strided_slice %add3A_188 {offsets = [3, 0], sizes = [1, 1024], strides = [1, 1]} : vector<16x1024xf32> to vector<1x1024xf32>
    %jit3A_1555 = arith.constant 0.000000e+00 : f32
    %broadcast_in_dim3A_1556 = vector.broadcast %jit3A_1555 : f32 to vector<1x1024xf32>
    %select_n3A_1557 = arith.select %eq3A_1553, %slice3A_1554, %broadcast_in_dim3A_1556 : vector<1x1024xi1>, vector<1x1024xf32>
    %get3A_1558 = arith.constant 0 : index
    %get3A_1559 = arith.constant 3072 : index
    %get3A_1560 = vector.load %arg8[%get3A_1558, %get3A_1559] : memref<32x16384xf32, #tpu.memory_space<vmem>>, vector<32x1024xf32>
    %mul3A_1561 = vector.broadcast %select_n3A_1557 : vector<1x1024xf32> to vector<32x1024xf32>
    %mul3A_1562 = arith.mulf %mul3A_1561, %get3A_1560 : vector<32x1024xf32>
    %add3A_1563 = arith.addf %add3A_1551, %mul3A_1562 : vector<32x1024xf32>
    %slice3A_1564 = vector.extract_strided_slice %get3A_1 {offsets = [4, 0], sizes = [1, 1024], strides = [1, 1]} : vector<16x1024xi32> to vector<1x1024xi32>
    %eq3A_1565 = arith.cmpi eq, %slice3A_1564, %slice3A_1510 : vector<1x1024xi32>
    %slice3A_1566 = vector.extract_strided_slice %add3A_188 {offsets = [4, 0], sizes = [1, 1024], strides = [1, 1]} : vector<16x1024xf32> to vector<1x1024xf32>
    %jit3A_1567 = arith.constant 0.000000e+00 : f32
    %broadcast_in_dim3A_1568 = vector.broadcast %jit3A_1567 : f32 to vector<1x1024xf32>
    %select_n3A_1569 = arith.select %eq3A_1565, %slice3A_1566, %broadcast_in_dim3A_1568 : vector<1x1024xi1>, vector<1x1024xf32>
    %get3A_1570 = arith.constant 0 : index
    %get3A_1571 = arith.constant 4096 : index
    %get3A_1572 = vector.load %arg8[%get3A_1570, %get3A_1571] : memref<32x16384xf32, #tpu.memory_space<vmem>>, vector<32x1024xf32>
    %mul3A_1573 = vector.broadcast %select_n3A_1569 : vector<1x1024xf32> to vector<32x1024xf32>
    %mul3A_1574 = arith.mulf %mul3A_1573, %get3A_1572 : vector<32x1024xf32>
    %add3A_1575 = arith.addf %add3A_1563, %mul3A_1574 : vector<32x1024xf32>
    %slice3A_1576 = vector.extract_strided_slice %get3A_1 {offsets = [5, 0], sizes = [1, 1024], strides = [1, 1]} : vector<16x1024xi32> to vector<1x1024xi32>
    %eq3A_1577 = arith.cmpi eq, %slice3A_1576, %slice3A_1510 : vector<1x1024xi32>
    %slice3A_1578 = vector.extract_strided_slice %add3A_188 {offsets = [5, 0], sizes = [1, 1024], strides = [1, 1]} : vector<16x1024xf32> to vector<1x1024xf32>
    %jit3A_1579 = arith.constant 0.000000e+00 : f32
    %broadcast_in_dim3A_1580 = vector.broadcast %jit3A_1579 : f32 to vector<1x1024xf32>
    %select_n3A_1581 = arith.select %eq3A_1577, %slice3A_1578, %broadcast_in_dim3A_1580 : vector<1x1024xi1>, vector<1x1024xf32>
    %get3A_1582 = arith.constant 0 : index
    %get3A_1583 = arith.constant 5120 : index
    %get3A_1584 = vector.load %arg8[%get3A_1582, %get3A_1583] : memref<32x16384xf32, #tpu.memory_space<vmem>>, vector<32x1024xf32>
    %mul3A_1585 = vector.broadcast %select_n3A_1581 : vector<1x1024xf32> to vector<32x1024xf32>
    %mul3A_1586 = arith.mulf %mul3A_1585, %get3A_1584 : vector<32x1024xf32>
    %add3A_1587 = arith.addf %add3A_1575, %mul3A_1586 : vector<32x1024xf32>
    %slice3A_1588 = vector.extract_strided_slice %get3A_1 {offsets = [6, 0], sizes = [1, 1024], strides = [1, 1]} : vector<16x1024xi32> to vector<1x1024xi32>
    %eq3A_1589 = arith.cmpi eq, %slice3A_1588, %slice3A_1510 : vector<1x1024xi32>
    %slice3A_1590 = vector.extract_strided_slice %add3A_188 {offsets = [6, 0], sizes = [1, 1024], strides = [1, 1]} : vector<16x1024xf32> to vector<1x1024xf32>
    %jit3A_1591 = arith.constant 0.000000e+00 : f32
    %broadcast_in_dim3A_1592 = vector.broadcast %jit3A_1591 : f32 to vector<1x1024xf32>
    %select_n3A_1593 = arith.select %eq3A_1589, %slice3A_1590, %broadcast_in_dim3A_1592 : vector<1x1024xi1>, vector<1x1024xf32>
    %get3A_1594 = arith.constant 0 : index
    %get3A_1595 = arith.constant 6144 : index
    %get3A_1596 = vector.load %arg8[%get3A_1594, %get3A_1595] : memref<32x16384xf32, #tpu.memory_space<vmem>>, vector<32x1024xf32>
    %mul3A_1597 = vector.broadcast %select_n3A_1593 : vector<1x1024xf32> to vector<32x1024xf32>
    %mul3A_1598 = arith.mulf %mul3A_1597, %get3A_1596 : vector<32x1024xf32>
    %add3A_1599 = arith.addf %add3A_1587, %mul3A_1598 : vector<32x1024xf32>
    %slice3A_1600 = vector.extract_strided_slice %get3A_1 {offsets = [7, 0], sizes = [1, 1024], strides = [1, 1]} : vector<16x1024xi32> to vector<1x1024xi32>
    %eq3A_1601 = arith.cmpi eq, %slice3A_1600, %slice3A_1510 : vector<1x1024xi32>
    %slice3A_1602 = vector.extract_strided_slice %add3A_188 {offsets = [7, 0], sizes = [1, 1024], strides = [1, 1]} : vector<16x1024xf32> to vector<1x1024xf32>
    %jit3A_1603 = arith.constant 0.000000e+00 : f32
    %broadcast_in_dim3A_1604 = vector.broadcast %jit3A_1603 : f32 to vector<1x1024xf32>
    %select_n3A_1605 = arith.select %eq3A_1601, %slice3A_1602, %broadcast_in_dim3A_1604 : vector<1x1024xi1>, vector<1x1024xf32>
    %get3A_1606 = arith.constant 0 : index
    %get3A_1607 = arith.constant 7168 : index
    %get3A_1608 = vector.load %arg8[%get3A_1606, %get3A_1607] : memref<32x16384xf32, #tpu.memory_space<vmem>>, vector<32x1024xf32>
    %mul3A_1609 = vector.broadcast %select_n3A_1605 : vector<1x1024xf32> to vector<32x1024xf32>
    %mul3A_1610 = arith.mulf %mul3A_1609, %get3A_1608 : vector<32x1024xf32>
    %add3A_1611 = arith.addf %add3A_1599, %mul3A_1610 : vector<32x1024xf32>
    %slice3A_1612 = vector.extract_strided_slice %get3A_1 {offsets = [8, 0], sizes = [1, 1024], strides = [1, 1]} : vector<16x1024xi32> to vector<1x1024xi32>
    %eq3A_1613 = arith.cmpi eq, %slice3A_1612, %slice3A_1510 : vector<1x1024xi32>
    %slice3A_1614 = vector.extract_strided_slice %add3A_188 {offsets = [8, 0], sizes = [1, 1024], strides = [1, 1]} : vector<16x1024xf32> to vector<1x1024xf32>
    %jit3A_1615 = arith.constant 0.000000e+00 : f32
    %broadcast_in_dim3A_1616 = vector.broadcast %jit3A_1615 : f32 to vector<1x1024xf32>
    %select_n3A_1617 = arith.select %eq3A_1613, %slice3A_1614, %broadcast_in_dim3A_1616 : vector<1x1024xi1>, vector<1x1024xf32>
    %get3A_1618 = arith.constant 0 : index
    %get3A_1619 = arith.constant 8192 : index
    %get3A_1620 = vector.load %arg8[%get3A_1618, %get3A_1619] : memref<32x16384xf32, #tpu.memory_space<vmem>>, vector<32x1024xf32>
    %mul3A_1621 = vector.broadcast %select_n3A_1617 : vector<1x1024xf32> to vector<32x1024xf32>
    %mul3A_1622 = arith.mulf %mul3A_1621, %get3A_1620 : vector<32x1024xf32>
    %add3A_1623 = arith.addf %add3A_1611, %mul3A_1622 : vector<32x1024xf32>
    %slice3A_1624 = vector.extract_strided_slice %get3A_1 {offsets = [9, 0], sizes = [1, 1024], strides = [1, 1]} : vector<16x1024xi32> to vector<1x1024xi32>
    %eq3A_1625 = arith.cmpi eq, %slice3A_1624, %slice3A_1510 : vector<1x1024xi32>
    %slice3A_1626 = vector.extract_strided_slice %add3A_188 {offsets = [9, 0], sizes = [1, 1024], strides = [1, 1]} : vector<16x1024xf32> to vector<1x1024xf32>
    %jit3A_1627 = arith.constant 0.000000e+00 : f32
    %broadcast_in_dim3A_1628 = vector.broadcast %jit3A_1627 : f32 to vector<1x1024xf32>
    %select_n3A_1629 = arith.select %eq3A_1625, %slice3A_1626, %broadcast_in_dim3A_1628 : vector<1x1024xi1>, vector<1x1024xf32>
    %get3A_1630 = arith.constant 0 : index
    %get3A_1631 = arith.constant 9216 : index
    %get3A_1632 = vector.load %arg8[%get3A_1630, %get3A_1631] : memref<32x16384xf32, #tpu.memory_space<vmem>>, vector<32x1024xf32>
    %mul3A_1633 = vector.broadcast %select_n3A_1629 : vector<1x1024xf32> to vector<32x1024xf32>
    %mul3A_1634 = arith.mulf %mul3A_1633, %get3A_1632 : vector<32x1024xf32>
    %add3A_1635 = arith.addf %add3A_1623, %mul3A_1634 : vector<32x1024xf32>
    %slice3A_1636 = vector.extract_strided_slice %get3A_1 {offsets = [10, 0], sizes = [1, 1024], strides = [1, 1]} : vector<16x1024xi32> to vector<1x1024xi32>
    %eq3A_1637 = arith.cmpi eq, %slice3A_1636, %slice3A_1510 : vector<1x1024xi32>
    %slice3A_1638 = vector.extract_strided_slice %add3A_188 {offsets = [10, 0], sizes = [1, 1024], strides = [1, 1]} : vector<16x1024xf32> to vector<1x1024xf32>
    %jit3A_1639 = arith.constant 0.000000e+00 : f32
    %broadcast_in_dim3A_1640 = vector.broadcast %jit3A_1639 : f32 to vector<1x1024xf32>
    %select_n3A_1641 = arith.select %eq3A_1637, %slice3A_1638, %broadcast_in_dim3A_1640 : vector<1x1024xi1>, vector<1x1024xf32>
    %get3A_1642 = arith.constant 0 : index
    %get3A_1643 = arith.constant 10240 : index
    %get3A_1644 = vector.load %arg8[%get3A_1642, %get3A_1643] : memref<32x16384xf32, #tpu.memory_space<vmem>>, vector<32x1024xf32>
    %mul3A_1645 = vector.broadcast %select_n3A_1641 : vector<1x1024xf32> to vector<32x1024xf32>
    %mul3A_1646 = arith.mulf %mul3A_1645, %get3A_1644 : vector<32x1024xf32>
    %add3A_1647 = arith.addf %add3A_1635, %mul3A_1646 : vector<32x1024xf32>
    %slice3A_1648 = vector.extract_strided_slice %get3A_1 {offsets = [11, 0], sizes = [1, 1024], strides = [1, 1]} : vector<16x1024xi32> to vector<1x1024xi32>
    %eq3A_1649 = arith.cmpi eq, %slice3A_1648, %slice3A_1510 : vector<1x1024xi32>
    %slice3A_1650 = vector.extract_strided_slice %add3A_188 {offsets = [11, 0], sizes = [1, 1024], strides = [1, 1]} : vector<16x1024xf32> to vector<1x1024xf32>
    %jit3A_1651 = arith.constant 0.000000e+00 : f32
    %broadcast_in_dim3A_1652 = vector.broadcast %jit3A_1651 : f32 to vector<1x1024xf32>
    %select_n3A_1653 = arith.select %eq3A_1649, %slice3A_1650, %broadcast_in_dim3A_1652 : vector<1x1024xi1>, vector<1x1024xf32>
    %get3A_1654 = arith.constant 0 : index
    %get3A_1655 = arith.constant 11264 : index
    %get3A_1656 = vector.load %arg8[%get3A_1654, %get3A_1655] : memref<32x16384xf32, #tpu.memory_space<vmem>>, vector<32x1024xf32>
    %mul3A_1657 = vector.broadcast %select_n3A_1653 : vector<1x1024xf32> to vector<32x1024xf32>
    %mul3A_1658 = arith.mulf %mul3A_1657, %get3A_1656 : vector<32x1024xf32>
    %add3A_1659 = arith.addf %add3A_1647, %mul3A_1658 : vector<32x1024xf32>
    %slice3A_1660 = vector.extract_strided_slice %get3A_1 {offsets = [12, 0], sizes = [1, 1024], strides = [1, 1]} : vector<16x1024xi32> to vector<1x1024xi32>
    %eq3A_1661 = arith.cmpi eq, %slice3A_1660, %slice3A_1510 : vector<1x1024xi32>
    %slice3A_1662 = vector.extract_strided_slice %add3A_188 {offsets = [12, 0], sizes = [1, 1024], strides = [1, 1]} : vector<16x1024xf32> to vector<1x1024xf32>
    %jit3A_1663 = arith.constant 0.000000e+00 : f32
    %broadcast_in_dim3A_1664 = vector.broadcast %jit3A_1663 : f32 to vector<1x1024xf32>
    %select_n3A_1665 = arith.select %eq3A_1661, %slice3A_1662, %broadcast_in_dim3A_1664 : vector<1x1024xi1>, vector<1x1024xf32>
    %get3A_1666 = arith.constant 0 : index
    %get3A_1667 = arith.constant 12288 : index
    %get3A_1668 = vector.load %arg8[%get3A_1666, %get3A_1667] : memref<32x16384xf32, #tpu.memory_space<vmem>>, vector<32x1024xf32>
    %mul3A_1669 = vector.broadcast %select_n3A_1665 : vector<1x1024xf32> to vector<32x1024xf32>
    %mul3A_1670 = arith.mulf %mul3A_1669, %get3A_1668 : vector<32x1024xf32>
    %add3A_1671 = arith.addf %add3A_1659, %mul3A_1670 : vector<32x1024xf32>
    %add3A_1672 = arith.addf %add3A_1671, %tanh3A_1506 : vector<32x1024xf32>
    %dot_general3A_1673 = arith.constant dense<0.000000e+00> : vector<17x1024xf32>
    %dot_general3A_1674 = tpu.matmul %get3A_224, %tanh3A_1506, %dot_general3A_1673 {dimension_numbers = #tpu.dot_dimension_numbers<[0], [0], [1], [1], [0, 1, 1, 1], [], []>, transpose_lhs_hint = false} : vector<32x17xf32>, vector<32x1024xf32>, vector<17x1024xf32> -> vector<17x1024xf32>
    %dot_general3A_1675 = arith.constant dense<0.000000e+00> : vector<17x1024xf32>
    %dot_general3A_1676 = tpu.matmul %get3A_227, %add3A_1672, %dot_general3A_1675 {dimension_numbers = #tpu.dot_dimension_numbers<[0], [0], [1], [1], [0, 1, 1, 1], [], []>, transpose_lhs_hint = false} : vector<32x17xf32>, vector<32x1024xf32>, vector<17x1024xf32> -> vector<17x1024xf32>
    %add3A_1677 = arith.addf %dot_general3A_1674, %dot_general3A_1676 : vector<17x1024xf32>
    %add3A_1678 = vector.broadcast %broadcast_in_dim3A_230 : vector<17x1xf32> to vector<17x1024xf32>
    %add3A_1679 = arith.addf %add3A_1677, %add3A_1678 : vector<17x1024xf32>
    %swap3A_1680 = arith.constant 0 : index
    %swap3A_1681 = arith.constant 13312 : index
    %swap3A_1682 = vector.load %arg7[%swap3A_1680, %swap3A_1681] : memref<17x16384xf32, #tpu.memory_space<vmem>>, vector<17x1024xf32>
    tpu.vector_store %arg7[%swap3A_1680, %swap3A_1681], %add3A_1679 {strides = array<i32>} : memref<17x16384xf32, #tpu.memory_space<vmem>>, vector<17x1024xf32>,
    %get3A_1683 = arith.constant 0 : index
    %get3A_1684 = arith.constant 14336 : index
    %get3A_1685 = vector.load %arg0[%get3A_1683, %get3A_1684] : memref<160x16384xf32, #tpu.memory_space<vmem>>, vector<160x1024xf32>
    %dot_general3A_1686 = arith.constant dense<0.000000e+00> : vector<32x1024xf32>
    %dot_general3A_1687 = tpu.matmul %get3A_221, %get3A_1685, %dot_general3A_1686 {dimension_numbers = #tpu.dot_dimension_numbers<[0], [0], [1], [1], [0, 1, 1, 1], [], []>, transpose_lhs_hint = false} : vector<160x32xf32>, vector<160x1024xf32>, vector<32x1024xf32> -> vector<32x1024xf32>
    %tanh3A_1688 = math.tanh %dot_general3A_1687 : vector<32x1024xf32>
    %swap3A_1689 = arith.constant 0 : index
    %swap3A_1690 = arith.constant 14336 : index
    %swap3A_1691 = vector.load %arg8[%swap3A_1689, %swap3A_1690] : memref<32x16384xf32, #tpu.memory_space<vmem>>, vector<32x1024xf32>
    tpu.vector_store %arg8[%swap3A_1689, %swap3A_1690], %tanh3A_1688 {strides = array<i32>} : memref<32x16384xf32, #tpu.memory_space<vmem>>, vector<32x1024xf32>,
    %slice3A_1692 = vector.extract_strided_slice %get3A_1 {offsets = [14, 0], sizes = [1, 1024], strides = [1, 1]} : vector<16x1024xi32> to vector<1x1024xi32>
    %get3A_1693 = arith.constant 0 : index
    %get3A_1694 = arith.constant 14336 : index
    %get3A_1695 = vector.load %arg3[%get3A_1693, %get3A_1694] : memref<32x16384xf32, #tpu.memory_space<vmem>>, vector<32x1024xf32>
    %mul3A_1696 = vector.broadcast %mul3A_204 : vector<1x1024xf32> to vector<32x1024xf32>
    %mul3A_1697 = arith.mulf %mul3A_1696, %get3A_1695 : vector<32x1024xf32>
    %slice3A_1698 = vector.extract_strided_slice %get3A_1 {offsets = [0, 0], sizes = [1, 1024], strides = [1, 1]} : vector<16x1024xi32> to vector<1x1024xi32>
    %eq3A_1699 = arith.cmpi eq, %slice3A_1698, %slice3A_1692 : vector<1x1024xi32>
    %slice3A_1700 = vector.extract_strided_slice %add3A_202 {offsets = [0, 0], sizes = [1, 1024], strides = [1, 1]} : vector<16x1024xf32> to vector<1x1024xf32>
    %jit3A_1701 = arith.constant 0.000000e+00 : f32
    %broadcast_in_dim3A_1702 = vector.broadcast %jit3A_1701 : f32 to vector<1x1024xf32>
    %select_n3A_1703 = arith.select %eq3A_1699, %slice3A_1700, %broadcast_in_dim3A_1702 : vector<1x1024xi1>, vector<1x1024xf32>
    %get3A_1704 = arith.constant 0 : index
    %get3A_1705 = arith.constant 0 : index
    %get3A_1706 = vector.load %arg8[%get3A_1704, %get3A_1705] : memref<32x16384xf32, #tpu.memory_space<vmem>>, vector<32x1024xf32>
    %mul3A_1707 = vector.broadcast %select_n3A_1703 : vector<1x1024xf32> to vector<32x1024xf32>
    %mul3A_1708 = arith.mulf %mul3A_1707, %get3A_1706 : vector<32x1024xf32>
    %add3A_1709 = arith.addf %mul3A_1697, %mul3A_1708 : vector<32x1024xf32>
    %slice3A_1710 = vector.extract_strided_slice %get3A_1 {offsets = [1, 0], sizes = [1, 1024], strides = [1, 1]} : vector<16x1024xi32> to vector<1x1024xi32>
    %eq3A_1711 = arith.cmpi eq, %slice3A_1710, %slice3A_1692 : vector<1x1024xi32>
    %slice3A_1712 = vector.extract_strided_slice %add3A_202 {offsets = [1, 0], sizes = [1, 1024], strides = [1, 1]} : vector<16x1024xf32> to vector<1x1024xf32>
    %jit3A_1713 = arith.constant 0.000000e+00 : f32
    %broadcast_in_dim3A_1714 = vector.broadcast %jit3A_1713 : f32 to vector<1x1024xf32>
    %select_n3A_1715 = arith.select %eq3A_1711, %slice3A_1712, %broadcast_in_dim3A_1714 : vector<1x1024xi1>, vector<1x1024xf32>
    %get3A_1716 = arith.constant 0 : index
    %get3A_1717 = arith.constant 1024 : index
    %get3A_1718 = vector.load %arg8[%get3A_1716, %get3A_1717] : memref<32x16384xf32, #tpu.memory_space<vmem>>, vector<32x1024xf32>
    %mul3A_1719 = vector.broadcast %select_n3A_1715 : vector<1x1024xf32> to vector<32x1024xf32>
    %mul3A_1720 = arith.mulf %mul3A_1719, %get3A_1718 : vector<32x1024xf32>
    %add3A_1721 = arith.addf %add3A_1709, %mul3A_1720 : vector<32x1024xf32>
    %slice3A_1722 = vector.extract_strided_slice %get3A_1 {offsets = [2, 0], sizes = [1, 1024], strides = [1, 1]} : vector<16x1024xi32> to vector<1x1024xi32>
    %eq3A_1723 = arith.cmpi eq, %slice3A_1722, %slice3A_1692 : vector<1x1024xi32>
    %slice3A_1724 = vector.extract_strided_slice %add3A_202 {offsets = [2, 0], sizes = [1, 1024], strides = [1, 1]} : vector<16x1024xf32> to vector<1x1024xf32>
    %jit3A_1725 = arith.constant 0.000000e+00 : f32
    %broadcast_in_dim3A_1726 = vector.broadcast %jit3A_1725 : f32 to vector<1x1024xf32>
    %select_n3A_1727 = arith.select %eq3A_1723, %slice3A_1724, %broadcast_in_dim3A_1726 : vector<1x1024xi1>, vector<1x1024xf32>
    %get3A_1728 = arith.constant 0 : index
    %get3A_1729 = arith.constant 2048 : index
    %get3A_1730 = vector.load %arg8[%get3A_1728, %get3A_1729] : memref<32x16384xf32, #tpu.memory_space<vmem>>, vector<32x1024xf32>
    %mul3A_1731 = vector.broadcast %select_n3A_1727 : vector<1x1024xf32> to vector<32x1024xf32>
    %mul3A_1732 = arith.mulf %mul3A_1731, %get3A_1730 : vector<32x1024xf32>
    %add3A_1733 = arith.addf %add3A_1721, %mul3A_1732 : vector<32x1024xf32>
    %slice3A_1734 = vector.extract_strided_slice %get3A_1 {offsets = [3, 0], sizes = [1, 1024], strides = [1, 1]} : vector<16x1024xi32> to vector<1x1024xi32>
    %eq3A_1735 = arith.cmpi eq, %slice3A_1734, %slice3A_1692 : vector<1x1024xi32>
    %slice3A_1736 = vector.extract_strided_slice %add3A_202 {offsets = [3, 0], sizes = [1, 1024], strides = [1, 1]} : vector<16x1024xf32> to vector<1x1024xf32>
    %jit3A_1737 = arith.constant 0.000000e+00 : f32
    %broadcast_in_dim3A_1738 = vector.broadcast %jit3A_1737 : f32 to vector<1x1024xf32>
    %select_n3A_1739 = arith.select %eq3A_1735, %slice3A_1736, %broadcast_in_dim3A_1738 : vector<1x1024xi1>, vector<1x1024xf32>
    %get3A_1740 = arith.constant 0 : index
    %get3A_1741 = arith.constant 3072 : index
    %get3A_1742 = vector.load %arg8[%get3A_1740, %get3A_1741] : memref<32x16384xf32, #tpu.memory_space<vmem>>, vector<32x1024xf32>
    %mul3A_1743 = vector.broadcast %select_n3A_1739 : vector<1x1024xf32> to vector<32x1024xf32>
    %mul3A_1744 = arith.mulf %mul3A_1743, %get3A_1742 : vector<32x1024xf32>
    %add3A_1745 = arith.addf %add3A_1733, %mul3A_1744 : vector<32x1024xf32>
    %slice3A_1746 = vector.extract_strided_slice %get3A_1 {offsets = [4, 0], sizes = [1, 1024], strides = [1, 1]} : vector<16x1024xi32> to vector<1x1024xi32>
    %eq3A_1747 = arith.cmpi eq, %slice3A_1746, %slice3A_1692 : vector<1x1024xi32>
    %slice3A_1748 = vector.extract_strided_slice %add3A_202 {offsets = [4, 0], sizes = [1, 1024], strides = [1, 1]} : vector<16x1024xf32> to vector<1x1024xf32>
    %jit3A_1749 = arith.constant 0.000000e+00 : f32
    %broadcast_in_dim3A_1750 = vector.broadcast %jit3A_1749 : f32 to vector<1x1024xf32>
    %select_n3A_1751 = arith.select %eq3A_1747, %slice3A_1748, %broadcast_in_dim3A_1750 : vector<1x1024xi1>, vector<1x1024xf32>
    %get3A_1752 = arith.constant 0 : index
    %get3A_1753 = arith.constant 4096 : index
    %get3A_1754 = vector.load %arg8[%get3A_1752, %get3A_1753] : memref<32x16384xf32, #tpu.memory_space<vmem>>, vector<32x1024xf32>
    %mul3A_1755 = vector.broadcast %select_n3A_1751 : vector<1x1024xf32> to vector<32x1024xf32>
    %mul3A_1756 = arith.mulf %mul3A_1755, %get3A_1754 : vector<32x1024xf32>
    %add3A_1757 = arith.addf %add3A_1745, %mul3A_1756 : vector<32x1024xf32>
    %slice3A_1758 = vector.extract_strided_slice %get3A_1 {offsets = [5, 0], sizes = [1, 1024], strides = [1, 1]} : vector<16x1024xi32> to vector<1x1024xi32>
    %eq3A_1759 = arith.cmpi eq, %slice3A_1758, %slice3A_1692 : vector<1x1024xi32>
    %slice3A_1760 = vector.extract_strided_slice %add3A_202 {offsets = [5, 0], sizes = [1, 1024], strides = [1, 1]} : vector<16x1024xf32> to vector<1x1024xf32>
    %jit3A_1761 = arith.constant 0.000000e+00 : f32
    %broadcast_in_dim3A_1762 = vector.broadcast %jit3A_1761 : f32 to vector<1x1024xf32>
    %select_n3A_1763 = arith.select %eq3A_1759, %slice3A_1760, %broadcast_in_dim3A_1762 : vector<1x1024xi1>, vector<1x1024xf32>
    %get3A_1764 = arith.constant 0 : index
    %get3A_1765 = arith.constant 5120 : index
    %get3A_1766 = vector.load %arg8[%get3A_1764, %get3A_1765] : memref<32x16384xf32, #tpu.memory_space<vmem>>, vector<32x1024xf32>
    %mul3A_1767 = vector.broadcast %select_n3A_1763 : vector<1x1024xf32> to vector<32x1024xf32>
    %mul3A_1768 = arith.mulf %mul3A_1767, %get3A_1766 : vector<32x1024xf32>
    %add3A_1769 = arith.addf %add3A_1757, %mul3A_1768 : vector<32x1024xf32>
    %slice3A_1770 = vector.extract_strided_slice %get3A_1 {offsets = [6, 0], sizes = [1, 1024], strides = [1, 1]} : vector<16x1024xi32> to vector<1x1024xi32>
    %eq3A_1771 = arith.cmpi eq, %slice3A_1770, %slice3A_1692 : vector<1x1024xi32>
    %slice3A_1772 = vector.extract_strided_slice %add3A_202 {offsets = [6, 0], sizes = [1, 1024], strides = [1, 1]} : vector<16x1024xf32> to vector<1x1024xf32>
    %jit3A_1773 = arith.constant 0.000000e+00 : f32
    %broadcast_in_dim3A_1774 = vector.broadcast %jit3A_1773 : f32 to vector<1x1024xf32>
    %select_n3A_1775 = arith.select %eq3A_1771, %slice3A_1772, %broadcast_in_dim3A_1774 : vector<1x1024xi1>, vector<1x1024xf32>
    %get3A_1776 = arith.constant 0 : index
    %get3A_1777 = arith.constant 6144 : index
    %get3A_1778 = vector.load %arg8[%get3A_1776, %get3A_1777] : memref<32x16384xf32, #tpu.memory_space<vmem>>, vector<32x1024xf32>
    %mul3A_1779 = vector.broadcast %select_n3A_1775 : vector<1x1024xf32> to vector<32x1024xf32>
    %mul3A_1780 = arith.mulf %mul3A_1779, %get3A_1778 : vector<32x1024xf32>
    %add3A_1781 = arith.addf %add3A_1769, %mul3A_1780 : vector<32x1024xf32>
    %slice3A_1782 = vector.extract_strided_slice %get3A_1 {offsets = [7, 0], sizes = [1, 1024], strides = [1, 1]} : vector<16x1024xi32> to vector<1x1024xi32>
    %eq3A_1783 = arith.cmpi eq, %slice3A_1782, %slice3A_1692 : vector<1x1024xi32>
    %slice3A_1784 = vector.extract_strided_slice %add3A_202 {offsets = [7, 0], sizes = [1, 1024], strides = [1, 1]} : vector<16x1024xf32> to vector<1x1024xf32>
    %jit3A_1785 = arith.constant 0.000000e+00 : f32
    %broadcast_in_dim3A_1786 = vector.broadcast %jit3A_1785 : f32 to vector<1x1024xf32>
    %select_n3A_1787 = arith.select %eq3A_1783, %slice3A_1784, %broadcast_in_dim3A_1786 : vector<1x1024xi1>, vector<1x1024xf32>
    %get3A_1788 = arith.constant 0 : index
    %get3A_1789 = arith.constant 7168 : index
    %get3A_1790 = vector.load %arg8[%get3A_1788, %get3A_1789] : memref<32x16384xf32, #tpu.memory_space<vmem>>, vector<32x1024xf32>
    %mul3A_1791 = vector.broadcast %select_n3A_1787 : vector<1x1024xf32> to vector<32x1024xf32>
    %mul3A_1792 = arith.mulf %mul3A_1791, %get3A_1790 : vector<32x1024xf32>
    %add3A_1793 = arith.addf %add3A_1781, %mul3A_1792 : vector<32x1024xf32>
    %slice3A_1794 = vector.extract_strided_slice %get3A_1 {offsets = [8, 0], sizes = [1, 1024], strides = [1, 1]} : vector<16x1024xi32> to vector<1x1024xi32>
    %eq3A_1795 = arith.cmpi eq, %slice3A_1794, %slice3A_1692 : vector<1x1024xi32>
    %slice3A_1796 = vector.extract_strided_slice %add3A_202 {offsets = [8, 0], sizes = [1, 1024], strides = [1, 1]} : vector<16x1024xf32> to vector<1x1024xf32>
    %jit3A_1797 = arith.constant 0.000000e+00 : f32
    %broadcast_in_dim3A_1798 = vector.broadcast %jit3A_1797 : f32 to vector<1x1024xf32>
    %select_n3A_1799 = arith.select %eq3A_1795, %slice3A_1796, %broadcast_in_dim3A_1798 : vector<1x1024xi1>, vector<1x1024xf32>
    %get3A_1800 = arith.constant 0 : index
    %get3A_1801 = arith.constant 8192 : index
    %get3A_1802 = vector.load %arg8[%get3A_1800, %get3A_1801] : memref<32x16384xf32, #tpu.memory_space<vmem>>, vector<32x1024xf32>
    %mul3A_1803 = vector.broadcast %select_n3A_1799 : vector<1x1024xf32> to vector<32x1024xf32>
    %mul3A_1804 = arith.mulf %mul3A_1803, %get3A_1802 : vector<32x1024xf32>
    %add3A_1805 = arith.addf %add3A_1793, %mul3A_1804 : vector<32x1024xf32>
    %slice3A_1806 = vector.extract_strided_slice %get3A_1 {offsets = [9, 0], sizes = [1, 1024], strides = [1, 1]} : vector<16x1024xi32> to vector<1x1024xi32>
    %eq3A_1807 = arith.cmpi eq, %slice3A_1806, %slice3A_1692 : vector<1x1024xi32>
    %slice3A_1808 = vector.extract_strided_slice %add3A_202 {offsets = [9, 0], sizes = [1, 1024], strides = [1, 1]} : vector<16x1024xf32> to vector<1x1024xf32>
    %jit3A_1809 = arith.constant 0.000000e+00 : f32
    %broadcast_in_dim3A_1810 = vector.broadcast %jit3A_1809 : f32 to vector<1x1024xf32>
    %select_n3A_1811 = arith.select %eq3A_1807, %slice3A_1808, %broadcast_in_dim3A_1810 : vector<1x1024xi1>, vector<1x1024xf32>
    %get3A_1812 = arith.constant 0 : index
    %get3A_1813 = arith.constant 9216 : index
    %get3A_1814 = vector.load %arg8[%get3A_1812, %get3A_1813] : memref<32x16384xf32, #tpu.memory_space<vmem>>, vector<32x1024xf32>
    %mul3A_1815 = vector.broadcast %select_n3A_1811 : vector<1x1024xf32> to vector<32x1024xf32>
    %mul3A_1816 = arith.mulf %mul3A_1815, %get3A_1814 : vector<32x1024xf32>
    %add3A_1817 = arith.addf %add3A_1805, %mul3A_1816 : vector<32x1024xf32>
    %slice3A_1818 = vector.extract_strided_slice %get3A_1 {offsets = [10, 0], sizes = [1, 1024], strides = [1, 1]} : vector<16x1024xi32> to vector<1x1024xi32>
    %eq3A_1819 = arith.cmpi eq, %slice3A_1818, %slice3A_1692 : vector<1x1024xi32>
    %slice3A_1820 = vector.extract_strided_slice %add3A_202 {offsets = [10, 0], sizes = [1, 1024], strides = [1, 1]} : vector<16x1024xf32> to vector<1x1024xf32>
    %jit3A_1821 = arith.constant 0.000000e+00 : f32
    %broadcast_in_dim3A_1822 = vector.broadcast %jit3A_1821 : f32 to vector<1x1024xf32>
    %select_n3A_1823 = arith.select %eq3A_1819, %slice3A_1820, %broadcast_in_dim3A_1822 : vector<1x1024xi1>, vector<1x1024xf32>
    %get3A_1824 = arith.constant 0 : index
    %get3A_1825 = arith.constant 10240 : index
    %get3A_1826 = vector.load %arg8[%get3A_1824, %get3A_1825] : memref<32x16384xf32, #tpu.memory_space<vmem>>, vector<32x1024xf32>
    %mul3A_1827 = vector.broadcast %select_n3A_1823 : vector<1x1024xf32> to vector<32x1024xf32>
    %mul3A_1828 = arith.mulf %mul3A_1827, %get3A_1826 : vector<32x1024xf32>
    %add3A_1829 = arith.addf %add3A_1817, %mul3A_1828 : vector<32x1024xf32>
    %slice3A_1830 = vector.extract_strided_slice %get3A_1 {offsets = [11, 0], sizes = [1, 1024], strides = [1, 1]} : vector<16x1024xi32> to vector<1x1024xi32>
    %eq3A_1831 = arith.cmpi eq, %slice3A_1830, %slice3A_1692 : vector<1x1024xi32>
    %slice3A_1832 = vector.extract_strided_slice %add3A_202 {offsets = [11, 0], sizes = [1, 1024], strides = [1, 1]} : vector<16x1024xf32> to vector<1x1024xf32>
    %jit3A_1833 = arith.constant 0.000000e+00 : f32
    %broadcast_in_dim3A_1834 = vector.broadcast %jit3A_1833 : f32 to vector<1x1024xf32>
    %select_n3A_1835 = arith.select %eq3A_1831, %slice3A_1832, %broadcast_in_dim3A_1834 : vector<1x1024xi1>, vector<1x1024xf32>
    %get3A_1836 = arith.constant 0 : index
    %get3A_1837 = arith.constant 11264 : index
    %get3A_1838 = vector.load %arg8[%get3A_1836, %get3A_1837] : memref<32x16384xf32, #tpu.memory_space<vmem>>, vector<32x1024xf32>
    %mul3A_1839 = vector.broadcast %select_n3A_1835 : vector<1x1024xf32> to vector<32x1024xf32>
    %mul3A_1840 = arith.mulf %mul3A_1839, %get3A_1838 : vector<32x1024xf32>
    %add3A_1841 = arith.addf %add3A_1829, %mul3A_1840 : vector<32x1024xf32>
    %slice3A_1842 = vector.extract_strided_slice %get3A_1 {offsets = [12, 0], sizes = [1, 1024], strides = [1, 1]} : vector<16x1024xi32> to vector<1x1024xi32>
    %eq3A_1843 = arith.cmpi eq, %slice3A_1842, %slice3A_1692 : vector<1x1024xi32>
    %slice3A_1844 = vector.extract_strided_slice %add3A_202 {offsets = [12, 0], sizes = [1, 1024], strides = [1, 1]} : vector<16x1024xf32> to vector<1x1024xf32>
    %jit3A_1845 = arith.constant 0.000000e+00 : f32
    %broadcast_in_dim3A_1846 = vector.broadcast %jit3A_1845 : f32 to vector<1x1024xf32>
    %select_n3A_1847 = arith.select %eq3A_1843, %slice3A_1844, %broadcast_in_dim3A_1846 : vector<1x1024xi1>, vector<1x1024xf32>
    %get3A_1848 = arith.constant 0 : index
    %get3A_1849 = arith.constant 12288 : index
    %get3A_1850 = vector.load %arg8[%get3A_1848, %get3A_1849] : memref<32x16384xf32, #tpu.memory_space<vmem>>, vector<32x1024xf32>
    %mul3A_1851 = vector.broadcast %select_n3A_1847 : vector<1x1024xf32> to vector<32x1024xf32>
    %mul3A_1852 = arith.mulf %mul3A_1851, %get3A_1850 : vector<32x1024xf32>
    %add3A_1853 = arith.addf %add3A_1841, %mul3A_1852 : vector<32x1024xf32>
    %slice3A_1854 = vector.extract_strided_slice %get3A_1 {offsets = [13, 0], sizes = [1, 1024], strides = [1, 1]} : vector<16x1024xi32> to vector<1x1024xi32>
    %eq3A_1855 = arith.cmpi eq, %slice3A_1854, %slice3A_1692 : vector<1x1024xi32>
    %slice3A_1856 = vector.extract_strided_slice %add3A_202 {offsets = [13, 0], sizes = [1, 1024], strides = [1, 1]} : vector<16x1024xf32> to vector<1x1024xf32>
    %jit3A_1857 = arith.constant 0.000000e+00 : f32
    %broadcast_in_dim3A_1858 = vector.broadcast %jit3A_1857 : f32 to vector<1x1024xf32>
    %select_n3A_1859 = arith.select %eq3A_1855, %slice3A_1856, %broadcast_in_dim3A_1858 : vector<1x1024xi1>, vector<1x1024xf32>
    %get3A_1860 = arith.constant 0 : index
    %get3A_1861 = arith.constant 13312 : index
    %get3A_1862 = vector.load %arg8[%get3A_1860, %get3A_1861] : memref<32x16384xf32, #tpu.memory_space<vmem>>, vector<32x1024xf32>
    %mul3A_1863 = vector.broadcast %select_n3A_1859 : vector<1x1024xf32> to vector<32x1024xf32>
    %mul3A_1864 = arith.mulf %mul3A_1863, %get3A_1862 : vector<32x1024xf32>
    %add3A_1865 = arith.addf %add3A_1853, %mul3A_1864 : vector<32x1024xf32>
    %add3A_1866 = arith.addf %add3A_1865, %tanh3A_1688 : vector<32x1024xf32>
    %dot_general3A_1867 = arith.constant dense<0.000000e+00> : vector<17x1024xf32>
    %dot_general3A_1868 = tpu.matmul %get3A_224, %tanh3A_1688, %dot_general3A_1867 {dimension_numbers = #tpu.dot_dimension_numbers<[0], [0], [1], [1], [0, 1, 1, 1], [], []>, transpose_lhs_hint = false} : vector<32x17xf32>, vector<32x1024xf32>, vector<17x1024xf32> -> vector<17x1024xf32>
    %dot_general3A_1869 = arith.constant dense<0.000000e+00> : vector<17x1024xf32>
    %dot_general3A_1870 = tpu.matmul %get3A_227, %add3A_1866, %dot_general3A_1869 {dimension_numbers = #tpu.dot_dimension_numbers<[0], [0], [1], [1], [0, 1, 1, 1], [], []>, transpose_lhs_hint = false} : vector<32x17xf32>, vector<32x1024xf32>, vector<17x1024xf32> -> vector<17x1024xf32>
    %add3A_1871 = arith.addf %dot_general3A_1868, %dot_general3A_1870 : vector<17x1024xf32>
    %add3A_1872 = vector.broadcast %broadcast_in_dim3A_230 : vector<17x1xf32> to vector<17x1024xf32>
    %add3A_1873 = arith.addf %add3A_1871, %add3A_1872 : vector<17x1024xf32>
    %swap3A_1874 = arith.constant 0 : index
    %swap3A_1875 = arith.constant 14336 : index
    %swap3A_1876 = vector.load %arg7[%swap3A_1874, %swap3A_1875] : memref<17x16384xf32, #tpu.memory_space<vmem>>, vector<17x1024xf32>
    tpu.vector_store %arg7[%swap3A_1874, %swap3A_1875], %add3A_1873 {strides = array<i32>} : memref<17x16384xf32, #tpu.memory_space<vmem>>, vector<17x1024xf32>,
    %get3A_1877 = arith.constant 0 : index
    %get3A_1878 = arith.constant 15360 : index
    %get3A_1879 = vector.load %arg0[%get3A_1877, %get3A_1878] : memref<160x16384xf32, #tpu.memory_space<vmem>>, vector<160x1024xf32>
    %dot_general3A_1880 = arith.constant dense<0.000000e+00> : vector<32x1024xf32>
    %dot_general3A_1881 = tpu.matmul %get3A_221, %get3A_1879, %dot_general3A_1880 {dimension_numbers = #tpu.dot_dimension_numbers<[0], [0], [1], [1], [0, 1, 1, 1], [], []>, transpose_lhs_hint = false} : vector<160x32xf32>, vector<160x1024xf32>, vector<32x1024xf32> -> vector<32x1024xf32>
    %tanh3A_1882 = math.tanh %dot_general3A_1881 : vector<32x1024xf32>
    %swap3A_1883 = arith.constant 0 : index
    %swap3A_1884 = arith.constant 15360 : index
    %swap3A_1885 = vector.load %arg8[%swap3A_1883, %swap3A_1884] : memref<32x16384xf32, #tpu.memory_space<vmem>>, vector<32x1024xf32>
    tpu.vector_store %arg8[%swap3A_1883, %swap3A_1884], %tanh3A_1882 {strides = array<i32>} : memref<32x16384xf32, #tpu.memory_space<vmem>>, vector<32x1024xf32>,
    %slice3A_1886 = vector.extract_strided_slice %get3A_1 {offsets = [15, 0], sizes = [1, 1024], strides = [1, 1]} : vector<16x1024xi32> to vector<1x1024xi32>
    %get3A_1887 = arith.constant 0 : index
    %get3A_1888 = arith.constant 15360 : index
    %get3A_1889 = vector.load %arg3[%get3A_1887, %get3A_1888] : memref<32x16384xf32, #tpu.memory_space<vmem>>, vector<32x1024xf32>
    %mul3A_1890 = vector.broadcast %mul3A_218 : vector<1x1024xf32> to vector<32x1024xf32>
    %mul3A_1891 = arith.mulf %mul3A_1890, %get3A_1889 : vector<32x1024xf32>
    %slice3A_1892 = vector.extract_strided_slice %get3A_1 {offsets = [0, 0], sizes = [1, 1024], strides = [1, 1]} : vector<16x1024xi32> to vector<1x1024xi32>
    %eq3A_1893 = arith.cmpi eq, %slice3A_1892, %slice3A_1886 : vector<1x1024xi32>
    %slice3A_1894 = vector.extract_strided_slice %add3A_216 {offsets = [0, 0], sizes = [1, 1024], strides = [1, 1]} : vector<16x1024xf32> to vector<1x1024xf32>
    %jit3A_1895 = arith.constant 0.000000e+00 : f32
    %broadcast_in_dim3A_1896 = vector.broadcast %jit3A_1895 : f32 to vector<1x1024xf32>
    %select_n3A_1897 = arith.select %eq3A_1893, %slice3A_1894, %broadcast_in_dim3A_1896 : vector<1x1024xi1>, vector<1x1024xf32>
    %get3A_1898 = arith.constant 0 : index
    %get3A_1899 = arith.constant 0 : index
    %get3A_1900 = vector.load %arg8[%get3A_1898, %get3A_1899] : memref<32x16384xf32, #tpu.memory_space<vmem>>, vector<32x1024xf32>
    %mul3A_1901 = vector.broadcast %select_n3A_1897 : vector<1x1024xf32> to vector<32x1024xf32>
    %mul3A_1902 = arith.mulf %mul3A_1901, %get3A_1900 : vector<32x1024xf32>
    %add3A_1903 = arith.addf %mul3A_1891, %mul3A_1902 : vector<32x1024xf32>
    %slice3A_1904 = vector.extract_strided_slice %get3A_1 {offsets = [1, 0], sizes = [1, 1024], strides = [1, 1]} : vector<16x1024xi32> to vector<1x1024xi32>
    %eq3A_1905 = arith.cmpi eq, %slice3A_1904, %slice3A_1886 : vector<1x1024xi32>
    %slice3A_1906 = vector.extract_strided_slice %add3A_216 {offsets = [1, 0], sizes = [1, 1024], strides = [1, 1]} : vector<16x1024xf32> to vector<1x1024xf32>
    %jit3A_1907 = arith.constant 0.000000e+00 : f32
    %broadcast_in_dim3A_1908 = vector.broadcast %jit3A_1907 : f32 to vector<1x1024xf32>
    %select_n3A_1909 = arith.select %eq3A_1905, %slice3A_1906, %broadcast_in_dim3A_1908 : vector<1x1024xi1>, vector<1x1024xf32>
    %get3A_1910 = arith.constant 0 : index
    %get3A_1911 = arith.constant 1024 : index
    %get3A_1912 = vector.load %arg8[%get3A_1910, %get3A_1911] : memref<32x16384xf32, #tpu.memory_space<vmem>>, vector<32x1024xf32>
    %mul3A_1913 = vector.broadcast %select_n3A_1909 : vector<1x1024xf32> to vector<32x1024xf32>
    %mul3A_1914 = arith.mulf %mul3A_1913, %get3A_1912 : vector<32x1024xf32>
    %add3A_1915 = arith.addf %add3A_1903, %mul3A_1914 : vector<32x1024xf32>
    %slice3A_1916 = vector.extract_strided_slice %get3A_1 {offsets = [2, 0], sizes = [1, 1024], strides = [1, 1]} : vector<16x1024xi32> to vector<1x1024xi32>
    %eq3A_1917 = arith.cmpi eq, %slice3A_1916, %slice3A_1886 : vector<1x1024xi32>
    %slice3A_1918 = vector.extract_strided_slice %add3A_216 {offsets = [2, 0], sizes = [1, 1024], strides = [1, 1]} : vector<16x1024xf32> to vector<1x1024xf32>
    %jit3A_1919 = arith.constant 0.000000e+00 : f32
    %broadcast_in_dim3A_1920 = vector.broadcast %jit3A_1919 : f32 to vector<1x1024xf32>
    %select_n3A_1921 = arith.select %eq3A_1917, %slice3A_1918, %broadcast_in_dim3A_1920 : vector<1x1024xi1>, vector<1x1024xf32>
    %get3A_1922 = arith.constant 0 : index
    %get3A_1923 = arith.constant 2048 : index
    %get3A_1924 = vector.load %arg8[%get3A_1922, %get3A_1923] : memref<32x16384xf32, #tpu.memory_space<vmem>>, vector<32x1024xf32>
    %mul3A_1925 = vector.broadcast %select_n3A_1921 : vector<1x1024xf32> to vector<32x1024xf32>
    %mul3A_1926 = arith.mulf %mul3A_1925, %get3A_1924 : vector<32x1024xf32>
    %add3A_1927 = arith.addf %add3A_1915, %mul3A_1926 : vector<32x1024xf32>
    %slice3A_1928 = vector.extract_strided_slice %get3A_1 {offsets = [3, 0], sizes = [1, 1024], strides = [1, 1]} : vector<16x1024xi32> to vector<1x1024xi32>
    %eq3A_1929 = arith.cmpi eq, %slice3A_1928, %slice3A_1886 : vector<1x1024xi32>
    %slice3A_1930 = vector.extract_strided_slice %add3A_216 {offsets = [3, 0], sizes = [1, 1024], strides = [1, 1]} : vector<16x1024xf32> to vector<1x1024xf32>
    %jit3A_1931 = arith.constant 0.000000e+00 : f32
    %broadcast_in_dim3A_1932 = vector.broadcast %jit3A_1931 : f32 to vector<1x1024xf32>
    %select_n3A_1933 = arith.select %eq3A_1929, %slice3A_1930, %broadcast_in_dim3A_1932 : vector<1x1024xi1>, vector<1x1024xf32>
    %get3A_1934 = arith.constant 0 : index
    %get3A_1935 = arith.constant 3072 : index
    %get3A_1936 = vector.load %arg8[%get3A_1934, %get3A_1935] : memref<32x16384xf32, #tpu.memory_space<vmem>>, vector<32x1024xf32>
    %mul3A_1937 = vector.broadcast %select_n3A_1933 : vector<1x1024xf32> to vector<32x1024xf32>
    %mul3A_1938 = arith.mulf %mul3A_1937, %get3A_1936 : vector<32x1024xf32>
    %add3A_1939 = arith.addf %add3A_1927, %mul3A_1938 : vector<32x1024xf32>
    %slice3A_1940 = vector.extract_strided_slice %get3A_1 {offsets = [4, 0], sizes = [1, 1024], strides = [1, 1]} : vector<16x1024xi32> to vector<1x1024xi32>
    %eq3A_1941 = arith.cmpi eq, %slice3A_1940, %slice3A_1886 : vector<1x1024xi32>
    %slice3A_1942 = vector.extract_strided_slice %add3A_216 {offsets = [4, 0], sizes = [1, 1024], strides = [1, 1]} : vector<16x1024xf32> to vector<1x1024xf32>
    %jit3A_1943 = arith.constant 0.000000e+00 : f32
    %broadcast_in_dim3A_1944 = vector.broadcast %jit3A_1943 : f32 to vector<1x1024xf32>
    %select_n3A_1945 = arith.select %eq3A_1941, %slice3A_1942, %broadcast_in_dim3A_1944 : vector<1x1024xi1>, vector<1x1024xf32>
    %get3A_1946 = arith.constant 0 : index
    %get3A_1947 = arith.constant 4096 : index
    %get3A_1948 = vector.load %arg8[%get3A_1946, %get3A_1947] : memref<32x16384xf32, #tpu.memory_space<vmem>>, vector<32x1024xf32>
    %mul3A_1949 = vector.broadcast %select_n3A_1945 : vector<1x1024xf32> to vector<32x1024xf32>
    %mul3A_1950 = arith.mulf %mul3A_1949, %get3A_1948 : vector<32x1024xf32>
    %add3A_1951 = arith.addf %add3A_1939, %mul3A_1950 : vector<32x1024xf32>
    %slice3A_1952 = vector.extract_strided_slice %get3A_1 {offsets = [5, 0], sizes = [1, 1024], strides = [1, 1]} : vector<16x1024xi32> to vector<1x1024xi32>
    %eq3A_1953 = arith.cmpi eq, %slice3A_1952, %slice3A_1886 : vector<1x1024xi32>
    %slice3A_1954 = vector.extract_strided_slice %add3A_216 {offsets = [5, 0], sizes = [1, 1024], strides = [1, 1]} : vector<16x1024xf32> to vector<1x1024xf32>
    %jit3A_1955 = arith.constant 0.000000e+00 : f32
    %broadcast_in_dim3A_1956 = vector.broadcast %jit3A_1955 : f32 to vector<1x1024xf32>
    %select_n3A_1957 = arith.select %eq3A_1953, %slice3A_1954, %broadcast_in_dim3A_1956 : vector<1x1024xi1>, vector<1x1024xf32>
    %get3A_1958 = arith.constant 0 : index
    %get3A_1959 = arith.constant 5120 : index
    %get3A_1960 = vector.load %arg8[%get3A_1958, %get3A_1959] : memref<32x16384xf32, #tpu.memory_space<vmem>>, vector<32x1024xf32>
    %mul3A_1961 = vector.broadcast %select_n3A_1957 : vector<1x1024xf32> to vector<32x1024xf32>
    %mul3A_1962 = arith.mulf %mul3A_1961, %get3A_1960 : vector<32x1024xf32>
    %add3A_1963 = arith.addf %add3A_1951, %mul3A_1962 : vector<32x1024xf32>
    %slice3A_1964 = vector.extract_strided_slice %get3A_1 {offsets = [6, 0], sizes = [1, 1024], strides = [1, 1]} : vector<16x1024xi32> to vector<1x1024xi32>
    %eq3A_1965 = arith.cmpi eq, %slice3A_1964, %slice3A_1886 : vector<1x1024xi32>
    %slice3A_1966 = vector.extract_strided_slice %add3A_216 {offsets = [6, 0], sizes = [1, 1024], strides = [1, 1]} : vector<16x1024xf32> to vector<1x1024xf32>
    %jit3A_1967 = arith.constant 0.000000e+00 : f32
    %broadcast_in_dim3A_1968 = vector.broadcast %jit3A_1967 : f32 to vector<1x1024xf32>
    %select_n3A_1969 = arith.select %eq3A_1965, %slice3A_1966, %broadcast_in_dim3A_1968 : vector<1x1024xi1>, vector<1x1024xf32>
    %get3A_1970 = arith.constant 0 : index
    %get3A_1971 = arith.constant 6144 : index
    %get3A_1972 = vector.load %arg8[%get3A_1970, %get3A_1971] : memref<32x16384xf32, #tpu.memory_space<vmem>>, vector<32x1024xf32>
    %mul3A_1973 = vector.broadcast %select_n3A_1969 : vector<1x1024xf32> to vector<32x1024xf32>
    %mul3A_1974 = arith.mulf %mul3A_1973, %get3A_1972 : vector<32x1024xf32>
    %add3A_1975 = arith.addf %add3A_1963, %mul3A_1974 : vector<32x1024xf32>
    %slice3A_1976 = vector.extract_strided_slice %get3A_1 {offsets = [7, 0], sizes = [1, 1024], strides = [1, 1]} : vector<16x1024xi32> to vector<1x1024xi32>
    %eq3A_1977 = arith.cmpi eq, %slice3A_1976, %slice3A_1886 : vector<1x1024xi32>
    %slice3A_1978 = vector.extract_strided_slice %add3A_216 {offsets = [7, 0], sizes = [1, 1024], strides = [1, 1]} : vector<16x1024xf32> to vector<1x1024xf32>
    %jit3A_1979 = arith.constant 0.000000e+00 : f32
    %broadcast_in_dim3A_1980 = vector.broadcast %jit3A_1979 : f32 to vector<1x1024xf32>
    %select_n3A_1981 = arith.select %eq3A_1977, %slice3A_1978, %broadcast_in_dim3A_1980 : vector<1x1024xi1>, vector<1x1024xf32>
    %get3A_1982 = arith.constant 0 : index
    %get3A_1983 = arith.constant 7168 : index
    %get3A_1984 = vector.load %arg8[%get3A_1982, %get3A_1983] : memref<32x16384xf32, #tpu.memory_space<vmem>>, vector<32x1024xf32>
    %mul3A_1985 = vector.broadcast %select_n3A_1981 : vector<1x1024xf32> to vector<32x1024xf32>
    %mul3A_1986 = arith.mulf %mul3A_1985, %get3A_1984 : vector<32x1024xf32>
    %add3A_1987 = arith.addf %add3A_1975, %mul3A_1986 : vector<32x1024xf32>
    %slice3A_1988 = vector.extract_strided_slice %get3A_1 {offsets = [8, 0], sizes = [1, 1024], strides = [1, 1]} : vector<16x1024xi32> to vector<1x1024xi32>
    %eq3A_1989 = arith.cmpi eq, %slice3A_1988, %slice3A_1886 : vector<1x1024xi32>
    %slice3A_1990 = vector.extract_strided_slice %add3A_216 {offsets = [8, 0], sizes = [1, 1024], strides = [1, 1]} : vector<16x1024xf32> to vector<1x1024xf32>
    %jit3A_1991 = arith.constant 0.000000e+00 : f32
    %broadcast_in_dim3A_1992 = vector.broadcast %jit3A_1991 : f32 to vector<1x1024xf32>
    %select_n3A_1993 = arith.select %eq3A_1989, %slice3A_1990, %broadcast_in_dim3A_1992 : vector<1x1024xi1>, vector<1x1024xf32>
    %get3A_1994 = arith.constant 0 : index
    %get3A_1995 = arith.constant 8192 : index
    %get3A_1996 = vector.load %arg8[%get3A_1994, %get3A_1995] : memref<32x16384xf32, #tpu.memory_space<vmem>>, vector<32x1024xf32>
    %mul3A_1997 = vector.broadcast %select_n3A_1993 : vector<1x1024xf32> to vector<32x1024xf32>
    %mul3A_1998 = arith.mulf %mul3A_1997, %get3A_1996 : vector<32x1024xf32>
    %add3A_1999 = arith.addf %add3A_1987, %mul3A_1998 : vector<32x1024xf32>
    %slice3A_2000 = vector.extract_strided_slice %get3A_1 {offsets = [9, 0], sizes = [1, 1024], strides = [1, 1]} : vector<16x1024xi32> to vector<1x1024xi32>
    %eq3A_2001 = arith.cmpi eq, %slice3A_2000, %slice3A_1886 : vector<1x1024xi32>
    %slice3A_2002 = vector.extract_strided_slice %add3A_216 {offsets = [9, 0], sizes = [1, 1024], strides = [1, 1]} : vector<16x1024xf32> to vector<1x1024xf32>
    %jit3A_2003 = arith.constant 0.000000e+00 : f32
    %broadcast_in_dim3A_2004 = vector.broadcast %jit3A_2003 : f32 to vector<1x1024xf32>
    %select_n3A_2005 = arith.select %eq3A_2001, %slice3A_2002, %broadcast_in_dim3A_2004 : vector<1x1024xi1>, vector<1x1024xf32>
    %get3A_2006 = arith.constant 0 : index
    %get3A_2007 = arith.constant 9216 : index
    %get3A_2008 = vector.load %arg8[%get3A_2006, %get3A_2007] : memref<32x16384xf32, #tpu.memory_space<vmem>>, vector<32x1024xf32>
    %mul3A_2009 = vector.broadcast %select_n3A_2005 : vector<1x1024xf32> to vector<32x1024xf32>
    %mul3A_2010 = arith.mulf %mul3A_2009, %get3A_2008 : vector<32x1024xf32>
    %add3A_2011 = arith.addf %add3A_1999, %mul3A_2010 : vector<32x1024xf32>
    %slice3A_2012 = vector.extract_strided_slice %get3A_1 {offsets = [10, 0], sizes = [1, 1024], strides = [1, 1]} : vector<16x1024xi32> to vector<1x1024xi32>
    %eq3A_2013 = arith.cmpi eq, %slice3A_2012, %slice3A_1886 : vector<1x1024xi32>
    %slice3A_2014 = vector.extract_strided_slice %add3A_216 {offsets = [10, 0], sizes = [1, 1024], strides = [1, 1]} : vector<16x1024xf32> to vector<1x1024xf32>
    %jit3A_2015 = arith.constant 0.000000e+00 : f32
    %broadcast_in_dim3A_2016 = vector.broadcast %jit3A_2015 : f32 to vector<1x1024xf32>
    %select_n3A_2017 = arith.select %eq3A_2013, %slice3A_2014, %broadcast_in_dim3A_2016 : vector<1x1024xi1>, vector<1x1024xf32>
    %get3A_2018 = arith.constant 0 : index
    %get3A_2019 = arith.constant 10240 : index
    %get3A_2020 = vector.load %arg8[%get3A_2018, %get3A_2019] : memref<32x16384xf32, #tpu.memory_space<vmem>>, vector<32x1024xf32>
    %mul3A_2021 = vector.broadcast %select_n3A_2017 : vector<1x1024xf32> to vector<32x1024xf32>
    %mul3A_2022 = arith.mulf %mul3A_2021, %get3A_2020 : vector<32x1024xf32>
    %add3A_2023 = arith.addf %add3A_2011, %mul3A_2022 : vector<32x1024xf32>
    %slice3A_2024 = vector.extract_strided_slice %get3A_1 {offsets = [11, 0], sizes = [1, 1024], strides = [1, 1]} : vector<16x1024xi32> to vector<1x1024xi32>
    %eq3A_2025 = arith.cmpi eq, %slice3A_2024, %slice3A_1886 : vector<1x1024xi32>
    %slice3A_2026 = vector.extract_strided_slice %add3A_216 {offsets = [11, 0], sizes = [1, 1024], strides = [1, 1]} : vector<16x1024xf32> to vector<1x1024xf32>
    %jit3A_2027 = arith.constant 0.000000e+00 : f32
    %broadcast_in_dim3A_2028 = vector.broadcast %jit3A_2027 : f32 to vector<1x1024xf32>
    %select_n3A_2029 = arith.select %eq3A_2025, %slice3A_2026, %broadcast_in_dim3A_2028 : vector<1x1024xi1>, vector<1x1024xf32>
    %get3A_2030 = arith.constant 0 : index
    %get3A_2031 = arith.constant 11264 : index
    %get3A_2032 = vector.load %arg8[%get3A_2030, %get3A_2031] : memref<32x16384xf32, #tpu.memory_space<vmem>>, vector<32x1024xf32>
    %mul3A_2033 = vector.broadcast %select_n3A_2029 : vector<1x1024xf32> to vector<32x1024xf32>
    %mul3A_2034 = arith.mulf %mul3A_2033, %get3A_2032 : vector<32x1024xf32>
    %add3A_2035 = arith.addf %add3A_2023, %mul3A_2034 : vector<32x1024xf32>
    %slice3A_2036 = vector.extract_strided_slice %get3A_1 {offsets = [12, 0], sizes = [1, 1024], strides = [1, 1]} : vector<16x1024xi32> to vector<1x1024xi32>
    %eq3A_2037 = arith.cmpi eq, %slice3A_2036, %slice3A_1886 : vector<1x1024xi32>
    %slice3A_2038 = vector.extract_strided_slice %add3A_216 {offsets = [12, 0], sizes = [1, 1024], strides = [1, 1]} : vector<16x1024xf32> to vector<1x1024xf32>
    %jit3A_2039 = arith.constant 0.000000e+00 : f32
    %broadcast_in_dim3A_2040 = vector.broadcast %jit3A_2039 : f32 to vector<1x1024xf32>
    %select_n3A_2041 = arith.select %eq3A_2037, %slice3A_2038, %broadcast_in_dim3A_2040 : vector<1x1024xi1>, vector<1x1024xf32>
    %get3A_2042 = arith.constant 0 : index
    %get3A_2043 = arith.constant 12288 : index
    %get3A_2044 = vector.load %arg8[%get3A_2042, %get3A_2043] : memref<32x16384xf32, #tpu.memory_space<vmem>>, vector<32x1024xf32>
    %mul3A_2045 = vector.broadcast %select_n3A_2041 : vector<1x1024xf32> to vector<32x1024xf32>
    %mul3A_2046 = arith.mulf %mul3A_2045, %get3A_2044 : vector<32x1024xf32>
    %add3A_2047 = arith.addf %add3A_2035, %mul3A_2046 : vector<32x1024xf32>
    %slice3A_2048 = vector.extract_strided_slice %get3A_1 {offsets = [13, 0], sizes = [1, 1024], strides = [1, 1]} : vector<16x1024xi32> to vector<1x1024xi32>
    %eq3A_2049 = arith.cmpi eq, %slice3A_2048, %slice3A_1886 : vector<1x1024xi32>
    %slice3A_2050 = vector.extract_strided_slice %add3A_216 {offsets = [13, 0], sizes = [1, 1024], strides = [1, 1]} : vector<16x1024xf32> to vector<1x1024xf32>
    %jit3A_2051 = arith.constant 0.000000e+00 : f32
    %broadcast_in_dim3A_2052 = vector.broadcast %jit3A_2051 : f32 to vector<1x1024xf32>
    %select_n3A_2053 = arith.select %eq3A_2049, %slice3A_2050, %broadcast_in_dim3A_2052 : vector<1x1024xi1>, vector<1x1024xf32>
    %get3A_2054 = arith.constant 0 : index
    %get3A_2055 = arith.constant 13312 : index
    %get3A_2056 = vector.load %arg8[%get3A_2054, %get3A_2055] : memref<32x16384xf32, #tpu.memory_space<vmem>>, vector<32x1024xf32>
    %mul3A_2057 = vector.broadcast %select_n3A_2053 : vector<1x1024xf32> to vector<32x1024xf32>
    %mul3A_2058 = arith.mulf %mul3A_2057, %get3A_2056 : vector<32x1024xf32>
    %add3A_2059 = arith.addf %add3A_2047, %mul3A_2058 : vector<32x1024xf32>
    %slice3A_2060 = vector.extract_strided_slice %get3A_1 {offsets = [14, 0], sizes = [1, 1024], strides = [1, 1]} : vector<16x1024xi32> to vector<1x1024xi32>
    %eq3A_2061 = arith.cmpi eq, %slice3A_2060, %slice3A_1886 : vector<1x1024xi32>
    %slice3A_2062 = vector.extract_strided_slice %add3A_216 {offsets = [14, 0], sizes = [1, 1024], strides = [1, 1]} : vector<16x1024xf32> to vector<1x1024xf32>
    %jit3A_2063 = arith.constant 0.000000e+00 : f32
    %broadcast_in_dim3A_2064 = vector.broadcast %jit3A_2063 : f32 to vector<1x1024xf32>
    %select_n3A_2065 = arith.select %eq3A_2061, %slice3A_2062, %broadcast_in_dim3A_2064 : vector<1x1024xi1>, vector<1x1024xf32>
    %get3A_2066 = arith.constant 0 : index
    %get3A_2067 = arith.constant 14336 : index
    %get3A_2068 = vector.load %arg8[%get3A_2066, %get3A_2067] : memref<32x16384xf32, #tpu.memory_space<vmem>>, vector<32x1024xf32>
    %mul3A_2069 = vector.broadcast %select_n3A_2065 : vector<1x1024xf32> to vector<32x1024xf32>
    %mul3A_2070 = arith.mulf %mul3A_2069, %get3A_2068 : vector<32x1024xf32>
    %add3A_2071 = arith.addf %add3A_2059, %mul3A_2070 : vector<32x1024xf32>
    %add3A_2072 = arith.addf %add3A_2071, %tanh3A_1882 : vector<32x1024xf32>
    %dot_general3A_2073 = arith.constant dense<0.000000e+00> : vector<17x1024xf32>
    %dot_general3A_2074 = tpu.matmul %get3A_224, %tanh3A_1882, %dot_general3A_2073 {dimension_numbers = #tpu.dot_dimension_numbers<[0], [0], [1], [1], [0, 1, 1, 1], [], []>, transpose_lhs_hint = false} : vector<32x17xf32>, vector<32x1024xf32>, vector<17x1024xf32> -> vector<17x1024xf32>
    %dot_general3A_2075 = arith.constant dense<0.000000e+00> : vector<17x1024xf32>
    %dot_general3A_2076 = tpu.matmul %get3A_227, %add3A_2072, %dot_general3A_2075 {dimension_numbers = #tpu.dot_dimension_numbers<[0], [0], [1], [1], [0, 1, 1, 1], [], []>, transpose_lhs_hint = false} : vector<32x17xf32>, vector<32x1024xf32>, vector<17x1024xf32> -> vector<17x1024xf32>
    %add3A_2077 = arith.addf %dot_general3A_2074, %dot_general3A_2076 : vector<17x1024xf32>
    %add3A_2078 = vector.broadcast %broadcast_in_dim3A_230 : vector<17x1xf32> to vector<17x1024xf32>
    %add3A_2079 = arith.addf %add3A_2077, %add3A_2078 : vector<17x1024xf32>
    %swap3A_2080 = arith.constant 0 : index
    %swap3A_2081 = arith.constant 15360 : index
    %swap3A_2082 = vector.load %arg7[%swap3A_2080, %swap3A_2081] : memref<17x16384xf32, #tpu.memory_space<vmem>>, vector<17x1024xf32>
    tpu.vector_store %arg7[%swap3A_2080, %swap3A_2081], %add3A_2079 {strides = array<i32>} : memref<17x16384xf32, #tpu.memory_space<vmem>>, vector<17x1024xf32>,
    return
  }
}

</mosaic_0001>

<sc_bundles>
// kernel: kernel.4.cloned.1.call-start
scs
__scs_entry_jumppad:
0x0: {  	(pc) =	sbr.rel $0x88, $3  }
0x1: {  	(tag) =	ssettag $0x0;
	lr =	simm.s32 $0x1  }
0x2: {  	[smem:$0x3F98] =	sst lr;
	_ =	strace $0xD0000000  }
0x3: {  	_ = 	snop  }
0x4: {  	_ = 	snop  }
0x5: {  	_ = 	snop  }
0x6: {  	_ = 	snop  }
0x7: {  	_ = 	snop  }
__scs_overlays_trampoline_lowered:
0x8: {  	[smem:$0x3FA7] =	sst s0  }
0x9: {  	[smem:$0x3FA8] =	sst s1  }
0xa: {  	[smem:$0x3FA9] =	sst s2  }
0xb: {  	[smem:$0x3FAA] =	sst s3  }
0xc: {  	[smem:$0x3FAB] =	sst s4  }
0xd: {  	[smem:$0x3FAC] =	sst s5  }
0xe: {  	[smem:$0x3FAD] =	sst s6  }
0xf: {  	[smem:$0x3FAE] =	sst s7  }
0x10: {  	[smem:$0x3FAF] =	sst s8  }
0x11: {  	[smem:$0x3FB0] =	sst s9;
	s0 =	simm.s32 @!p0 $0x0  }
0x12: {  	s1 =	sld [smem:$0x3F96];
	s0 =	simm.s32 @p0 $0x1  }
0x13: {  	[smem:$0x3FB1] =	sst s0;
	s0 =	simm.s32 @!p1 $0x0  }
0x14: {  	s2 =	sld [smem:$0x3F95];
	s0 =	simm.s32 @p1 $0x1  }
0x15: {  	[smem:$0x3FB2] =	sst s0;
	s0 =	simm.s32 @!p2 $0x0  }
0x16: {  	s3 =	sld [smem:$0x3FDB];
	s0 =	simm.s32 @p2 $0x1  }
0x17: {  	s4 =	simm.s32 $0x1BF5;
	[smem:$0x3FB4] =	sst s0  }
0x18: {  	s0 =	sld [smem:$0x3F97];
	_ =	swait.ge [sflag:s4], $0x0  }
0x19: {  	s7 =	sld [smem:$0x3F98]  }
0x1a: {  	s8 =	sadd.s32 $0xFFFFE003, lr  }
0x1b: {  	s9 =	sadd.s32 $0xFFFFFEF7, lr;
	s5 =	simm.s32 $0xFFFFFFFF;
	p2 =	slt.u32 s8, $0xFFFFF086  }
0x1c: {  	p1 =	slt.u32 s9, $0xF7A;
	s5 =	simm.s32 @!p2 $0x0  }
0x1d: {  	s5 =	simm.s32 @p1 $0x1;
	p0 =	seq.s32 s7, s2  }
0x1e: {  	s7 =	smul.u32 @!p0 $0xF7A, s2;
	p2 =	seq.s32 @!p0 s5, $0x0  }
0x1f: {  	s9 =	smul.u32 $0xF7A, s1;
	s8 =	simm.s32 @!p0 $0x1BF5;
	p2 =	por !p2, p0  }
0x20: {  	[sflag:s8] =	ssyncset.s32 @!p0 $0xFFFFF086;
	s6 =	sadd.s32 @!p0 s3, s7;
	s7 =	simm.s32 @!p0 $0x108  }
0x21: {  	s3 =	sadd.s32 s3, s9;
	s6 =	sadd.s32 @!p0 $0x88, s6;
	s7 =	simm.s32 @p2 $0x1082  }
0x22: {  	[simem:s7], [sflag:s8] =	dma.local @!p0 [hbm:s6], $0xF7A  }
0x23: {  	s9 =	sor.u32 $0xD0000000, s2;
	s6 =	simm.s32 $0x108;
	_ =	swait.ge @!p0 [sflag:s8], $0x0  }
0x24: {  	s3 =	sadd.s32 $0x88, s3;
	s6 =	simm.s32 @!p1 $0x1082;
	[sflag:s4] =	ssyncset.s32 $0xFFFFF086  }
0x25: {  	[simem:s6], [sflag:s4] =	dma.local [hbm:s3], $0xF7A  }
0x26: {  	[smem:$0x3F98] =	sst s1;
	(tag) =	ssettag s2;
	_ =	strace s9  }
0x27: {  	s1 =	sld [smem:$0x3FA8]  }
0x28: {  	s2 =	sld [smem:$0x3FA9]  }
0x29: {  	s4 =	sld [smem:$0x3FAB]  }
0x2a: {  	p0 =	seq.s32 s5, $0x0;
	s5 =	sld [smem:$0x3FAC]  }
0x2b: {  	s6 =	sld [smem:$0x3FAD]  }
0x2c: {  	s7 =	sld [smem:$0x3FAE]  }
0x2d: {  	s3 =	simm.s32 $0x108;
	s8 =	sld [smem:$0x3FAF]  }
0x2e: {  	s3 =	simm.s32 @!p0 $0x1082;
	s9 =	sld [smem:$0x3FB0]  }
0x2f: {  	lr =	sadd.s32 s0, s3;
	s0 =	sld [smem:$0x3FA7]  }
0x30: {  	s3 =	sld [smem:$0x3FAA]  }
0x31: {  	[smem:$0x3FB3] =	sst s10  }
0x32: {  	s10 =	sld [smem:$0x3FB1];
	_ =	sdelay $0x3  }
0x33: {  	p0 =	seq.s32 s10, $0x1;
	s10 =	sld [smem:$0x3FB3];
	_ =	sdelay $0x3  }
0x34: {  	[smem:$0x3FB3] =	sst s10  }
0x35: {  	s10 =	sld [smem:$0x3FB2];
	_ =	sdelay $0x3  }
0x36: {  	p1 =	seq.s32 s10, $0x1;
	s10 =	sld [smem:$0x3FB3];
	_ =	sdelay $0x3  }
0x37: {  	[smem:$0x3FB3] =	sst s10  }
0x38: {  	s10 =	sld [smem:$0x3FB4]  }
0x39: {  	_ = 	snop;
	(pc) =	sbr.ind lr, $3  }
0x3a: {  	_ = 	snop  }
0x3b: {  	_ = 	snop  }
0x3c: {  	p2 =	seq.s32 s10, $0x1;
	s10 =	sld [smem:$0x3FB3]  }
0x3d: {  	_ =	shalt  }
0x3e: {  	_ =	shalt  }
0x3f: {  	_ =	shalt  }
0x40: {  	_ =	shalt  }
0x41: {  	_ =	shalt  }
0x42: {  	_ =	shalt  }
0x43: {  	_ =	shalt  }
0x44: {  	_ =	shalt  }
0x45: {  	_ =	shalt  }
0x46: {  	_ =	shalt  }
0x47: {  	_ =	shalt  }
0x48: {  	_ =	shalt  }
0x49: {  	_ =	shalt  }
0x4a: {  	_ =	shalt  }
0x4b: {  	_ =	shalt  }
0x4c: {  	_ =	shalt  }
0x4d: {  	_ =	shalt  }
0x4e: {  	_ =	shalt  }
0x4f: {  	_ =	shalt  }
0x50: {  	_ =	shalt  }
0x51: {  	_ =	shalt  }
0x52: {  	_ =	shalt  }
0x53: {  	_ =	shalt  }
0x54: {  	_ =	shalt  }
0x55: {  	_ =	shalt  }
0x56: {  	_ =	shalt  }
0x57: {  	_ =	shalt  }
0x58: {  	_ =	shalt  }
0x59: {  	_ =	shalt  }
0x5a: {  	_ =	shalt  }
0x5b: {  	_ =	shalt  }
0x5c: {  	_ =	shalt  }
0x5d: {  	_ =	shalt  }
0x5e: {  	_ =	shalt  }
0x5f: {  	_ =	shalt  }
0x60: {  	_ =	shalt  }
0x61: {  	_ =	shalt  }
0x62: {  	_ =	shalt  }
0x63: {  	_ =	shalt  }
0x64: {  	_ =	shalt  }
0x65: {  	_ =	shalt  }
0x66: {  	_ =	shalt  }
0x67: {  	_ =	shalt  }
0x68: {  	_ =	shalt  }
0x69: {  	_ =	shalt  }
0x6a: {  	_ =	shalt  }
0x6b: {  	_ =	shalt  }
0x6c: {  	_ =	shalt  }
0x6d: {  	_ =	shalt  }
0x6e: {  	_ =	shalt  }
0x6f: {  	_ =	shalt  }
0x70: {  	_ =	shalt  }
0x71: {  	_ =	shalt  }
0x72: {  	_ =	shalt  }
0x73: {  	_ =	shalt  }
0x74: {  	_ =	shalt  }
0x75: {  	_ =	shalt  }
0x76: {  	_ =	shalt  }
0x77: {  	_ =	shalt  }
0x78: {  	_ =	shalt  }
0x79: {  	_ =	shalt  }
0x7a: {  	_ =	shalt  }
0x7b: {  	_ =	shalt  }
0x7c: {  	_ =	shalt  }
0x7d: {  	_ =	shalt  }
0x7e: {  	_ =	shalt  }
0x7f: {  	_ =	shalt  }
0x80: {  	_ =	shalt  }
0x81: {  	_ =	shalt  }
0x82: {  	_ =	shalt  }
0x83: {  	_ =	shalt  }
0x84: {  	_ =	shalt  }
0x85: {  	_ =	shalt  }
0x86: {  	_ =	shalt  }
0x87: {  	_ =	shalt  }
.Lfunc_end0:
.L_simem_size_0:
called_computation_lowered:
.L_overlay_start_0:
0x88: {  	s2 =	sld [smem:$0x3FD9]  }
0x89: {  	s3 =	sld [smem:$0x3FFE];
	_ =	sdelay $0x1  }
0x8a: {  	s1 =	srdreg.scid  }
0x8b: {  	s0 =	sand.u32 $0x1, s1  }
0x8c: {  	s17 =	sshll.u32 s0, $0xA;
	s2 =	sadd.s32 s3, s2  }
0x8d: {  	s2 =	sadd.s32 s2, s17  }
0x8e: {  	[smem:$0x3FBF] =	sst s2  }
0x8f: {  	_ = 	snop  }
0x90: {  	s2 =	sld [smem:$0x3FC6]  }
0x91: {  	s18 =	sld [smem:$0x3FD0];
	(tm) =	ssettm $0x1  }
0x92: {  	s4 =	sld [smem:$0x3FFB];
	_ =	sdelay $0x3  }
0x93: {  	_ =	strace s4  }
0x94: {  	s4 =	sld [smem:$0x3FFC];
	_ =	sdelay $0x3  }
0x95: {  	_ =	strace s4  }
0x96: {  	s4 =	sld [smem:$0x3FFD];
	_ =	sdelay $0x3  }
0x97: {  	_ =	strace s4  }
0x98: {  	_ =	strace $0x8FFFFFFF  }
0x99: {  	s19 =	sld [smem:$0x3FDB];
	_ =	sdelay $0x1  }
0x9a: {  	s5 =	simm.s32 $_scs_section_size  }
0x9b: {  	s6 =	simm.s32 $_size__tile_overlayer_lowered;
	s7 =	simm.s32 $_tile_overlayer_lowered  }
0x9c: {  	s22 =	simm.s32 $0x1BFF;
	s21 =	sshll.u32 s7, $0x1;
	s4 =	sadd.s32 s5, s19  }
0x9d: {  	s8 =	simm.s32 $0x0;
	s20 =	sshll.u32 s6, $0x1;
	s6 =	sadd.s32 s21, s4  }
0x9e: {  	[timem:s8], [sflag:s22] =	dma.local [hbm:s6], s20  }
0x9f: {  	_ =	swait.ge [sflag:s22], s20  }
0xa0: {  	s5 =	ssub.s32 $0x0, s20;
	[sflag:s22] =	ssyncset.done $0x0  }
0xa1: {  	[sflag:s22] =	ssyncadd.s32 s5;
	_ =	sdelay $0x1  }
0xa2: {  	s23 =	simm.s32 $0x1B8B  }
0xa3: {  	_ =	swait.ge [sflag:s23], $0x1  }
0xa4: {  	[sflag:s23] =	ssyncset.done $0x0  }
0xa5: {  	s25 =	simm.s32 $0x1B8E;
	s24 =	sld [smem:$0x3FFE];
	[sflag:s23] =	ssyncadd.s32 $0xFFFFFFFF  }
0xa6: {  	s26 =	simm.s32 $execute0_lowered;
	[smem:$0x3FD2] =	sst s25  }
0xa7: {  	s6 =	sshll.u32 s26, $0x1;
	_ =	strace $0x80000046;
	[dreg:$0x1] =	wrdreg $0xFFFFFFFF  }
0xa8: {  	s28 =	simm.s32 $_size_execute0_lowered;
	s4 =	sadd.s32 s4, s6;
	[dreg:$0x0] =	wrdreg $0x0  }
0xa9: {  	s6 =	sshll.u32 s28, $0x1;
	[dreg:$0x2] =	wrdreg s4  }
0xaa: {  	[dreg:$0x3] =	wrdreg s6  }
0xab: {  	[dreg:$0x4] =	wrdreg $0xC0  }
0xac: {  	_ =	task [dreg:s8], $0x5FFFF  }
0xad: {  	[dreg:$0x1] =	wrdreg $0xFFFFFFFF  }
0xae: {  	[dreg:$0x0] =	wrdreg $0x60  }
0xaf: {  	[dreg:$0x2] =	wrdreg s2  }
0xb0: {  	[dreg:$0x3] =	wrdreg s24  }
0xb1: {  	[dreg:$0x4] =	wrdreg s18  }
0xb2: {  	[dreg:$0x5] =	wrdreg $0x9  }
0xb3: {  	_ =	task.clear_ibuf [dreg:s8], $0x6FFFF;
	_ =	strace $0x90000046  }
0xb4: {  	s29 =	simm.s32 $0x9;
	_ =	strace $0x80000048  }
0xb5: {  	_ =	swait.ge [sflag:s29], $0x1  }
0xb6: {  	[sflag:s29] =	ssyncadd.s32 $0xFFFFFFFF  }
0xb7: {  	_ =	strace $0x90000048  }
0xb8: {  	_ =	sfence  }
0xb9: {  	s30 =	sld [smem:$0x0];
	_ =	sdelay $0x2  }
0xba: {  	s31 =	sshll.u32 s1, $0xD;
	s1 =	sshrl.u32 s1, $0x2  }
0xbb: {  	s3 =	sand.u32 $0x4000, s31;
	s1 =	sadd.s32 s1, s30  }
0xbc: {  	s0 =	sor.u32 s3, s0;
	s1 =	sshll.u32 s1, $0x11  }
0xbd: {  	s0 =	sor.u32 s1, s0  }
0xbe: {  	s0 =	sadd.s32 $0x8F2B, s0  }
0xbf: {  	[sflag:s0] =	ssyncadd.remote.s32 $0x1  }
0xc0: {  	_ =	sfence.sel $0xFFFF  }
0xc1: {  	[dreg:$0x0] =	wrdreg $0xFFFFFFFF;
	(pc) =	sbr.abs _section_cstart, $3  }
0xc2: {  	[dreg:$0x1] =	wrdreg $0xFFFFFFFF  }
0xc3: {  	_ =	task.clear_ibuf [dreg:s8], $0x2FFFF;
	_ =	strace $0x9FFFFFFF  }
0xc4: {  	(tm) =	ssettm $0x7FFFFFFF  }
0xc5: {  	_ =	shalt  }
tec
execute0_lowered:
.L_overlay_start_1:
0x0: {  	(tag) =	ssettag $0x1  }
0x1: {  	s2 =	rddreg [dreg:$0x0]  }
0x2: {  	s4 =	rddreg [dreg:$0x1]  }
0x3: {  	s5 =	rddreg [dreg:$0x2];
	s1 =	stileid.u32  }
0x4: {  	s0 =	rddreg [dreg:$0x3];
	s6 =	srdreg.scid  }
0x5: {  	s3 =	simm.s32 $0x0;
	s7 =	sshll.u32 s1, $0x1;
	s6 =	sand.u32 $0x1, s6  }
0x6: {  	[smem:$0x7FF] =	sst s3;
	s9 =	sshrl.u32 s1, $0x2;
	s7 =	sand.u32 $0x6, s7  }
0x7: {  	_ =	strace $0x80000047;
	s11 =	sshll.u32 s9, $0xE;
	s31 =	sshll.u32 s9, $0x17  }
0x8: {  	s9 =	simm.s32 $0x80;
	s7 =	sor.u32 s6, s7;
	s6 =	ssub.s32 $0x2, s6  }
0x9: {  	s11 =	sadd.s32 s11, s4;
	s8 =	sshll.u32 s7, $0x8;
	s29 =	sshrl.u32 s6, $0x1  }
0xa: {  	s7 =	sshll.u32 s7, $0xB;
	s10 =	sadd.s32 s8, s4;
	s12 =	ssub.s32 s6, s29  }
0xb: {  	s30 =	sadd.s32 s7, s11;
	s5 =	sadd.s32 s5, s8;
	s8 =	simm.s32 $0x2  }
0xc: {  	s11 =	simm.s32 $0x5000;
	s4 =	sadd.s32 $0x1000, s10;
	s6 =	sadd.s32 $0x1800, s30  }
0xd: {  	v1 =	vlaneseq.u32;
	v0 =	vmov s31;
	s7 =	smax.u32 s12, $0x1;
	s10 =	simm.s32 $0x1;
	s12 =	simm.s32 $0x0  }
.LBB2_1:
0xe: {  	[tilespmem:s3], [sflag:$0x2] =	stream.linear.gather [hbm4b:s4+s3], $0x800, $0x38;
	[tilespmem:$0x9000] =	vst v63  }
0xf: {  	_ =	swait.ge [sflag:s8], $0x800  }
0x10: {  	[sflag:s8] =	ssyncset.done $0x0  }
0x11: {  	s13 =	simm.s32 $0x800;
	[sflag:s8] =	ssyncadd.s32 $0xFFFFF800  }
0x12: {  	[tilespmem:s13], [sflag:$0x2] =	stream.linear.gather [hbm4b:s5+s3], $0x800, $0x38;
	[tilespmem:$0x9000] =	vst v63  }
0x13: {  	_ =	swait.ge [sflag:s8], $0x800  }
0x14: {  	[sflag:s8] =	ssyncset.done $0x0  }
0x15: {  	[sflag:s8] =	ssyncadd.s32 $0xFFFFF800  }
0x16: {  	v2 =	vld [tilespmem:s3+$0x0]  }
0x17: {  	v3 =	vld [tilespmem:s13+$0x0]  }
0x18: {  	v4 =	vmov s3  }
0x19: {  	v4 =	vshll.u32 v4, $0x3  }
0x1a: {  	v5 =	vor.u32 s3, v1;
	v4 =	vand.u32 $0x1C00, v4  }
0x1b: {  	s31 =	sand.u32 $0x7, s3;
	v5 =	vand.u32 $0x7F, v5;
	v4 =	vor.u32 v0, v4  }
0x1c: {  	s14 =	simm.s32 $0x10;
	s15 =	simm.s32 $0x810;
	s19 =	sand.u32 $0x70, s3;
	v4 =	vor.u32 v5, v4;
	v2 =	vshll.u32 v2, $0xF;
	v5 =	vshll.u32 v3, $0xA  }
0x1d: {  	s20 =	sand.u32 $0x3C00, s3;
	s16 =	simm.s32 $0x10;
	s13 =	sshll.u32 s31, $0x4;
	v3 =	vshll.u32 v3, $0x7;
	v5 =	vand.u32 $0xFFFFE000, v5;
	v4 =	vadd.s32 v2, v4  }
0x1e: {  	s17 =	simm.s32 $0x0;
	s18 =	simm.s32 $0x0;
	s13 =	sadd.s32 $0x0, s13;
	v2 =	vand.u32 $0x380, v3;
	v3 =	vadd.s32 v5, v4  }
.LBB2_2:
0x1f: {  	s19 =	sor.u32 s19, s20  }
0x20: {  	v2 =	vor.u32 v2, v3;
	s17 =	sadd.s32 $0x80, s17;
	s18 =	sadd.s32 $0x1, s18;
	s20 =	smov.u32 s14  }
0x21: {  	p0 =	sne.s32 s14, $0x7F0;
	s14 =	sadd.s32 $0x10, s14;
	s21 =	sand.u32 $0x7, s18;
	[tilespmem:s19+$0x1000] =	vst v2;
	v3 =	vadd.s32 $0x300000, v2;
	v4 =	vadd.s32 $0x400000, v2;
	v5 =	vadd.s32 $0x500000, v2  }
0x22: {  	v6 =	vadd.s32 $0x100000, v2;
	v7 =	vadd.s32 $0x700000, v2;
	s21 =	sshll.u32 s21, $0x4;
	[tilespmem:s19+$0x1180] =	vst v3;
	v3 =	vadd.s32 $0x600000, v2  }
0x23: {  	v2 =	vadd.s32 $0x200000, v2;
	s21 =	sadd.s32 s21, s17;
	[tilespmem:s19+$0x1200] =	vst v4  }
0x24: {  	[tilespmem:s19+$0x1280] =	vst v5  }
0x25: {  	[tilespmem:s19+$0x1300] =	vst v3  }
0x26: {  	[tilespmem:s19+$0x1100] =	vst v2  }
0x27: {  	[tilespmem:s19+$0x1080] =	vst v6;
	s19 =	sor.u32 $0x380, s13;
	s13 =	smov.u32 s21  }
0x28: {  	v2 =	vmov s20;
	[tilespmem:s19+$0x1000] =	vst v7  }
0x29: {  	v2 =	vshll.u32 v2, $0x3;
	v3 =	vld [tilespmem:s16+$0x0]  }
0x2a: {  	v4 =	vor.u32 s20, v1;
	v2 =	vand.u32 $0x1C00, v2;
	v5 =	vld [tilespmem:s15+$0x0]  }
0x2b: {  	v2 =	vor.u32 v0, v2  }
0x2c: {  	v4 =	vand.u32 $0x7F, v4  }
.Ltmp0:
0x2d: {  	v2 =	vor.u32 v4, v2;
	(pc) =	sbr.rel @p0 .LBB2_2-.Ltmp0, $4  }
0x2e: {  	_ = 	snop  }
0x2f: {  	v3 =	vshll.u32 v3, $0xF;
	v4 =	vshll.u32 v5, $0xA;
	v5 =	vshll.u32 v5, $0x7  }
0x30: {  	s15 =	sadd.s32 $0x10, s15;
	v3 =	vadd.s32 v3, v2;
	v4 =	vand.u32 $0xFFFFE000, v4  }
0x31: {  	s19 =	sand.u32 $0x70, s20;
	s20 =	sand.u32 $0x3C00, s17;
	s16 =	sadd.s32 $0x10, s16;
	v2 =	vand.u32 $0x380, v5;
	v3 =	vadd.s32 v4, v3  }
0x32: {  	v2 =	vor.u32 v2, v3;
	s14 =	sor.u32 s19, s20  }
0x33: {  	[tilespmem:s14+$0x1000] =	vst v2;
	v3 =	vadd.s32 $0x300000, v2  }
0x34: {  	v4 =	vadd.s32 $0x400000, v2;
	[tilespmem:s14+$0x1180] =	vst v3  }
0x35: {  	v62 =	vadd.s32 $0x600000, v2;
	[tilespmem:s14+$0x1200] =	vst v4  }
0x36: {  	v63 =	vadd.s32 $0x100000, v2;
	[tilespmem:s14+$0x1300] =	vst v62  }
0x37: {  	v3 =	vadd.s32 $0x500000, v2;
	[tilespmem:s14+$0x1080] =	vst v63  }
0x38: {  	[tilespmem:s14+$0x1280] =	vst v3;
	v3 =	vadd.s32 $0x200000, v2  }
0x39: {  	s13 =	sor.u32 $0x380, s13;
	v2 =	vadd.s32 $0x700000, v2;
	[tilespmem:s14+$0x1100] =	vst v3  }
0x3a: {  	s15 =	simm.s32 $0x5000;
	s16 =	simm.s32 $0x1000;
	[tilespmem:s13+$0x1000] =	vst v2  }
0x3b: {  	[tilespmem:s15], [sflag:$0x1] =	stream.indirect.gather [hbm4b:s2+s9], $0x1, s16, s9, $0xb8;
	[tilespmem:$0x9000] =	vst v63  }
0x3c: {  	s17 =	simm.s32 $0x5080;
	s18 =	simm.s32 $0x1080  }
0x3d: {  	[tilespmem:s17], [sflag:$0x1] =	stream.indirect.gather [hbm4b:s2+s9], $0x1, s18, s9, $0xb8;
	[tilespmem:$0x9000] =	vst v63  }
0x3e: {  	s19 =	simm.s32 $0x5100;
	s20 =	simm.s32 $0x1100  }
0x3f: {  	[tilespmem:s19], [sflag:$0x1] =	stream.indirect.gather [hbm4b:s2+s9], $0x1, s20, s9, $0xb8;
	[tilespmem:$0x9000] =	vst v63  }
0x40: {  	s21 =	simm.s32 $0x5180;
	s22 =	simm.s32 $0x1180  }
0x41: {  	[tilespmem:s21], [sflag:$0x1] =	stream.indirect.gather [hbm4b:s2+s9], $0x1, s22, s9, $0xb8;
	[tilespmem:$0x9000] =	vst v63  }
0x42: {  	s23 =	simm.s32 $0x5200;
	s24 =	simm.s32 $0x1200  }
0x43: {  	[tilespmem:s23], [sflag:$0x1] =	stream.indirect.gather [hbm4b:s2+s9], $0x1, s24, s9, $0xb8;
	[tilespmem:$0x9000] =	vst v63  }
0x44: {  	s25 =	simm.s32 $0x5280;
	s26 =	simm.s32 $0x1280  }
0x45: {  	[tilespmem:s25], [sflag:$0x1] =	stream.indirect.gather [hbm4b:s2+s9], $0x1, s26, s9, $0xb8;
	[tilespmem:$0x9000] =	vst v63  }
0x46: {  	s28 =	simm.s32 $0x5300;
	s29 =	simm.s32 $0x1300  }
0x47: {  	[tilespmem:s28], [sflag:$0x1] =	stream.indirect.gather [hbm4b:s2+s9], $0x1, s29, s9, $0xb8;
	[tilespmem:$0x9000] =	vst v63  }
0x48: {  	s30 =	simm.s32 $0x5380;
	s31 =	simm.s32 $0x1380  }
0x49: {  	[tilespmem:s30], [sflag:$0x1] =	stream.indirect.gather [hbm4b:s2+s9], $0x1, s31, s9, $0xb8;
	[tilespmem:$0x9000] =	vst v63  }
0x4a: {  	s15 =	simm.s32 $0x5400;
	s16 =	simm.s32 $0x1400  }
0x4b: {  	[tilespmem:s15], [sflag:$0x1] =	stream.indirect.gather [hbm4b:s2+s9], $0x1, s16, s9, $0xb8;
	[tilespmem:$0x9000] =	vst v63  }
0x4c: {  	s17 =	simm.s32 $0x5480;
	s18 =	simm.s32 $0x1480  }
0x4d: {  	[tilespmem:s17], [sflag:$0x1] =	stream.indirect.gather [hbm4b:s2+s9], $0x1, s18, s9, $0xb8;
	[tilespmem:$0x9000] =	vst v63  }
0x4e: {  	s19 =	simm.s32 $0x5500;
	s20 =	simm.s32 $0x1500  }
0x4f: {  	[tilespmem:s19], [sflag:$0x1] =	stream.indirect.gather [hbm4b:s2+s9], $0x1, s20, s9, $0xb8;
	[tilespmem:$0x9000] =	vst v63  }
0x50: {  	s21 =	simm.s32 $0x5580;
	s22 =	simm.s32 $0x1580  }
0x51: {  	[tilespmem:s21], [sflag:$0x1] =	stream.indirect.gather [hbm4b:s2+s9], $0x1, s22, s9, $0xb8;
	[tilespmem:$0x9000] =	vst v63  }
0x52: {  	s23 =	simm.s32 $0x5600;
	s24 =	simm.s32 $0x1600  }
0x53: {  	[tilespmem:s23], [sflag:$0x1] =	stream.indirect.gather [hbm4b:s2+s9], $0x1, s24, s9, $0xb8;
	[tilespmem:$0x9000] =	vst v63  }
0x54: {  	s25 =	simm.s32 $0x5680;
	s26 =	simm.s32 $0x1680  }
0x55: {  	[tilespmem:s25], [sflag:$0x1] =	stream.indirect.gather [hbm4b:s2+s9], $0x1, s26, s9, $0xb8;
	[tilespmem:$0x9000] =	vst v63  }
0x56: {  	p1 =	por $0x1, $0x1;
	s28 =	simm.s32 $0x5700;
	s29 =	simm.s32 $0x1700  }
0x57: {  	[tilespmem:s28], [sflag:$0x1] =	stream.indirect.gather [hbm4b:s2+s9], $0x1, s29, s9, $0xb8;
	[tilespmem:$0x9000] =	vst v63  }
0x58: {  	s30 =	simm.s32 $0x5780;
	s31 =	simm.s32 $0x1780;
	s15 =	simm.s32 @!p1 $0x1  }
0x59: {  	[tilespmem:s30], [sflag:$0x1] =	stream.indirect.gather [hbm4b:s2+s9], $0x1, s31, s9, $0xb8;
	[tilespmem:$0x9000] =	vst v63  }
0x5a: {  	_ =	swait.ge @!p1 [sflag:s15], $0x80  }
0x5b: {  	[sflag:s15] =	ssyncset.done @!p1 $0x0  }
0x5c: {  	[sflag:s15] =	ssyncadd.s32 @!p1 $0xFFFFFF80  }
0x5d: {  	_ =	swait.ge @!p1 [sflag:s15], $0x80  }
0x5e: {  	[sflag:s15] =	ssyncset.done @!p1 $0x0  }
0x5f: {  	[sflag:s15] =	ssyncadd.s32 @!p1 $0xFFFFFF80  }
0x60: {  	_ =	swait.ge @!p1 [sflag:s15], $0x80  }
0x61: {  	[sflag:s15] =	ssyncset.done @!p1 $0x0  }
0x62: {  	[sflag:s15] =	ssyncadd.s32 @!p1 $0xFFFFFF80  }
0x63: {  	_ =	swait.ge @!p1 [sflag:s15], $0x80  }
0x64: {  	[sflag:s15] =	ssyncset.done @!p1 $0x0  }
0x65: {  	[sflag:s15] =	ssyncadd.s32 @!p1 $0xFFFFFF80  }
0x66: {  	_ =	swait.ge @!p1 [sflag:s15], $0x80  }
0x67: {  	[sflag:s15] =	ssyncset.done @!p1 $0x0  }
0x68: {  	[sflag:s15] =	ssyncadd.s32 @!p1 $0xFFFFFF80  }
0x69: {  	_ =	swait.ge @!p1 [sflag:s15], $0x80  }
0x6a: {  	[sflag:s15] =	ssyncset.done @!p1 $0x0  }
0x6b: {  	[sflag:s15] =	ssyncadd.s32 @!p1 $0xFFFFFF80  }
0x6c: {  	_ =	swait.ge @!p1 [sflag:s15], $0x80  }
0x6d: {  	[sflag:s15] =	ssyncset.done @!p1 $0x0  }
0x6e: {  	[sflag:s15] =	ssyncadd.s32 @!p1 $0xFFFFFF80  }
0x6f: {  	_ =	swait.ge @!p1 [sflag:s15], $0x80  }
0x70: {  	[sflag:s15] =	ssyncset.done @!p1 $0x0  }
0x71: {  	[sflag:s15] =	ssyncadd.s32 @!p1 $0xFFFFFF80  }
0x72: {  	_ =	swait.ge @!p1 [sflag:s15], $0x80  }
0x73: {  	[sflag:s15] =	ssyncset.done @!p1 $0x0  }
0x74: {  	[sflag:s15] =	ssyncadd.s32 @!p1 $0xFFFFFF80  }
0x75: {  	_ =	swait.ge @!p1 [sflag:s15], $0x80  }
0x76: {  	[sflag:s15] =	ssyncset.done @!p1 $0x0  }
0x77: {  	[sflag:s15] =	ssyncadd.s32 @!p1 $0xFFFFFF80  }
0x78: {  	_ =	swait.ge @!p1 [sflag:s15], $0x80  }
0x79: {  	[sflag:s15] =	ssyncset.done @!p1 $0x0  }
0x7a: {  	[sflag:s15] =	ssyncadd.s32 @!p1 $0xFFFFFF80  }
0x7b: {  	_ =	swait.ge @!p1 [sflag:s15], $0x80  }
0x7c: {  	[sflag:s15] =	ssyncset.done @!p1 $0x0  }
0x7d: {  	[sflag:s15] =	ssyncadd.s32 @!p1 $0xFFFFFF80  }
0x7e: {  	_ =	swait.ge @!p1 [sflag:s15], $0x80  }
0x7f: {  	[sflag:s15] =	ssyncset.done @!p1 $0x0  }
0x80: {  	[sflag:s15] =	ssyncadd.s32 @!p1 $0xFFFFFF80  }
0x81: {  	_ =	swait.ge @!p1 [sflag:s15], $0x80  }
0x82: {  	[sflag:s15] =	ssyncset.done @!p1 $0x0  }
0x83: {  	[sflag:s15] =	ssyncadd.s32 @!p1 $0xFFFFFF80  }
0x84: {  	_ =	swait.ge @!p1 [sflag:s15], $0x80  }
0x85: {  	[sflag:s15] =	ssyncset.done @!p1 $0x0  }
0x86: {  	[sflag:s15] =	ssyncadd.s32 @!p1 $0xFFFFFF80  }
0x87: {  	s14 =	simm.s32 $0x4000;
	s13 =	simm.s32 $0x2000;
	_ =	swait.ge @!p1 [sflag:s15], $0x80  }
.LBB2_4:
0x88: {  	s17 =	sshra.s32 s13, $0x2  }
0x89: {  	[sflag:s15] =	ssyncset.done @!p1 $0x0;
	s16 =	smov.u32 s14;
	s14 =	sadd.s32 $0x2000, s14  }
0x8a: {  	s18 =	sadd.s32 $0x5000, s17;
	s19 =	sadd.s32 $0x1000, s17;
	[sflag:s15] =	ssyncadd.s32 @!p1 $0xFFFFFF80  }
0x8b: {  	[tilespmem:s18], [sflag:$0x1] =	stream.indirect.gather [hbm4b:s2+s9], $0x1, s19, s9, $0xb8;
	[tilespmem:$0x9000] =	vst v63  }
0x8c: {  	p0 =	sne.s32 s14, $0x10000;
	s15 =	sadd.s32 $0x5080, s17;
	s18 =	sadd.s32 $0x1080, s17  }
0x8d: {  	[tilespmem:s15], [sflag:$0x1] =	stream.indirect.gather [hbm4b:s2+s9], $0x1, s18, s9, $0xb8;
	[tilespmem:$0x9000] =	vst v63  }
0x8e: {  	s15 =	sadd.s32 $0x5100, s17;
	s18 =	sadd.s32 $0x1100, s17  }
0x8f: {  	[tilespmem:s15], [sflag:$0x1] =	stream.indirect.gather [hbm4b:s2+s9], $0x1, s18, s9, $0xb8;
	[tilespmem:$0x9000] =	vst v63  }
0x90: {  	s15 =	sadd.s32 $0x5180, s17;
	s18 =	sadd.s32 $0x1180, s17  }
0x91: {  	[tilespmem:s15], [sflag:$0x1] =	stream.indirect.gather [hbm4b:s2+s9], $0x1, s18, s9, $0xb8;
	[tilespmem:$0x9000] =	vst v63  }
0x92: {  	s15 =	sadd.s32 $0x5200, s17;
	s18 =	sadd.s32 $0x1200, s17  }
0x93: {  	[tilespmem:s15], [sflag:$0x1] =	stream.indirect.gather [hbm4b:s2+s9], $0x1, s18, s9, $0xb8;
	[tilespmem:$0x9000] =	vst v63  }
0x94: {  	s15 =	sadd.s32 $0x5280, s17;
	s18 =	sadd.s32 $0x1280, s17  }
0x95: {  	[tilespmem:s15], [sflag:$0x1] =	stream.indirect.gather [hbm4b:s2+s9], $0x1, s18, s9, $0xb8;
	[tilespmem:$0x9000] =	vst v63  }
0x96: {  	s15 =	sadd.s32 $0x5300, s17;
	s18 =	sadd.s32 $0x1300, s17  }
0x97: {  	[tilespmem:s15], [sflag:$0x1] =	stream.indirect.gather [hbm4b:s2+s9], $0x1, s18, s9, $0xb8;
	[tilespmem:$0x9000] =	vst v63  }
0x98: {  	s15 =	sadd.s32 $0x5380, s17;
	s18 =	sadd.s32 $0x1380, s17  }
0x99: {  	[tilespmem:s15], [sflag:$0x1] =	stream.indirect.gather [hbm4b:s2+s9], $0x1, s18, s9, $0xb8;
	[tilespmem:$0x9000] =	vst v63  }
0x9a: {  	s15 =	sadd.s32 $0x5400, s17;
	s18 =	sadd.s32 $0x1400, s17  }
0x9b: {  	[tilespmem:s15], [sflag:$0x1] =	stream.indirect.gather [hbm4b:s2+s9], $0x1, s18, s9, $0xb8;
	[tilespmem:$0x9000] =	vst v63  }
0x9c: {  	s15 =	sadd.s32 $0x5480, s17;
	s18 =	sadd.s32 $0x1480, s17  }
0x9d: {  	[tilespmem:s15], [sflag:$0x1] =	stream.indirect.gather [hbm4b:s2+s9], $0x1, s18, s9, $0xb8;
	[tilespmem:$0x9000] =	vst v63  }
0x9e: {  	s15 =	sadd.s32 $0x5500, s17;
	s18 =	sadd.s32 $0x1500, s17  }
0x9f: {  	[tilespmem:s15], [sflag:$0x1] =	stream.indirect.gather [hbm4b:s2+s9], $0x1, s18, s9, $0xb8;
	[tilespmem:$0x9000] =	vst v63  }
0xa0: {  	s15 =	sadd.s32 $0x5580, s17;
	s18 =	sadd.s32 $0x1580, s17  }
0xa1: {  	[tilespmem:s15], [sflag:$0x1] =	stream.indirect.gather [hbm4b:s2+s9], $0x1, s18, s9, $0xb8;
	[tilespmem:$0x9000] =	vst v63  }
0xa2: {  	s15 =	sadd.s32 $0x5600, s17;
	s18 =	sadd.s32 $0x1600, s17  }
0xa3: {  	[tilespmem:s15], [sflag:$0x1] =	stream.indirect.gather [hbm4b:s2+s9], $0x1, s18, s9, $0xb8;
	[tilespmem:$0x9000] =	vst v63  }
0xa4: {  	s15 =	sadd.s32 $0x5680, s17;
	s18 =	sadd.s32 $0x1680, s17  }
0xa5: {  	[tilespmem:s15], [sflag:$0x1] =	stream.indirect.gather [hbm4b:s2+s9], $0x1, s18, s9, $0xb8;
	[tilespmem:$0x9000] =	vst v63  }
0xa6: {  	s15 =	sadd.s32 $0x5700, s17;
	s18 =	sadd.s32 $0x1700, s17  }
0xa7: {  	[tilespmem:s15], [sflag:$0x1] =	stream.indirect.gather [hbm4b:s2+s9], $0x1, s18, s9, $0xb8;
	[tilespmem:$0x9000] =	vst v63  }
0xa8: {  	p1 =	seq.s32 s13, $0x0;
	s15 =	sadd.s32 $0x5780, s17;
	s17 =	sadd.s32 $0x1780, s17  }
0xa9: {  	[tilespmem:s15], [sflag:$0x1] =	stream.indirect.gather [hbm4b:s2+s9], $0x1, s17, s9, $0xb8;
	[tilespmem:$0x9000] =	vst v63  }
0xaa: {  	s13 =	smov.u32 s16;
	s15 =	simm.s32 @!p1 $0x1  }
0xab: {  	_ =	swait.ge @!p1 [sflag:s15], $0x80  }
0xac: {  	[sflag:s15] =	ssyncset.done @!p1 $0x0  }
0xad: {  	[sflag:s15] =	ssyncadd.s32 @!p1 $0xFFFFFF80  }
0xae: {  	_ =	swait.ge @!p1 [sflag:s15], $0x80  }
0xaf: {  	[sflag:s15] =	ssyncset.done @!p1 $0x0  }
0xb0: {  	[sflag:s15] =	ssyncadd.s32 @!p1 $0xFFFFFF80  }
0xb1: {  	_ =	swait.ge @!p1 [sflag:s15], $0x80  }
0xb2: {  	[sflag:s15] =	ssyncset.done @!p1 $0x0  }
0xb3: {  	[sflag:s15] =	ssyncadd.s32 @!p1 $0xFFFFFF80  }
0xb4: {  	_ =	swait.ge @!p1 [sflag:s15], $0x80  }
0xb5: {  	[sflag:s15] =	ssyncset.done @!p1 $0x0  }
0xb6: {  	[sflag:s15] =	ssyncadd.s32 @!p1 $0xFFFFFF80  }
0xb7: {  	_ =	swait.ge @!p1 [sflag:s15], $0x80  }
0xb8: {  	[sflag:s15] =	ssyncset.done @!p1 $0x0  }
0xb9: {  	[sflag:s15] =	ssyncadd.s32 @!p1 $0xFFFFFF80  }
0xba: {  	_ =	swait.ge @!p1 [sflag:s15], $0x80  }
0xbb: {  	[sflag:s15] =	ssyncset.done @!p1 $0x0  }
0xbc: {  	[sflag:s15] =	ssyncadd.s32 @!p1 $0xFFFFFF80  }
0xbd: {  	_ =	swait.ge @!p1 [sflag:s15], $0x80  }
0xbe: {  	[sflag:s15] =	ssyncset.done @!p1 $0x0  }
0xbf: {  	[sflag:s15] =	ssyncadd.s32 @!p1 $0xFFFFFF80  }
0xc0: {  	_ =	swait.ge @!p1 [sflag:s15], $0x80  }
0xc1: {  	[sflag:s15] =	ssyncset.done @!p1 $0x0  }
0xc2: {  	[sflag:s15] =	ssyncadd.s32 @!p1 $0xFFFFFF80  }
0xc3: {  	_ =	swait.ge @!p1 [sflag:s15], $0x80  }
0xc4: {  	[sflag:s15] =	ssyncset.done @!p1 $0x0  }
0xc5: {  	[sflag:s15] =	ssyncadd.s32 @!p1 $0xFFFFFF80  }
0xc6: {  	_ =	swait.ge @!p1 [sflag:s15], $0x80  }
0xc7: {  	[sflag:s15] =	ssyncset.done @!p1 $0x0  }
0xc8: {  	[sflag:s15] =	ssyncadd.s32 @!p1 $0xFFFFFF80  }
0xc9: {  	_ =	swait.ge @!p1 [sflag:s15], $0x80  }
0xca: {  	[sflag:s15] =	ssyncset.done @!p1 $0x0  }
0xcb: {  	[sflag:s15] =	ssyncadd.s32 @!p1 $0xFFFFFF80  }
0xcc: {  	_ =	swait.ge @!p1 [sflag:s15], $0x80  }
0xcd: {  	[sflag:s15] =	ssyncset.done @!p1 $0x0  }
0xce: {  	[sflag:s15] =	ssyncadd.s32 @!p1 $0xFFFFFF80  }
0xcf: {  	_ =	swait.ge @!p1 [sflag:s15], $0x80  }
0xd0: {  	[sflag:s15] =	ssyncset.done @!p1 $0x0  }
0xd1: {  	[sflag:s15] =	ssyncadd.s32 @!p1 $0xFFFFFF80  }
0xd2: {  	_ =	swait.ge @!p1 [sflag:s15], $0x80  }
0xd3: {  	[sflag:s15] =	ssyncset.done @!p1 $0x0  }
.Ltmp1:
0xd4: {  	[sflag:s15] =	ssyncadd.s32 @!p1 $0xFFFFFF80;
	(pc) =	sbr.rel @p0 .LBB2_4-.Ltmp1, $4  }
0xd5: {  	_ =	swait.ge @!p1 [sflag:s15], $0x80  }
0xd6: {  	[sflag:s15] =	ssyncset.done @!p1 $0x0  }
0xd7: {  	[sflag:s15] =	ssyncadd.s32 @!p1 $0xFFFFFF80  }
0xd8: {  	_ =	swait.ge @!p1 [sflag:s15], $0x80  }
0xd9: {  	s14 =	sshra.s32 s13, $0x2;
	[sflag:s15] =	ssyncset.done @!p1 $0x0  }
0xda: {  	s16 =	sadd.s32 $0x5000, s14;
	s17 =	sadd.s32 $0x1000, s14;
	[sflag:s15] =	ssyncadd.s32 @!p1 $0xFFFFFF80  }
0xdb: {  	[tilespmem:s16], [sflag:$0x1] =	stream.indirect.gather [hbm4b:s2+s9], $0x1, s17, s9, $0xb8;
	[tilespmem:$0x9000] =	vst v63  }
0xdc: {  	s18 =	sadd.s32 $0x1080, s14;
	s17 =	sadd.s32 $0x5080, s14  }
0xdd: {  	[tilespmem:s17], [sflag:$0x1] =	stream.indirect.gather [hbm4b:s2+s9], $0x1, s18, s9, $0xb8;
	[tilespmem:$0x9000] =	vst v63  }
0xde: {  	s19 =	sadd.s32 $0x5100, s14;
	s20 =	sadd.s32 $0x1100, s14  }
0xdf: {  	[tilespmem:s19], [sflag:$0x1] =	stream.indirect.gather [hbm4b:s2+s9], $0x1, s20, s9, $0xb8;
	[tilespmem:$0x9000] =	vst v63  }
0xe0: {  	s21 =	sadd.s32 $0x5180, s14;
	s22 =	sadd.s32 $0x1180, s14  }
0xe1: {  	[tilespmem:s21], [sflag:$0x1] =	stream.indirect.gather [hbm4b:s2+s9], $0x1, s22, s9, $0xb8;
	[tilespmem:$0x9000] =	vst v63  }
0xe2: {  	s23 =	sadd.s32 $0x5200, s14;
	s24 =	sadd.s32 $0x1200, s14  }
0xe3: {  	[tilespmem:s23], [sflag:$0x1] =	stream.indirect.gather [hbm4b:s2+s9], $0x1, s24, s9, $0xb8;
	[tilespmem:$0x9000] =	vst v63  }
0xe4: {  	s25 =	sadd.s32 $0x5280, s14;
	s26 =	sadd.s32 $0x1280, s14  }
0xe5: {  	[tilespmem:s25], [sflag:$0x1] =	stream.indirect.gather [hbm4b:s2+s9], $0x1, s26, s9, $0xb8;
	[tilespmem:$0x9000] =	vst v63  }
0xe6: {  	s28 =	sadd.s32 $0x5300, s14;
	s29 =	sadd.s32 $0x1300, s14  }
0xe7: {  	[tilespmem:s28], [sflag:$0x1] =	stream.indirect.gather [hbm4b:s2+s9], $0x1, s29, s9, $0xb8;
	[tilespmem:$0x9000] =	vst v63  }
0xe8: {  	s30 =	sadd.s32 $0x5380, s14;
	s31 =	sadd.s32 $0x1380, s14  }
0xe9: {  	[tilespmem:s30], [sflag:$0x1] =	stream.indirect.gather [hbm4b:s2+s9], $0x1, s31, s9, $0xb8;
	[tilespmem:$0x9000] =	vst v63  }
0xea: {  	s16 =	sadd.s32 $0x5400, s14;
	s17 =	sadd.s32 $0x1400, s14  }
0xeb: {  	[tilespmem:s16], [sflag:$0x1] =	stream.indirect.gather [hbm4b:s2+s9], $0x1, s17, s9, $0xb8;
	[tilespmem:$0x9000] =	vst v63  }
0xec: {  	s18 =	sadd.s32 $0x5480, s14;
	s19 =	sadd.s32 $0x1480, s14  }
0xed: {  	[tilespmem:s18], [sflag:$0x1] =	stream.indirect.gather [hbm4b:s2+s9], $0x1, s19, s9, $0xb8;
	[tilespmem:$0x9000] =	vst v63  }
0xee: {  	s20 =	sadd.s32 $0x5500, s14;
	s21 =	sadd.s32 $0x1500, s14  }
0xef: {  	[tilespmem:s20], [sflag:$0x1] =	stream.indirect.gather [hbm4b:s2+s9], $0x1, s21, s9, $0xb8;
	[tilespmem:$0x9000] =	vst v63  }
0xf0: {  	s22 =	sadd.s32 $0x5580, s14;
	s23 =	sadd.s32 $0x1580, s14  }
0xf1: {  	[tilespmem:s22], [sflag:$0x1] =	stream.indirect.gather [hbm4b:s2+s9], $0x1, s23, s9, $0xb8;
	[tilespmem:$0x9000] =	vst v63  }
0xf2: {  	s24 =	sadd.s32 $0x5600, s14;
	s25 =	sadd.s32 $0x1600, s14  }
0xf3: {  	[tilespmem:s24], [sflag:$0x1] =	stream.indirect.gather [hbm4b:s2+s9], $0x1, s25, s9, $0xb8;
	[tilespmem:$0x9000] =	vst v63  }
0xf4: {  	s26 =	sadd.s32 $0x5680, s14;
	s28 =	sadd.s32 $0x1680, s14  }
0xf5: {  	[tilespmem:s26], [sflag:$0x1] =	stream.indirect.gather [hbm4b:s2+s9], $0x1, s28, s9, $0xb8;
	[tilespmem:$0x9000] =	vst v63  }
0xf6: {  	p0 =	seq.s32 s13, $0x0;
	s29 =	sadd.s32 $0x5700, s14;
	s30 =	sadd.s32 $0x1700, s14  }
0xf7: {  	[tilespmem:s29], [sflag:$0x1] =	stream.indirect.gather [hbm4b:s2+s9], $0x1, s30, s9, $0xb8;
	[tilespmem:$0x9000] =	vst v63  }
0xf8: {  	s13 =	simm.s32 @!p0 $0x1;
	s31 =	sadd.s32 $0x5780, s14;
	s14 =	sadd.s32 $0x1780, s14  }
0xf9: {  	[tilespmem:s31], [sflag:$0x1] =	stream.indirect.gather [hbm4b:s2+s9], $0x1, s14, s9, $0xb8;
	[tilespmem:$0x9000] =	vst v63  }
0xfa: {  	_ =	swait.ge @!p0 [sflag:s13], $0x80  }
0xfb: {  	[sflag:s13] =	ssyncset.done @!p0 $0x0  }
0xfc: {  	[sflag:s13] =	ssyncadd.s32 @!p0 $0xFFFFFF80  }
0xfd: {  	_ =	swait.ge @!p0 [sflag:s13], $0x80  }
0xfe: {  	[sflag:s13] =	ssyncset.done @!p0 $0x0  }
0xff: {  	[sflag:s13] =	ssyncadd.s32 @!p0 $0xFFFFFF80  }
0x100: {  	_ =	swait.ge @!p0 [sflag:s13], $0x80  }
0x101: {  	[sflag:s13] =	ssyncset.done @!p0 $0x0  }
0x102: {  	[sflag:s13] =	ssyncadd.s32 @!p0 $0xFFFFFF80  }
0x103: {  	_ =	swait.ge @!p0 [sflag:s13], $0x80  }
0x104: {  	[sflag:s13] =	ssyncset.done @!p0 $0x0  }
0x105: {  	[sflag:s13] =	ssyncadd.s32 @!p0 $0xFFFFFF80  }
0x106: {  	_ =	swait.ge @!p0 [sflag:s13], $0x80  }
0x107: {  	[sflag:s13] =	ssyncset.done @!p0 $0x0  }
0x108: {  	[sflag:s13] =	ssyncadd.s32 @!p0 $0xFFFFFF80  }
0x109: {  	_ =	swait.ge @!p0 [sflag:s13], $0x80  }
0x10a: {  	[sflag:s13] =	ssyncset.done @!p0 $0x0  }
0x10b: {  	[sflag:s13] =	ssyncadd.s32 @!p0 $0xFFFFFF80  }
0x10c: {  	_ =	swait.ge @!p0 [sflag:s13], $0x80  }
0x10d: {  	[sflag:s13] =	ssyncset.done @!p0 $0x0  }
0x10e: {  	[sflag:s13] =	ssyncadd.s32 @!p0 $0xFFFFFF80  }
0x10f: {  	_ =	swait.ge @!p0 [sflag:s13], $0x80  }
0x110: {  	[sflag:s13] =	ssyncset.done @!p0 $0x0  }
0x111: {  	[sflag:s13] =	ssyncadd.s32 @!p0 $0xFFFFFF80  }
0x112: {  	_ =	swait.ge @!p0 [sflag:s13], $0x80  }
0x113: {  	[sflag:s13] =	ssyncset.done @!p0 $0x0  }
0x114: {  	[sflag:s13] =	ssyncadd.s32 @!p0 $0xFFFFFF80  }
0x115: {  	_ =	swait.ge @!p0 [sflag:s13], $0x80  }
0x116: {  	[sflag:s13] =	ssyncset.done @!p0 $0x0  }
0x117: {  	[sflag:s13] =	ssyncadd.s32 @!p0 $0xFFFFFF80  }
0x118: {  	_ =	swait.ge @!p0 [sflag:s13], $0x80  }
0x119: {  	[sflag:s13] =	ssyncset.done @!p0 $0x0  }
0x11a: {  	[sflag:s13] =	ssyncadd.s32 @!p0 $0xFFFFFF80  }
0x11b: {  	_ =	swait.ge @!p0 [sflag:s13], $0x80  }
0x11c: {  	[sflag:s13] =	ssyncset.done @!p0 $0x0  }
0x11d: {  	[sflag:s13] =	ssyncadd.s32 @!p0 $0xFFFFFF80  }
0x11e: {  	_ =	swait.ge @!p0 [sflag:s13], $0x80  }
0x11f: {  	[sflag:s13] =	ssyncset.done @!p0 $0x0  }
0x120: {  	[sflag:s13] =	ssyncadd.s32 @!p0 $0xFFFFFF80  }
0x121: {  	_ =	swait.ge @!p0 [sflag:s13], $0x80  }
0x122: {  	[sflag:s13] =	ssyncset.done @!p0 $0x0  }
0x123: {  	[sflag:s13] =	ssyncadd.s32 @!p0 $0xFFFFFF80  }
0x124: {  	_ =	swait.ge @!p0 [sflag:s13], $0x80  }
0x125: {  	[sflag:s13] =	ssyncset.done @!p0 $0x0  }
0x126: {  	[sflag:s13] =	ssyncadd.s32 @!p0 $0xFFFFFF80  }
0x127: {  	_ =	swait.ge @!p0 [sflag:s13], $0x80  }
0x128: {  	[sflag:s13] =	ssyncset.done @!p0 $0x0  }
0x129: {  	[sflag:s13] =	ssyncadd.s32 @!p0 $0xFFFFFF80  }
0x12a: {  	_ =	swait.ge [sflag:s10], $0x80  }
0x12b: {  	[sflag:s10] =	ssyncset.done $0x0  }
0x12c: {  	[sflag:s10] =	ssyncadd.s32 $0xFFFFFF80  }
0x12d: {  	_ =	swait.ge [sflag:s10], $0x80  }
0x12e: {  	[sflag:s10] =	ssyncset.done $0x0  }
0x12f: {  	[sflag:s10] =	ssyncadd.s32 $0xFFFFFF80  }
0x130: {  	_ =	swait.ge [sflag:s10], $0x80  }
0x131: {  	[sflag:s10] =	ssyncset.done $0x0  }
0x132: {  	[sflag:s10] =	ssyncadd.s32 $0xFFFFFF80  }
0x133: {  	_ =	swait.ge [sflag:s10], $0x80  }
0x134: {  	[sflag:s10] =	ssyncset.done $0x0  }
0x135: {  	[sflag:s10] =	ssyncadd.s32 $0xFFFFFF80  }
0x136: {  	_ =	swait.ge [sflag:s10], $0x80  }
0x137: {  	[sflag:s10] =	ssyncset.done $0x0  }
0x138: {  	[sflag:s10] =	ssyncadd.s32 $0xFFFFFF80  }
0x139: {  	_ =	swait.ge [sflag:s10], $0x80  }
0x13a: {  	[sflag:s10] =	ssyncset.done $0x0  }
0x13b: {  	[sflag:s10] =	ssyncadd.s32 $0xFFFFFF80  }
0x13c: {  	_ =	swait.ge [sflag:s10], $0x80  }
0x13d: {  	[sflag:s10] =	ssyncset.done $0x0  }
0x13e: {  	[sflag:s10] =	ssyncadd.s32 $0xFFFFFF80  }
0x13f: {  	_ =	swait.ge [sflag:s10], $0x80  }
0x140: {  	[sflag:s10] =	ssyncset.done $0x0  }
0x141: {  	[sflag:s10] =	ssyncadd.s32 $0xFFFFFF80  }
0x142: {  	_ =	swait.ge [sflag:s10], $0x80  }
0x143: {  	[sflag:s10] =	ssyncset.done $0x0  }
0x144: {  	[sflag:s10] =	ssyncadd.s32 $0xFFFFFF80  }
0x145: {  	_ =	swait.ge [sflag:s10], $0x80  }
0x146: {  	[sflag:s10] =	ssyncset.done $0x0  }
0x147: {  	[sflag:s10] =	ssyncadd.s32 $0xFFFFFF80  }
0x148: {  	_ =	swait.ge [sflag:s10], $0x80  }
0x149: {  	[sflag:s10] =	ssyncset.done $0x0  }
0x14a: {  	[sflag:s10] =	ssyncadd.s32 $0xFFFFFF80  }
0x14b: {  	_ =	swait.ge [sflag:s10], $0x80  }
0x14c: {  	[sflag:s10] =	ssyncset.done $0x0  }
0x14d: {  	[sflag:s10] =	ssyncadd.s32 $0xFFFFFF80  }
0x14e: {  	_ =	swait.ge [sflag:s10], $0x80  }
0x14f: {  	[sflag:s10] =	ssyncset.done $0x0  }
0x150: {  	[sflag:s10] =	ssyncadd.s32 $0xFFFFFF80  }
0x151: {  	_ =	swait.ge [sflag:s10], $0x80  }
0x152: {  	[sflag:s10] =	ssyncset.done $0x0  }
0x153: {  	[sflag:s10] =	ssyncadd.s32 $0xFFFFFF80  }
0x154: {  	_ =	swait.ge [sflag:s10], $0x80  }
0x155: {  	[sflag:s10] =	ssyncset.done $0x0  }
0x156: {  	[sflag:s10] =	ssyncadd.s32 $0xFFFFFF80  }
0x157: {  	s12 =	sadd.s32 $0x1, s12;
	_ =	swait.ge [sflag:s10], $0x80  }
0x158: {  	p0 =	sne.s32 s12, s7;
	[sflag:s10] =	ssyncset.done $0x0  }
.Ltmp2:
0x159: {  	[sflag:s10] =	ssyncadd.s32 $0xFFFFFF80;
	(pc) =	sbr.rel @p0 .LBB2_1-.Ltmp2, $4  }
0x15a: {  	[hbm4b:s6+s3] =	stream.linear.scatter [tilespmem:s11], [sflag:$0x2], $0x4000, $0x38;
	[tilespmem:$0x9000] =	vst v63  }
0x15b: {  	_ =	swait.ge [sflag:s8], $0x4000  }
0x15c: {  	[sflag:s8] =	ssyncset.done $0x0  }
0x15d: {  	[sflag:s8] =	ssyncadd.s32 $0xFFFFC000  }
0x15e: {  	_ =	sfence.sel $0x180000  }
0x15f: {  	[bflag:$0x0] =	sbarrier.arrive $0xFFFF  }
0x160: {  	p0 =	sne.s32 s1, $0x0;
	_ =	strace $0x90000047  }
0x161: {  	s0 =	sadd.s32 @!p0 $0x100000, s0;
	[bflag:$0x2] =	sbarrier.arrive $0xFFFF  }
0x162: {  	[sflag:s0] =	ssyncadd.tile.s32 @!p0 $0x1;
	_ =	shalt  }
.Lfunc_end2:
_tile_overlayer_lowered:
.L_overlay_start_2:
0x163: {  	(tag) =	ssettag $0x2  }
0x164: {  	s0 =	rddreg [dreg:$0x0];
	s2 =	stileid.u32  }
0x165: {  	s1 =	rddreg [dreg:$0x1];
	p0 =	sne.s32 s2, $0x0  }
0x166: {  	s3 =	rddreg [dreg:$0x2];
	[bflag:$0x3] =	sbarrier.arrive $0xFFFF;
	s2 =	simm.s32 @!p0 $0x1C02  }
0x167: {  	[timem:s3], [sflag:s2] =	dma.local @!p0 [hbm:s0], s1  }
0x168: {  	s0 =	simm.s32 @!p0 $0x2  }
0x169: {  	_ =	swait.ge @!p0 [sflag:s0], s1  }
0x16a: {  	s1 =	ssub.s32 @!p0 $0x0, s1;
	[sflag:s0] =	ssyncset.done @!p0 $0x0  }
0x16b: {  	[sflag:s0] =	ssyncadd.s32 @!p0 s1  }
0x16c: {  	[bflag:$0x3] =	sbarrier.arrive $0xFFFF  }
0x16d: {  	_ =	shalt  }

</sc_bundles>
